<compile_context>
chip_gen: v7x
topology: tpu7x:2x2x1
jax: 0.10.2.dev20260603
libtpu: 0.0.44.dev20260713+nightly
codegen_flags: <defaults>
</compile_context>

<pallas_src>
import functools

import jax
import jax.numpy as jnp
from jax import lax
from jax.experimental import pallas as pl
from jax.experimental.pallas import tpu as pltpu
from jax.experimental.pallas import tpu_sc as plsc

T = 2048
D = 2048
E = 8
R = 32
SCALING = 64 / 32
ER = E * R

TILE_T = 256

_INFO = plsc.get_sparse_core_info()
_NC, _NS, _L = _INFO.num_cores, _INFO.num_subcores, _INFO.num_lanes
_NW = _NC * _NS
_TPW = T // _NW


def _logits_kernel(x_ref, wg_ref, l_ref):
    l_ref[...] = jnp.dot(x_ref[...], wg_ref[...],
                         preferred_element_type=jnp.float32)


def _lane_perm(v, idx):
    return lax.gather(
        v, idx[:, None],
        lax.GatherDimensionNumbers(
            offset_dims=(), collapsed_slice_dims=(0,), start_index_map=(0,)),
        (1,), mode=lax.GatherScatterMode.PROMISE_IN_BOUNDS)


def _sc_router_kernel(l_hbm, w_hbm, lv, wv, sem):
    wid = lax.axis_index("s") * _NC + lax.axis_index("c")
    base = wid * _TPW * E
    pltpu.sync_copy(l_hbm.at[pl.ds(base, _TPW * E)], lv)
    lanes = jnp.arange(_L, dtype=jnp.int32)
    lane8 = lanes & 7
    perms = [lanes ^ k for k in (1, 2, 4)]
    neg = jnp.full((_L,), -jnp.inf, jnp.float32)

    def group_max(v):
        for p in perms:
            v = jnp.maximum(v, _lane_perm(v, p))
        return v

    def group_min(v):
        for p in perms:
            v = jnp.minimum(v, _lane_perm(v, p))
        return v

    for j in range(_TPW * E // _L):
        v = lv[pl.ds(j * _L, _L)]
        m1 = group_max(v)
        i1 = group_min(jnp.where(v == m1, lane8, E))
        vm = jnp.where(lane8 == i1, neg, v)
        m2 = group_max(vm)
        i2 = group_min(jnp.where(vm == m2, lane8, E))
        e2 = jnp.exp(m2 - m1)
        denom = 1.0 + e2
        w = (jnp.where(lane8 == i1, 1.0, 0.0)
             + jnp.where(lane8 == i2, e2, 0.0)) / denom
        wv[pl.ds(j * _L, _L)] = w
    pltpu.sync_copy(wv, w_hbm.at[pl.ds(base, _TPW * E)])


def _fused_kernel(x_ref, wb_ref, w_ref, a2_ref, b2_ref, o_ref):
    x = x_ref[...]
    w = w_ref[...]
    erow = jax.lax.broadcasted_iota(jnp.int32, (E, ER), 0)
    ecol = jax.lax.broadcasted_iota(jnp.int32, (E, ER), 1) // R
    expand = (erow == ecol).astype(jnp.float32)
    w_cols = jnp.dot(w, expand, preferred_element_type=jnp.float32)

    a = jnp.dot(x, a2_ref[...], preferred_element_type=jnp.float32)
    moe = jnp.dot(a * w_cols, b2_ref[...], preferred_element_type=jnp.float32)
    base = jnp.dot(x, wb_ref[...], preferred_element_type=jnp.float32)
    o_ref[...] = base + moe * SCALING


@jax.jit
def kernel(hidden_states, W_base, W_gate, lora_A, lora_B):
    A_all = lora_A.reshape(ER, D).T
    B_all = lora_B.transpose(0, 2, 1).reshape(ER, D)

    logits = pl.pallas_call(
        _logits_kernel,
        grid=(T // TILE_T,),
        in_specs=[
            pl.BlockSpec((TILE_T, D), lambda i: (i, 0)),
            pl.BlockSpec((D, E), lambda i: (0, 0)),
        ],
        out_specs=pl.BlockSpec((TILE_T, E), lambda i: (i, 0)),
        out_shape=jax.ShapeDtypeStruct((T, E), jnp.float32),
    )(hidden_states, W_gate)

    sc_router = functools.partial(
        pl.kernel,
        out_type=jax.ShapeDtypeStruct((T * E,), jnp.float32),
        mesh=plsc.VectorSubcoreMesh(core_axis_name="c", subcore_axis_name="s"),
        scratch_types=[
            pltpu.VMEM((_TPW * E,), jnp.float32),
            pltpu.VMEM((_TPW * E,), jnp.float32),
            pltpu.SemaphoreType.DMA,
        ],
    )(_sc_router_kernel)
    routing_w = sc_router(logits.reshape(T * E)).reshape(T, E)

    return pl.pallas_call(
        _fused_kernel,
        grid=(T // TILE_T,),
        in_specs=[
            pl.BlockSpec((TILE_T, D), lambda i: (i, 0)),
            pl.BlockSpec((D, D), lambda i: (0, 0)),
            pl.BlockSpec((TILE_T, E), lambda i: (i, 0)),
            pl.BlockSpec((D, ER), lambda i: (0, 0)),
            pl.BlockSpec((ER, D), lambda i: (0, 0)),
        ],
        out_specs=pl.BlockSpec((TILE_T, D), lambda i: (i, 0)),
        out_shape=jax.ShapeDtypeStruct((T, D), jnp.float32),
    )(hidden_states, W_base, routing_w, A_all, B_all)

# --- scband reference (transcript-rebuilt; emitter-appended) ---
"""Pipeline reference for scband-moe-lora-layer-10831907521049 (READ-ONLY COPY).

The authoritative reference and input builder live on the scoring server;
editing this copy changes nothing except your own understanding.
"""

import jax, jax.numpy as jnp
import numpy as np

T = 2048          # tokens = batch(1) * seq_len(2048)
D = 2048          # d_model
E = 8             # num_experts
TOPK = 2
R = 32            # lora rank
ALPHA = 64
SCALING = ALPHA / R


def setup_inputs(seed: int = 0) -> dict:
    key = jax.random.key(seed)
    k0, k1, k2, k3, k4 = jax.random.split(key, 5)
    x = jax.random.normal(k0, (T, D), dtype=jnp.float32)
    # base (frozen) linear the LoRA experts adapt
    W_base = jax.random.normal(k1, (D, D), dtype=jnp.float32) * 0.02
    # router / gate
    W_gate = jax.random.normal(k2, (D, E), dtype=jnp.float32) * 0.02
    # per-expert LoRA factors: A: [E, R, D] (kaiming-like scale), B: [E, D, R]
    lora_A = jax.random.normal(k3, (E, R, D), dtype=jnp.float32) * (1.0 / np.sqrt(D))
    lora_B = jax.random.normal(k4, (E, D, R), dtype=jnp.float32) * 0.02
    return {"hidden_states": x, "W_base": W_base, "W_gate": W_gate,
            "lora_A": lora_A, "lora_B": lora_B}


def reference(hidden_states, W_base, W_gate, lora_A, lora_B):
    x = hidden_states  # [T, D]
    # --- router ---
    router_logits = x @ W_gate                       # [T, E]
    routing_probs = jax.nn.softmax(router_logits, axis=-1)
    top_vals, top_idx = jax.lax.top_k(routing_probs, TOPK)   # [T, K]
    top_vals = top_vals / jnp.sum(top_vals, axis=-1, keepdims=True)
    # scatter normalized top-k weights back into a dense [T, E] map
    token_ids = jnp.arange(T)[:, None]               # [T, 1]
    routing_weights = jnp.zeros((T, E), dtype=x.dtype).at[token_ids, top_idx].add(top_vals)
    # --- base path (frozen linear) ---
    base_out = x @ W_base                            # [T, D]
    # --- expert LoRA deltas (dense compute, masked by routing weights;
    #     math-equivalent to token dispatch) ---
    a_out = jnp.einsum('td,erd->ter', x, lora_A)     # [T, E, R]
    delta = jnp.einsum('ter,eor->teo', a_out, lora_B) * SCALING  # [T, E, D]
    moe_out = jnp.einsum('te,teo->to', routing_weights, delta)   # [T, D]
    out = base_out + moe_out
    return out

if __name__ == "__main__":
    import jax
    _d = setup_inputs()
    print(jax.jit(kernel)(*tuple(_d.values())))

</pallas_src>

<mosaic_0001>
#map = affine_map<(d0, d1) -> (0)>
module attributes {stable_mosaic.version = 14 : i64} {
  func.func @_sc_router_kernel(%arg0: i32, %arg1: i32, %arg2: memref<16384xf32, #tpu.memory_space<hbm>>, %arg3: memref<16384xf32, #tpu.memory_space<hbm>>, %arg4: memref<512xf32, #tpu.memory_space<vmem>>, %arg5: memref<512xf32, #tpu.memory_space<vmem>>, %arg6: memref<!tpu.dma_semaphore, #tpu.memory_space<semaphore_mem>>) attributes {dimension_semantics = [#tpu.dimension_semantics<core_parallel>, #tpu.dimension_semantics<subcore_parallel>], iteration_bounds = array<i64: 2, 16>, scalar_prefetch = 0 : i64, scratch_operands = 3 : i64, tpu.core_type = #tpu.core_type<sc_vector_subcore>, window_params = [{transform_indices = #map}, {transform_indices = #map}]} {
    %mul3A = arith.constant 2 : i32
    %mul3A_0 = arith.muli %arg1, %mul3A : i32
    %add3A = arith.addi %mul3A_0, %arg0 : i32
    %mul3A_1 = arith.constant 64 : i32
    %mul3A_2 = arith.muli %add3A, %mul3A_1 : i32
    %mul3A_3 = arith.constant 8 : i32
    %mul3A_4 = arith.muli %mul3A_2, %mul3A_3 : i32
    "tpu.region"() ({
      %run_scoped3A = tpu.sem_alloc : memref<!tpu.dma_semaphore, #tpu.memory_space<semaphore_mem>>
      %dma_start3A = tpu.memref_slice %arg2[%mul3A_4] : memref<16384xf32, #tpu.memory_space<hbm>> -> memref<512xf32, #tpu.memory_space<hbm>>
      %dma_start3A_2629 = tpu.memref_slice %arg2[%mul3A_4] : memref<16384xf32, #tpu.memory_space<hbm>> -> memref<512xf32, #tpu.memory_space<hbm>>
      tpu.enqueue_dma source(%dma_start3A_2629 : memref<512xf32, #tpu.memory_space<hbm>>) target(%arg4 : memref<512xf32, #tpu.memory_space<vmem>>) target_semaphore(%run_scoped3A : memref<!tpu.dma_semaphore, #tpu.memory_space<semaphore_mem>>)
      %dma_wait3A = tpu.memref_slice %arg2[%mul3A_4] : memref<16384xf32, #tpu.memory_space<hbm>> -> memref<512xf32, #tpu.memory_space<hbm>>
      %dma_wait3A_2630 = tpu.memref_slice %arg2[%mul3A_4] : memref<16384xf32, #tpu.memory_space<hbm>> -> memref<512xf32, #tpu.memory_space<hbm>>
      tpu.wait_dma2 semaphore(%run_scoped3A : memref<!tpu.dma_semaphore, #tpu.memory_space<semaphore_mem>>) src(%dma_wait3A_2630 : memref<512xf32, #tpu.memory_space<hbm>>) dst(%arg4 : memref<512xf32, #tpu.memory_space<vmem>>)
      tpu.yield
    }) : () -> ()
    %iota3A = tpu.iota {dimensions = array<i32: 0>} : vector<16xi32>
    %and3A = arith.constant 7 : i32
    %and3A_5 = vector.broadcast %and3A : i32 to vector<16xi32>
    %and3A_6 = arith.andi %iota3A, %and3A_5 : vector<16xi32>
    %xor3A = arith.constant 1 : i32
    %xor3A_7 = vector.broadcast %xor3A : i32 to vector<16xi32>
    %xor3A_8 = arith.xori %iota3A, %xor3A_7 : vector<16xi32>
    %xor3A_9 = arith.constant 2 : i32
    %xor3A_10 = vector.broadcast %xor3A_9 : i32 to vector<16xi32>
    %xor3A_11 = arith.xori %iota3A, %xor3A_10 : vector<16xi32>
    %xor3A_12 = arith.constant 4 : i32
    %xor3A_13 = vector.broadcast %xor3A_12 : i32 to vector<16xi32>
    %xor3A_14 = arith.xori %iota3A, %xor3A_13 : vector<16xi32>
    %broadcast_in_dim3A = arith.constant 0xFF800000 : f32
    %broadcast_in_dim3A_15 = vector.broadcast %broadcast_in_dim3A : f32 to vector<16xf32>
    %get3A = arith.constant 0 : index
    %get3A_16 = tpu.vector_load %arg4[%get3A] {strides = array<i32>} : memref<512xf32, #tpu.memory_space<vmem>>, vector<16xf32>,
    %get3A_17 = vector.shape_cast %get3A_16 : vector<16xf32> to vector<16xf32>
    %broadcast_in_dim3A_18 = vector.shape_cast %xor3A_8 : vector<16xi32> to vector<16x1xi32>
    %gather3A = vector.shape_cast %broadcast_in_dim3A_18 : vector<16x1xi32> to vector<16xi32>
    %gather3A_19 = tpu.dynamic_gather %get3A_17[%gather3A] in [0] : vector<16xf32>, vector<16xi32> -> vector<16xf32>
    %max3A = arith.maximumf %get3A_17, %gather3A_19 : vector<16xf32>
    %broadcast_in_dim3A_20 = vector.shape_cast %xor3A_11 : vector<16xi32> to vector<16x1xi32>
    %gather3A_21 = vector.shape_cast %broadcast_in_dim3A_20 : vector<16x1xi32> to vector<16xi32>
    %gather3A_22 = tpu.dynamic_gather %max3A[%gather3A_21] in [0] : vector<16xf32>, vector<16xi32> -> vector<16xf32>
    %max3A_23 = arith.maximumf %max3A, %gather3A_22 : vector<16xf32>
    %broadcast_in_dim3A_24 = vector.shape_cast %xor3A_14 : vector<16xi32> to vector<16x1xi32>
    %gather3A_25 = vector.shape_cast %broadcast_in_dim3A_24 : vector<16x1xi32> to vector<16xi32>
    %gather3A_26 = tpu.dynamic_gather %max3A_23[%gather3A_25] in [0] : vector<16xf32>, vector<16xi32> -> vector<16xf32>
    %max3A_27 = arith.maximumf %max3A_23, %gather3A_26 : vector<16xf32>
    %eq3A = arith.cmpf oeq, %get3A_17, %max3A_27 : vector<16xf32>
    %jit3A = arith.constant 8 : i32
    %broadcast_in_dim3A_28 = vector.broadcast %jit3A : i32 to vector<16xi32>
    %select_n3A = arith.select %eq3A, %and3A_6, %broadcast_in_dim3A_28 : vector<16xi1>, vector<16xi32>
    %broadcast_in_dim3A_29 = vector.shape_cast %xor3A_8 : vector<16xi32> to vector<16x1xi32>
    %gather3A_30 = vector.shape_cast %broadcast_in_dim3A_29 : vector<16x1xi32> to vector<16xi32>
    %gather3A_31 = tpu.dynamic_gather %select_n3A[%gather3A_30] in [0] : vector<16xi32>, vector<16xi32> -> vector<16xi32>
    %min3A = arith.minsi %select_n3A, %gather3A_31 : vector<16xi32>
    %broadcast_in_dim3A_32 = vector.shape_cast %xor3A_11 : vector<16xi32> to vector<16x1xi32>
    %gather3A_33 = vector.shape_cast %broadcast_in_dim3A_32 : vector<16x1xi32> to vector<16xi32>
    %gather3A_34 = tpu.dynamic_gather %min3A[%gather3A_33] in [0] : vector<16xi32>, vector<16xi32> -> vector<16xi32>
    %min3A_35 = arith.minsi %min3A, %gather3A_34 : vector<16xi32>
    %broadcast_in_dim3A_36 = vector.shape_cast %xor3A_14 : vector<16xi32> to vector<16x1xi32>
    %gather3A_37 = vector.shape_cast %broadcast_in_dim3A_36 : vector<16x1xi32> to vector<16xi32>
    %gather3A_38 = tpu.dynamic_gather %min3A_35[%gather3A_37] in [0] : vector<16xi32>, vector<16xi32> -> vector<16xi32>
    %min3A_39 = arith.minsi %min3A_35, %gather3A_38 : vector<16xi32>
    %eq3A_40 = arith.cmpi eq, %and3A_6, %min3A_39 : vector<16xi32>
    %select_n3A_41 = arith.select %eq3A_40, %broadcast_in_dim3A_15, %get3A_17 : vector<16xi1>, vector<16xf32>
    %broadcast_in_dim3A_42 = vector.shape_cast %xor3A_8 : vector<16xi32> to vector<16x1xi32>
    %gather3A_43 = vector.shape_cast %broadcast_in_dim3A_42 : vector<16x1xi32> to vector<16xi32>
    %gather3A_44 = tpu.dynamic_gather %select_n3A_41[%gather3A_43] in [0] : vector<16xf32>, vector<16xi32> -> vector<16xf32>
    %max3A_45 = arith.maximumf %select_n3A_41, %gather3A_44 : vector<16xf32>
    %broadcast_in_dim3A_46 = vector.shape_cast %xor3A_11 : vector<16xi32> to vector<16x1xi32>
    %gather3A_47 = vector.shape_cast %broadcast_in_dim3A_46 : vector<16x1xi32> to vector<16xi32>
    %gather3A_48 = tpu.dynamic_gather %max3A_45[%gather3A_47] in [0] : vector<16xf32>, vector<16xi32> -> vector<16xf32>
    %max3A_49 = arith.maximumf %max3A_45, %gather3A_48 : vector<16xf32>
    %broadcast_in_dim3A_50 = vector.shape_cast %xor3A_14 : vector<16xi32> to vector<16x1xi32>
    %gather3A_51 = vector.shape_cast %broadcast_in_dim3A_50 : vector<16x1xi32> to vector<16xi32>
    %gather3A_52 = tpu.dynamic_gather %max3A_49[%gather3A_51] in [0] : vector<16xf32>, vector<16xi32> -> vector<16xf32>
    %max3A_53 = arith.maximumf %max3A_49, %gather3A_52 : vector<16xf32>
    %eq3A_54 = arith.cmpf oeq, %select_n3A_41, %max3A_53 : vector<16xf32>
    %jit3A_55 = arith.constant 8 : i32
    %broadcast_in_dim3A_56 = vector.broadcast %jit3A_55 : i32 to vector<16xi32>
    %select_n3A_57 = arith.select %eq3A_54, %and3A_6, %broadcast_in_dim3A_56 : vector<16xi1>, vector<16xi32>
    %broadcast_in_dim3A_58 = vector.shape_cast %xor3A_8 : vector<16xi32> to vector<16x1xi32>
    %gather3A_59 = vector.shape_cast %broadcast_in_dim3A_58 : vector<16x1xi32> to vector<16xi32>
    %gather3A_60 = tpu.dynamic_gather %select_n3A_57[%gather3A_59] in [0] : vector<16xi32>, vector<16xi32> -> vector<16xi32>
    %min3A_61 = arith.minsi %select_n3A_57, %gather3A_60 : vector<16xi32>
    %broadcast_in_dim3A_62 = vector.shape_cast %xor3A_11 : vector<16xi32> to vector<16x1xi32>
    %gather3A_63 = vector.shape_cast %broadcast_in_dim3A_62 : vector<16x1xi32> to vector<16xi32>
    %gather3A_64 = tpu.dynamic_gather %min3A_61[%gather3A_63] in [0] : vector<16xi32>, vector<16xi32> -> vector<16xi32>
    %min3A_65 = arith.minsi %min3A_61, %gather3A_64 : vector<16xi32>
    %broadcast_in_dim3A_66 = vector.shape_cast %xor3A_14 : vector<16xi32> to vector<16x1xi32>
    %gather3A_67 = vector.shape_cast %broadcast_in_dim3A_66 : vector<16x1xi32> to vector<16xi32>
    %gather3A_68 = tpu.dynamic_gather %min3A_65[%gather3A_67] in [0] : vector<16xi32>, vector<16xi32> -> vector<16xi32>
    %min3A_69 = arith.minsi %min3A_65, %gather3A_68 : vector<16xi32>
    %sub3A = arith.subf %max3A_53, %max3A_27 : vector<16xf32>
    %exp3A = math.exp %sub3A : vector<16xf32>
    %add3A_70 = arith.constant 1.000000e+00 : f32
    %add3A_71 = vector.broadcast %add3A_70 : f32 to vector<16xf32>
    %add3A_72 = arith.addf %add3A_71, %exp3A : vector<16xf32>
    %eq3A_73 = arith.cmpi eq, %and3A_6, %min3A_39 : vector<16xi32>
    %jit3A_74 = arith.constant 1.000000e+00 : f32
    %jit3A_75 = arith.constant 0.000000e+00 : f32
    %broadcast_in_dim3A_76 = vector.broadcast %jit3A_74 : f32 to vector<16xf32>
    %broadcast_in_dim3A_77 = vector.broadcast %jit3A_75 : f32 to vector<16xf32>
    %select_n3A_78 = arith.select %eq3A_73, %broadcast_in_dim3A_76, %broadcast_in_dim3A_77 : vector<16xi1>, vector<16xf32>
    %eq3A_79 = arith.cmpi eq, %and3A_6, %min3A_69 : vector<16xi32>
    %jit3A_80 = arith.constant 0.000000e+00 : f32
    %broadcast_in_dim3A_81 = vector.broadcast %jit3A_80 : f32 to vector<16xf32>
    %select_n3A_82 = arith.select %eq3A_79, %exp3A, %broadcast_in_dim3A_81 : vector<16xi1>, vector<16xf32>
    %add3A_83 = arith.addf %select_n3A_78, %select_n3A_82 : vector<16xf32>
    %div3A = arith.divf %add3A_83, %add3A_72 : vector<16xf32>
    %swap3A = arith.constant 0 : index
    %swap3A_84 = tpu.vector_load %arg5[%swap3A] {strides = array<i32>} : memref<512xf32, #tpu.memory_space<vmem>>, vector<16xf32>,
    %swap3A_85 = vector.shape_cast %swap3A_84 : vector<16xf32> to vector<16xf32>
    %swap3A_86 = vector.shape_cast %div3A : vector<16xf32> to vector<16xf32>
    tpu.vector_store %arg5[%swap3A], %swap3A_86 {strides = array<i32>} : memref<512xf32, #tpu.memory_space<vmem>>, vector<16xf32>,
    %get3A_87 = arith.constant 16 : index
    %get3A_88 = tpu.vector_load %arg4[%get3A_87] {strides = array<i32>} : memref<512xf32, #tpu.memory_space<vmem>>, vector<16xf32>,
    %get3A_89 = vector.shape_cast %get3A_88 : vector<16xf32> to vector<16xf32>
    %broadcast_in_dim3A_90 = vector.shape_cast %xor3A_8 : vector<16xi32> to vector<16x1xi32>
    %gather3A_91 = vector.shape_cast %broadcast_in_dim3A_90 : vector<16x1xi32> to vector<16xi32>
    %gather3A_92 = tpu.dynamic_gather %get3A_89[%gather3A_91] in [0] : vector<16xf32>, vector<16xi32> -> vector<16xf32>
    %max3A_93 = arith.maximumf %get3A_89, %gather3A_92 : vector<16xf32>
    %broadcast_in_dim3A_94 = vector.shape_cast %xor3A_11 : vector<16xi32> to vector<16x1xi32>
    %gather3A_95 = vector.shape_cast %broadcast_in_dim3A_94 : vector<16x1xi32> to vector<16xi32>
    %gather3A_96 = tpu.dynamic_gather %max3A_93[%gather3A_95] in [0] : vector<16xf32>, vector<16xi32> -> vector<16xf32>
    %max3A_97 = arith.maximumf %max3A_93, %gather3A_96 : vector<16xf32>
    %broadcast_in_dim3A_98 = vector.shape_cast %xor3A_14 : vector<16xi32> to vector<16x1xi32>
    %gather3A_99 = vector.shape_cast %broadcast_in_dim3A_98 : vector<16x1xi32> to vector<16xi32>
    %gather3A_100 = tpu.dynamic_gather %max3A_97[%gather3A_99] in [0] : vector<16xf32>, vector<16xi32> -> vector<16xf32>
    %max3A_101 = arith.maximumf %max3A_97, %gather3A_100 : vector<16xf32>
    %eq3A_102 = arith.cmpf oeq, %get3A_89, %max3A_101 : vector<16xf32>
    %jit3A_103 = arith.constant 8 : i32
    %broadcast_in_dim3A_104 = vector.broadcast %jit3A_103 : i32 to vector<16xi32>
    %select_n3A_105 = arith.select %eq3A_102, %and3A_6, %broadcast_in_dim3A_104 : vector<16xi1>, vector<16xi32>
    %broadcast_in_dim3A_106 = vector.shape_cast %xor3A_8 : vector<16xi32> to vector<16x1xi32>
    %gather3A_107 = vector.shape_cast %broadcast_in_dim3A_106 : vector<16x1xi32> to vector<16xi32>
    %gather3A_108 = tpu.dynamic_gather %select_n3A_105[%gather3A_107] in [0] : vector<16xi32>, vector<16xi32> -> vector<16xi32>
    %min3A_109 = arith.minsi %select_n3A_105, %gather3A_108 : vector<16xi32>
    %broadcast_in_dim3A_110 = vector.shape_cast %xor3A_11 : vector<16xi32> to vector<16x1xi32>
    %gather3A_111 = vector.shape_cast %broadcast_in_dim3A_110 : vector<16x1xi32> to vector<16xi32>
    %gather3A_112 = tpu.dynamic_gather %min3A_109[%gather3A_111] in [0] : vector<16xi32>, vector<16xi32> -> vector<16xi32>
    %min3A_113 = arith.minsi %min3A_109, %gather3A_112 : vector<16xi32>
    %broadcast_in_dim3A_114 = vector.shape_cast %xor3A_14 : vector<16xi32> to vector<16x1xi32>
    %gather3A_115 = vector.shape_cast %broadcast_in_dim3A_114 : vector<16x1xi32> to vector<16xi32>
    %gather3A_116 = tpu.dynamic_gather %min3A_113[%gather3A_115] in [0] : vector<16xi32>, vector<16xi32> -> vector<16xi32>
    %min3A_117 = arith.minsi %min3A_113, %gather3A_116 : vector<16xi32>
    %eq3A_118 = arith.cmpi eq, %and3A_6, %min3A_117 : vector<16xi32>
    %select_n3A_119 = arith.select %eq3A_118, %broadcast_in_dim3A_15, %get3A_89 : vector<16xi1>, vector<16xf32>
    %broadcast_in_dim3A_120 = vector.shape_cast %xor3A_8 : vector<16xi32> to vector<16x1xi32>
    %gather3A_121 = vector.shape_cast %broadcast_in_dim3A_120 : vector<16x1xi32> to vector<16xi32>
    %gather3A_122 = tpu.dynamic_gather %select_n3A_119[%gather3A_121] in [0] : vector<16xf32>, vector<16xi32> -> vector<16xf32>
    %max3A_123 = arith.maximumf %select_n3A_119, %gather3A_122 : vector<16xf32>
    %broadcast_in_dim3A_124 = vector.shape_cast %xor3A_11 : vector<16xi32> to vector<16x1xi32>
    %gather3A_125 = vector.shape_cast %broadcast_in_dim3A_124 : vector<16x1xi32> to vector<16xi32>
    %gather3A_126 = tpu.dynamic_gather %max3A_123[%gather3A_125] in [0] : vector<16xf32>, vector<16xi32> -> vector<16xf32>
    %max3A_127 = arith.maximumf %max3A_123, %gather3A_126 : vector<16xf32>
    %broadcast_in_dim3A_128 = vector.shape_cast %xor3A_14 : vector<16xi32> to vector<16x1xi32>
    %gather3A_129 = vector.shape_cast %broadcast_in_dim3A_128 : vector<16x1xi32> to vector<16xi32>
    %gather3A_130 = tpu.dynamic_gather %max3A_127[%gather3A_129] in [0] : vector<16xf32>, vector<16xi32> -> vector<16xf32>
    %max3A_131 = arith.maximumf %max3A_127, %gather3A_130 : vector<16xf32>
    %eq3A_132 = arith.cmpf oeq, %select_n3A_119, %max3A_131 : vector<16xf32>
    %jit3A_133 = arith.constant 8 : i32
    %broadcast_in_dim3A_134 = vector.broadcast %jit3A_133 : i32 to vector<16xi32>
    %select_n3A_135 = arith.select %eq3A_132, %and3A_6, %broadcast_in_dim3A_134 : vector<16xi1>, vector<16xi32>
    %broadcast_in_dim3A_136 = vector.shape_cast %xor3A_8 : vector<16xi32> to vector<16x1xi32>
    %gather3A_137 = vector.shape_cast %broadcast_in_dim3A_136 : vector<16x1xi32> to vector<16xi32>
    %gather3A_138 = tpu.dynamic_gather %select_n3A_135[%gather3A_137] in [0] : vector<16xi32>, vector<16xi32> -> vector<16xi32>
    %min3A_139 = arith.minsi %select_n3A_135, %gather3A_138 : vector<16xi32>
    %broadcast_in_dim3A_140 = vector.shape_cast %xor3A_11 : vector<16xi32> to vector<16x1xi32>
    %gather3A_141 = vector.shape_cast %broadcast_in_dim3A_140 : vector<16x1xi32> to vector<16xi32>
    %gather3A_142 = tpu.dynamic_gather %min3A_139[%gather3A_141] in [0] : vector<16xi32>, vector<16xi32> -> vector<16xi32>
    %min3A_143 = arith.minsi %min3A_139, %gather3A_142 : vector<16xi32>
    %broadcast_in_dim3A_144 = vector.shape_cast %xor3A_14 : vector<16xi32> to vector<16x1xi32>
    %gather3A_145 = vector.shape_cast %broadcast_in_dim3A_144 : vector<16x1xi32> to vector<16xi32>
    %gather3A_146 = tpu.dynamic_gather %min3A_143[%gather3A_145] in [0] : vector<16xi32>, vector<16xi32> -> vector<16xi32>
    %min3A_147 = arith.minsi %min3A_143, %gather3A_146 : vector<16xi32>
    %sub3A_148 = arith.subf %max3A_131, %max3A_101 : vector<16xf32>
    %exp3A_149 = math.exp %sub3A_148 : vector<16xf32>
    %add3A_150 = arith.constant 1.000000e+00 : f32
    %add3A_151 = vector.broadcast %add3A_150 : f32 to vector<16xf32>
    %add3A_152 = arith.addf %add3A_151, %exp3A_149 : vector<16xf32>
    %eq3A_153 = arith.cmpi eq, %and3A_6, %min3A_117 : vector<16xi32>
    %jit3A_154 = arith.constant 1.000000e+00 : f32
    %jit3A_155 = arith.constant 0.000000e+00 : f32
    %broadcast_in_dim3A_156 = vector.broadcast %jit3A_154 : f32 to vector<16xf32>
    %broadcast_in_dim3A_157 = vector.broadcast %jit3A_155 : f32 to vector<16xf32>
    %select_n3A_158 = arith.select %eq3A_153, %broadcast_in_dim3A_156, %broadcast_in_dim3A_157 : vector<16xi1>, vector<16xf32>
    %eq3A_159 = arith.cmpi eq, %and3A_6, %min3A_147 : vector<16xi32>
    %jit3A_160 = arith.constant 0.000000e+00 : f32
    %broadcast_in_dim3A_161 = vector.broadcast %jit3A_160 : f32 to vector<16xf32>
    %select_n3A_162 = arith.select %eq3A_159, %exp3A_149, %broadcast_in_dim3A_161 : vector<16xi1>, vector<16xf32>
    %add3A_163 = arith.addf %select_n3A_158, %select_n3A_162 : vector<16xf32>
    %div3A_164 = arith.divf %add3A_163, %add3A_152 : vector<16xf32>
    %swap3A_165 = arith.constant 16 : index
    %swap3A_166 = tpu.vector_load %arg5[%swap3A_165] {strides = array<i32>} : memref<512xf32, #tpu.memory_space<vmem>>, vector<16xf32>,
    %swap3A_167 = vector.shape_cast %swap3A_166 : vector<16xf32> to vector<16xf32>
    %swap3A_168 = vector.shape_cast %div3A_164 : vector<16xf32> to vector<16xf32>
    tpu.vector_store %arg5[%swap3A_165], %swap3A_168 {strides = array<i32>} : memref<512xf32, #tpu.memory_space<vmem>>, vector<16xf32>,
    %get3A_169 = arith.constant 32 : index
    %get3A_170 = tpu.vector_load %arg4[%get3A_169] {strides = array<i32>} : memref<512xf32, #tpu.memory_space<vmem>>, vector<16xf32>,
    %get3A_171 = vector.shape_cast %get3A_170 : vector<16xf32> to vector<16xf32>
    %broadcast_in_dim3A_172 = vector.shape_cast %xor3A_8 : vector<16xi32> to vector<16x1xi32>
    %gather3A_173 = vector.shape_cast %broadcast_in_dim3A_172 : vector<16x1xi32> to vector<16xi32>
    %gather3A_174 = tpu.dynamic_gather %get3A_171[%gather3A_173] in [0] : vector<16xf32>, vector<16xi32> -> vector<16xf32>
    %max3A_175 = arith.maximumf %get3A_171, %gather3A_174 : vector<16xf32>
    %broadcast_in_dim3A_176 = vector.shape_cast %xor3A_11 : vector<16xi32> to vector<16x1xi32>
    %gather3A_177 = vector.shape_cast %broadcast_in_dim3A_176 : vector<16x1xi32> to vector<16xi32>
    %gather3A_178 = tpu.dynamic_gather %max3A_175[%gather3A_177] in [0] : vector<16xf32>, vector<16xi32> -> vector<16xf32>
    %max3A_179 = arith.maximumf %max3A_175, %gather3A_178 : vector<16xf32>
    %broadcast_in_dim3A_180 = vector.shape_cast %xor3A_14 : vector<16xi32> to vector<16x1xi32>
    %gather3A_181 = vector.shape_cast %broadcast_in_dim3A_180 : vector<16x1xi32> to vector<16xi32>
    %gather3A_182 = tpu.dynamic_gather %max3A_179[%gather3A_181] in [0] : vector<16xf32>, vector<16xi32> -> vector<16xf32>
    %max3A_183 = arith.maximumf %max3A_179, %gather3A_182 : vector<16xf32>
    %eq3A_184 = arith.cmpf oeq, %get3A_171, %max3A_183 : vector<16xf32>
    %jit3A_185 = arith.constant 8 : i32
    %broadcast_in_dim3A_186 = vector.broadcast %jit3A_185 : i32 to vector<16xi32>
    %select_n3A_187 = arith.select %eq3A_184, %and3A_6, %broadcast_in_dim3A_186 : vector<16xi1>, vector<16xi32>
    %broadcast_in_dim3A_188 = vector.shape_cast %xor3A_8 : vector<16xi32> to vector<16x1xi32>
    %gather3A_189 = vector.shape_cast %broadcast_in_dim3A_188 : vector<16x1xi32> to vector<16xi32>
    %gather3A_190 = tpu.dynamic_gather %select_n3A_187[%gather3A_189] in [0] : vector<16xi32>, vector<16xi32> -> vector<16xi32>
    %min3A_191 = arith.minsi %select_n3A_187, %gather3A_190 : vector<16xi32>
    %broadcast_in_dim3A_192 = vector.shape_cast %xor3A_11 : vector<16xi32> to vector<16x1xi32>
    %gather3A_193 = vector.shape_cast %broadcast_in_dim3A_192 : vector<16x1xi32> to vector<16xi32>
    %gather3A_194 = tpu.dynamic_gather %min3A_191[%gather3A_193] in [0] : vector<16xi32>, vector<16xi32> -> vector<16xi32>
    %min3A_195 = arith.minsi %min3A_191, %gather3A_194 : vector<16xi32>
    %broadcast_in_dim3A_196 = vector.shape_cast %xor3A_14 : vector<16xi32> to vector<16x1xi32>
    %gather3A_197 = vector.shape_cast %broadcast_in_dim3A_196 : vector<16x1xi32> to vector<16xi32>
    %gather3A_198 = tpu.dynamic_gather %min3A_195[%gather3A_197] in [0] : vector<16xi32>, vector<16xi32> -> vector<16xi32>
    %min3A_199 = arith.minsi %min3A_195, %gather3A_198 : vector<16xi32>
    %eq3A_200 = arith.cmpi eq, %and3A_6, %min3A_199 : vector<16xi32>
    %select_n3A_201 = arith.select %eq3A_200, %broadcast_in_dim3A_15, %get3A_171 : vector<16xi1>, vector<16xf32>
    %broadcast_in_dim3A_202 = vector.shape_cast %xor3A_8 : vector<16xi32> to vector<16x1xi32>
    %gather3A_203 = vector.shape_cast %broadcast_in_dim3A_202 : vector<16x1xi32> to vector<16xi32>
    %gather3A_204 = tpu.dynamic_gather %select_n3A_201[%gather3A_203] in [0] : vector<16xf32>, vector<16xi32> -> vector<16xf32>
    %max3A_205 = arith.maximumf %select_n3A_201, %gather3A_204 : vector<16xf32>
    %broadcast_in_dim3A_206 = vector.shape_cast %xor3A_11 : vector<16xi32> to vector<16x1xi32>
    %gather3A_207 = vector.shape_cast %broadcast_in_dim3A_206 : vector<16x1xi32> to vector<16xi32>
    %gather3A_208 = tpu.dynamic_gather %max3A_205[%gather3A_207] in [0] : vector<16xf32>, vector<16xi32> -> vector<16xf32>
    %max3A_209 = arith.maximumf %max3A_205, %gather3A_208 : vector<16xf32>
    %broadcast_in_dim3A_210 = vector.shape_cast %xor3A_14 : vector<16xi32> to vector<16x1xi32>
    %gather3A_211 = vector.shape_cast %broadcast_in_dim3A_210 : vector<16x1xi32> to vector<16xi32>
    %gather3A_212 = tpu.dynamic_gather %max3A_209[%gather3A_211] in [0] : vector<16xf32>, vector<16xi32> -> vector<16xf32>
    %max3A_213 = arith.maximumf %max3A_209, %gather3A_212 : vector<16xf32>
    %eq3A_214 = arith.cmpf oeq, %select_n3A_201, %max3A_213 : vector<16xf32>
    %jit3A_215 = arith.constant 8 : i32
    %broadcast_in_dim3A_216 = vector.broadcast %jit3A_215 : i32 to vector<16xi32>
    %select_n3A_217 = arith.select %eq3A_214, %and3A_6, %broadcast_in_dim3A_216 : vector<16xi1>, vector<16xi32>
    %broadcast_in_dim3A_218 = vector.shape_cast %xor3A_8 : vector<16xi32> to vector<16x1xi32>
    %gather3A_219 = vector.shape_cast %broadcast_in_dim3A_218 : vector<16x1xi32> to vector<16xi32>
    %gather3A_220 = tpu.dynamic_gather %select_n3A_217[%gather3A_219] in [0] : vector<16xi32>, vector<16xi32> -> vector<16xi32>
    %min3A_221 = arith.minsi %select_n3A_217, %gather3A_220 : vector<16xi32>
    %broadcast_in_dim3A_222 = vector.shape_cast %xor3A_11 : vector<16xi32> to vector<16x1xi32>
    %gather3A_223 = vector.shape_cast %broadcast_in_dim3A_222 : vector<16x1xi32> to vector<16xi32>
    %gather3A_224 = tpu.dynamic_gather %min3A_221[%gather3A_223] in [0] : vector<16xi32>, vector<16xi32> -> vector<16xi32>
    %min3A_225 = arith.minsi %min3A_221, %gather3A_224 : vector<16xi32>
    %broadcast_in_dim3A_226 = vector.shape_cast %xor3A_14 : vector<16xi32> to vector<16x1xi32>
    %gather3A_227 = vector.shape_cast %broadcast_in_dim3A_226 : vector<16x1xi32> to vector<16xi32>
    %gather3A_228 = tpu.dynamic_gather %min3A_225[%gather3A_227] in [0] : vector<16xi32>, vector<16xi32> -> vector<16xi32>
    %min3A_229 = arith.minsi %min3A_225, %gather3A_228 : vector<16xi32>
    %sub3A_230 = arith.subf %max3A_213, %max3A_183 : vector<16xf32>
    %exp3A_231 = math.exp %sub3A_230 : vector<16xf32>
    %add3A_232 = arith.constant 1.000000e+00 : f32
    %add3A_233 = vector.broadcast %add3A_232 : f32 to vector<16xf32>
    %add3A_234 = arith.addf %add3A_233, %exp3A_231 : vector<16xf32>
    %eq3A_235 = arith.cmpi eq, %and3A_6, %min3A_199 : vector<16xi32>
    %jit3A_236 = arith.constant 1.000000e+00 : f32
    %jit3A_237 = arith.constant 0.000000e+00 : f32
    %broadcast_in_dim3A_238 = vector.broadcast %jit3A_236 : f32 to vector<16xf32>
    %broadcast_in_dim3A_239 = vector.broadcast %jit3A_237 : f32 to vector<16xf32>
    %select_n3A_240 = arith.select %eq3A_235, %broadcast_in_dim3A_238, %broadcast_in_dim3A_239 : vector<16xi1>, vector<16xf32>
    %eq3A_241 = arith.cmpi eq, %and3A_6, %min3A_229 : vector<16xi32>
    %jit3A_242 = arith.constant 0.000000e+00 : f32
    %broadcast_in_dim3A_243 = vector.broadcast %jit3A_242 : f32 to vector<16xf32>
    %select_n3A_244 = arith.select %eq3A_241, %exp3A_231, %broadcast_in_dim3A_243 : vector<16xi1>, vector<16xf32>
    %add3A_245 = arith.addf %select_n3A_240, %select_n3A_244 : vector<16xf32>
    %div3A_246 = arith.divf %add3A_245, %add3A_234 : vector<16xf32>
    %swap3A_247 = arith.constant 32 : index
    %swap3A_248 = tpu.vector_load %arg5[%swap3A_247] {strides = array<i32>} : memref<512xf32, #tpu.memory_space<vmem>>, vector<16xf32>,
    %swap3A_249 = vector.shape_cast %swap3A_248 : vector<16xf32> to vector<16xf32>
    %swap3A_250 = vector.shape_cast %div3A_246 : vector<16xf32> to vector<16xf32>
    tpu.vector_store %arg5[%swap3A_247], %swap3A_250 {strides = array<i32>} : memref<512xf32, #tpu.memory_space<vmem>>, vector<16xf32>,
    %get3A_251 = arith.constant 48 : index
    %get3A_252 = tpu.vector_load %arg4[%get3A_251] {strides = array<i32>} : memref<512xf32, #tpu.memory_space<vmem>>, vector<16xf32>,
    %get3A_253 = vector.shape_cast %get3A_252 : vector<16xf32> to vector<16xf32>
    %broadcast_in_dim3A_254 = vector.shape_cast %xor3A_8 : vector<16xi32> to vector<16x1xi32>
    %gather3A_255 = vector.shape_cast %broadcast_in_dim3A_254 : vector<16x1xi32> to vector<16xi32>
    %gather3A_256 = tpu.dynamic_gather %get3A_253[%gather3A_255] in [0] : vector<16xf32>, vector<16xi32> -> vector<16xf32>
    %max3A_257 = arith.maximumf %get3A_253, %gather3A_256 : vector<16xf32>
    %broadcast_in_dim3A_258 = vector.shape_cast %xor3A_11 : vector<16xi32> to vector<16x1xi32>
    %gather3A_259 = vector.shape_cast %broadcast_in_dim3A_258 : vector<16x1xi32> to vector<16xi32>
    %gather3A_260 = tpu.dynamic_gather %max3A_257[%gather3A_259] in [0] : vector<16xf32>, vector<16xi32> -> vector<16xf32>
    %max3A_261 = arith.maximumf %max3A_257, %gather3A_260 : vector<16xf32>
    %broadcast_in_dim3A_262 = vector.shape_cast %xor3A_14 : vector<16xi32> to vector<16x1xi32>
    %gather3A_263 = vector.shape_cast %broadcast_in_dim3A_262 : vector<16x1xi32> to vector<16xi32>
    %gather3A_264 = tpu.dynamic_gather %max3A_261[%gather3A_263] in [0] : vector<16xf32>, vector<16xi32> -> vector<16xf32>
    %max3A_265 = arith.maximumf %max3A_261, %gather3A_264 : vector<16xf32>
    %eq3A_266 = arith.cmpf oeq, %get3A_253, %max3A_265 : vector<16xf32>
    %jit3A_267 = arith.constant 8 : i32
    %broadcast_in_dim3A_268 = vector.broadcast %jit3A_267 : i32 to vector<16xi32>
    %select_n3A_269 = arith.select %eq3A_266, %and3A_6, %broadcast_in_dim3A_268 : vector<16xi1>, vector<16xi32>
    %broadcast_in_dim3A_270 = vector.shape_cast %xor3A_8 : vector<16xi32> to vector<16x1xi32>
    %gather3A_271 = vector.shape_cast %broadcast_in_dim3A_270 : vector<16x1xi32> to vector<16xi32>
    %gather3A_272 = tpu.dynamic_gather %select_n3A_269[%gather3A_271] in [0] : vector<16xi32>, vector<16xi32> -> vector<16xi32>
    %min3A_273 = arith.minsi %select_n3A_269, %gather3A_272 : vector<16xi32>
    %broadcast_in_dim3A_274 = vector.shape_cast %xor3A_11 : vector<16xi32> to vector<16x1xi32>
    %gather3A_275 = vector.shape_cast %broadcast_in_dim3A_274 : vector<16x1xi32> to vector<16xi32>
    %gather3A_276 = tpu.dynamic_gather %min3A_273[%gather3A_275] in [0] : vector<16xi32>, vector<16xi32> -> vector<16xi32>
    %min3A_277 = arith.minsi %min3A_273, %gather3A_276 : vector<16xi32>
    %broadcast_in_dim3A_278 = vector.shape_cast %xor3A_14 : vector<16xi32> to vector<16x1xi32>
    %gather3A_279 = vector.shape_cast %broadcast_in_dim3A_278 : vector<16x1xi32> to vector<16xi32>
    %gather3A_280 = tpu.dynamic_gather %min3A_277[%gather3A_279] in [0] : vector<16xi32>, vector<16xi32> -> vector<16xi32>
    %min3A_281 = arith.minsi %min3A_277, %gather3A_280 : vector<16xi32>
    %eq3A_282 = arith.cmpi eq, %and3A_6, %min3A_281 : vector<16xi32>
    %select_n3A_283 = arith.select %eq3A_282, %broadcast_in_dim3A_15, %get3A_253 : vector<16xi1>, vector<16xf32>
    %broadcast_in_dim3A_284 = vector.shape_cast %xor3A_8 : vector<16xi32> to vector<16x1xi32>
    %gather3A_285 = vector.shape_cast %broadcast_in_dim3A_284 : vector<16x1xi32> to vector<16xi32>
    %gather3A_286 = tpu.dynamic_gather %select_n3A_283[%gather3A_285] in [0] : vector<16xf32>, vector<16xi32> -> vector<16xf32>
    %max3A_287 = arith.maximumf %select_n3A_283, %gather3A_286 : vector<16xf32>
    %broadcast_in_dim3A_288 = vector.shape_cast %xor3A_11 : vector<16xi32> to vector<16x1xi32>
    %gather3A_289 = vector.shape_cast %broadcast_in_dim3A_288 : vector<16x1xi32> to vector<16xi32>
    %gather3A_290 = tpu.dynamic_gather %max3A_287[%gather3A_289] in [0] : vector<16xf32>, vector<16xi32> -> vector<16xf32>
    %max3A_291 = arith.maximumf %max3A_287, %gather3A_290 : vector<16xf32>
    %broadcast_in_dim3A_292 = vector.shape_cast %xor3A_14 : vector<16xi32> to vector<16x1xi32>
    %gather3A_293 = vector.shape_cast %broadcast_in_dim3A_292 : vector<16x1xi32> to vector<16xi32>
    %gather3A_294 = tpu.dynamic_gather %max3A_291[%gather3A_293] in [0] : vector<16xf32>, vector<16xi32> -> vector<16xf32>
    %max3A_295 = arith.maximumf %max3A_291, %gather3A_294 : vector<16xf32>
    %eq3A_296 = arith.cmpf oeq, %select_n3A_283, %max3A_295 : vector<16xf32>
    %jit3A_297 = arith.constant 8 : i32
    %broadcast_in_dim3A_298 = vector.broadcast %jit3A_297 : i32 to vector<16xi32>
    %select_n3A_299 = arith.select %eq3A_296, %and3A_6, %broadcast_in_dim3A_298 : vector<16xi1>, vector<16xi32>
    %broadcast_in_dim3A_300 = vector.shape_cast %xor3A_8 : vector<16xi32> to vector<16x1xi32>
    %gather3A_301 = vector.shape_cast %broadcast_in_dim3A_300 : vector<16x1xi32> to vector<16xi32>
    %gather3A_302 = tpu.dynamic_gather %select_n3A_299[%gather3A_301] in [0] : vector<16xi32>, vector<16xi32> -> vector<16xi32>
    %min3A_303 = arith.minsi %select_n3A_299, %gather3A_302 : vector<16xi32>
    %broadcast_in_dim3A_304 = vector.shape_cast %xor3A_11 : vector<16xi32> to vector<16x1xi32>
    %gather3A_305 = vector.shape_cast %broadcast_in_dim3A_304 : vector<16x1xi32> to vector<16xi32>
    %gather3A_306 = tpu.dynamic_gather %min3A_303[%gather3A_305] in [0] : vector<16xi32>, vector<16xi32> -> vector<16xi32>
    %min3A_307 = arith.minsi %min3A_303, %gather3A_306 : vector<16xi32>
    %broadcast_in_dim3A_308 = vector.shape_cast %xor3A_14 : vector<16xi32> to vector<16x1xi32>
    %gather3A_309 = vector.shape_cast %broadcast_in_dim3A_308 : vector<16x1xi32> to vector<16xi32>
    %gather3A_310 = tpu.dynamic_gather %min3A_307[%gather3A_309] in [0] : vector<16xi32>, vector<16xi32> -> vector<16xi32>
    %min3A_311 = arith.minsi %min3A_307, %gather3A_310 : vector<16xi32>
    %sub3A_312 = arith.subf %max3A_295, %max3A_265 : vector<16xf32>
    %exp3A_313 = math.exp %sub3A_312 : vector<16xf32>
    %add3A_314 = arith.constant 1.000000e+00 : f32
    %add3A_315 = vector.broadcast %add3A_314 : f32 to vector<16xf32>
    %add3A_316 = arith.addf %add3A_315, %exp3A_313 : vector<16xf32>
    %eq3A_317 = arith.cmpi eq, %and3A_6, %min3A_281 : vector<16xi32>
    %jit3A_318 = arith.constant 1.000000e+00 : f32
    %jit3A_319 = arith.constant 0.000000e+00 : f32
    %broadcast_in_dim3A_320 = vector.broadcast %jit3A_318 : f32 to vector<16xf32>
    %broadcast_in_dim3A_321 = vector.broadcast %jit3A_319 : f32 to vector<16xf32>
    %select_n3A_322 = arith.select %eq3A_317, %broadcast_in_dim3A_320, %broadcast_in_dim3A_321 : vector<16xi1>, vector<16xf32>
    %eq3A_323 = arith.cmpi eq, %and3A_6, %min3A_311 : vector<16xi32>
    %jit3A_324 = arith.constant 0.000000e+00 : f32
    %broadcast_in_dim3A_325 = vector.broadcast %jit3A_324 : f32 to vector<16xf32>
    %select_n3A_326 = arith.select %eq3A_323, %exp3A_313, %broadcast_in_dim3A_325 : vector<16xi1>, vector<16xf32>
    %add3A_327 = arith.addf %select_n3A_322, %select_n3A_326 : vector<16xf32>
    %div3A_328 = arith.divf %add3A_327, %add3A_316 : vector<16xf32>
    %swap3A_329 = arith.constant 48 : index
    %swap3A_330 = tpu.vector_load %arg5[%swap3A_329] {strides = array<i32>} : memref<512xf32, #tpu.memory_space<vmem>>, vector<16xf32>,
    %swap3A_331 = vector.shape_cast %swap3A_330 : vector<16xf32> to vector<16xf32>
    %swap3A_332 = vector.shape_cast %div3A_328 : vector<16xf32> to vector<16xf32>
    tpu.vector_store %arg5[%swap3A_329], %swap3A_332 {strides = array<i32>} : memref<512xf32, #tpu.memory_space<vmem>>, vector<16xf32>,
    %get3A_333 = arith.constant 64 : index
    %get3A_334 = tpu.vector_load %arg4[%get3A_333] {strides = array<i32>} : memref<512xf32, #tpu.memory_space<vmem>>, vector<16xf32>,
    %get3A_335 = vector.shape_cast %get3A_334 : vector<16xf32> to vector<16xf32>
    %broadcast_in_dim3A_336 = vector.shape_cast %xor3A_8 : vector<16xi32> to vector<16x1xi32>
    %gather3A_337 = vector.shape_cast %broadcast_in_dim3A_336 : vector<16x1xi32> to vector<16xi32>
    %gather3A_338 = tpu.dynamic_gather %get3A_335[%gather3A_337] in [0] : vector<16xf32>, vector<16xi32> -> vector<16xf32>
    %max3A_339 = arith.maximumf %get3A_335, %gather3A_338 : vector<16xf32>
    %broadcast_in_dim3A_340 = vector.shape_cast %xor3A_11 : vector<16xi32> to vector<16x1xi32>
    %gather3A_341 = vector.shape_cast %broadcast_in_dim3A_340 : vector<16x1xi32> to vector<16xi32>
    %gather3A_342 = tpu.dynamic_gather %max3A_339[%gather3A_341] in [0] : vector<16xf32>, vector<16xi32> -> vector<16xf32>
    %max3A_343 = arith.maximumf %max3A_339, %gather3A_342 : vector<16xf32>
    %broadcast_in_dim3A_344 = vector.shape_cast %xor3A_14 : vector<16xi32> to vector<16x1xi32>
    %gather3A_345 = vector.shape_cast %broadcast_in_dim3A_344 : vector<16x1xi32> to vector<16xi32>
    %gather3A_346 = tpu.dynamic_gather %max3A_343[%gather3A_345] in [0] : vector<16xf32>, vector<16xi32> -> vector<16xf32>
    %max3A_347 = arith.maximumf %max3A_343, %gather3A_346 : vector<16xf32>
    %eq3A_348 = arith.cmpf oeq, %get3A_335, %max3A_347 : vector<16xf32>
    %jit3A_349 = arith.constant 8 : i32
    %broadcast_in_dim3A_350 = vector.broadcast %jit3A_349 : i32 to vector<16xi32>
    %select_n3A_351 = arith.select %eq3A_348, %and3A_6, %broadcast_in_dim3A_350 : vector<16xi1>, vector<16xi32>
    %broadcast_in_dim3A_352 = vector.shape_cast %xor3A_8 : vector<16xi32> to vector<16x1xi32>
    %gather3A_353 = vector.shape_cast %broadcast_in_dim3A_352 : vector<16x1xi32> to vector<16xi32>
    %gather3A_354 = tpu.dynamic_gather %select_n3A_351[%gather3A_353] in [0] : vector<16xi32>, vector<16xi32> -> vector<16xi32>
    %min3A_355 = arith.minsi %select_n3A_351, %gather3A_354 : vector<16xi32>
    %broadcast_in_dim3A_356 = vector.shape_cast %xor3A_11 : vector<16xi32> to vector<16x1xi32>
    %gather3A_357 = vector.shape_cast %broadcast_in_dim3A_356 : vector<16x1xi32> to vector<16xi32>
    %gather3A_358 = tpu.dynamic_gather %min3A_355[%gather3A_357] in [0] : vector<16xi32>, vector<16xi32> -> vector<16xi32>
    %min3A_359 = arith.minsi %min3A_355, %gather3A_358 : vector<16xi32>
    %broadcast_in_dim3A_360 = vector.shape_cast %xor3A_14 : vector<16xi32> to vector<16x1xi32>
    %gather3A_361 = vector.shape_cast %broadcast_in_dim3A_360 : vector<16x1xi32> to vector<16xi32>
    %gather3A_362 = tpu.dynamic_gather %min3A_359[%gather3A_361] in [0] : vector<16xi32>, vector<16xi32> -> vector<16xi32>
    %min3A_363 = arith.minsi %min3A_359, %gather3A_362 : vector<16xi32>
    %eq3A_364 = arith.cmpi eq, %and3A_6, %min3A_363 : vector<16xi32>
    %select_n3A_365 = arith.select %eq3A_364, %broadcast_in_dim3A_15, %get3A_335 : vector<16xi1>, vector<16xf32>
    %broadcast_in_dim3A_366 = vector.shape_cast %xor3A_8 : vector<16xi32> to vector<16x1xi32>
    %gather3A_367 = vector.shape_cast %broadcast_in_dim3A_366 : vector<16x1xi32> to vector<16xi32>
    %gather3A_368 = tpu.dynamic_gather %select_n3A_365[%gather3A_367] in [0] : vector<16xf32>, vector<16xi32> -> vector<16xf32>
    %max3A_369 = arith.maximumf %select_n3A_365, %gather3A_368 : vector<16xf32>
    %broadcast_in_dim3A_370 = vector.shape_cast %xor3A_11 : vector<16xi32> to vector<16x1xi32>
    %gather3A_371 = vector.shape_cast %broadcast_in_dim3A_370 : vector<16x1xi32> to vector<16xi32>
    %gather3A_372 = tpu.dynamic_gather %max3A_369[%gather3A_371] in [0] : vector<16xf32>, vector<16xi32> -> vector<16xf32>
    %max3A_373 = arith.maximumf %max3A_369, %gather3A_372 : vector<16xf32>
    %broadcast_in_dim3A_374 = vector.shape_cast %xor3A_14 : vector<16xi32> to vector<16x1xi32>
    %gather3A_375 = vector.shape_cast %broadcast_in_dim3A_374 : vector<16x1xi32> to vector<16xi32>
    %gather3A_376 = tpu.dynamic_gather %max3A_373[%gather3A_375] in [0] : vector<16xf32>, vector<16xi32> -> vector<16xf32>
    %max3A_377 = arith.maximumf %max3A_373, %gather3A_376 : vector<16xf32>
    %eq3A_378 = arith.cmpf oeq, %select_n3A_365, %max3A_377 : vector<16xf32>
    %jit3A_379 = arith.constant 8 : i32
    %broadcast_in_dim3A_380 = vector.broadcast %jit3A_379 : i32 to vector<16xi32>
    %select_n3A_381 = arith.select %eq3A_378, %and3A_6, %broadcast_in_dim3A_380 : vector<16xi1>, vector<16xi32>
    %broadcast_in_dim3A_382 = vector.shape_cast %xor3A_8 : vector<16xi32> to vector<16x1xi32>
    %gather3A_383 = vector.shape_cast %broadcast_in_dim3A_382 : vector<16x1xi32> to vector<16xi32>
    %gather3A_384 = tpu.dynamic_gather %select_n3A_381[%gather3A_383] in [0] : vector<16xi32>, vector<16xi32> -> vector<16xi32>
    %min3A_385 = arith.minsi %select_n3A_381, %gather3A_384 : vector<16xi32>
    %broadcast_in_dim3A_386 = vector.shape_cast %xor3A_11 : vector<16xi32> to vector<16x1xi32>
    %gather3A_387 = vector.shape_cast %broadcast_in_dim3A_386 : vector<16x1xi32> to vector<16xi32>
    %gather3A_388 = tpu.dynamic_gather %min3A_385[%gather3A_387] in [0] : vector<16xi32>, vector<16xi32> -> vector<16xi32>
    %min3A_389 = arith.minsi %min3A_385, %gather3A_388 : vector<16xi32>
    %broadcast_in_dim3A_390 = vector.shape_cast %xor3A_14 : vector<16xi32> to vector<16x1xi32>
    %gather3A_391 = vector.shape_cast %broadcast_in_dim3A_390 : vector<16x1xi32> to vector<16xi32>
    %gather3A_392 = tpu.dynamic_gather %min3A_389[%gather3A_391] in [0] : vector<16xi32>, vector<16xi32> -> vector<16xi32>
    %min3A_393 = arith.minsi %min3A_389, %gather3A_392 : vector<16xi32>
    %sub3A_394 = arith.subf %max3A_377, %max3A_347 : vector<16xf32>
    %exp3A_395 = math.exp %sub3A_394 : vector<16xf32>
    %add3A_396 = arith.constant 1.000000e+00 : f32
    %add3A_397 = vector.broadcast %add3A_396 : f32 to vector<16xf32>
    %add3A_398 = arith.addf %add3A_397, %exp3A_395 : vector<16xf32>
    %eq3A_399 = arith.cmpi eq, %and3A_6, %min3A_363 : vector<16xi32>
    %jit3A_400 = arith.constant 1.000000e+00 : f32
    %jit3A_401 = arith.constant 0.000000e+00 : f32
    %broadcast_in_dim3A_402 = vector.broadcast %jit3A_400 : f32 to vector<16xf32>
    %broadcast_in_dim3A_403 = vector.broadcast %jit3A_401 : f32 to vector<16xf32>
    %select_n3A_404 = arith.select %eq3A_399, %broadcast_in_dim3A_402, %broadcast_in_dim3A_403 : vector<16xi1>, vector<16xf32>
    %eq3A_405 = arith.cmpi eq, %and3A_6, %min3A_393 : vector<16xi32>
    %jit3A_406 = arith.constant 0.000000e+00 : f32
    %broadcast_in_dim3A_407 = vector.broadcast %jit3A_406 : f32 to vector<16xf32>
    %select_n3A_408 = arith.select %eq3A_405, %exp3A_395, %broadcast_in_dim3A_407 : vector<16xi1>, vector<16xf32>
    %add3A_409 = arith.addf %select_n3A_404, %select_n3A_408 : vector<16xf32>
    %div3A_410 = arith.divf %add3A_409, %add3A_398 : vector<16xf32>
    %swap3A_411 = arith.constant 64 : index
    %swap3A_412 = tpu.vector_load %arg5[%swap3A_411] {strides = array<i32>} : memref<512xf32, #tpu.memory_space<vmem>>, vector<16xf32>,
    %swap3A_413 = vector.shape_cast %swap3A_412 : vector<16xf32> to vector<16xf32>
    %swap3A_414 = vector.shape_cast %div3A_410 : vector<16xf32> to vector<16xf32>
    tpu.vector_store %arg5[%swap3A_411], %swap3A_414 {strides = array<i32>} : memref<512xf32, #tpu.memory_space<vmem>>, vector<16xf32>,
    %get3A_415 = arith.constant 80 : index
    %get3A_416 = tpu.vector_load %arg4[%get3A_415] {strides = array<i32>} : memref<512xf32, #tpu.memory_space<vmem>>, vector<16xf32>,
    %get3A_417 = vector.shape_cast %get3A_416 : vector<16xf32> to vector<16xf32>
    %broadcast_in_dim3A_418 = vector.shape_cast %xor3A_8 : vector<16xi32> to vector<16x1xi32>
    %gather3A_419 = vector.shape_cast %broadcast_in_dim3A_418 : vector<16x1xi32> to vector<16xi32>
    %gather3A_420 = tpu.dynamic_gather %get3A_417[%gather3A_419] in [0] : vector<16xf32>, vector<16xi32> -> vector<16xf32>
    %max3A_421 = arith.maximumf %get3A_417, %gather3A_420 : vector<16xf32>
    %broadcast_in_dim3A_422 = vector.shape_cast %xor3A_11 : vector<16xi32> to vector<16x1xi32>
    %gather3A_423 = vector.shape_cast %broadcast_in_dim3A_422 : vector<16x1xi32> to vector<16xi32>
    %gather3A_424 = tpu.dynamic_gather %max3A_421[%gather3A_423] in [0] : vector<16xf32>, vector<16xi32> -> vector<16xf32>
    %max3A_425 = arith.maximumf %max3A_421, %gather3A_424 : vector<16xf32>
    %broadcast_in_dim3A_426 = vector.shape_cast %xor3A_14 : vector<16xi32> to vector<16x1xi32>
    %gather3A_427 = vector.shape_cast %broadcast_in_dim3A_426 : vector<16x1xi32> to vector<16xi32>
    %gather3A_428 = tpu.dynamic_gather %max3A_425[%gather3A_427] in [0] : vector<16xf32>, vector<16xi32> -> vector<16xf32>
    %max3A_429 = arith.maximumf %max3A_425, %gather3A_428 : vector<16xf32>
    %eq3A_430 = arith.cmpf oeq, %get3A_417, %max3A_429 : vector<16xf32>
    %jit3A_431 = arith.constant 8 : i32
    %broadcast_in_dim3A_432 = vector.broadcast %jit3A_431 : i32 to vector<16xi32>
    %select_n3A_433 = arith.select %eq3A_430, %and3A_6, %broadcast_in_dim3A_432 : vector<16xi1>, vector<16xi32>
    %broadcast_in_dim3A_434 = vector.shape_cast %xor3A_8 : vector<16xi32> to vector<16x1xi32>
    %gather3A_435 = vector.shape_cast %broadcast_in_dim3A_434 : vector<16x1xi32> to vector<16xi32>
    %gather3A_436 = tpu.dynamic_gather %select_n3A_433[%gather3A_435] in [0] : vector<16xi32>, vector<16xi32> -> vector<16xi32>
    %min3A_437 = arith.minsi %select_n3A_433, %gather3A_436 : vector<16xi32>
    %broadcast_in_dim3A_438 = vector.shape_cast %xor3A_11 : vector<16xi32> to vector<16x1xi32>
    %gather3A_439 = vector.shape_cast %broadcast_in_dim3A_438 : vector<16x1xi32> to vector<16xi32>
    %gather3A_440 = tpu.dynamic_gather %min3A_437[%gather3A_439] in [0] : vector<16xi32>, vector<16xi32> -> vector<16xi32>
    %min3A_441 = arith.minsi %min3A_437, %gather3A_440 : vector<16xi32>
    %broadcast_in_dim3A_442 = vector.shape_cast %xor3A_14 : vector<16xi32> to vector<16x1xi32>
    %gather3A_443 = vector.shape_cast %broadcast_in_dim3A_442 : vector<16x1xi32> to vector<16xi32>
    %gather3A_444 = tpu.dynamic_gather %min3A_441[%gather3A_443] in [0] : vector<16xi32>, vector<16xi32> -> vector<16xi32>
    %min3A_445 = arith.minsi %min3A_441, %gather3A_444 : vector<16xi32>
    %eq3A_446 = arith.cmpi eq, %and3A_6, %min3A_445 : vector<16xi32>
    %select_n3A_447 = arith.select %eq3A_446, %broadcast_in_dim3A_15, %get3A_417 : vector<16xi1>, vector<16xf32>
    %broadcast_in_dim3A_448 = vector.shape_cast %xor3A_8 : vector<16xi32> to vector<16x1xi32>
    %gather3A_449 = vector.shape_cast %broadcast_in_dim3A_448 : vector<16x1xi32> to vector<16xi32>
    %gather3A_450 = tpu.dynamic_gather %select_n3A_447[%gather3A_449] in [0] : vector<16xf32>, vector<16xi32> -> vector<16xf32>
    %max3A_451 = arith.maximumf %select_n3A_447, %gather3A_450 : vector<16xf32>
    %broadcast_in_dim3A_452 = vector.shape_cast %xor3A_11 : vector<16xi32> to vector<16x1xi32>
    %gather3A_453 = vector.shape_cast %broadcast_in_dim3A_452 : vector<16x1xi32> to vector<16xi32>
    %gather3A_454 = tpu.dynamic_gather %max3A_451[%gather3A_453] in [0] : vector<16xf32>, vector<16xi32> -> vector<16xf32>
    %max3A_455 = arith.maximumf %max3A_451, %gather3A_454 : vector<16xf32>
    %broadcast_in_dim3A_456 = vector.shape_cast %xor3A_14 : vector<16xi32> to vector<16x1xi32>
    %gather3A_457 = vector.shape_cast %broadcast_in_dim3A_456 : vector<16x1xi32> to vector<16xi32>
    %gather3A_458 = tpu.dynamic_gather %max3A_455[%gather3A_457] in [0] : vector<16xf32>, vector<16xi32> -> vector<16xf32>
    %max3A_459 = arith.maximumf %max3A_455, %gather3A_458 : vector<16xf32>
    %eq3A_460 = arith.cmpf oeq, %select_n3A_447, %max3A_459 : vector<16xf32>
    %jit3A_461 = arith.constant 8 : i32
    %broadcast_in_dim3A_462 = vector.broadcast %jit3A_461 : i32 to vector<16xi32>
    %select_n3A_463 = arith.select %eq3A_460, %and3A_6, %broadcast_in_dim3A_462 : vector<16xi1>, vector<16xi32>
    %broadcast_in_dim3A_464 = vector.shape_cast %xor3A_8 : vector<16xi32> to vector<16x1xi32>
    %gather3A_465 = vector.shape_cast %broadcast_in_dim3A_464 : vector<16x1xi32> to vector<16xi32>
    %gather3A_466 = tpu.dynamic_gather %select_n3A_463[%gather3A_465] in [0] : vector<16xi32>, vector<16xi32> -> vector<16xi32>
    %min3A_467 = arith.minsi %select_n3A_463, %gather3A_466 : vector<16xi32>
    %broadcast_in_dim3A_468 = vector.shape_cast %xor3A_11 : vector<16xi32> to vector<16x1xi32>
    %gather3A_469 = vector.shape_cast %broadcast_in_dim3A_468 : vector<16x1xi32> to vector<16xi32>
    %gather3A_470 = tpu.dynamic_gather %min3A_467[%gather3A_469] in [0] : vector<16xi32>, vector<16xi32> -> vector<16xi32>
    %min3A_471 = arith.minsi %min3A_467, %gather3A_470 : vector<16xi32>
    %broadcast_in_dim3A_472 = vector.shape_cast %xor3A_14 : vector<16xi32> to vector<16x1xi32>
    %gather3A_473 = vector.shape_cast %broadcast_in_dim3A_472 : vector<16x1xi32> to vector<16xi32>
    %gather3A_474 = tpu.dynamic_gather %min3A_471[%gather3A_473] in [0] : vector<16xi32>, vector<16xi32> -> vector<16xi32>
    %min3A_475 = arith.minsi %min3A_471, %gather3A_474 : vector<16xi32>
    %sub3A_476 = arith.subf %max3A_459, %max3A_429 : vector<16xf32>
    %exp3A_477 = math.exp %sub3A_476 : vector<16xf32>
    %add3A_478 = arith.constant 1.000000e+00 : f32
    %add3A_479 = vector.broadcast %add3A_478 : f32 to vector<16xf32>
    %add3A_480 = arith.addf %add3A_479, %exp3A_477 : vector<16xf32>
    %eq3A_481 = arith.cmpi eq, %and3A_6, %min3A_445 : vector<16xi32>
    %jit3A_482 = arith.constant 1.000000e+00 : f32
    %jit3A_483 = arith.constant 0.000000e+00 : f32
    %broadcast_in_dim3A_484 = vector.broadcast %jit3A_482 : f32 to vector<16xf32>
    %broadcast_in_dim3A_485 = vector.broadcast %jit3A_483 : f32 to vector<16xf32>
    %select_n3A_486 = arith.select %eq3A_481, %broadcast_in_dim3A_484, %broadcast_in_dim3A_485 : vector<16xi1>, vector<16xf32>
    %eq3A_487 = arith.cmpi eq, %and3A_6, %min3A_475 : vector<16xi32>
    %jit3A_488 = arith.constant 0.000000e+00 : f32
    %broadcast_in_dim3A_489 = vector.broadcast %jit3A_488 : f32 to vector<16xf32>
    %select_n3A_490 = arith.select %eq3A_487, %exp3A_477, %broadcast_in_dim3A_489 : vector<16xi1>, vector<16xf32>
    %add3A_491 = arith.addf %select_n3A_486, %select_n3A_490 : vector<16xf32>
    %div3A_492 = arith.divf %add3A_491, %add3A_480 : vector<16xf32>
    %swap3A_493 = arith.constant 80 : index
    %swap3A_494 = tpu.vector_load %arg5[%swap3A_493] {strides = array<i32>} : memref<512xf32, #tpu.memory_space<vmem>>, vector<16xf32>,
    %swap3A_495 = vector.shape_cast %swap3A_494 : vector<16xf32> to vector<16xf32>
    %swap3A_496 = vector.shape_cast %div3A_492 : vector<16xf32> to vector<16xf32>
    tpu.vector_store %arg5[%swap3A_493], %swap3A_496 {strides = array<i32>} : memref<512xf32, #tpu.memory_space<vmem>>, vector<16xf32>,
    %get3A_497 = arith.constant 96 : index
    %get3A_498 = tpu.vector_load %arg4[%get3A_497] {strides = array<i32>} : memref<512xf32, #tpu.memory_space<vmem>>, vector<16xf32>,
    %get3A_499 = vector.shape_cast %get3A_498 : vector<16xf32> to vector<16xf32>
    %broadcast_in_dim3A_500 = vector.shape_cast %xor3A_8 : vector<16xi32> to vector<16x1xi32>
    %gather3A_501 = vector.shape_cast %broadcast_in_dim3A_500 : vector<16x1xi32> to vector<16xi32>
    %gather3A_502 = tpu.dynamic_gather %get3A_499[%gather3A_501] in [0] : vector<16xf32>, vector<16xi32> -> vector<16xf32>
    %max3A_503 = arith.maximumf %get3A_499, %gather3A_502 : vector<16xf32>
    %broadcast_in_dim3A_504 = vector.shape_cast %xor3A_11 : vector<16xi32> to vector<16x1xi32>
    %gather3A_505 = vector.shape_cast %broadcast_in_dim3A_504 : vector<16x1xi32> to vector<16xi32>
    %gather3A_506 = tpu.dynamic_gather %max3A_503[%gather3A_505] in [0] : vector<16xf32>, vector<16xi32> -> vector<16xf32>
    %max3A_507 = arith.maximumf %max3A_503, %gather3A_506 : vector<16xf32>
    %broadcast_in_dim3A_508 = vector.shape_cast %xor3A_14 : vector<16xi32> to vector<16x1xi32>
    %gather3A_509 = vector.shape_cast %broadcast_in_dim3A_508 : vector<16x1xi32> to vector<16xi32>
    %gather3A_510 = tpu.dynamic_gather %max3A_507[%gather3A_509] in [0] : vector<16xf32>, vector<16xi32> -> vector<16xf32>
    %max3A_511 = arith.maximumf %max3A_507, %gather3A_510 : vector<16xf32>
    %eq3A_512 = arith.cmpf oeq, %get3A_499, %max3A_511 : vector<16xf32>
    %jit3A_513 = arith.constant 8 : i32
    %broadcast_in_dim3A_514 = vector.broadcast %jit3A_513 : i32 to vector<16xi32>
    %select_n3A_515 = arith.select %eq3A_512, %and3A_6, %broadcast_in_dim3A_514 : vector<16xi1>, vector<16xi32>
    %broadcast_in_dim3A_516 = vector.shape_cast %xor3A_8 : vector<16xi32> to vector<16x1xi32>
    %gather3A_517 = vector.shape_cast %broadcast_in_dim3A_516 : vector<16x1xi32> to vector<16xi32>
    %gather3A_518 = tpu.dynamic_gather %select_n3A_515[%gather3A_517] in [0] : vector<16xi32>, vector<16xi32> -> vector<16xi32>
    %min3A_519 = arith.minsi %select_n3A_515, %gather3A_518 : vector<16xi32>
    %broadcast_in_dim3A_520 = vector.shape_cast %xor3A_11 : vector<16xi32> to vector<16x1xi32>
    %gather3A_521 = vector.shape_cast %broadcast_in_dim3A_520 : vector<16x1xi32> to vector<16xi32>
    %gather3A_522 = tpu.dynamic_gather %min3A_519[%gather3A_521] in [0] : vector<16xi32>, vector<16xi32> -> vector<16xi32>
    %min3A_523 = arith.minsi %min3A_519, %gather3A_522 : vector<16xi32>
    %broadcast_in_dim3A_524 = vector.shape_cast %xor3A_14 : vector<16xi32> to vector<16x1xi32>
    %gather3A_525 = vector.shape_cast %broadcast_in_dim3A_524 : vector<16x1xi32> to vector<16xi32>
    %gather3A_526 = tpu.dynamic_gather %min3A_523[%gather3A_525] in [0] : vector<16xi32>, vector<16xi32> -> vector<16xi32>
    %min3A_527 = arith.minsi %min3A_523, %gather3A_526 : vector<16xi32>
    %eq3A_528 = arith.cmpi eq, %and3A_6, %min3A_527 : vector<16xi32>
    %select_n3A_529 = arith.select %eq3A_528, %broadcast_in_dim3A_15, %get3A_499 : vector<16xi1>, vector<16xf32>
    %broadcast_in_dim3A_530 = vector.shape_cast %xor3A_8 : vector<16xi32> to vector<16x1xi32>
    %gather3A_531 = vector.shape_cast %broadcast_in_dim3A_530 : vector<16x1xi32> to vector<16xi32>
    %gather3A_532 = tpu.dynamic_gather %select_n3A_529[%gather3A_531] in [0] : vector<16xf32>, vector<16xi32> -> vector<16xf32>
    %max3A_533 = arith.maximumf %select_n3A_529, %gather3A_532 : vector<16xf32>
    %broadcast_in_dim3A_534 = vector.shape_cast %xor3A_11 : vector<16xi32> to vector<16x1xi32>
    %gather3A_535 = vector.shape_cast %broadcast_in_dim3A_534 : vector<16x1xi32> to vector<16xi32>
    %gather3A_536 = tpu.dynamic_gather %max3A_533[%gather3A_535] in [0] : vector<16xf32>, vector<16xi32> -> vector<16xf32>
    %max3A_537 = arith.maximumf %max3A_533, %gather3A_536 : vector<16xf32>
    %broadcast_in_dim3A_538 = vector.shape_cast %xor3A_14 : vector<16xi32> to vector<16x1xi32>
    %gather3A_539 = vector.shape_cast %broadcast_in_dim3A_538 : vector<16x1xi32> to vector<16xi32>
    %gather3A_540 = tpu.dynamic_gather %max3A_537[%gather3A_539] in [0] : vector<16xf32>, vector<16xi32> -> vector<16xf32>
    %max3A_541 = arith.maximumf %max3A_537, %gather3A_540 : vector<16xf32>
    %eq3A_542 = arith.cmpf oeq, %select_n3A_529, %max3A_541 : vector<16xf32>
    %jit3A_543 = arith.constant 8 : i32
    %broadcast_in_dim3A_544 = vector.broadcast %jit3A_543 : i32 to vector<16xi32>
    %select_n3A_545 = arith.select %eq3A_542, %and3A_6, %broadcast_in_dim3A_544 : vector<16xi1>, vector<16xi32>
    %broadcast_in_dim3A_546 = vector.shape_cast %xor3A_8 : vector<16xi32> to vector<16x1xi32>
    %gather3A_547 = vector.shape_cast %broadcast_in_dim3A_546 : vector<16x1xi32> to vector<16xi32>
    %gather3A_548 = tpu.dynamic_gather %select_n3A_545[%gather3A_547] in [0] : vector<16xi32>, vector<16xi32> -> vector<16xi32>
    %min3A_549 = arith.minsi %select_n3A_545, %gather3A_548 : vector<16xi32>
    %broadcast_in_dim3A_550 = vector.shape_cast %xor3A_11 : vector<16xi32> to vector<16x1xi32>
    %gather3A_551 = vector.shape_cast %broadcast_in_dim3A_550 : vector<16x1xi32> to vector<16xi32>
    %gather3A_552 = tpu.dynamic_gather %min3A_549[%gather3A_551] in [0] : vector<16xi32>, vector<16xi32> -> vector<16xi32>
    %min3A_553 = arith.minsi %min3A_549, %gather3A_552 : vector<16xi32>
    %broadcast_in_dim3A_554 = vector.shape_cast %xor3A_14 : vector<16xi32> to vector<16x1xi32>
    %gather3A_555 = vector.shape_cast %broadcast_in_dim3A_554 : vector<16x1xi32> to vector<16xi32>
    %gather3A_556 = tpu.dynamic_gather %min3A_553[%gather3A_555] in [0] : vector<16xi32>, vector<16xi32> -> vector<16xi32>
    %min3A_557 = arith.minsi %min3A_553, %gather3A_556 : vector<16xi32>
    %sub3A_558 = arith.subf %max3A_541, %max3A_511 : vector<16xf32>
    %exp3A_559 = math.exp %sub3A_558 : vector<16xf32>
    %add3A_560 = arith.constant 1.000000e+00 : f32
    %add3A_561 = vector.broadcast %add3A_560 : f32 to vector<16xf32>
    %add3A_562 = arith.addf %add3A_561, %exp3A_559 : vector<16xf32>
    %eq3A_563 = arith.cmpi eq, %and3A_6, %min3A_527 : vector<16xi32>
    %jit3A_564 = arith.constant 1.000000e+00 : f32
    %jit3A_565 = arith.constant 0.000000e+00 : f32
    %broadcast_in_dim3A_566 = vector.broadcast %jit3A_564 : f32 to vector<16xf32>
    %broadcast_in_dim3A_567 = vector.broadcast %jit3A_565 : f32 to vector<16xf32>
    %select_n3A_568 = arith.select %eq3A_563, %broadcast_in_dim3A_566, %broadcast_in_dim3A_567 : vector<16xi1>, vector<16xf32>
    %eq3A_569 = arith.cmpi eq, %and3A_6, %min3A_557 : vector<16xi32>
    %jit3A_570 = arith.constant 0.000000e+00 : f32
    %broadcast_in_dim3A_571 = vector.broadcast %jit3A_570 : f32 to vector<16xf32>
    %select_n3A_572 = arith.select %eq3A_569, %exp3A_559, %broadcast_in_dim3A_571 : vector<16xi1>, vector<16xf32>
    %add3A_573 = arith.addf %select_n3A_568, %select_n3A_572 : vector<16xf32>
    %div3A_574 = arith.divf %add3A_573, %add3A_562 : vector<16xf32>
    %swap3A_575 = arith.constant 96 : index
    %swap3A_576 = tpu.vector_load %arg5[%swap3A_575] {strides = array<i32>} : memref<512xf32, #tpu.memory_space<vmem>>, vector<16xf32>,
    %swap3A_577 = vector.shape_cast %swap3A_576 : vector<16xf32> to vector<16xf32>
    %swap3A_578 = vector.shape_cast %div3A_574 : vector<16xf32> to vector<16xf32>
    tpu.vector_store %arg5[%swap3A_575], %swap3A_578 {strides = array<i32>} : memref<512xf32, #tpu.memory_space<vmem>>, vector<16xf32>,
    %get3A_579 = arith.constant 112 : index
    %get3A_580 = tpu.vector_load %arg4[%get3A_579] {strides = array<i32>} : memref<512xf32, #tpu.memory_space<vmem>>, vector<16xf32>,
    %get3A_581 = vector.shape_cast %get3A_580 : vector<16xf32> to vector<16xf32>
    %broadcast_in_dim3A_582 = vector.shape_cast %xor3A_8 : vector<16xi32> to vector<16x1xi32>
    %gather3A_583 = vector.shape_cast %broadcast_in_dim3A_582 : vector<16x1xi32> to vector<16xi32>
    %gather3A_584 = tpu.dynamic_gather %get3A_581[%gather3A_583] in [0] : vector<16xf32>, vector<16xi32> -> vector<16xf32>
    %max3A_585 = arith.maximumf %get3A_581, %gather3A_584 : vector<16xf32>
    %broadcast_in_dim3A_586 = vector.shape_cast %xor3A_11 : vector<16xi32> to vector<16x1xi32>
    %gather3A_587 = vector.shape_cast %broadcast_in_dim3A_586 : vector<16x1xi32> to vector<16xi32>
    %gather3A_588 = tpu.dynamic_gather %max3A_585[%gather3A_587] in [0] : vector<16xf32>, vector<16xi32> -> vector<16xf32>
    %max3A_589 = arith.maximumf %max3A_585, %gather3A_588 : vector<16xf32>
    %broadcast_in_dim3A_590 = vector.shape_cast %xor3A_14 : vector<16xi32> to vector<16x1xi32>
    %gather3A_591 = vector.shape_cast %broadcast_in_dim3A_590 : vector<16x1xi32> to vector<16xi32>
    %gather3A_592 = tpu.dynamic_gather %max3A_589[%gather3A_591] in [0] : vector<16xf32>, vector<16xi32> -> vector<16xf32>
    %max3A_593 = arith.maximumf %max3A_589, %gather3A_592 : vector<16xf32>
    %eq3A_594 = arith.cmpf oeq, %get3A_581, %max3A_593 : vector<16xf32>
    %jit3A_595 = arith.constant 8 : i32
    %broadcast_in_dim3A_596 = vector.broadcast %jit3A_595 : i32 to vector<16xi32>
    %select_n3A_597 = arith.select %eq3A_594, %and3A_6, %broadcast_in_dim3A_596 : vector<16xi1>, vector<16xi32>
    %broadcast_in_dim3A_598 = vector.shape_cast %xor3A_8 : vector<16xi32> to vector<16x1xi32>
    %gather3A_599 = vector.shape_cast %broadcast_in_dim3A_598 : vector<16x1xi32> to vector<16xi32>
    %gather3A_600 = tpu.dynamic_gather %select_n3A_597[%gather3A_599] in [0] : vector<16xi32>, vector<16xi32> -> vector<16xi32>
    %min3A_601 = arith.minsi %select_n3A_597, %gather3A_600 : vector<16xi32>
    %broadcast_in_dim3A_602 = vector.shape_cast %xor3A_11 : vector<16xi32> to vector<16x1xi32>
    %gather3A_603 = vector.shape_cast %broadcast_in_dim3A_602 : vector<16x1xi32> to vector<16xi32>
    %gather3A_604 = tpu.dynamic_gather %min3A_601[%gather3A_603] in [0] : vector<16xi32>, vector<16xi32> -> vector<16xi32>
    %min3A_605 = arith.minsi %min3A_601, %gather3A_604 : vector<16xi32>
    %broadcast_in_dim3A_606 = vector.shape_cast %xor3A_14 : vector<16xi32> to vector<16x1xi32>
    %gather3A_607 = vector.shape_cast %broadcast_in_dim3A_606 : vector<16x1xi32> to vector<16xi32>
    %gather3A_608 = tpu.dynamic_gather %min3A_605[%gather3A_607] in [0] : vector<16xi32>, vector<16xi32> -> vector<16xi32>
    %min3A_609 = arith.minsi %min3A_605, %gather3A_608 : vector<16xi32>
    %eq3A_610 = arith.cmpi eq, %and3A_6, %min3A_609 : vector<16xi32>
    %select_n3A_611 = arith.select %eq3A_610, %broadcast_in_dim3A_15, %get3A_581 : vector<16xi1>, vector<16xf32>
    %broadcast_in_dim3A_612 = vector.shape_cast %xor3A_8 : vector<16xi32> to vector<16x1xi32>
    %gather3A_613 = vector.shape_cast %broadcast_in_dim3A_612 : vector<16x1xi32> to vector<16xi32>
    %gather3A_614 = tpu.dynamic_gather %select_n3A_611[%gather3A_613] in [0] : vector<16xf32>, vector<16xi32> -> vector<16xf32>
    %max3A_615 = arith.maximumf %select_n3A_611, %gather3A_614 : vector<16xf32>
    %broadcast_in_dim3A_616 = vector.shape_cast %xor3A_11 : vector<16xi32> to vector<16x1xi32>
    %gather3A_617 = vector.shape_cast %broadcast_in_dim3A_616 : vector<16x1xi32> to vector<16xi32>
    %gather3A_618 = tpu.dynamic_gather %max3A_615[%gather3A_617] in [0] : vector<16xf32>, vector<16xi32> -> vector<16xf32>
    %max3A_619 = arith.maximumf %max3A_615, %gather3A_618 : vector<16xf32>
    %broadcast_in_dim3A_620 = vector.shape_cast %xor3A_14 : vector<16xi32> to vector<16x1xi32>
    %gather3A_621 = vector.shape_cast %broadcast_in_dim3A_620 : vector<16x1xi32> to vector<16xi32>
    %gather3A_622 = tpu.dynamic_gather %max3A_619[%gather3A_621] in [0] : vector<16xf32>, vector<16xi32> -> vector<16xf32>
    %max3A_623 = arith.maximumf %max3A_619, %gather3A_622 : vector<16xf32>
    %eq3A_624 = arith.cmpf oeq, %select_n3A_611, %max3A_623 : vector<16xf32>
    %jit3A_625 = arith.constant 8 : i32
    %broadcast_in_dim3A_626 = vector.broadcast %jit3A_625 : i32 to vector<16xi32>
    %select_n3A_627 = arith.select %eq3A_624, %and3A_6, %broadcast_in_dim3A_626 : vector<16xi1>, vector<16xi32>
    %broadcast_in_dim3A_628 = vector.shape_cast %xor3A_8 : vector<16xi32> to vector<16x1xi32>
    %gather3A_629 = vector.shape_cast %broadcast_in_dim3A_628 : vector<16x1xi32> to vector<16xi32>
    %gather3A_630 = tpu.dynamic_gather %select_n3A_627[%gather3A_629] in [0] : vector<16xi32>, vector<16xi32> -> vector<16xi32>
    %min3A_631 = arith.minsi %select_n3A_627, %gather3A_630 : vector<16xi32>
    %broadcast_in_dim3A_632 = vector.shape_cast %xor3A_11 : vector<16xi32> to vector<16x1xi32>
    %gather3A_633 = vector.shape_cast %broadcast_in_dim3A_632 : vector<16x1xi32> to vector<16xi32>
    %gather3A_634 = tpu.dynamic_gather %min3A_631[%gather3A_633] in [0] : vector<16xi32>, vector<16xi32> -> vector<16xi32>
    %min3A_635 = arith.minsi %min3A_631, %gather3A_634 : vector<16xi32>
    %broadcast_in_dim3A_636 = vector.shape_cast %xor3A_14 : vector<16xi32> to vector<16x1xi32>
    %gather3A_637 = vector.shape_cast %broadcast_in_dim3A_636 : vector<16x1xi32> to vector<16xi32>
    %gather3A_638 = tpu.dynamic_gather %min3A_635[%gather3A_637] in [0] : vector<16xi32>, vector<16xi32> -> vector<16xi32>
    %min3A_639 = arith.minsi %min3A_635, %gather3A_638 : vector<16xi32>
    %sub3A_640 = arith.subf %max3A_623, %max3A_593 : vector<16xf32>
    %exp3A_641 = math.exp %sub3A_640 : vector<16xf32>
    %add3A_642 = arith.constant 1.000000e+00 : f32
    %add3A_643 = vector.broadcast %add3A_642 : f32 to vector<16xf32>
    %add3A_644 = arith.addf %add3A_643, %exp3A_641 : vector<16xf32>
    %eq3A_645 = arith.cmpi eq, %and3A_6, %min3A_609 : vector<16xi32>
    %jit3A_646 = arith.constant 1.000000e+00 : f32
    %jit3A_647 = arith.constant 0.000000e+00 : f32
    %broadcast_in_dim3A_648 = vector.broadcast %jit3A_646 : f32 to vector<16xf32>
    %broadcast_in_dim3A_649 = vector.broadcast %jit3A_647 : f32 to vector<16xf32>
    %select_n3A_650 = arith.select %eq3A_645, %broadcast_in_dim3A_648, %broadcast_in_dim3A_649 : vector<16xi1>, vector<16xf32>
    %eq3A_651 = arith.cmpi eq, %and3A_6, %min3A_639 : vector<16xi32>
    %jit3A_652 = arith.constant 0.000000e+00 : f32
    %broadcast_in_dim3A_653 = vector.broadcast %jit3A_652 : f32 to vector<16xf32>
    %select_n3A_654 = arith.select %eq3A_651, %exp3A_641, %broadcast_in_dim3A_653 : vector<16xi1>, vector<16xf32>
    %add3A_655 = arith.addf %select_n3A_650, %select_n3A_654 : vector<16xf32>
    %div3A_656 = arith.divf %add3A_655, %add3A_644 : vector<16xf32>
    %swap3A_657 = arith.constant 112 : index
    %swap3A_658 = tpu.vector_load %arg5[%swap3A_657] {strides = array<i32>} : memref<512xf32, #tpu.memory_space<vmem>>, vector<16xf32>,
    %swap3A_659 = vector.shape_cast %swap3A_658 : vector<16xf32> to vector<16xf32>
    %swap3A_660 = vector.shape_cast %div3A_656 : vector<16xf32> to vector<16xf32>
    tpu.vector_store %arg5[%swap3A_657], %swap3A_660 {strides = array<i32>} : memref<512xf32, #tpu.memory_space<vmem>>, vector<16xf32>,
    %get3A_661 = arith.constant 128 : index
    %get3A_662 = tpu.vector_load %arg4[%get3A_661] {strides = array<i32>} : memref<512xf32, #tpu.memory_space<vmem>>, vector<16xf32>,
    %get3A_663 = vector.shape_cast %get3A_662 : vector<16xf32> to vector<16xf32>
    %broadcast_in_dim3A_664 = vector.shape_cast %xor3A_8 : vector<16xi32> to vector<16x1xi32>
    %gather3A_665 = vector.shape_cast %broadcast_in_dim3A_664 : vector<16x1xi32> to vector<16xi32>
    %gather3A_666 = tpu.dynamic_gather %get3A_663[%gather3A_665] in [0] : vector<16xf32>, vector<16xi32> -> vector<16xf32>
    %max3A_667 = arith.maximumf %get3A_663, %gather3A_666 : vector<16xf32>
    %broadcast_in_dim3A_668 = vector.shape_cast %xor3A_11 : vector<16xi32> to vector<16x1xi32>
    %gather3A_669 = vector.shape_cast %broadcast_in_dim3A_668 : vector<16x1xi32> to vector<16xi32>
    %gather3A_670 = tpu.dynamic_gather %max3A_667[%gather3A_669] in [0] : vector<16xf32>, vector<16xi32> -> vector<16xf32>
    %max3A_671 = arith.maximumf %max3A_667, %gather3A_670 : vector<16xf32>
    %broadcast_in_dim3A_672 = vector.shape_cast %xor3A_14 : vector<16xi32> to vector<16x1xi32>
    %gather3A_673 = vector.shape_cast %broadcast_in_dim3A_672 : vector<16x1xi32> to vector<16xi32>
    %gather3A_674 = tpu.dynamic_gather %max3A_671[%gather3A_673] in [0] : vector<16xf32>, vector<16xi32> -> vector<16xf32>
    %max3A_675 = arith.maximumf %max3A_671, %gather3A_674 : vector<16xf32>
    %eq3A_676 = arith.cmpf oeq, %get3A_663, %max3A_675 : vector<16xf32>
    %jit3A_677 = arith.constant 8 : i32
    %broadcast_in_dim3A_678 = vector.broadcast %jit3A_677 : i32 to vector<16xi32>
    %select_n3A_679 = arith.select %eq3A_676, %and3A_6, %broadcast_in_dim3A_678 : vector<16xi1>, vector<16xi32>
    %broadcast_in_dim3A_680 = vector.shape_cast %xor3A_8 : vector<16xi32> to vector<16x1xi32>
    %gather3A_681 = vector.shape_cast %broadcast_in_dim3A_680 : vector<16x1xi32> to vector<16xi32>
    %gather3A_682 = tpu.dynamic_gather %select_n3A_679[%gather3A_681] in [0] : vector<16xi32>, vector<16xi32> -> vector<16xi32>
    %min3A_683 = arith.minsi %select_n3A_679, %gather3A_682 : vector<16xi32>
    %broadcast_in_dim3A_684 = vector.shape_cast %xor3A_11 : vector<16xi32> to vector<16x1xi32>
    %gather3A_685 = vector.shape_cast %broadcast_in_dim3A_684 : vector<16x1xi32> to vector<16xi32>
    %gather3A_686 = tpu.dynamic_gather %min3A_683[%gather3A_685] in [0] : vector<16xi32>, vector<16xi32> -> vector<16xi32>
    %min3A_687 = arith.minsi %min3A_683, %gather3A_686 : vector<16xi32>
    %broadcast_in_dim3A_688 = vector.shape_cast %xor3A_14 : vector<16xi32> to vector<16x1xi32>
    %gather3A_689 = vector.shape_cast %broadcast_in_dim3A_688 : vector<16x1xi32> to vector<16xi32>
    %gather3A_690 = tpu.dynamic_gather %min3A_687[%gather3A_689] in [0] : vector<16xi32>, vector<16xi32> -> vector<16xi32>
    %min3A_691 = arith.minsi %min3A_687, %gather3A_690 : vector<16xi32>
    %eq3A_692 = arith.cmpi eq, %and3A_6, %min3A_691 : vector<16xi32>
    %select_n3A_693 = arith.select %eq3A_692, %broadcast_in_dim3A_15, %get3A_663 : vector<16xi1>, vector<16xf32>
    %broadcast_in_dim3A_694 = vector.shape_cast %xor3A_8 : vector<16xi32> to vector<16x1xi32>
    %gather3A_695 = vector.shape_cast %broadcast_in_dim3A_694 : vector<16x1xi32> to vector<16xi32>
    %gather3A_696 = tpu.dynamic_gather %select_n3A_693[%gather3A_695] in [0] : vector<16xf32>, vector<16xi32> -> vector<16xf32>
    %max3A_697 = arith.maximumf %select_n3A_693, %gather3A_696 : vector<16xf32>
    %broadcast_in_dim3A_698 = vector.shape_cast %xor3A_11 : vector<16xi32> to vector<16x1xi32>
    %gather3A_699 = vector.shape_cast %broadcast_in_dim3A_698 : vector<16x1xi32> to vector<16xi32>
    %gather3A_700 = tpu.dynamic_gather %max3A_697[%gather3A_699] in [0] : vector<16xf32>, vector<16xi32> -> vector<16xf32>
    %max3A_701 = arith.maximumf %max3A_697, %gather3A_700 : vector<16xf32>
    %broadcast_in_dim3A_702 = vector.shape_cast %xor3A_14 : vector<16xi32> to vector<16x1xi32>
    %gather3A_703 = vector.shape_cast %broadcast_in_dim3A_702 : vector<16x1xi32> to vector<16xi32>
    %gather3A_704 = tpu.dynamic_gather %max3A_701[%gather3A_703] in [0] : vector<16xf32>, vector<16xi32> -> vector<16xf32>
    %max3A_705 = arith.maximumf %max3A_701, %gather3A_704 : vector<16xf32>
    %eq3A_706 = arith.cmpf oeq, %select_n3A_693, %max3A_705 : vector<16xf32>
    %jit3A_707 = arith.constant 8 : i32
    %broadcast_in_dim3A_708 = vector.broadcast %jit3A_707 : i32 to vector<16xi32>
    %select_n3A_709 = arith.select %eq3A_706, %and3A_6, %broadcast_in_dim3A_708 : vector<16xi1>, vector<16xi32>
    %broadcast_in_dim3A_710 = vector.shape_cast %xor3A_8 : vector<16xi32> to vector<16x1xi32>
    %gather3A_711 = vector.shape_cast %broadcast_in_dim3A_710 : vector<16x1xi32> to vector<16xi32>
    %gather3A_712 = tpu.dynamic_gather %select_n3A_709[%gather3A_711] in [0] : vector<16xi32>, vector<16xi32> -> vector<16xi32>
    %min3A_713 = arith.minsi %select_n3A_709, %gather3A_712 : vector<16xi32>
    %broadcast_in_dim3A_714 = vector.shape_cast %xor3A_11 : vector<16xi32> to vector<16x1xi32>
    %gather3A_715 = vector.shape_cast %broadcast_in_dim3A_714 : vector<16x1xi32> to vector<16xi32>
    %gather3A_716 = tpu.dynamic_gather %min3A_713[%gather3A_715] in [0] : vector<16xi32>, vector<16xi32> -> vector<16xi32>
    %min3A_717 = arith.minsi %min3A_713, %gather3A_716 : vector<16xi32>
    %broadcast_in_dim3A_718 = vector.shape_cast %xor3A_14 : vector<16xi32> to vector<16x1xi32>
    %gather3A_719 = vector.shape_cast %broadcast_in_dim3A_718 : vector<16x1xi32> to vector<16xi32>
    %gather3A_720 = tpu.dynamic_gather %min3A_717[%gather3A_719] in [0] : vector<16xi32>, vector<16xi32> -> vector<16xi32>
    %min3A_721 = arith.minsi %min3A_717, %gather3A_720 : vector<16xi32>
    %sub3A_722 = arith.subf %max3A_705, %max3A_675 : vector<16xf32>
    %exp3A_723 = math.exp %sub3A_722 : vector<16xf32>
    %add3A_724 = arith.constant 1.000000e+00 : f32
    %add3A_725 = vector.broadcast %add3A_724 : f32 to vector<16xf32>
    %add3A_726 = arith.addf %add3A_725, %exp3A_723 : vector<16xf32>
    %eq3A_727 = arith.cmpi eq, %and3A_6, %min3A_691 : vector<16xi32>
    %jit3A_728 = arith.constant 1.000000e+00 : f32
    %jit3A_729 = arith.constant 0.000000e+00 : f32
    %broadcast_in_dim3A_730 = vector.broadcast %jit3A_728 : f32 to vector<16xf32>
    %broadcast_in_dim3A_731 = vector.broadcast %jit3A_729 : f32 to vector<16xf32>
    %select_n3A_732 = arith.select %eq3A_727, %broadcast_in_dim3A_730, %broadcast_in_dim3A_731 : vector<16xi1>, vector<16xf32>
    %eq3A_733 = arith.cmpi eq, %and3A_6, %min3A_721 : vector<16xi32>
    %jit3A_734 = arith.constant 0.000000e+00 : f32
    %broadcast_in_dim3A_735 = vector.broadcast %jit3A_734 : f32 to vector<16xf32>
    %select_n3A_736 = arith.select %eq3A_733, %exp3A_723, %broadcast_in_dim3A_735 : vector<16xi1>, vector<16xf32>
    %add3A_737 = arith.addf %select_n3A_732, %select_n3A_736 : vector<16xf32>
    %div3A_738 = arith.divf %add3A_737, %add3A_726 : vector<16xf32>
    %swap3A_739 = arith.constant 128 : index
    %swap3A_740 = tpu.vector_load %arg5[%swap3A_739] {strides = array<i32>} : memref<512xf32, #tpu.memory_space<vmem>>, vector<16xf32>,
    %swap3A_741 = vector.shape_cast %swap3A_740 : vector<16xf32> to vector<16xf32>
    %swap3A_742 = vector.shape_cast %div3A_738 : vector<16xf32> to vector<16xf32>
    tpu.vector_store %arg5[%swap3A_739], %swap3A_742 {strides = array<i32>} : memref<512xf32, #tpu.memory_space<vmem>>, vector<16xf32>,
    %get3A_743 = arith.constant 144 : index
    %get3A_744 = tpu.vector_load %arg4[%get3A_743] {strides = array<i32>} : memref<512xf32, #tpu.memory_space<vmem>>, vector<16xf32>,
    %get3A_745 = vector.shape_cast %get3A_744 : vector<16xf32> to vector<16xf32>
    %broadcast_in_dim3A_746 = vector.shape_cast %xor3A_8 : vector<16xi32> to vector<16x1xi32>
    %gather3A_747 = vector.shape_cast %broadcast_in_dim3A_746 : vector<16x1xi32> to vector<16xi32>
    %gather3A_748 = tpu.dynamic_gather %get3A_745[%gather3A_747] in [0] : vector<16xf32>, vector<16xi32> -> vector<16xf32>
    %max3A_749 = arith.maximumf %get3A_745, %gather3A_748 : vector<16xf32>
    %broadcast_in_dim3A_750 = vector.shape_cast %xor3A_11 : vector<16xi32> to vector<16x1xi32>
    %gather3A_751 = vector.shape_cast %broadcast_in_dim3A_750 : vector<16x1xi32> to vector<16xi32>
    %gather3A_752 = tpu.dynamic_gather %max3A_749[%gather3A_751] in [0] : vector<16xf32>, vector<16xi32> -> vector<16xf32>
    %max3A_753 = arith.maximumf %max3A_749, %gather3A_752 : vector<16xf32>
    %broadcast_in_dim3A_754 = vector.shape_cast %xor3A_14 : vector<16xi32> to vector<16x1xi32>
    %gather3A_755 = vector.shape_cast %broadcast_in_dim3A_754 : vector<16x1xi32> to vector<16xi32>
    %gather3A_756 = tpu.dynamic_gather %max3A_753[%gather3A_755] in [0] : vector<16xf32>, vector<16xi32> -> vector<16xf32>
    %max3A_757 = arith.maximumf %max3A_753, %gather3A_756 : vector<16xf32>
    %eq3A_758 = arith.cmpf oeq, %get3A_745, %max3A_757 : vector<16xf32>
    %jit3A_759 = arith.constant 8 : i32
    %broadcast_in_dim3A_760 = vector.broadcast %jit3A_759 : i32 to vector<16xi32>
    %select_n3A_761 = arith.select %eq3A_758, %and3A_6, %broadcast_in_dim3A_760 : vector<16xi1>, vector<16xi32>
    %broadcast_in_dim3A_762 = vector.shape_cast %xor3A_8 : vector<16xi32> to vector<16x1xi32>
    %gather3A_763 = vector.shape_cast %broadcast_in_dim3A_762 : vector<16x1xi32> to vector<16xi32>
    %gather3A_764 = tpu.dynamic_gather %select_n3A_761[%gather3A_763] in [0] : vector<16xi32>, vector<16xi32> -> vector<16xi32>
    %min3A_765 = arith.minsi %select_n3A_761, %gather3A_764 : vector<16xi32>
    %broadcast_in_dim3A_766 = vector.shape_cast %xor3A_11 : vector<16xi32> to vector<16x1xi32>
    %gather3A_767 = vector.shape_cast %broadcast_in_dim3A_766 : vector<16x1xi32> to vector<16xi32>
    %gather3A_768 = tpu.dynamic_gather %min3A_765[%gather3A_767] in [0] : vector<16xi32>, vector<16xi32> -> vector<16xi32>
    %min3A_769 = arith.minsi %min3A_765, %gather3A_768 : vector<16xi32>
    %broadcast_in_dim3A_770 = vector.shape_cast %xor3A_14 : vector<16xi32> to vector<16x1xi32>
    %gather3A_771 = vector.shape_cast %broadcast_in_dim3A_770 : vector<16x1xi32> to vector<16xi32>
    %gather3A_772 = tpu.dynamic_gather %min3A_769[%gather3A_771] in [0] : vector<16xi32>, vector<16xi32> -> vector<16xi32>
    %min3A_773 = arith.minsi %min3A_769, %gather3A_772 : vector<16xi32>
    %eq3A_774 = arith.cmpi eq, %and3A_6, %min3A_773 : vector<16xi32>
    %select_n3A_775 = arith.select %eq3A_774, %broadcast_in_dim3A_15, %get3A_745 : vector<16xi1>, vector<16xf32>
    %broadcast_in_dim3A_776 = vector.shape_cast %xor3A_8 : vector<16xi32> to vector<16x1xi32>
    %gather3A_777 = vector.shape_cast %broadcast_in_dim3A_776 : vector<16x1xi32> to vector<16xi32>
    %gather3A_778 = tpu.dynamic_gather %select_n3A_775[%gather3A_777] in [0] : vector<16xf32>, vector<16xi32> -> vector<16xf32>
    %max3A_779 = arith.maximumf %select_n3A_775, %gather3A_778 : vector<16xf32>
    %broadcast_in_dim3A_780 = vector.shape_cast %xor3A_11 : vector<16xi32> to vector<16x1xi32>
    %gather3A_781 = vector.shape_cast %broadcast_in_dim3A_780 : vector<16x1xi32> to vector<16xi32>
    %gather3A_782 = tpu.dynamic_gather %max3A_779[%gather3A_781] in [0] : vector<16xf32>, vector<16xi32> -> vector<16xf32>
    %max3A_783 = arith.maximumf %max3A_779, %gather3A_782 : vector<16xf32>
    %broadcast_in_dim3A_784 = vector.shape_cast %xor3A_14 : vector<16xi32> to vector<16x1xi32>
    %gather3A_785 = vector.shape_cast %broadcast_in_dim3A_784 : vector<16x1xi32> to vector<16xi32>
    %gather3A_786 = tpu.dynamic_gather %max3A_783[%gather3A_785] in [0] : vector<16xf32>, vector<16xi32> -> vector<16xf32>
    %max3A_787 = arith.maximumf %max3A_783, %gather3A_786 : vector<16xf32>
    %eq3A_788 = arith.cmpf oeq, %select_n3A_775, %max3A_787 : vector<16xf32>
    %jit3A_789 = arith.constant 8 : i32
    %broadcast_in_dim3A_790 = vector.broadcast %jit3A_789 : i32 to vector<16xi32>
    %select_n3A_791 = arith.select %eq3A_788, %and3A_6, %broadcast_in_dim3A_790 : vector<16xi1>, vector<16xi32>
    %broadcast_in_dim3A_792 = vector.shape_cast %xor3A_8 : vector<16xi32> to vector<16x1xi32>
    %gather3A_793 = vector.shape_cast %broadcast_in_dim3A_792 : vector<16x1xi32> to vector<16xi32>
    %gather3A_794 = tpu.dynamic_gather %select_n3A_791[%gather3A_793] in [0] : vector<16xi32>, vector<16xi32> -> vector<16xi32>
    %min3A_795 = arith.minsi %select_n3A_791, %gather3A_794 : vector<16xi32>
    %broadcast_in_dim3A_796 = vector.shape_cast %xor3A_11 : vector<16xi32> to vector<16x1xi32>
    %gather3A_797 = vector.shape_cast %broadcast_in_dim3A_796 : vector<16x1xi32> to vector<16xi32>
    %gather3A_798 = tpu.dynamic_gather %min3A_795[%gather3A_797] in [0] : vector<16xi32>, vector<16xi32> -> vector<16xi32>
    %min3A_799 = arith.minsi %min3A_795, %gather3A_798 : vector<16xi32>
    %broadcast_in_dim3A_800 = vector.shape_cast %xor3A_14 : vector<16xi32> to vector<16x1xi32>
    %gather3A_801 = vector.shape_cast %broadcast_in_dim3A_800 : vector<16x1xi32> to vector<16xi32>
    %gather3A_802 = tpu.dynamic_gather %min3A_799[%gather3A_801] in [0] : vector<16xi32>, vector<16xi32> -> vector<16xi32>
    %min3A_803 = arith.minsi %min3A_799, %gather3A_802 : vector<16xi32>
    %sub3A_804 = arith.subf %max3A_787, %max3A_757 : vector<16xf32>
    %exp3A_805 = math.exp %sub3A_804 : vector<16xf32>
    %add3A_806 = arith.constant 1.000000e+00 : f32
    %add3A_807 = vector.broadcast %add3A_806 : f32 to vector<16xf32>
    %add3A_808 = arith.addf %add3A_807, %exp3A_805 : vector<16xf32>
    %eq3A_809 = arith.cmpi eq, %and3A_6, %min3A_773 : vector<16xi32>
    %jit3A_810 = arith.constant 1.000000e+00 : f32
    %jit3A_811 = arith.constant 0.000000e+00 : f32
    %broadcast_in_dim3A_812 = vector.broadcast %jit3A_810 : f32 to vector<16xf32>
    %broadcast_in_dim3A_813 = vector.broadcast %jit3A_811 : f32 to vector<16xf32>
    %select_n3A_814 = arith.select %eq3A_809, %broadcast_in_dim3A_812, %broadcast_in_dim3A_813 : vector<16xi1>, vector<16xf32>
    %eq3A_815 = arith.cmpi eq, %and3A_6, %min3A_803 : vector<16xi32>
    %jit3A_816 = arith.constant 0.000000e+00 : f32
    %broadcast_in_dim3A_817 = vector.broadcast %jit3A_816 : f32 to vector<16xf32>
    %select_n3A_818 = arith.select %eq3A_815, %exp3A_805, %broadcast_in_dim3A_817 : vector<16xi1>, vector<16xf32>
    %add3A_819 = arith.addf %select_n3A_814, %select_n3A_818 : vector<16xf32>
    %div3A_820 = arith.divf %add3A_819, %add3A_808 : vector<16xf32>
    %swap3A_821 = arith.constant 144 : index
    %swap3A_822 = tpu.vector_load %arg5[%swap3A_821] {strides = array<i32>} : memref<512xf32, #tpu.memory_space<vmem>>, vector<16xf32>,
    %swap3A_823 = vector.shape_cast %swap3A_822 : vector<16xf32> to vector<16xf32>
    %swap3A_824 = vector.shape_cast %div3A_820 : vector<16xf32> to vector<16xf32>
    tpu.vector_store %arg5[%swap3A_821], %swap3A_824 {strides = array<i32>} : memref<512xf32, #tpu.memory_space<vmem>>, vector<16xf32>,
    %get3A_825 = arith.constant 160 : index
    %get3A_826 = tpu.vector_load %arg4[%get3A_825] {strides = array<i32>} : memref<512xf32, #tpu.memory_space<vmem>>, vector<16xf32>,
    %get3A_827 = vector.shape_cast %get3A_826 : vector<16xf32> to vector<16xf32>
    %broadcast_in_dim3A_828 = vector.shape_cast %xor3A_8 : vector<16xi32> to vector<16x1xi32>
    %gather3A_829 = vector.shape_cast %broadcast_in_dim3A_828 : vector<16x1xi32> to vector<16xi32>
    %gather3A_830 = tpu.dynamic_gather %get3A_827[%gather3A_829] in [0] : vector<16xf32>, vector<16xi32> -> vector<16xf32>
    %max3A_831 = arith.maximumf %get3A_827, %gather3A_830 : vector<16xf32>
    %broadcast_in_dim3A_832 = vector.shape_cast %xor3A_11 : vector<16xi32> to vector<16x1xi32>
    %gather3A_833 = vector.shape_cast %broadcast_in_dim3A_832 : vector<16x1xi32> to vector<16xi32>
    %gather3A_834 = tpu.dynamic_gather %max3A_831[%gather3A_833] in [0] : vector<16xf32>, vector<16xi32> -> vector<16xf32>
    %max3A_835 = arith.maximumf %max3A_831, %gather3A_834 : vector<16xf32>
    %broadcast_in_dim3A_836 = vector.shape_cast %xor3A_14 : vector<16xi32> to vector<16x1xi32>
    %gather3A_837 = vector.shape_cast %broadcast_in_dim3A_836 : vector<16x1xi32> to vector<16xi32>
    %gather3A_838 = tpu.dynamic_gather %max3A_835[%gather3A_837] in [0] : vector<16xf32>, vector<16xi32> -> vector<16xf32>
    %max3A_839 = arith.maximumf %max3A_835, %gather3A_838 : vector<16xf32>
    %eq3A_840 = arith.cmpf oeq, %get3A_827, %max3A_839 : vector<16xf32>
    %jit3A_841 = arith.constant 8 : i32
    %broadcast_in_dim3A_842 = vector.broadcast %jit3A_841 : i32 to vector<16xi32>
    %select_n3A_843 = arith.select %eq3A_840, %and3A_6, %broadcast_in_dim3A_842 : vector<16xi1>, vector<16xi32>
    %broadcast_in_dim3A_844 = vector.shape_cast %xor3A_8 : vector<16xi32> to vector<16x1xi32>
    %gather3A_845 = vector.shape_cast %broadcast_in_dim3A_844 : vector<16x1xi32> to vector<16xi32>
    %gather3A_846 = tpu.dynamic_gather %select_n3A_843[%gather3A_845] in [0] : vector<16xi32>, vector<16xi32> -> vector<16xi32>
    %min3A_847 = arith.minsi %select_n3A_843, %gather3A_846 : vector<16xi32>
    %broadcast_in_dim3A_848 = vector.shape_cast %xor3A_11 : vector<16xi32> to vector<16x1xi32>
    %gather3A_849 = vector.shape_cast %broadcast_in_dim3A_848 : vector<16x1xi32> to vector<16xi32>
    %gather3A_850 = tpu.dynamic_gather %min3A_847[%gather3A_849] in [0] : vector<16xi32>, vector<16xi32> -> vector<16xi32>
    %min3A_851 = arith.minsi %min3A_847, %gather3A_850 : vector<16xi32>
    %broadcast_in_dim3A_852 = vector.shape_cast %xor3A_14 : vector<16xi32> to vector<16x1xi32>
    %gather3A_853 = vector.shape_cast %broadcast_in_dim3A_852 : vector<16x1xi32> to vector<16xi32>
    %gather3A_854 = tpu.dynamic_gather %min3A_851[%gather3A_853] in [0] : vector<16xi32>, vector<16xi32> -> vector<16xi32>
    %min3A_855 = arith.minsi %min3A_851, %gather3A_854 : vector<16xi32>
    %eq3A_856 = arith.cmpi eq, %and3A_6, %min3A_855 : vector<16xi32>
    %select_n3A_857 = arith.select %eq3A_856, %broadcast_in_dim3A_15, %get3A_827 : vector<16xi1>, vector<16xf32>
    %broadcast_in_dim3A_858 = vector.shape_cast %xor3A_8 : vector<16xi32> to vector<16x1xi32>
    %gather3A_859 = vector.shape_cast %broadcast_in_dim3A_858 : vector<16x1xi32> to vector<16xi32>
    %gather3A_860 = tpu.dynamic_gather %select_n3A_857[%gather3A_859] in [0] : vector<16xf32>, vector<16xi32> -> vector<16xf32>
    %max3A_861 = arith.maximumf %select_n3A_857, %gather3A_860 : vector<16xf32>
    %broadcast_in_dim3A_862 = vector.shape_cast %xor3A_11 : vector<16xi32> to vector<16x1xi32>
    %gather3A_863 = vector.shape_cast %broadcast_in_dim3A_862 : vector<16x1xi32> to vector<16xi32>
    %gather3A_864 = tpu.dynamic_gather %max3A_861[%gather3A_863] in [0] : vector<16xf32>, vector<16xi32> -> vector<16xf32>
    %max3A_865 = arith.maximumf %max3A_861, %gather3A_864 : vector<16xf32>
    %broadcast_in_dim3A_866 = vector.shape_cast %xor3A_14 : vector<16xi32> to vector<16x1xi32>
    %gather3A_867 = vector.shape_cast %broadcast_in_dim3A_866 : vector<16x1xi32> to vector<16xi32>
    %gather3A_868 = tpu.dynamic_gather %max3A_865[%gather3A_867] in [0] : vector<16xf32>, vector<16xi32> -> vector<16xf32>
    %max3A_869 = arith.maximumf %max3A_865, %gather3A_868 : vector<16xf32>
    %eq3A_870 = arith.cmpf oeq, %select_n3A_857, %max3A_869 : vector<16xf32>
    %jit3A_871 = arith.constant 8 : i32
    %broadcast_in_dim3A_872 = vector.broadcast %jit3A_871 : i32 to vector<16xi32>
    %select_n3A_873 = arith.select %eq3A_870, %and3A_6, %broadcast_in_dim3A_872 : vector<16xi1>, vector<16xi32>
    %broadcast_in_dim3A_874 = vector.shape_cast %xor3A_8 : vector<16xi32> to vector<16x1xi32>
    %gather3A_875 = vector.shape_cast %broadcast_in_dim3A_874 : vector<16x1xi32> to vector<16xi32>
    %gather3A_876 = tpu.dynamic_gather %select_n3A_873[%gather3A_875] in [0] : vector<16xi32>, vector<16xi32> -> vector<16xi32>
    %min3A_877 = arith.minsi %select_n3A_873, %gather3A_876 : vector<16xi32>
    %broadcast_in_dim3A_878 = vector.shape_cast %xor3A_11 : vector<16xi32> to vector<16x1xi32>
    %gather3A_879 = vector.shape_cast %broadcast_in_dim3A_878 : vector<16x1xi32> to vector<16xi32>
    %gather3A_880 = tpu.dynamic_gather %min3A_877[%gather3A_879] in [0] : vector<16xi32>, vector<16xi32> -> vector<16xi32>
    %min3A_881 = arith.minsi %min3A_877, %gather3A_880 : vector<16xi32>
    %broadcast_in_dim3A_882 = vector.shape_cast %xor3A_14 : vector<16xi32> to vector<16x1xi32>
    %gather3A_883 = vector.shape_cast %broadcast_in_dim3A_882 : vector<16x1xi32> to vector<16xi32>
    %gather3A_884 = tpu.dynamic_gather %min3A_881[%gather3A_883] in [0] : vector<16xi32>, vector<16xi32> -> vector<16xi32>
    %min3A_885 = arith.minsi %min3A_881, %gather3A_884 : vector<16xi32>
    %sub3A_886 = arith.subf %max3A_869, %max3A_839 : vector<16xf32>
    %exp3A_887 = math.exp %sub3A_886 : vector<16xf32>
    %add3A_888 = arith.constant 1.000000e+00 : f32
    %add3A_889 = vector.broadcast %add3A_888 : f32 to vector<16xf32>
    %add3A_890 = arith.addf %add3A_889, %exp3A_887 : vector<16xf32>
    %eq3A_891 = arith.cmpi eq, %and3A_6, %min3A_855 : vector<16xi32>
    %jit3A_892 = arith.constant 1.000000e+00 : f32
    %jit3A_893 = arith.constant 0.000000e+00 : f32
    %broadcast_in_dim3A_894 = vector.broadcast %jit3A_892 : f32 to vector<16xf32>
    %broadcast_in_dim3A_895 = vector.broadcast %jit3A_893 : f32 to vector<16xf32>
    %select_n3A_896 = arith.select %eq3A_891, %broadcast_in_dim3A_894, %broadcast_in_dim3A_895 : vector<16xi1>, vector<16xf32>
    %eq3A_897 = arith.cmpi eq, %and3A_6, %min3A_885 : vector<16xi32>
    %jit3A_898 = arith.constant 0.000000e+00 : f32
    %broadcast_in_dim3A_899 = vector.broadcast %jit3A_898 : f32 to vector<16xf32>
    %select_n3A_900 = arith.select %eq3A_897, %exp3A_887, %broadcast_in_dim3A_899 : vector<16xi1>, vector<16xf32>
    %add3A_901 = arith.addf %select_n3A_896, %select_n3A_900 : vector<16xf32>
    %div3A_902 = arith.divf %add3A_901, %add3A_890 : vector<16xf32>
    %swap3A_903 = arith.constant 160 : index
    %swap3A_904 = tpu.vector_load %arg5[%swap3A_903] {strides = array<i32>} : memref<512xf32, #tpu.memory_space<vmem>>, vector<16xf32>,
    %swap3A_905 = vector.shape_cast %swap3A_904 : vector<16xf32> to vector<16xf32>
    %swap3A_906 = vector.shape_cast %div3A_902 : vector<16xf32> to vector<16xf32>
    tpu.vector_store %arg5[%swap3A_903], %swap3A_906 {strides = array<i32>} : memref<512xf32, #tpu.memory_space<vmem>>, vector<16xf32>,
    %get3A_907 = arith.constant 176 : index
    %get3A_908 = tpu.vector_load %arg4[%get3A_907] {strides = array<i32>} : memref<512xf32, #tpu.memory_space<vmem>>, vector<16xf32>,
    %get3A_909 = vector.shape_cast %get3A_908 : vector<16xf32> to vector<16xf32>
    %broadcast_in_dim3A_910 = vector.shape_cast %xor3A_8 : vector<16xi32> to vector<16x1xi32>
    %gather3A_911 = vector.shape_cast %broadcast_in_dim3A_910 : vector<16x1xi32> to vector<16xi32>
    %gather3A_912 = tpu.dynamic_gather %get3A_909[%gather3A_911] in [0] : vector<16xf32>, vector<16xi32> -> vector<16xf32>
    %max3A_913 = arith.maximumf %get3A_909, %gather3A_912 : vector<16xf32>
    %broadcast_in_dim3A_914 = vector.shape_cast %xor3A_11 : vector<16xi32> to vector<16x1xi32>
    %gather3A_915 = vector.shape_cast %broadcast_in_dim3A_914 : vector<16x1xi32> to vector<16xi32>
    %gather3A_916 = tpu.dynamic_gather %max3A_913[%gather3A_915] in [0] : vector<16xf32>, vector<16xi32> -> vector<16xf32>
    %max3A_917 = arith.maximumf %max3A_913, %gather3A_916 : vector<16xf32>
    %broadcast_in_dim3A_918 = vector.shape_cast %xor3A_14 : vector<16xi32> to vector<16x1xi32>
    %gather3A_919 = vector.shape_cast %broadcast_in_dim3A_918 : vector<16x1xi32> to vector<16xi32>
    %gather3A_920 = tpu.dynamic_gather %max3A_917[%gather3A_919] in [0] : vector<16xf32>, vector<16xi32> -> vector<16xf32>
    %max3A_921 = arith.maximumf %max3A_917, %gather3A_920 : vector<16xf32>
    %eq3A_922 = arith.cmpf oeq, %get3A_909, %max3A_921 : vector<16xf32>
    %jit3A_923 = arith.constant 8 : i32
    %broadcast_in_dim3A_924 = vector.broadcast %jit3A_923 : i32 to vector<16xi32>
    %select_n3A_925 = arith.select %eq3A_922, %and3A_6, %broadcast_in_dim3A_924 : vector<16xi1>, vector<16xi32>
    %broadcast_in_dim3A_926 = vector.shape_cast %xor3A_8 : vector<16xi32> to vector<16x1xi32>
    %gather3A_927 = vector.shape_cast %broadcast_in_dim3A_926 : vector<16x1xi32> to vector<16xi32>
    %gather3A_928 = tpu.dynamic_gather %select_n3A_925[%gather3A_927] in [0] : vector<16xi32>, vector<16xi32> -> vector<16xi32>
    %min3A_929 = arith.minsi %select_n3A_925, %gather3A_928 : vector<16xi32>
    %broadcast_in_dim3A_930 = vector.shape_cast %xor3A_11 : vector<16xi32> to vector<16x1xi32>
    %gather3A_931 = vector.shape_cast %broadcast_in_dim3A_930 : vector<16x1xi32> to vector<16xi32>
    %gather3A_932 = tpu.dynamic_gather %min3A_929[%gather3A_931] in [0] : vector<16xi32>, vector<16xi32> -> vector<16xi32>
    %min3A_933 = arith.minsi %min3A_929, %gather3A_932 : vector<16xi32>
    %broadcast_in_dim3A_934 = vector.shape_cast %xor3A_14 : vector<16xi32> to vector<16x1xi32>
    %gather3A_935 = vector.shape_cast %broadcast_in_dim3A_934 : vector<16x1xi32> to vector<16xi32>
    %gather3A_936 = tpu.dynamic_gather %min3A_933[%gather3A_935] in [0] : vector<16xi32>, vector<16xi32> -> vector<16xi32>
    %min3A_937 = arith.minsi %min3A_933, %gather3A_936 : vector<16xi32>
    %eq3A_938 = arith.cmpi eq, %and3A_6, %min3A_937 : vector<16xi32>
    %select_n3A_939 = arith.select %eq3A_938, %broadcast_in_dim3A_15, %get3A_909 : vector<16xi1>, vector<16xf32>
    %broadcast_in_dim3A_940 = vector.shape_cast %xor3A_8 : vector<16xi32> to vector<16x1xi32>
    %gather3A_941 = vector.shape_cast %broadcast_in_dim3A_940 : vector<16x1xi32> to vector<16xi32>
    %gather3A_942 = tpu.dynamic_gather %select_n3A_939[%gather3A_941] in [0] : vector<16xf32>, vector<16xi32> -> vector<16xf32>
    %max3A_943 = arith.maximumf %select_n3A_939, %gather3A_942 : vector<16xf32>
    %broadcast_in_dim3A_944 = vector.shape_cast %xor3A_11 : vector<16xi32> to vector<16x1xi32>
    %gather3A_945 = vector.shape_cast %broadcast_in_dim3A_944 : vector<16x1xi32> to vector<16xi32>
    %gather3A_946 = tpu.dynamic_gather %max3A_943[%gather3A_945] in [0] : vector<16xf32>, vector<16xi32> -> vector<16xf32>
    %max3A_947 = arith.maximumf %max3A_943, %gather3A_946 : vector<16xf32>
    %broadcast_in_dim3A_948 = vector.shape_cast %xor3A_14 : vector<16xi32> to vector<16x1xi32>
    %gather3A_949 = vector.shape_cast %broadcast_in_dim3A_948 : vector<16x1xi32> to vector<16xi32>
    %gather3A_950 = tpu.dynamic_gather %max3A_947[%gather3A_949] in [0] : vector<16xf32>, vector<16xi32> -> vector<16xf32>
    %max3A_951 = arith.maximumf %max3A_947, %gather3A_950 : vector<16xf32>
    %eq3A_952 = arith.cmpf oeq, %select_n3A_939, %max3A_951 : vector<16xf32>
    %jit3A_953 = arith.constant 8 : i32
    %broadcast_in_dim3A_954 = vector.broadcast %jit3A_953 : i32 to vector<16xi32>
    %select_n3A_955 = arith.select %eq3A_952, %and3A_6, %broadcast_in_dim3A_954 : vector<16xi1>, vector<16xi32>
    %broadcast_in_dim3A_956 = vector.shape_cast %xor3A_8 : vector<16xi32> to vector<16x1xi32>
    %gather3A_957 = vector.shape_cast %broadcast_in_dim3A_956 : vector<16x1xi32> to vector<16xi32>
    %gather3A_958 = tpu.dynamic_gather %select_n3A_955[%gather3A_957] in [0] : vector<16xi32>, vector<16xi32> -> vector<16xi32>
    %min3A_959 = arith.minsi %select_n3A_955, %gather3A_958 : vector<16xi32>
    %broadcast_in_dim3A_960 = vector.shape_cast %xor3A_11 : vector<16xi32> to vector<16x1xi32>
    %gather3A_961 = vector.shape_cast %broadcast_in_dim3A_960 : vector<16x1xi32> to vector<16xi32>
    %gather3A_962 = tpu.dynamic_gather %min3A_959[%gather3A_961] in [0] : vector<16xi32>, vector<16xi32> -> vector<16xi32>
    %min3A_963 = arith.minsi %min3A_959, %gather3A_962 : vector<16xi32>
    %broadcast_in_dim3A_964 = vector.shape_cast %xor3A_14 : vector<16xi32> to vector<16x1xi32>
    %gather3A_965 = vector.shape_cast %broadcast_in_dim3A_964 : vector<16x1xi32> to vector<16xi32>
    %gather3A_966 = tpu.dynamic_gather %min3A_963[%gather3A_965] in [0] : vector<16xi32>, vector<16xi32> -> vector<16xi32>
    %min3A_967 = arith.minsi %min3A_963, %gather3A_966 : vector<16xi32>
    %sub3A_968 = arith.subf %max3A_951, %max3A_921 : vector<16xf32>
    %exp3A_969 = math.exp %sub3A_968 : vector<16xf32>
    %add3A_970 = arith.constant 1.000000e+00 : f32
    %add3A_971 = vector.broadcast %add3A_970 : f32 to vector<16xf32>
    %add3A_972 = arith.addf %add3A_971, %exp3A_969 : vector<16xf32>
    %eq3A_973 = arith.cmpi eq, %and3A_6, %min3A_937 : vector<16xi32>
    %jit3A_974 = arith.constant 1.000000e+00 : f32
    %jit3A_975 = arith.constant 0.000000e+00 : f32
    %broadcast_in_dim3A_976 = vector.broadcast %jit3A_974 : f32 to vector<16xf32>
    %broadcast_in_dim3A_977 = vector.broadcast %jit3A_975 : f32 to vector<16xf32>
    %select_n3A_978 = arith.select %eq3A_973, %broadcast_in_dim3A_976, %broadcast_in_dim3A_977 : vector<16xi1>, vector<16xf32>
    %eq3A_979 = arith.cmpi eq, %and3A_6, %min3A_967 : vector<16xi32>
    %jit3A_980 = arith.constant 0.000000e+00 : f32
    %broadcast_in_dim3A_981 = vector.broadcast %jit3A_980 : f32 to vector<16xf32>
    %select_n3A_982 = arith.select %eq3A_979, %exp3A_969, %broadcast_in_dim3A_981 : vector<16xi1>, vector<16xf32>
    %add3A_983 = arith.addf %select_n3A_978, %select_n3A_982 : vector<16xf32>
    %div3A_984 = arith.divf %add3A_983, %add3A_972 : vector<16xf32>
    %swap3A_985 = arith.constant 176 : index
    %swap3A_986 = tpu.vector_load %arg5[%swap3A_985] {strides = array<i32>} : memref<512xf32, #tpu.memory_space<vmem>>, vector<16xf32>,
    %swap3A_987 = vector.shape_cast %swap3A_986 : vector<16xf32> to vector<16xf32>
    %swap3A_988 = vector.shape_cast %div3A_984 : vector<16xf32> to vector<16xf32>
    tpu.vector_store %arg5[%swap3A_985], %swap3A_988 {strides = array<i32>} : memref<512xf32, #tpu.memory_space<vmem>>, vector<16xf32>,
    %get3A_989 = arith.constant 192 : index
    %get3A_990 = tpu.vector_load %arg4[%get3A_989] {strides = array<i32>} : memref<512xf32, #tpu.memory_space<vmem>>, vector<16xf32>,
    %get3A_991 = vector.shape_cast %get3A_990 : vector<16xf32> to vector<16xf32>
    %broadcast_in_dim3A_992 = vector.shape_cast %xor3A_8 : vector<16xi32> to vector<16x1xi32>
    %gather3A_993 = vector.shape_cast %broadcast_in_dim3A_992 : vector<16x1xi32> to vector<16xi32>
    %gather3A_994 = tpu.dynamic_gather %get3A_991[%gather3A_993] in [0] : vector<16xf32>, vector<16xi32> -> vector<16xf32>
    %max3A_995 = arith.maximumf %get3A_991, %gather3A_994 : vector<16xf32>
    %broadcast_in_dim3A_996 = vector.shape_cast %xor3A_11 : vector<16xi32> to vector<16x1xi32>
    %gather3A_997 = vector.shape_cast %broadcast_in_dim3A_996 : vector<16x1xi32> to vector<16xi32>
    %gather3A_998 = tpu.dynamic_gather %max3A_995[%gather3A_997] in [0] : vector<16xf32>, vector<16xi32> -> vector<16xf32>
    %max3A_999 = arith.maximumf %max3A_995, %gather3A_998 : vector<16xf32>
    %broadcast_in_dim3A_1000 = vector.shape_cast %xor3A_14 : vector<16xi32> to vector<16x1xi32>
    %gather3A_1001 = vector.shape_cast %broadcast_in_dim3A_1000 : vector<16x1xi32> to vector<16xi32>
    %gather3A_1002 = tpu.dynamic_gather %max3A_999[%gather3A_1001] in [0] : vector<16xf32>, vector<16xi32> -> vector<16xf32>
    %max3A_1003 = arith.maximumf %max3A_999, %gather3A_1002 : vector<16xf32>
    %eq3A_1004 = arith.cmpf oeq, %get3A_991, %max3A_1003 : vector<16xf32>
    %jit3A_1005 = arith.constant 8 : i32
    %broadcast_in_dim3A_1006 = vector.broadcast %jit3A_1005 : i32 to vector<16xi32>
    %select_n3A_1007 = arith.select %eq3A_1004, %and3A_6, %broadcast_in_dim3A_1006 : vector<16xi1>, vector<16xi32>
    %broadcast_in_dim3A_1008 = vector.shape_cast %xor3A_8 : vector<16xi32> to vector<16x1xi32>
    %gather3A_1009 = vector.shape_cast %broadcast_in_dim3A_1008 : vector<16x1xi32> to vector<16xi32>
    %gather3A_1010 = tpu.dynamic_gather %select_n3A_1007[%gather3A_1009] in [0] : vector<16xi32>, vector<16xi32> -> vector<16xi32>
    %min3A_1011 = arith.minsi %select_n3A_1007, %gather3A_1010 : vector<16xi32>
    %broadcast_in_dim3A_1012 = vector.shape_cast %xor3A_11 : vector<16xi32> to vector<16x1xi32>
    %gather3A_1013 = vector.shape_cast %broadcast_in_dim3A_1012 : vector<16x1xi32> to vector<16xi32>
    %gather3A_1014 = tpu.dynamic_gather %min3A_1011[%gather3A_1013] in [0] : vector<16xi32>, vector<16xi32> -> vector<16xi32>
    %min3A_1015 = arith.minsi %min3A_1011, %gather3A_1014 : vector<16xi32>
    %broadcast_in_dim3A_1016 = vector.shape_cast %xor3A_14 : vector<16xi32> to vector<16x1xi32>
    %gather3A_1017 = vector.shape_cast %broadcast_in_dim3A_1016 : vector<16x1xi32> to vector<16xi32>
    %gather3A_1018 = tpu.dynamic_gather %min3A_1015[%gather3A_1017] in [0] : vector<16xi32>, vector<16xi32> -> vector<16xi32>
    %min3A_1019 = arith.minsi %min3A_1015, %gather3A_1018 : vector<16xi32>
    %eq3A_1020 = arith.cmpi eq, %and3A_6, %min3A_1019 : vector<16xi32>
    %select_n3A_1021 = arith.select %eq3A_1020, %broadcast_in_dim3A_15, %get3A_991 : vector<16xi1>, vector<16xf32>
    %broadcast_in_dim3A_1022 = vector.shape_cast %xor3A_8 : vector<16xi32> to vector<16x1xi32>
    %gather3A_1023 = vector.shape_cast %broadcast_in_dim3A_1022 : vector<16x1xi32> to vector<16xi32>
    %gather3A_1024 = tpu.dynamic_gather %select_n3A_1021[%gather3A_1023] in [0] : vector<16xf32>, vector<16xi32> -> vector<16xf32>
    %max3A_1025 = arith.maximumf %select_n3A_1021, %gather3A_1024 : vector<16xf32>
    %broadcast_in_dim3A_1026 = vector.shape_cast %xor3A_11 : vector<16xi32> to vector<16x1xi32>
    %gather3A_1027 = vector.shape_cast %broadcast_in_dim3A_1026 : vector<16x1xi32> to vector<16xi32>
    %gather3A_1028 = tpu.dynamic_gather %max3A_1025[%gather3A_1027] in [0] : vector<16xf32>, vector<16xi32> -> vector<16xf32>
    %max3A_1029 = arith.maximumf %max3A_1025, %gather3A_1028 : vector<16xf32>
    %broadcast_in_dim3A_1030 = vector.shape_cast %xor3A_14 : vector<16xi32> to vector<16x1xi32>
    %gather3A_1031 = vector.shape_cast %broadcast_in_dim3A_1030 : vector<16x1xi32> to vector<16xi32>
    %gather3A_1032 = tpu.dynamic_gather %max3A_1029[%gather3A_1031] in [0] : vector<16xf32>, vector<16xi32> -> vector<16xf32>
    %max3A_1033 = arith.maximumf %max3A_1029, %gather3A_1032 : vector<16xf32>
    %eq3A_1034 = arith.cmpf oeq, %select_n3A_1021, %max3A_1033 : vector<16xf32>
    %jit3A_1035 = arith.constant 8 : i32
    %broadcast_in_dim3A_1036 = vector.broadcast %jit3A_1035 : i32 to vector<16xi32>
    %select_n3A_1037 = arith.select %eq3A_1034, %and3A_6, %broadcast_in_dim3A_1036 : vector<16xi1>, vector<16xi32>
    %broadcast_in_dim3A_1038 = vector.shape_cast %xor3A_8 : vector<16xi32> to vector<16x1xi32>
    %gather3A_1039 = vector.shape_cast %broadcast_in_dim3A_1038 : vector<16x1xi32> to vector<16xi32>
    %gather3A_1040 = tpu.dynamic_gather %select_n3A_1037[%gather3A_1039] in [0] : vector<16xi32>, vector<16xi32> -> vector<16xi32>
    %min3A_1041 = arith.minsi %select_n3A_1037, %gather3A_1040 : vector<16xi32>
    %broadcast_in_dim3A_1042 = vector.shape_cast %xor3A_11 : vector<16xi32> to vector<16x1xi32>
    %gather3A_1043 = vector.shape_cast %broadcast_in_dim3A_1042 : vector<16x1xi32> to vector<16xi32>
    %gather3A_1044 = tpu.dynamic_gather %min3A_1041[%gather3A_1043] in [0] : vector<16xi32>, vector<16xi32> -> vector<16xi32>
    %min3A_1045 = arith.minsi %min3A_1041, %gather3A_1044 : vector<16xi32>
    %broadcast_in_dim3A_1046 = vector.shape_cast %xor3A_14 : vector<16xi32> to vector<16x1xi32>
    %gather3A_1047 = vector.shape_cast %broadcast_in_dim3A_1046 : vector<16x1xi32> to vector<16xi32>
    %gather3A_1048 = tpu.dynamic_gather %min3A_1045[%gather3A_1047] in [0] : vector<16xi32>, vector<16xi32> -> vector<16xi32>
    %min3A_1049 = arith.minsi %min3A_1045, %gather3A_1048 : vector<16xi32>
    %sub3A_1050 = arith.subf %max3A_1033, %max3A_1003 : vector<16xf32>
    %exp3A_1051 = math.exp %sub3A_1050 : vector<16xf32>
    %add3A_1052 = arith.constant 1.000000e+00 : f32
    %add3A_1053 = vector.broadcast %add3A_1052 : f32 to vector<16xf32>
    %add3A_1054 = arith.addf %add3A_1053, %exp3A_1051 : vector<16xf32>
    %eq3A_1055 = arith.cmpi eq, %and3A_6, %min3A_1019 : vector<16xi32>
    %jit3A_1056 = arith.constant 1.000000e+00 : f32
    %jit3A_1057 = arith.constant 0.000000e+00 : f32
    %broadcast_in_dim3A_1058 = vector.broadcast %jit3A_1056 : f32 to vector<16xf32>
    %broadcast_in_dim3A_1059 = vector.broadcast %jit3A_1057 : f32 to vector<16xf32>
    %select_n3A_1060 = arith.select %eq3A_1055, %broadcast_in_dim3A_1058, %broadcast_in_dim3A_1059 : vector<16xi1>, vector<16xf32>
    %eq3A_1061 = arith.cmpi eq, %and3A_6, %min3A_1049 : vector<16xi32>
    %jit3A_1062 = arith.constant 0.000000e+00 : f32
    %broadcast_in_dim3A_1063 = vector.broadcast %jit3A_1062 : f32 to vector<16xf32>
    %select_n3A_1064 = arith.select %eq3A_1061, %exp3A_1051, %broadcast_in_dim3A_1063 : vector<16xi1>, vector<16xf32>
    %add3A_1065 = arith.addf %select_n3A_1060, %select_n3A_1064 : vector<16xf32>
    %div3A_1066 = arith.divf %add3A_1065, %add3A_1054 : vector<16xf32>
    %swap3A_1067 = arith.constant 192 : index
    %swap3A_1068 = tpu.vector_load %arg5[%swap3A_1067] {strides = array<i32>} : memref<512xf32, #tpu.memory_space<vmem>>, vector<16xf32>,
    %swap3A_1069 = vector.shape_cast %swap3A_1068 : vector<16xf32> to vector<16xf32>
    %swap3A_1070 = vector.shape_cast %div3A_1066 : vector<16xf32> to vector<16xf32>
    tpu.vector_store %arg5[%swap3A_1067], %swap3A_1070 {strides = array<i32>} : memref<512xf32, #tpu.memory_space<vmem>>, vector<16xf32>,
    %get3A_1071 = arith.constant 208 : index
    %get3A_1072 = tpu.vector_load %arg4[%get3A_1071] {strides = array<i32>} : memref<512xf32, #tpu.memory_space<vmem>>, vector<16xf32>,
    %get3A_1073 = vector.shape_cast %get3A_1072 : vector<16xf32> to vector<16xf32>
    %broadcast_in_dim3A_1074 = vector.shape_cast %xor3A_8 : vector<16xi32> to vector<16x1xi32>
    %gather3A_1075 = vector.shape_cast %broadcast_in_dim3A_1074 : vector<16x1xi32> to vector<16xi32>
    %gather3A_1076 = tpu.dynamic_gather %get3A_1073[%gather3A_1075] in [0] : vector<16xf32>, vector<16xi32> -> vector<16xf32>
    %max3A_1077 = arith.maximumf %get3A_1073, %gather3A_1076 : vector<16xf32>
    %broadcast_in_dim3A_1078 = vector.shape_cast %xor3A_11 : vector<16xi32> to vector<16x1xi32>
    %gather3A_1079 = vector.shape_cast %broadcast_in_dim3A_1078 : vector<16x1xi32> to vector<16xi32>
    %gather3A_1080 = tpu.dynamic_gather %max3A_1077[%gather3A_1079] in [0] : vector<16xf32>, vector<16xi32> -> vector<16xf32>
    %max3A_1081 = arith.maximumf %max3A_1077, %gather3A_1080 : vector<16xf32>
    %broadcast_in_dim3A_1082 = vector.shape_cast %xor3A_14 : vector<16xi32> to vector<16x1xi32>
    %gather3A_1083 = vector.shape_cast %broadcast_in_dim3A_1082 : vector<16x1xi32> to vector<16xi32>
    %gather3A_1084 = tpu.dynamic_gather %max3A_1081[%gather3A_1083] in [0] : vector<16xf32>, vector<16xi32> -> vector<16xf32>
    %max3A_1085 = arith.maximumf %max3A_1081, %gather3A_1084 : vector<16xf32>
    %eq3A_1086 = arith.cmpf oeq, %get3A_1073, %max3A_1085 : vector<16xf32>
    %jit3A_1087 = arith.constant 8 : i32
    %broadcast_in_dim3A_1088 = vector.broadcast %jit3A_1087 : i32 to vector<16xi32>
    %select_n3A_1089 = arith.select %eq3A_1086, %and3A_6, %broadcast_in_dim3A_1088 : vector<16xi1>, vector<16xi32>
    %broadcast_in_dim3A_1090 = vector.shape_cast %xor3A_8 : vector<16xi32> to vector<16x1xi32>
    %gather3A_1091 = vector.shape_cast %broadcast_in_dim3A_1090 : vector<16x1xi32> to vector<16xi32>
    %gather3A_1092 = tpu.dynamic_gather %select_n3A_1089[%gather3A_1091] in [0] : vector<16xi32>, vector<16xi32> -> vector<16xi32>
    %min3A_1093 = arith.minsi %select_n3A_1089, %gather3A_1092 : vector<16xi32>
    %broadcast_in_dim3A_1094 = vector.shape_cast %xor3A_11 : vector<16xi32> to vector<16x1xi32>
    %gather3A_1095 = vector.shape_cast %broadcast_in_dim3A_1094 : vector<16x1xi32> to vector<16xi32>
    %gather3A_1096 = tpu.dynamic_gather %min3A_1093[%gather3A_1095] in [0] : vector<16xi32>, vector<16xi32> -> vector<16xi32>
    %min3A_1097 = arith.minsi %min3A_1093, %gather3A_1096 : vector<16xi32>
    %broadcast_in_dim3A_1098 = vector.shape_cast %xor3A_14 : vector<16xi32> to vector<16x1xi32>
    %gather3A_1099 = vector.shape_cast %broadcast_in_dim3A_1098 : vector<16x1xi32> to vector<16xi32>
    %gather3A_1100 = tpu.dynamic_gather %min3A_1097[%gather3A_1099] in [0] : vector<16xi32>, vector<16xi32> -> vector<16xi32>
    %min3A_1101 = arith.minsi %min3A_1097, %gather3A_1100 : vector<16xi32>
    %eq3A_1102 = arith.cmpi eq, %and3A_6, %min3A_1101 : vector<16xi32>
    %select_n3A_1103 = arith.select %eq3A_1102, %broadcast_in_dim3A_15, %get3A_1073 : vector<16xi1>, vector<16xf32>
    %broadcast_in_dim3A_1104 = vector.shape_cast %xor3A_8 : vector<16xi32> to vector<16x1xi32>
    %gather3A_1105 = vector.shape_cast %broadcast_in_dim3A_1104 : vector<16x1xi32> to vector<16xi32>
    %gather3A_1106 = tpu.dynamic_gather %select_n3A_1103[%gather3A_1105] in [0] : vector<16xf32>, vector<16xi32> -> vector<16xf32>
    %max3A_1107 = arith.maximumf %select_n3A_1103, %gather3A_1106 : vector<16xf32>
    %broadcast_in_dim3A_1108 = vector.shape_cast %xor3A_11 : vector<16xi32> to vector<16x1xi32>
    %gather3A_1109 = vector.shape_cast %broadcast_in_dim3A_1108 : vector<16x1xi32> to vector<16xi32>
    %gather3A_1110 = tpu.dynamic_gather %max3A_1107[%gather3A_1109] in [0] : vector<16xf32>, vector<16xi32> -> vector<16xf32>
    %max3A_1111 = arith.maximumf %max3A_1107, %gather3A_1110 : vector<16xf32>
    %broadcast_in_dim3A_1112 = vector.shape_cast %xor3A_14 : vector<16xi32> to vector<16x1xi32>
    %gather3A_1113 = vector.shape_cast %broadcast_in_dim3A_1112 : vector<16x1xi32> to vector<16xi32>
    %gather3A_1114 = tpu.dynamic_gather %max3A_1111[%gather3A_1113] in [0] : vector<16xf32>, vector<16xi32> -> vector<16xf32>
    %max3A_1115 = arith.maximumf %max3A_1111, %gather3A_1114 : vector<16xf32>
    %eq3A_1116 = arith.cmpf oeq, %select_n3A_1103, %max3A_1115 : vector<16xf32>
    %jit3A_1117 = arith.constant 8 : i32
    %broadcast_in_dim3A_1118 = vector.broadcast %jit3A_1117 : i32 to vector<16xi32>
    %select_n3A_1119 = arith.select %eq3A_1116, %and3A_6, %broadcast_in_dim3A_1118 : vector<16xi1>, vector<16xi32>
    %broadcast_in_dim3A_1120 = vector.shape_cast %xor3A_8 : vector<16xi32> to vector<16x1xi32>
    %gather3A_1121 = vector.shape_cast %broadcast_in_dim3A_1120 : vector<16x1xi32> to vector<16xi32>
    %gather3A_1122 = tpu.dynamic_gather %select_n3A_1119[%gather3A_1121] in [0] : vector<16xi32>, vector<16xi32> -> vector<16xi32>
    %min3A_1123 = arith.minsi %select_n3A_1119, %gather3A_1122 : vector<16xi32>
    %broadcast_in_dim3A_1124 = vector.shape_cast %xor3A_11 : vector<16xi32> to vector<16x1xi32>
    %gather3A_1125 = vector.shape_cast %broadcast_in_dim3A_1124 : vector<16x1xi32> to vector<16xi32>
    %gather3A_1126 = tpu.dynamic_gather %min3A_1123[%gather3A_1125] in [0] : vector<16xi32>, vector<16xi32> -> vector<16xi32>
    %min3A_1127 = arith.minsi %min3A_1123, %gather3A_1126 : vector<16xi32>
    %broadcast_in_dim3A_1128 = vector.shape_cast %xor3A_14 : vector<16xi32> to vector<16x1xi32>
    %gather3A_1129 = vector.shape_cast %broadcast_in_dim3A_1128 : vector<16x1xi32> to vector<16xi32>
    %gather3A_1130 = tpu.dynamic_gather %min3A_1127[%gather3A_1129] in [0] : vector<16xi32>, vector<16xi32> -> vector<16xi32>
    %min3A_1131 = arith.minsi %min3A_1127, %gather3A_1130 : vector<16xi32>
    %sub3A_1132 = arith.subf %max3A_1115, %max3A_1085 : vector<16xf32>
    %exp3A_1133 = math.exp %sub3A_1132 : vector<16xf32>
    %add3A_1134 = arith.constant 1.000000e+00 : f32
    %add3A_1135 = vector.broadcast %add3A_1134 : f32 to vector<16xf32>
    %add3A_1136 = arith.addf %add3A_1135, %exp3A_1133 : vector<16xf32>
    %eq3A_1137 = arith.cmpi eq, %and3A_6, %min3A_1101 : vector<16xi32>
    %jit3A_1138 = arith.constant 1.000000e+00 : f32
    %jit3A_1139 = arith.constant 0.000000e+00 : f32
    %broadcast_in_dim3A_1140 = vector.broadcast %jit3A_1138 : f32 to vector<16xf32>
    %broadcast_in_dim3A_1141 = vector.broadcast %jit3A_1139 : f32 to vector<16xf32>
    %select_n3A_1142 = arith.select %eq3A_1137, %broadcast_in_dim3A_1140, %broadcast_in_dim3A_1141 : vector<16xi1>, vector<16xf32>
    %eq3A_1143 = arith.cmpi eq, %and3A_6, %min3A_1131 : vector<16xi32>
    %jit3A_1144 = arith.constant 0.000000e+00 : f32
    %broadcast_in_dim3A_1145 = vector.broadcast %jit3A_1144 : f32 to vector<16xf32>
    %select_n3A_1146 = arith.select %eq3A_1143, %exp3A_1133, %broadcast_in_dim3A_1145 : vector<16xi1>, vector<16xf32>
    %add3A_1147 = arith.addf %select_n3A_1142, %select_n3A_1146 : vector<16xf32>
    %div3A_1148 = arith.divf %add3A_1147, %add3A_1136 : vector<16xf32>
    %swap3A_1149 = arith.constant 208 : index
    %swap3A_1150 = tpu.vector_load %arg5[%swap3A_1149] {strides = array<i32>} : memref<512xf32, #tpu.memory_space<vmem>>, vector<16xf32>,
    %swap3A_1151 = vector.shape_cast %swap3A_1150 : vector<16xf32> to vector<16xf32>
    %swap3A_1152 = vector.shape_cast %div3A_1148 : vector<16xf32> to vector<16xf32>
    tpu.vector_store %arg5[%swap3A_1149], %swap3A_1152 {strides = array<i32>} : memref<512xf32, #tpu.memory_space<vmem>>, vector<16xf32>,
    %get3A_1153 = arith.constant 224 : index
    %get3A_1154 = tpu.vector_load %arg4[%get3A_1153] {strides = array<i32>} : memref<512xf32, #tpu.memory_space<vmem>>, vector<16xf32>,
    %get3A_1155 = vector.shape_cast %get3A_1154 : vector<16xf32> to vector<16xf32>
    %broadcast_in_dim3A_1156 = vector.shape_cast %xor3A_8 : vector<16xi32> to vector<16x1xi32>
    %gather3A_1157 = vector.shape_cast %broadcast_in_dim3A_1156 : vector<16x1xi32> to vector<16xi32>
    %gather3A_1158 = tpu.dynamic_gather %get3A_1155[%gather3A_1157] in [0] : vector<16xf32>, vector<16xi32> -> vector<16xf32>
    %max3A_1159 = arith.maximumf %get3A_1155, %gather3A_1158 : vector<16xf32>
    %broadcast_in_dim3A_1160 = vector.shape_cast %xor3A_11 : vector<16xi32> to vector<16x1xi32>
    %gather3A_1161 = vector.shape_cast %broadcast_in_dim3A_1160 : vector<16x1xi32> to vector<16xi32>
    %gather3A_1162 = tpu.dynamic_gather %max3A_1159[%gather3A_1161] in [0] : vector<16xf32>, vector<16xi32> -> vector<16xf32>
    %max3A_1163 = arith.maximumf %max3A_1159, %gather3A_1162 : vector<16xf32>
    %broadcast_in_dim3A_1164 = vector.shape_cast %xor3A_14 : vector<16xi32> to vector<16x1xi32>
    %gather3A_1165 = vector.shape_cast %broadcast_in_dim3A_1164 : vector<16x1xi32> to vector<16xi32>
    %gather3A_1166 = tpu.dynamic_gather %max3A_1163[%gather3A_1165] in [0] : vector<16xf32>, vector<16xi32> -> vector<16xf32>
    %max3A_1167 = arith.maximumf %max3A_1163, %gather3A_1166 : vector<16xf32>
    %eq3A_1168 = arith.cmpf oeq, %get3A_1155, %max3A_1167 : vector<16xf32>
    %jit3A_1169 = arith.constant 8 : i32
    %broadcast_in_dim3A_1170 = vector.broadcast %jit3A_1169 : i32 to vector<16xi32>
    %select_n3A_1171 = arith.select %eq3A_1168, %and3A_6, %broadcast_in_dim3A_1170 : vector<16xi1>, vector<16xi32>
    %broadcast_in_dim3A_1172 = vector.shape_cast %xor3A_8 : vector<16xi32> to vector<16x1xi32>
    %gather3A_1173 = vector.shape_cast %broadcast_in_dim3A_1172 : vector<16x1xi32> to vector<16xi32>
    %gather3A_1174 = tpu.dynamic_gather %select_n3A_1171[%gather3A_1173] in [0] : vector<16xi32>, vector<16xi32> -> vector<16xi32>
    %min3A_1175 = arith.minsi %select_n3A_1171, %gather3A_1174 : vector<16xi32>
    %broadcast_in_dim3A_1176 = vector.shape_cast %xor3A_11 : vector<16xi32> to vector<16x1xi32>
    %gather3A_1177 = vector.shape_cast %broadcast_in_dim3A_1176 : vector<16x1xi32> to vector<16xi32>
    %gather3A_1178 = tpu.dynamic_gather %min3A_1175[%gather3A_1177] in [0] : vector<16xi32>, vector<16xi32> -> vector<16xi32>
    %min3A_1179 = arith.minsi %min3A_1175, %gather3A_1178 : vector<16xi32>
    %broadcast_in_dim3A_1180 = vector.shape_cast %xor3A_14 : vector<16xi32> to vector<16x1xi32>
    %gather3A_1181 = vector.shape_cast %broadcast_in_dim3A_1180 : vector<16x1xi32> to vector<16xi32>
    %gather3A_1182 = tpu.dynamic_gather %min3A_1179[%gather3A_1181] in [0] : vector<16xi32>, vector<16xi32> -> vector<16xi32>
    %min3A_1183 = arith.minsi %min3A_1179, %gather3A_1182 : vector<16xi32>
    %eq3A_1184 = arith.cmpi eq, %and3A_6, %min3A_1183 : vector<16xi32>
    %select_n3A_1185 = arith.select %eq3A_1184, %broadcast_in_dim3A_15, %get3A_1155 : vector<16xi1>, vector<16xf32>
    %broadcast_in_dim3A_1186 = vector.shape_cast %xor3A_8 : vector<16xi32> to vector<16x1xi32>
    %gather3A_1187 = vector.shape_cast %broadcast_in_dim3A_1186 : vector<16x1xi32> to vector<16xi32>
    %gather3A_1188 = tpu.dynamic_gather %select_n3A_1185[%gather3A_1187] in [0] : vector<16xf32>, vector<16xi32> -> vector<16xf32>
    %max3A_1189 = arith.maximumf %select_n3A_1185, %gather3A_1188 : vector<16xf32>
    %broadcast_in_dim3A_1190 = vector.shape_cast %xor3A_11 : vector<16xi32> to vector<16x1xi32>
    %gather3A_1191 = vector.shape_cast %broadcast_in_dim3A_1190 : vector<16x1xi32> to vector<16xi32>
    %gather3A_1192 = tpu.dynamic_gather %max3A_1189[%gather3A_1191] in [0] : vector<16xf32>, vector<16xi32> -> vector<16xf32>
    %max3A_1193 = arith.maximumf %max3A_1189, %gather3A_1192 : vector<16xf32>
    %broadcast_in_dim3A_1194 = vector.shape_cast %xor3A_14 : vector<16xi32> to vector<16x1xi32>
    %gather3A_1195 = vector.shape_cast %broadcast_in_dim3A_1194 : vector<16x1xi32> to vector<16xi32>
    %gather3A_1196 = tpu.dynamic_gather %max3A_1193[%gather3A_1195] in [0] : vector<16xf32>, vector<16xi32> -> vector<16xf32>
    %max3A_1197 = arith.maximumf %max3A_1193, %gather3A_1196 : vector<16xf32>
    %eq3A_1198 = arith.cmpf oeq, %select_n3A_1185, %max3A_1197 : vector<16xf32>
    %jit3A_1199 = arith.constant 8 : i32
    %broadcast_in_dim3A_1200 = vector.broadcast %jit3A_1199 : i32 to vector<16xi32>
    %select_n3A_1201 = arith.select %eq3A_1198, %and3A_6, %broadcast_in_dim3A_1200 : vector<16xi1>, vector<16xi32>
    %broadcast_in_dim3A_1202 = vector.shape_cast %xor3A_8 : vector<16xi32> to vector<16x1xi32>
    %gather3A_1203 = vector.shape_cast %broadcast_in_dim3A_1202 : vector<16x1xi32> to vector<16xi32>
    %gather3A_1204 = tpu.dynamic_gather %select_n3A_1201[%gather3A_1203] in [0] : vector<16xi32>, vector<16xi32> -> vector<16xi32>
    %min3A_1205 = arith.minsi %select_n3A_1201, %gather3A_1204 : vector<16xi32>
    %broadcast_in_dim3A_1206 = vector.shape_cast %xor3A_11 : vector<16xi32> to vector<16x1xi32>
    %gather3A_1207 = vector.shape_cast %broadcast_in_dim3A_1206 : vector<16x1xi32> to vector<16xi32>
    %gather3A_1208 = tpu.dynamic_gather %min3A_1205[%gather3A_1207] in [0] : vector<16xi32>, vector<16xi32> -> vector<16xi32>
    %min3A_1209 = arith.minsi %min3A_1205, %gather3A_1208 : vector<16xi32>
    %broadcast_in_dim3A_1210 = vector.shape_cast %xor3A_14 : vector<16xi32> to vector<16x1xi32>
    %gather3A_1211 = vector.shape_cast %broadcast_in_dim3A_1210 : vector<16x1xi32> to vector<16xi32>
    %gather3A_1212 = tpu.dynamic_gather %min3A_1209[%gather3A_1211] in [0] : vector<16xi32>, vector<16xi32> -> vector<16xi32>
    %min3A_1213 = arith.minsi %min3A_1209, %gather3A_1212 : vector<16xi32>
    %sub3A_1214 = arith.subf %max3A_1197, %max3A_1167 : vector<16xf32>
    %exp3A_1215 = math.exp %sub3A_1214 : vector<16xf32>
    %add3A_1216 = arith.constant 1.000000e+00 : f32
    %add3A_1217 = vector.broadcast %add3A_1216 : f32 to vector<16xf32>
    %add3A_1218 = arith.addf %add3A_1217, %exp3A_1215 : vector<16xf32>
    %eq3A_1219 = arith.cmpi eq, %and3A_6, %min3A_1183 : vector<16xi32>
    %jit3A_1220 = arith.constant 1.000000e+00 : f32
    %jit3A_1221 = arith.constant 0.000000e+00 : f32
    %broadcast_in_dim3A_1222 = vector.broadcast %jit3A_1220 : f32 to vector<16xf32>
    %broadcast_in_dim3A_1223 = vector.broadcast %jit3A_1221 : f32 to vector<16xf32>
    %select_n3A_1224 = arith.select %eq3A_1219, %broadcast_in_dim3A_1222, %broadcast_in_dim3A_1223 : vector<16xi1>, vector<16xf32>
    %eq3A_1225 = arith.cmpi eq, %and3A_6, %min3A_1213 : vector<16xi32>
    %jit3A_1226 = arith.constant 0.000000e+00 : f32
    %broadcast_in_dim3A_1227 = vector.broadcast %jit3A_1226 : f32 to vector<16xf32>
    %select_n3A_1228 = arith.select %eq3A_1225, %exp3A_1215, %broadcast_in_dim3A_1227 : vector<16xi1>, vector<16xf32>
    %add3A_1229 = arith.addf %select_n3A_1224, %select_n3A_1228 : vector<16xf32>
    %div3A_1230 = arith.divf %add3A_1229, %add3A_1218 : vector<16xf32>
    %swap3A_1231 = arith.constant 224 : index
    %swap3A_1232 = tpu.vector_load %arg5[%swap3A_1231] {strides = array<i32>} : memref<512xf32, #tpu.memory_space<vmem>>, vector<16xf32>,
    %swap3A_1233 = vector.shape_cast %swap3A_1232 : vector<16xf32> to vector<16xf32>
    %swap3A_1234 = vector.shape_cast %div3A_1230 : vector<16xf32> to vector<16xf32>
    tpu.vector_store %arg5[%swap3A_1231], %swap3A_1234 {strides = array<i32>} : memref<512xf32, #tpu.memory_space<vmem>>, vector<16xf32>,
    %get3A_1235 = arith.constant 240 : index
    %get3A_1236 = tpu.vector_load %arg4[%get3A_1235] {strides = array<i32>} : memref<512xf32, #tpu.memory_space<vmem>>, vector<16xf32>,
    %get3A_1237 = vector.shape_cast %get3A_1236 : vector<16xf32> to vector<16xf32>
    %broadcast_in_dim3A_1238 = vector.shape_cast %xor3A_8 : vector<16xi32> to vector<16x1xi32>
    %gather3A_1239 = vector.shape_cast %broadcast_in_dim3A_1238 : vector<16x1xi32> to vector<16xi32>
    %gather3A_1240 = tpu.dynamic_gather %get3A_1237[%gather3A_1239] in [0] : vector<16xf32>, vector<16xi32> -> vector<16xf32>
    %max3A_1241 = arith.maximumf %get3A_1237, %gather3A_1240 : vector<16xf32>
    %broadcast_in_dim3A_1242 = vector.shape_cast %xor3A_11 : vector<16xi32> to vector<16x1xi32>
    %gather3A_1243 = vector.shape_cast %broadcast_in_dim3A_1242 : vector<16x1xi32> to vector<16xi32>
    %gather3A_1244 = tpu.dynamic_gather %max3A_1241[%gather3A_1243] in [0] : vector<16xf32>, vector<16xi32> -> vector<16xf32>
    %max3A_1245 = arith.maximumf %max3A_1241, %gather3A_1244 : vector<16xf32>
    %broadcast_in_dim3A_1246 = vector.shape_cast %xor3A_14 : vector<16xi32> to vector<16x1xi32>
    %gather3A_1247 = vector.shape_cast %broadcast_in_dim3A_1246 : vector<16x1xi32> to vector<16xi32>
    %gather3A_1248 = tpu.dynamic_gather %max3A_1245[%gather3A_1247] in [0] : vector<16xf32>, vector<16xi32> -> vector<16xf32>
    %max3A_1249 = arith.maximumf %max3A_1245, %gather3A_1248 : vector<16xf32>
    %eq3A_1250 = arith.cmpf oeq, %get3A_1237, %max3A_1249 : vector<16xf32>
    %jit3A_1251 = arith.constant 8 : i32
    %broadcast_in_dim3A_1252 = vector.broadcast %jit3A_1251 : i32 to vector<16xi32>
    %select_n3A_1253 = arith.select %eq3A_1250, %and3A_6, %broadcast_in_dim3A_1252 : vector<16xi1>, vector<16xi32>
    %broadcast_in_dim3A_1254 = vector.shape_cast %xor3A_8 : vector<16xi32> to vector<16x1xi32>
    %gather3A_1255 = vector.shape_cast %broadcast_in_dim3A_1254 : vector<16x1xi32> to vector<16xi32>
    %gather3A_1256 = tpu.dynamic_gather %select_n3A_1253[%gather3A_1255] in [0] : vector<16xi32>, vector<16xi32> -> vector<16xi32>
    %min3A_1257 = arith.minsi %select_n3A_1253, %gather3A_1256 : vector<16xi32>
    %broadcast_in_dim3A_1258 = vector.shape_cast %xor3A_11 : vector<16xi32> to vector<16x1xi32>
    %gather3A_1259 = vector.shape_cast %broadcast_in_dim3A_1258 : vector<16x1xi32> to vector<16xi32>
    %gather3A_1260 = tpu.dynamic_gather %min3A_1257[%gather3A_1259] in [0] : vector<16xi32>, vector<16xi32> -> vector<16xi32>
    %min3A_1261 = arith.minsi %min3A_1257, %gather3A_1260 : vector<16xi32>
    %broadcast_in_dim3A_1262 = vector.shape_cast %xor3A_14 : vector<16xi32> to vector<16x1xi32>
    %gather3A_1263 = vector.shape_cast %broadcast_in_dim3A_1262 : vector<16x1xi32> to vector<16xi32>
    %gather3A_1264 = tpu.dynamic_gather %min3A_1261[%gather3A_1263] in [0] : vector<16xi32>, vector<16xi32> -> vector<16xi32>
    %min3A_1265 = arith.minsi %min3A_1261, %gather3A_1264 : vector<16xi32>
    %eq3A_1266 = arith.cmpi eq, %and3A_6, %min3A_1265 : vector<16xi32>
    %select_n3A_1267 = arith.select %eq3A_1266, %broadcast_in_dim3A_15, %get3A_1237 : vector<16xi1>, vector<16xf32>
    %broadcast_in_dim3A_1268 = vector.shape_cast %xor3A_8 : vector<16xi32> to vector<16x1xi32>
    %gather3A_1269 = vector.shape_cast %broadcast_in_dim3A_1268 : vector<16x1xi32> to vector<16xi32>
    %gather3A_1270 = tpu.dynamic_gather %select_n3A_1267[%gather3A_1269] in [0] : vector<16xf32>, vector<16xi32> -> vector<16xf32>
    %max3A_1271 = arith.maximumf %select_n3A_1267, %gather3A_1270 : vector<16xf32>
    %broadcast_in_dim3A_1272 = vector.shape_cast %xor3A_11 : vector<16xi32> to vector<16x1xi32>
    %gather3A_1273 = vector.shape_cast %broadcast_in_dim3A_1272 : vector<16x1xi32> to vector<16xi32>
    %gather3A_1274 = tpu.dynamic_gather %max3A_1271[%gather3A_1273] in [0] : vector<16xf32>, vector<16xi32> -> vector<16xf32>
    %max3A_1275 = arith.maximumf %max3A_1271, %gather3A_1274 : vector<16xf32>
    %broadcast_in_dim3A_1276 = vector.shape_cast %xor3A_14 : vector<16xi32> to vector<16x1xi32>
    %gather3A_1277 = vector.shape_cast %broadcast_in_dim3A_1276 : vector<16x1xi32> to vector<16xi32>
    %gather3A_1278 = tpu.dynamic_gather %max3A_1275[%gather3A_1277] in [0] : vector<16xf32>, vector<16xi32> -> vector<16xf32>
    %max3A_1279 = arith.maximumf %max3A_1275, %gather3A_1278 : vector<16xf32>
    %eq3A_1280 = arith.cmpf oeq, %select_n3A_1267, %max3A_1279 : vector<16xf32>
    %jit3A_1281 = arith.constant 8 : i32
    %broadcast_in_dim3A_1282 = vector.broadcast %jit3A_1281 : i32 to vector<16xi32>
    %select_n3A_1283 = arith.select %eq3A_1280, %and3A_6, %broadcast_in_dim3A_1282 : vector<16xi1>, vector<16xi32>
    %broadcast_in_dim3A_1284 = vector.shape_cast %xor3A_8 : vector<16xi32> to vector<16x1xi32>
    %gather3A_1285 = vector.shape_cast %broadcast_in_dim3A_1284 : vector<16x1xi32> to vector<16xi32>
    %gather3A_1286 = tpu.dynamic_gather %select_n3A_1283[%gather3A_1285] in [0] : vector<16xi32>, vector<16xi32> -> vector<16xi32>
    %min3A_1287 = arith.minsi %select_n3A_1283, %gather3A_1286 : vector<16xi32>
    %broadcast_in_dim3A_1288 = vector.shape_cast %xor3A_11 : vector<16xi32> to vector<16x1xi32>
    %gather3A_1289 = vector.shape_cast %broadcast_in_dim3A_1288 : vector<16x1xi32> to vector<16xi32>
    %gather3A_1290 = tpu.dynamic_gather %min3A_1287[%gather3A_1289] in [0] : vector<16xi32>, vector<16xi32> -> vector<16xi32>
    %min3A_1291 = arith.minsi %min3A_1287, %gather3A_1290 : vector<16xi32>
    %broadcast_in_dim3A_1292 = vector.shape_cast %xor3A_14 : vector<16xi32> to vector<16x1xi32>
    %gather3A_1293 = vector.shape_cast %broadcast_in_dim3A_1292 : vector<16x1xi32> to vector<16xi32>
    %gather3A_1294 = tpu.dynamic_gather %min3A_1291[%gather3A_1293] in [0] : vector<16xi32>, vector<16xi32> -> vector<16xi32>
    %min3A_1295 = arith.minsi %min3A_1291, %gather3A_1294 : vector<16xi32>
    %sub3A_1296 = arith.subf %max3A_1279, %max3A_1249 : vector<16xf32>
    %exp3A_1297 = math.exp %sub3A_1296 : vector<16xf32>
    %add3A_1298 = arith.constant 1.000000e+00 : f32
    %add3A_1299 = vector.broadcast %add3A_1298 : f32 to vector<16xf32>
    %add3A_1300 = arith.addf %add3A_1299, %exp3A_1297 : vector<16xf32>
    %eq3A_1301 = arith.cmpi eq, %and3A_6, %min3A_1265 : vector<16xi32>
    %jit3A_1302 = arith.constant 1.000000e+00 : f32
    %jit3A_1303 = arith.constant 0.000000e+00 : f32
    %broadcast_in_dim3A_1304 = vector.broadcast %jit3A_1302 : f32 to vector<16xf32>
    %broadcast_in_dim3A_1305 = vector.broadcast %jit3A_1303 : f32 to vector<16xf32>
    %select_n3A_1306 = arith.select %eq3A_1301, %broadcast_in_dim3A_1304, %broadcast_in_dim3A_1305 : vector<16xi1>, vector<16xf32>
    %eq3A_1307 = arith.cmpi eq, %and3A_6, %min3A_1295 : vector<16xi32>
    %jit3A_1308 = arith.constant 0.000000e+00 : f32
    %broadcast_in_dim3A_1309 = vector.broadcast %jit3A_1308 : f32 to vector<16xf32>
    %select_n3A_1310 = arith.select %eq3A_1307, %exp3A_1297, %broadcast_in_dim3A_1309 : vector<16xi1>, vector<16xf32>
    %add3A_1311 = arith.addf %select_n3A_1306, %select_n3A_1310 : vector<16xf32>
    %div3A_1312 = arith.divf %add3A_1311, %add3A_1300 : vector<16xf32>
    %swap3A_1313 = arith.constant 240 : index
    %swap3A_1314 = tpu.vector_load %arg5[%swap3A_1313] {strides = array<i32>} : memref<512xf32, #tpu.memory_space<vmem>>, vector<16xf32>,
    %swap3A_1315 = vector.shape_cast %swap3A_1314 : vector<16xf32> to vector<16xf32>
    %swap3A_1316 = vector.shape_cast %div3A_1312 : vector<16xf32> to vector<16xf32>
    tpu.vector_store %arg5[%swap3A_1313], %swap3A_1316 {strides = array<i32>} : memref<512xf32, #tpu.memory_space<vmem>>, vector<16xf32>,
    %get3A_1317 = arith.constant 256 : index
    %get3A_1318 = tpu.vector_load %arg4[%get3A_1317] {strides = array<i32>} : memref<512xf32, #tpu.memory_space<vmem>>, vector<16xf32>,
    %get3A_1319 = vector.shape_cast %get3A_1318 : vector<16xf32> to vector<16xf32>
    %broadcast_in_dim3A_1320 = vector.shape_cast %xor3A_8 : vector<16xi32> to vector<16x1xi32>
    %gather3A_1321 = vector.shape_cast %broadcast_in_dim3A_1320 : vector<16x1xi32> to vector<16xi32>
    %gather3A_1322 = tpu.dynamic_gather %get3A_1319[%gather3A_1321] in [0] : vector<16xf32>, vector<16xi32> -> vector<16xf32>
    %max3A_1323 = arith.maximumf %get3A_1319, %gather3A_1322 : vector<16xf32>
    %broadcast_in_dim3A_1324 = vector.shape_cast %xor3A_11 : vector<16xi32> to vector<16x1xi32>
    %gather3A_1325 = vector.shape_cast %broadcast_in_dim3A_1324 : vector<16x1xi32> to vector<16xi32>
    %gather3A_1326 = tpu.dynamic_gather %max3A_1323[%gather3A_1325] in [0] : vector<16xf32>, vector<16xi32> -> vector<16xf32>
    %max3A_1327 = arith.maximumf %max3A_1323, %gather3A_1326 : vector<16xf32>
    %broadcast_in_dim3A_1328 = vector.shape_cast %xor3A_14 : vector<16xi32> to vector<16x1xi32>
    %gather3A_1329 = vector.shape_cast %broadcast_in_dim3A_1328 : vector<16x1xi32> to vector<16xi32>
    %gather3A_1330 = tpu.dynamic_gather %max3A_1327[%gather3A_1329] in [0] : vector<16xf32>, vector<16xi32> -> vector<16xf32>
    %max3A_1331 = arith.maximumf %max3A_1327, %gather3A_1330 : vector<16xf32>
    %eq3A_1332 = arith.cmpf oeq, %get3A_1319, %max3A_1331 : vector<16xf32>
    %jit3A_1333 = arith.constant 8 : i32
    %broadcast_in_dim3A_1334 = vector.broadcast %jit3A_1333 : i32 to vector<16xi32>
    %select_n3A_1335 = arith.select %eq3A_1332, %and3A_6, %broadcast_in_dim3A_1334 : vector<16xi1>, vector<16xi32>
    %broadcast_in_dim3A_1336 = vector.shape_cast %xor3A_8 : vector<16xi32> to vector<16x1xi32>
    %gather3A_1337 = vector.shape_cast %broadcast_in_dim3A_1336 : vector<16x1xi32> to vector<16xi32>
    %gather3A_1338 = tpu.dynamic_gather %select_n3A_1335[%gather3A_1337] in [0] : vector<16xi32>, vector<16xi32> -> vector<16xi32>
    %min3A_1339 = arith.minsi %select_n3A_1335, %gather3A_1338 : vector<16xi32>
    %broadcast_in_dim3A_1340 = vector.shape_cast %xor3A_11 : vector<16xi32> to vector<16x1xi32>
    %gather3A_1341 = vector.shape_cast %broadcast_in_dim3A_1340 : vector<16x1xi32> to vector<16xi32>
    %gather3A_1342 = tpu.dynamic_gather %min3A_1339[%gather3A_1341] in [0] : vector<16xi32>, vector<16xi32> -> vector<16xi32>
    %min3A_1343 = arith.minsi %min3A_1339, %gather3A_1342 : vector<16xi32>
    %broadcast_in_dim3A_1344 = vector.shape_cast %xor3A_14 : vector<16xi32> to vector<16x1xi32>
    %gather3A_1345 = vector.shape_cast %broadcast_in_dim3A_1344 : vector<16x1xi32> to vector<16xi32>
    %gather3A_1346 = tpu.dynamic_gather %min3A_1343[%gather3A_1345] in [0] : vector<16xi32>, vector<16xi32> -> vector<16xi32>
    %min3A_1347 = arith.minsi %min3A_1343, %gather3A_1346 : vector<16xi32>
    %eq3A_1348 = arith.cmpi eq, %and3A_6, %min3A_1347 : vector<16xi32>
    %select_n3A_1349 = arith.select %eq3A_1348, %broadcast_in_dim3A_15, %get3A_1319 : vector<16xi1>, vector<16xf32>
    %broadcast_in_dim3A_1350 = vector.shape_cast %xor3A_8 : vector<16xi32> to vector<16x1xi32>
    %gather3A_1351 = vector.shape_cast %broadcast_in_dim3A_1350 : vector<16x1xi32> to vector<16xi32>
    %gather3A_1352 = tpu.dynamic_gather %select_n3A_1349[%gather3A_1351] in [0] : vector<16xf32>, vector<16xi32> -> vector<16xf32>
    %max3A_1353 = arith.maximumf %select_n3A_1349, %gather3A_1352 : vector<16xf32>
    %broadcast_in_dim3A_1354 = vector.shape_cast %xor3A_11 : vector<16xi32> to vector<16x1xi32>
    %gather3A_1355 = vector.shape_cast %broadcast_in_dim3A_1354 : vector<16x1xi32> to vector<16xi32>
    %gather3A_1356 = tpu.dynamic_gather %max3A_1353[%gather3A_1355] in [0] : vector<16xf32>, vector<16xi32> -> vector<16xf32>
    %max3A_1357 = arith.maximumf %max3A_1353, %gather3A_1356 : vector<16xf32>
    %broadcast_in_dim3A_1358 = vector.shape_cast %xor3A_14 : vector<16xi32> to vector<16x1xi32>
    %gather3A_1359 = vector.shape_cast %broadcast_in_dim3A_1358 : vector<16x1xi32> to vector<16xi32>
    %gather3A_1360 = tpu.dynamic_gather %max3A_1357[%gather3A_1359] in [0] : vector<16xf32>, vector<16xi32> -> vector<16xf32>
    %max3A_1361 = arith.maximumf %max3A_1357, %gather3A_1360 : vector<16xf32>
    %eq3A_1362 = arith.cmpf oeq, %select_n3A_1349, %max3A_1361 : vector<16xf32>
    %jit3A_1363 = arith.constant 8 : i32
    %broadcast_in_dim3A_1364 = vector.broadcast %jit3A_1363 : i32 to vector<16xi32>
    %select_n3A_1365 = arith.select %eq3A_1362, %and3A_6, %broadcast_in_dim3A_1364 : vector<16xi1>, vector<16xi32>
    %broadcast_in_dim3A_1366 = vector.shape_cast %xor3A_8 : vector<16xi32> to vector<16x1xi32>
    %gather3A_1367 = vector.shape_cast %broadcast_in_dim3A_1366 : vector<16x1xi32> to vector<16xi32>
    %gather3A_1368 = tpu.dynamic_gather %select_n3A_1365[%gather3A_1367] in [0] : vector<16xi32>, vector<16xi32> -> vector<16xi32>
    %min3A_1369 = arith.minsi %select_n3A_1365, %gather3A_1368 : vector<16xi32>
    %broadcast_in_dim3A_1370 = vector.shape_cast %xor3A_11 : vector<16xi32> to vector<16x1xi32>
    %gather3A_1371 = vector.shape_cast %broadcast_in_dim3A_1370 : vector<16x1xi32> to vector<16xi32>
    %gather3A_1372 = tpu.dynamic_gather %min3A_1369[%gather3A_1371] in [0] : vector<16xi32>, vector<16xi32> -> vector<16xi32>
    %min3A_1373 = arith.minsi %min3A_1369, %gather3A_1372 : vector<16xi32>
    %broadcast_in_dim3A_1374 = vector.shape_cast %xor3A_14 : vector<16xi32> to vector<16x1xi32>
    %gather3A_1375 = vector.shape_cast %broadcast_in_dim3A_1374 : vector<16x1xi32> to vector<16xi32>
    %gather3A_1376 = tpu.dynamic_gather %min3A_1373[%gather3A_1375] in [0] : vector<16xi32>, vector<16xi32> -> vector<16xi32>
    %min3A_1377 = arith.minsi %min3A_1373, %gather3A_1376 : vector<16xi32>
    %sub3A_1378 = arith.subf %max3A_1361, %max3A_1331 : vector<16xf32>
    %exp3A_1379 = math.exp %sub3A_1378 : vector<16xf32>
    %add3A_1380 = arith.constant 1.000000e+00 : f32
    %add3A_1381 = vector.broadcast %add3A_1380 : f32 to vector<16xf32>
    %add3A_1382 = arith.addf %add3A_1381, %exp3A_1379 : vector<16xf32>
    %eq3A_1383 = arith.cmpi eq, %and3A_6, %min3A_1347 : vector<16xi32>
    %jit3A_1384 = arith.constant 1.000000e+00 : f32
    %jit3A_1385 = arith.constant 0.000000e+00 : f32
    %broadcast_in_dim3A_1386 = vector.broadcast %jit3A_1384 : f32 to vector<16xf32>
    %broadcast_in_dim3A_1387 = vector.broadcast %jit3A_1385 : f32 to vector<16xf32>
    %select_n3A_1388 = arith.select %eq3A_1383, %broadcast_in_dim3A_1386, %broadcast_in_dim3A_1387 : vector<16xi1>, vector<16xf32>
    %eq3A_1389 = arith.cmpi eq, %and3A_6, %min3A_1377 : vector<16xi32>
    %jit3A_1390 = arith.constant 0.000000e+00 : f32
    %broadcast_in_dim3A_1391 = vector.broadcast %jit3A_1390 : f32 to vector<16xf32>
    %select_n3A_1392 = arith.select %eq3A_1389, %exp3A_1379, %broadcast_in_dim3A_1391 : vector<16xi1>, vector<16xf32>
    %add3A_1393 = arith.addf %select_n3A_1388, %select_n3A_1392 : vector<16xf32>
    %div3A_1394 = arith.divf %add3A_1393, %add3A_1382 : vector<16xf32>
    %swap3A_1395 = arith.constant 256 : index
    %swap3A_1396 = tpu.vector_load %arg5[%swap3A_1395] {strides = array<i32>} : memref<512xf32, #tpu.memory_space<vmem>>, vector<16xf32>,
    %swap3A_1397 = vector.shape_cast %swap3A_1396 : vector<16xf32> to vector<16xf32>
    %swap3A_1398 = vector.shape_cast %div3A_1394 : vector<16xf32> to vector<16xf32>
    tpu.vector_store %arg5[%swap3A_1395], %swap3A_1398 {strides = array<i32>} : memref<512xf32, #tpu.memory_space<vmem>>, vector<16xf32>,
    %get3A_1399 = arith.constant 272 : index
    %get3A_1400 = tpu.vector_load %arg4[%get3A_1399] {strides = array<i32>} : memref<512xf32, #tpu.memory_space<vmem>>, vector<16xf32>,
    %get3A_1401 = vector.shape_cast %get3A_1400 : vector<16xf32> to vector<16xf32>
    %broadcast_in_dim3A_1402 = vector.shape_cast %xor3A_8 : vector<16xi32> to vector<16x1xi32>
    %gather3A_1403 = vector.shape_cast %broadcast_in_dim3A_1402 : vector<16x1xi32> to vector<16xi32>
    %gather3A_1404 = tpu.dynamic_gather %get3A_1401[%gather3A_1403] in [0] : vector<16xf32>, vector<16xi32> -> vector<16xf32>
    %max3A_1405 = arith.maximumf %get3A_1401, %gather3A_1404 : vector<16xf32>
    %broadcast_in_dim3A_1406 = vector.shape_cast %xor3A_11 : vector<16xi32> to vector<16x1xi32>
    %gather3A_1407 = vector.shape_cast %broadcast_in_dim3A_1406 : vector<16x1xi32> to vector<16xi32>
    %gather3A_1408 = tpu.dynamic_gather %max3A_1405[%gather3A_1407] in [0] : vector<16xf32>, vector<16xi32> -> vector<16xf32>
    %max3A_1409 = arith.maximumf %max3A_1405, %gather3A_1408 : vector<16xf32>
    %broadcast_in_dim3A_1410 = vector.shape_cast %xor3A_14 : vector<16xi32> to vector<16x1xi32>
    %gather3A_1411 = vector.shape_cast %broadcast_in_dim3A_1410 : vector<16x1xi32> to vector<16xi32>
    %gather3A_1412 = tpu.dynamic_gather %max3A_1409[%gather3A_1411] in [0] : vector<16xf32>, vector<16xi32> -> vector<16xf32>
    %max3A_1413 = arith.maximumf %max3A_1409, %gather3A_1412 : vector<16xf32>
    %eq3A_1414 = arith.cmpf oeq, %get3A_1401, %max3A_1413 : vector<16xf32>
    %jit3A_1415 = arith.constant 8 : i32
    %broadcast_in_dim3A_1416 = vector.broadcast %jit3A_1415 : i32 to vector<16xi32>
    %select_n3A_1417 = arith.select %eq3A_1414, %and3A_6, %broadcast_in_dim3A_1416 : vector<16xi1>, vector<16xi32>
    %broadcast_in_dim3A_1418 = vector.shape_cast %xor3A_8 : vector<16xi32> to vector<16x1xi32>
    %gather3A_1419 = vector.shape_cast %broadcast_in_dim3A_1418 : vector<16x1xi32> to vector<16xi32>
    %gather3A_1420 = tpu.dynamic_gather %select_n3A_1417[%gather3A_1419] in [0] : vector<16xi32>, vector<16xi32> -> vector<16xi32>
    %min3A_1421 = arith.minsi %select_n3A_1417, %gather3A_1420 : vector<16xi32>
    %broadcast_in_dim3A_1422 = vector.shape_cast %xor3A_11 : vector<16xi32> to vector<16x1xi32>
    %gather3A_1423 = vector.shape_cast %broadcast_in_dim3A_1422 : vector<16x1xi32> to vector<16xi32>
    %gather3A_1424 = tpu.dynamic_gather %min3A_1421[%gather3A_1423] in [0] : vector<16xi32>, vector<16xi32> -> vector<16xi32>
    %min3A_1425 = arith.minsi %min3A_1421, %gather3A_1424 : vector<16xi32>
    %broadcast_in_dim3A_1426 = vector.shape_cast %xor3A_14 : vector<16xi32> to vector<16x1xi32>
    %gather3A_1427 = vector.shape_cast %broadcast_in_dim3A_1426 : vector<16x1xi32> to vector<16xi32>
    %gather3A_1428 = tpu.dynamic_gather %min3A_1425[%gather3A_1427] in [0] : vector<16xi32>, vector<16xi32> -> vector<16xi32>
    %min3A_1429 = arith.minsi %min3A_1425, %gather3A_1428 : vector<16xi32>
    %eq3A_1430 = arith.cmpi eq, %and3A_6, %min3A_1429 : vector<16xi32>
    %select_n3A_1431 = arith.select %eq3A_1430, %broadcast_in_dim3A_15, %get3A_1401 : vector<16xi1>, vector<16xf32>
    %broadcast_in_dim3A_1432 = vector.shape_cast %xor3A_8 : vector<16xi32> to vector<16x1xi32>
    %gather3A_1433 = vector.shape_cast %broadcast_in_dim3A_1432 : vector<16x1xi32> to vector<16xi32>
    %gather3A_1434 = tpu.dynamic_gather %select_n3A_1431[%gather3A_1433] in [0] : vector<16xf32>, vector<16xi32> -> vector<16xf32>
    %max3A_1435 = arith.maximumf %select_n3A_1431, %gather3A_1434 : vector<16xf32>
    %broadcast_in_dim3A_1436 = vector.shape_cast %xor3A_11 : vector<16xi32> to vector<16x1xi32>
    %gather3A_1437 = vector.shape_cast %broadcast_in_dim3A_1436 : vector<16x1xi32> to vector<16xi32>
    %gather3A_1438 = tpu.dynamic_gather %max3A_1435[%gather3A_1437] in [0] : vector<16xf32>, vector<16xi32> -> vector<16xf32>
    %max3A_1439 = arith.maximumf %max3A_1435, %gather3A_1438 : vector<16xf32>
    %broadcast_in_dim3A_1440 = vector.shape_cast %xor3A_14 : vector<16xi32> to vector<16x1xi32>
    %gather3A_1441 = vector.shape_cast %broadcast_in_dim3A_1440 : vector<16x1xi32> to vector<16xi32>
    %gather3A_1442 = tpu.dynamic_gather %max3A_1439[%gather3A_1441] in [0] : vector<16xf32>, vector<16xi32> -> vector<16xf32>
    %max3A_1443 = arith.maximumf %max3A_1439, %gather3A_1442 : vector<16xf32>
    %eq3A_1444 = arith.cmpf oeq, %select_n3A_1431, %max3A_1443 : vector<16xf32>
    %jit3A_1445 = arith.constant 8 : i32
    %broadcast_in_dim3A_1446 = vector.broadcast %jit3A_1445 : i32 to vector<16xi32>
    %select_n3A_1447 = arith.select %eq3A_1444, %and3A_6, %broadcast_in_dim3A_1446 : vector<16xi1>, vector<16xi32>
    %broadcast_in_dim3A_1448 = vector.shape_cast %xor3A_8 : vector<16xi32> to vector<16x1xi32>
    %gather3A_1449 = vector.shape_cast %broadcast_in_dim3A_1448 : vector<16x1xi32> to vector<16xi32>
    %gather3A_1450 = tpu.dynamic_gather %select_n3A_1447[%gather3A_1449] in [0] : vector<16xi32>, vector<16xi32> -> vector<16xi32>
    %min3A_1451 = arith.minsi %select_n3A_1447, %gather3A_1450 : vector<16xi32>
    %broadcast_in_dim3A_1452 = vector.shape_cast %xor3A_11 : vector<16xi32> to vector<16x1xi32>
    %gather3A_1453 = vector.shape_cast %broadcast_in_dim3A_1452 : vector<16x1xi32> to vector<16xi32>
    %gather3A_1454 = tpu.dynamic_gather %min3A_1451[%gather3A_1453] in [0] : vector<16xi32>, vector<16xi32> -> vector<16xi32>
    %min3A_1455 = arith.minsi %min3A_1451, %gather3A_1454 : vector<16xi32>
    %broadcast_in_dim3A_1456 = vector.shape_cast %xor3A_14 : vector<16xi32> to vector<16x1xi32>
    %gather3A_1457 = vector.shape_cast %broadcast_in_dim3A_1456 : vector<16x1xi32> to vector<16xi32>
    %gather3A_1458 = tpu.dynamic_gather %min3A_1455[%gather3A_1457] in [0] : vector<16xi32>, vector<16xi32> -> vector<16xi32>
    %min3A_1459 = arith.minsi %min3A_1455, %gather3A_1458 : vector<16xi32>
    %sub3A_1460 = arith.subf %max3A_1443, %max3A_1413 : vector<16xf32>
    %exp3A_1461 = math.exp %sub3A_1460 : vector<16xf32>
    %add3A_1462 = arith.constant 1.000000e+00 : f32
    %add3A_1463 = vector.broadcast %add3A_1462 : f32 to vector<16xf32>
    %add3A_1464 = arith.addf %add3A_1463, %exp3A_1461 : vector<16xf32>
    %eq3A_1465 = arith.cmpi eq, %and3A_6, %min3A_1429 : vector<16xi32>
    %jit3A_1466 = arith.constant 1.000000e+00 : f32
    %jit3A_1467 = arith.constant 0.000000e+00 : f32
    %broadcast_in_dim3A_1468 = vector.broadcast %jit3A_1466 : f32 to vector<16xf32>
    %broadcast_in_dim3A_1469 = vector.broadcast %jit3A_1467 : f32 to vector<16xf32>
    %select_n3A_1470 = arith.select %eq3A_1465, %broadcast_in_dim3A_1468, %broadcast_in_dim3A_1469 : vector<16xi1>, vector<16xf32>
    %eq3A_1471 = arith.cmpi eq, %and3A_6, %min3A_1459 : vector<16xi32>
    %jit3A_1472 = arith.constant 0.000000e+00 : f32
    %broadcast_in_dim3A_1473 = vector.broadcast %jit3A_1472 : f32 to vector<16xf32>
    %select_n3A_1474 = arith.select %eq3A_1471, %exp3A_1461, %broadcast_in_dim3A_1473 : vector<16xi1>, vector<16xf32>
    %add3A_1475 = arith.addf %select_n3A_1470, %select_n3A_1474 : vector<16xf32>
    %div3A_1476 = arith.divf %add3A_1475, %add3A_1464 : vector<16xf32>
    %swap3A_1477 = arith.constant 272 : index
    %swap3A_1478 = tpu.vector_load %arg5[%swap3A_1477] {strides = array<i32>} : memref<512xf32, #tpu.memory_space<vmem>>, vector<16xf32>,
    %swap3A_1479 = vector.shape_cast %swap3A_1478 : vector<16xf32> to vector<16xf32>
    %swap3A_1480 = vector.shape_cast %div3A_1476 : vector<16xf32> to vector<16xf32>
    tpu.vector_store %arg5[%swap3A_1477], %swap3A_1480 {strides = array<i32>} : memref<512xf32, #tpu.memory_space<vmem>>, vector<16xf32>,
    %get3A_1481 = arith.constant 288 : index
    %get3A_1482 = tpu.vector_load %arg4[%get3A_1481] {strides = array<i32>} : memref<512xf32, #tpu.memory_space<vmem>>, vector<16xf32>,
    %get3A_1483 = vector.shape_cast %get3A_1482 : vector<16xf32> to vector<16xf32>
    %broadcast_in_dim3A_1484 = vector.shape_cast %xor3A_8 : vector<16xi32> to vector<16x1xi32>
    %gather3A_1485 = vector.shape_cast %broadcast_in_dim3A_1484 : vector<16x1xi32> to vector<16xi32>
    %gather3A_1486 = tpu.dynamic_gather %get3A_1483[%gather3A_1485] in [0] : vector<16xf32>, vector<16xi32> -> vector<16xf32>
    %max3A_1487 = arith.maximumf %get3A_1483, %gather3A_1486 : vector<16xf32>
    %broadcast_in_dim3A_1488 = vector.shape_cast %xor3A_11 : vector<16xi32> to vector<16x1xi32>
    %gather3A_1489 = vector.shape_cast %broadcast_in_dim3A_1488 : vector<16x1xi32> to vector<16xi32>
    %gather3A_1490 = tpu.dynamic_gather %max3A_1487[%gather3A_1489] in [0] : vector<16xf32>, vector<16xi32> -> vector<16xf32>
    %max3A_1491 = arith.maximumf %max3A_1487, %gather3A_1490 : vector<16xf32>
    %broadcast_in_dim3A_1492 = vector.shape_cast %xor3A_14 : vector<16xi32> to vector<16x1xi32>
    %gather3A_1493 = vector.shape_cast %broadcast_in_dim3A_1492 : vector<16x1xi32> to vector<16xi32>
    %gather3A_1494 = tpu.dynamic_gather %max3A_1491[%gather3A_1493] in [0] : vector<16xf32>, vector<16xi32> -> vector<16xf32>
    %max3A_1495 = arith.maximumf %max3A_1491, %gather3A_1494 : vector<16xf32>
    %eq3A_1496 = arith.cmpf oeq, %get3A_1483, %max3A_1495 : vector<16xf32>
    %jit3A_1497 = arith.constant 8 : i32
    %broadcast_in_dim3A_1498 = vector.broadcast %jit3A_1497 : i32 to vector<16xi32>
    %select_n3A_1499 = arith.select %eq3A_1496, %and3A_6, %broadcast_in_dim3A_1498 : vector<16xi1>, vector<16xi32>
    %broadcast_in_dim3A_1500 = vector.shape_cast %xor3A_8 : vector<16xi32> to vector<16x1xi32>
    %gather3A_1501 = vector.shape_cast %broadcast_in_dim3A_1500 : vector<16x1xi32> to vector<16xi32>
    %gather3A_1502 = tpu.dynamic_gather %select_n3A_1499[%gather3A_1501] in [0] : vector<16xi32>, vector<16xi32> -> vector<16xi32>
    %min3A_1503 = arith.minsi %select_n3A_1499, %gather3A_1502 : vector<16xi32>
    %broadcast_in_dim3A_1504 = vector.shape_cast %xor3A_11 : vector<16xi32> to vector<16x1xi32>
    %gather3A_1505 = vector.shape_cast %broadcast_in_dim3A_1504 : vector<16x1xi32> to vector<16xi32>
    %gather3A_1506 = tpu.dynamic_gather %min3A_1503[%gather3A_1505] in [0] : vector<16xi32>, vector<16xi32> -> vector<16xi32>
    %min3A_1507 = arith.minsi %min3A_1503, %gather3A_1506 : vector<16xi32>
    %broadcast_in_dim3A_1508 = vector.shape_cast %xor3A_14 : vector<16xi32> to vector<16x1xi32>
    %gather3A_1509 = vector.shape_cast %broadcast_in_dim3A_1508 : vector<16x1xi32> to vector<16xi32>
    %gather3A_1510 = tpu.dynamic_gather %min3A_1507[%gather3A_1509] in [0] : vector<16xi32>, vector<16xi32> -> vector<16xi32>
    %min3A_1511 = arith.minsi %min3A_1507, %gather3A_1510 : vector<16xi32>
    %eq3A_1512 = arith.cmpi eq, %and3A_6, %min3A_1511 : vector<16xi32>
    %select_n3A_1513 = arith.select %eq3A_1512, %broadcast_in_dim3A_15, %get3A_1483 : vector<16xi1>, vector<16xf32>
    %broadcast_in_dim3A_1514 = vector.shape_cast %xor3A_8 : vector<16xi32> to vector<16x1xi32>
    %gather3A_1515 = vector.shape_cast %broadcast_in_dim3A_1514 : vector<16x1xi32> to vector<16xi32>
    %gather3A_1516 = tpu.dynamic_gather %select_n3A_1513[%gather3A_1515] in [0] : vector<16xf32>, vector<16xi32> -> vector<16xf32>
    %max3A_1517 = arith.maximumf %select_n3A_1513, %gather3A_1516 : vector<16xf32>
    %broadcast_in_dim3A_1518 = vector.shape_cast %xor3A_11 : vector<16xi32> to vector<16x1xi32>
    %gather3A_1519 = vector.shape_cast %broadcast_in_dim3A_1518 : vector<16x1xi32> to vector<16xi32>
    %gather3A_1520 = tpu.dynamic_gather %max3A_1517[%gather3A_1519] in [0] : vector<16xf32>, vector<16xi32> -> vector<16xf32>
    %max3A_1521 = arith.maximumf %max3A_1517, %gather3A_1520 : vector<16xf32>
    %broadcast_in_dim3A_1522 = vector.shape_cast %xor3A_14 : vector<16xi32> to vector<16x1xi32>
    %gather3A_1523 = vector.shape_cast %broadcast_in_dim3A_1522 : vector<16x1xi32> to vector<16xi32>
    %gather3A_1524 = tpu.dynamic_gather %max3A_1521[%gather3A_1523] in [0] : vector<16xf32>, vector<16xi32> -> vector<16xf32>
    %max3A_1525 = arith.maximumf %max3A_1521, %gather3A_1524 : vector<16xf32>
    %eq3A_1526 = arith.cmpf oeq, %select_n3A_1513, %max3A_1525 : vector<16xf32>
    %jit3A_1527 = arith.constant 8 : i32
    %broadcast_in_dim3A_1528 = vector.broadcast %jit3A_1527 : i32 to vector<16xi32>
    %select_n3A_1529 = arith.select %eq3A_1526, %and3A_6, %broadcast_in_dim3A_1528 : vector<16xi1>, vector<16xi32>
    %broadcast_in_dim3A_1530 = vector.shape_cast %xor3A_8 : vector<16xi32> to vector<16x1xi32>
    %gather3A_1531 = vector.shape_cast %broadcast_in_dim3A_1530 : vector<16x1xi32> to vector<16xi32>
    %gather3A_1532 = tpu.dynamic_gather %select_n3A_1529[%gather3A_1531] in [0] : vector<16xi32>, vector<16xi32> -> vector<16xi32>
    %min3A_1533 = arith.minsi %select_n3A_1529, %gather3A_1532 : vector<16xi32>
    %broadcast_in_dim3A_1534 = vector.shape_cast %xor3A_11 : vector<16xi32> to vector<16x1xi32>
    %gather3A_1535 = vector.shape_cast %broadcast_in_dim3A_1534 : vector<16x1xi32> to vector<16xi32>
    %gather3A_1536 = tpu.dynamic_gather %min3A_1533[%gather3A_1535] in [0] : vector<16xi32>, vector<16xi32> -> vector<16xi32>
    %min3A_1537 = arith.minsi %min3A_1533, %gather3A_1536 : vector<16xi32>
    %broadcast_in_dim3A_1538 = vector.shape_cast %xor3A_14 : vector<16xi32> to vector<16x1xi32>
    %gather3A_1539 = vector.shape_cast %broadcast_in_dim3A_1538 : vector<16x1xi32> to vector<16xi32>
    %gather3A_1540 = tpu.dynamic_gather %min3A_1537[%gather3A_1539] in [0] : vector<16xi32>, vector<16xi32> -> vector<16xi32>
    %min3A_1541 = arith.minsi %min3A_1537, %gather3A_1540 : vector<16xi32>
    %sub3A_1542 = arith.subf %max3A_1525, %max3A_1495 : vector<16xf32>
    %exp3A_1543 = math.exp %sub3A_1542 : vector<16xf32>
    %add3A_1544 = arith.constant 1.000000e+00 : f32
    %add3A_1545 = vector.broadcast %add3A_1544 : f32 to vector<16xf32>
    %add3A_1546 = arith.addf %add3A_1545, %exp3A_1543 : vector<16xf32>
    %eq3A_1547 = arith.cmpi eq, %and3A_6, %min3A_1511 : vector<16xi32>
    %jit3A_1548 = arith.constant 1.000000e+00 : f32
    %jit3A_1549 = arith.constant 0.000000e+00 : f32
    %broadcast_in_dim3A_1550 = vector.broadcast %jit3A_1548 : f32 to vector<16xf32>
    %broadcast_in_dim3A_1551 = vector.broadcast %jit3A_1549 : f32 to vector<16xf32>
    %select_n3A_1552 = arith.select %eq3A_1547, %broadcast_in_dim3A_1550, %broadcast_in_dim3A_1551 : vector<16xi1>, vector<16xf32>
    %eq3A_1553 = arith.cmpi eq, %and3A_6, %min3A_1541 : vector<16xi32>
    %jit3A_1554 = arith.constant 0.000000e+00 : f32
    %broadcast_in_dim3A_1555 = vector.broadcast %jit3A_1554 : f32 to vector<16xf32>
    %select_n3A_1556 = arith.select %eq3A_1553, %exp3A_1543, %broadcast_in_dim3A_1555 : vector<16xi1>, vector<16xf32>
    %add3A_1557 = arith.addf %select_n3A_1552, %select_n3A_1556 : vector<16xf32>
    %div3A_1558 = arith.divf %add3A_1557, %add3A_1546 : vector<16xf32>
    %swap3A_1559 = arith.constant 288 : index
    %swap3A_1560 = tpu.vector_load %arg5[%swap3A_1559] {strides = array<i32>} : memref<512xf32, #tpu.memory_space<vmem>>, vector<16xf32>,
    %swap3A_1561 = vector.shape_cast %swap3A_1560 : vector<16xf32> to vector<16xf32>
    %swap3A_1562 = vector.shape_cast %div3A_1558 : vector<16xf32> to vector<16xf32>
    tpu.vector_store %arg5[%swap3A_1559], %swap3A_1562 {strides = array<i32>} : memref<512xf32, #tpu.memory_space<vmem>>, vector<16xf32>,
    %get3A_1563 = arith.constant 304 : index
    %get3A_1564 = tpu.vector_load %arg4[%get3A_1563] {strides = array<i32>} : memref<512xf32, #tpu.memory_space<vmem>>, vector<16xf32>,
    %get3A_1565 = vector.shape_cast %get3A_1564 : vector<16xf32> to vector<16xf32>
    %broadcast_in_dim3A_1566 = vector.shape_cast %xor3A_8 : vector<16xi32> to vector<16x1xi32>
    %gather3A_1567 = vector.shape_cast %broadcast_in_dim3A_1566 : vector<16x1xi32> to vector<16xi32>
    %gather3A_1568 = tpu.dynamic_gather %get3A_1565[%gather3A_1567] in [0] : vector<16xf32>, vector<16xi32> -> vector<16xf32>
    %max3A_1569 = arith.maximumf %get3A_1565, %gather3A_1568 : vector<16xf32>
    %broadcast_in_dim3A_1570 = vector.shape_cast %xor3A_11 : vector<16xi32> to vector<16x1xi32>
    %gather3A_1571 = vector.shape_cast %broadcast_in_dim3A_1570 : vector<16x1xi32> to vector<16xi32>
    %gather3A_1572 = tpu.dynamic_gather %max3A_1569[%gather3A_1571] in [0] : vector<16xf32>, vector<16xi32> -> vector<16xf32>
    %max3A_1573 = arith.maximumf %max3A_1569, %gather3A_1572 : vector<16xf32>
    %broadcast_in_dim3A_1574 = vector.shape_cast %xor3A_14 : vector<16xi32> to vector<16x1xi32>
    %gather3A_1575 = vector.shape_cast %broadcast_in_dim3A_1574 : vector<16x1xi32> to vector<16xi32>
    %gather3A_1576 = tpu.dynamic_gather %max3A_1573[%gather3A_1575] in [0] : vector<16xf32>, vector<16xi32> -> vector<16xf32>
    %max3A_1577 = arith.maximumf %max3A_1573, %gather3A_1576 : vector<16xf32>
    %eq3A_1578 = arith.cmpf oeq, %get3A_1565, %max3A_1577 : vector<16xf32>
    %jit3A_1579 = arith.constant 8 : i32
    %broadcast_in_dim3A_1580 = vector.broadcast %jit3A_1579 : i32 to vector<16xi32>
    %select_n3A_1581 = arith.select %eq3A_1578, %and3A_6, %broadcast_in_dim3A_1580 : vector<16xi1>, vector<16xi32>
    %broadcast_in_dim3A_1582 = vector.shape_cast %xor3A_8 : vector<16xi32> to vector<16x1xi32>
    %gather3A_1583 = vector.shape_cast %broadcast_in_dim3A_1582 : vector<16x1xi32> to vector<16xi32>
    %gather3A_1584 = tpu.dynamic_gather %select_n3A_1581[%gather3A_1583] in [0] : vector<16xi32>, vector<16xi32> -> vector<16xi32>
    %min3A_1585 = arith.minsi %select_n3A_1581, %gather3A_1584 : vector<16xi32>
    %broadcast_in_dim3A_1586 = vector.shape_cast %xor3A_11 : vector<16xi32> to vector<16x1xi32>
    %gather3A_1587 = vector.shape_cast %broadcast_in_dim3A_1586 : vector<16x1xi32> to vector<16xi32>
    %gather3A_1588 = tpu.dynamic_gather %min3A_1585[%gather3A_1587] in [0] : vector<16xi32>, vector<16xi32> -> vector<16xi32>
    %min3A_1589 = arith.minsi %min3A_1585, %gather3A_1588 : vector<16xi32>
    %broadcast_in_dim3A_1590 = vector.shape_cast %xor3A_14 : vector<16xi32> to vector<16x1xi32>
    %gather3A_1591 = vector.shape_cast %broadcast_in_dim3A_1590 : vector<16x1xi32> to vector<16xi32>
    %gather3A_1592 = tpu.dynamic_gather %min3A_1589[%gather3A_1591] in [0] : vector<16xi32>, vector<16xi32> -> vector<16xi32>
    %min3A_1593 = arith.minsi %min3A_1589, %gather3A_1592 : vector<16xi32>
    %eq3A_1594 = arith.cmpi eq, %and3A_6, %min3A_1593 : vector<16xi32>
    %select_n3A_1595 = arith.select %eq3A_1594, %broadcast_in_dim3A_15, %get3A_1565 : vector<16xi1>, vector<16xf32>
    %broadcast_in_dim3A_1596 = vector.shape_cast %xor3A_8 : vector<16xi32> to vector<16x1xi32>
    %gather3A_1597 = vector.shape_cast %broadcast_in_dim3A_1596 : vector<16x1xi32> to vector<16xi32>
    %gather3A_1598 = tpu.dynamic_gather %select_n3A_1595[%gather3A_1597] in [0] : vector<16xf32>, vector<16xi32> -> vector<16xf32>
    %max3A_1599 = arith.maximumf %select_n3A_1595, %gather3A_1598 : vector<16xf32>
    %broadcast_in_dim3A_1600 = vector.shape_cast %xor3A_11 : vector<16xi32> to vector<16x1xi32>
    %gather3A_1601 = vector.shape_cast %broadcast_in_dim3A_1600 : vector<16x1xi32> to vector<16xi32>
    %gather3A_1602 = tpu.dynamic_gather %max3A_1599[%gather3A_1601] in [0] : vector<16xf32>, vector<16xi32> -> vector<16xf32>
    %max3A_1603 = arith.maximumf %max3A_1599, %gather3A_1602 : vector<16xf32>
    %broadcast_in_dim3A_1604 = vector.shape_cast %xor3A_14 : vector<16xi32> to vector<16x1xi32>
    %gather3A_1605 = vector.shape_cast %broadcast_in_dim3A_1604 : vector<16x1xi32> to vector<16xi32>
    %gather3A_1606 = tpu.dynamic_gather %max3A_1603[%gather3A_1605] in [0] : vector<16xf32>, vector<16xi32> -> vector<16xf32>
    %max3A_1607 = arith.maximumf %max3A_1603, %gather3A_1606 : vector<16xf32>
    %eq3A_1608 = arith.cmpf oeq, %select_n3A_1595, %max3A_1607 : vector<16xf32>
    %jit3A_1609 = arith.constant 8 : i32
    %broadcast_in_dim3A_1610 = vector.broadcast %jit3A_1609 : i32 to vector<16xi32>
    %select_n3A_1611 = arith.select %eq3A_1608, %and3A_6, %broadcast_in_dim3A_1610 : vector<16xi1>, vector<16xi32>
    %broadcast_in_dim3A_1612 = vector.shape_cast %xor3A_8 : vector<16xi32> to vector<16x1xi32>
    %gather3A_1613 = vector.shape_cast %broadcast_in_dim3A_1612 : vector<16x1xi32> to vector<16xi32>
    %gather3A_1614 = tpu.dynamic_gather %select_n3A_1611[%gather3A_1613] in [0] : vector<16xi32>, vector<16xi32> -> vector<16xi32>
    %min3A_1615 = arith.minsi %select_n3A_1611, %gather3A_1614 : vector<16xi32>
    %broadcast_in_dim3A_1616 = vector.shape_cast %xor3A_11 : vector<16xi32> to vector<16x1xi32>
    %gather3A_1617 = vector.shape_cast %broadcast_in_dim3A_1616 : vector<16x1xi32> to vector<16xi32>
    %gather3A_1618 = tpu.dynamic_gather %min3A_1615[%gather3A_1617] in [0] : vector<16xi32>, vector<16xi32> -> vector<16xi32>
    %min3A_1619 = arith.minsi %min3A_1615, %gather3A_1618 : vector<16xi32>
    %broadcast_in_dim3A_1620 = vector.shape_cast %xor3A_14 : vector<16xi32> to vector<16x1xi32>
    %gather3A_1621 = vector.shape_cast %broadcast_in_dim3A_1620 : vector<16x1xi32> to vector<16xi32>
    %gather3A_1622 = tpu.dynamic_gather %min3A_1619[%gather3A_1621] in [0] : vector<16xi32>, vector<16xi32> -> vector<16xi32>
    %min3A_1623 = arith.minsi %min3A_1619, %gather3A_1622 : vector<16xi32>
    %sub3A_1624 = arith.subf %max3A_1607, %max3A_1577 : vector<16xf32>
    %exp3A_1625 = math.exp %sub3A_1624 : vector<16xf32>
    %add3A_1626 = arith.constant 1.000000e+00 : f32
    %add3A_1627 = vector.broadcast %add3A_1626 : f32 to vector<16xf32>
    %add3A_1628 = arith.addf %add3A_1627, %exp3A_1625 : vector<16xf32>
    %eq3A_1629 = arith.cmpi eq, %and3A_6, %min3A_1593 : vector<16xi32>
    %jit3A_1630 = arith.constant 1.000000e+00 : f32
    %jit3A_1631 = arith.constant 0.000000e+00 : f32
    %broadcast_in_dim3A_1632 = vector.broadcast %jit3A_1630 : f32 to vector<16xf32>
    %broadcast_in_dim3A_1633 = vector.broadcast %jit3A_1631 : f32 to vector<16xf32>
    %select_n3A_1634 = arith.select %eq3A_1629, %broadcast_in_dim3A_1632, %broadcast_in_dim3A_1633 : vector<16xi1>, vector<16xf32>
    %eq3A_1635 = arith.cmpi eq, %and3A_6, %min3A_1623 : vector<16xi32>
    %jit3A_1636 = arith.constant 0.000000e+00 : f32
    %broadcast_in_dim3A_1637 = vector.broadcast %jit3A_1636 : f32 to vector<16xf32>
    %select_n3A_1638 = arith.select %eq3A_1635, %exp3A_1625, %broadcast_in_dim3A_1637 : vector<16xi1>, vector<16xf32>
    %add3A_1639 = arith.addf %select_n3A_1634, %select_n3A_1638 : vector<16xf32>
    %div3A_1640 = arith.divf %add3A_1639, %add3A_1628 : vector<16xf32>
    %swap3A_1641 = arith.constant 304 : index
    %swap3A_1642 = tpu.vector_load %arg5[%swap3A_1641] {strides = array<i32>} : memref<512xf32, #tpu.memory_space<vmem>>, vector<16xf32>,
    %swap3A_1643 = vector.shape_cast %swap3A_1642 : vector<16xf32> to vector<16xf32>
    %swap3A_1644 = vector.shape_cast %div3A_1640 : vector<16xf32> to vector<16xf32>
    tpu.vector_store %arg5[%swap3A_1641], %swap3A_1644 {strides = array<i32>} : memref<512xf32, #tpu.memory_space<vmem>>, vector<16xf32>,
    %get3A_1645 = arith.constant 320 : index
    %get3A_1646 = tpu.vector_load %arg4[%get3A_1645] {strides = array<i32>} : memref<512xf32, #tpu.memory_space<vmem>>, vector<16xf32>,
    %get3A_1647 = vector.shape_cast %get3A_1646 : vector<16xf32> to vector<16xf32>
    %broadcast_in_dim3A_1648 = vector.shape_cast %xor3A_8 : vector<16xi32> to vector<16x1xi32>
    %gather3A_1649 = vector.shape_cast %broadcast_in_dim3A_1648 : vector<16x1xi32> to vector<16xi32>
    %gather3A_1650 = tpu.dynamic_gather %get3A_1647[%gather3A_1649] in [0] : vector<16xf32>, vector<16xi32> -> vector<16xf32>
    %max3A_1651 = arith.maximumf %get3A_1647, %gather3A_1650 : vector<16xf32>
    %broadcast_in_dim3A_1652 = vector.shape_cast %xor3A_11 : vector<16xi32> to vector<16x1xi32>
    %gather3A_1653 = vector.shape_cast %broadcast_in_dim3A_1652 : vector<16x1xi32> to vector<16xi32>
    %gather3A_1654 = tpu.dynamic_gather %max3A_1651[%gather3A_1653] in [0] : vector<16xf32>, vector<16xi32> -> vector<16xf32>
    %max3A_1655 = arith.maximumf %max3A_1651, %gather3A_1654 : vector<16xf32>
    %broadcast_in_dim3A_1656 = vector.shape_cast %xor3A_14 : vector<16xi32> to vector<16x1xi32>
    %gather3A_1657 = vector.shape_cast %broadcast_in_dim3A_1656 : vector<16x1xi32> to vector<16xi32>
    %gather3A_1658 = tpu.dynamic_gather %max3A_1655[%gather3A_1657] in [0] : vector<16xf32>, vector<16xi32> -> vector<16xf32>
    %max3A_1659 = arith.maximumf %max3A_1655, %gather3A_1658 : vector<16xf32>
    %eq3A_1660 = arith.cmpf oeq, %get3A_1647, %max3A_1659 : vector<16xf32>
    %jit3A_1661 = arith.constant 8 : i32
    %broadcast_in_dim3A_1662 = vector.broadcast %jit3A_1661 : i32 to vector<16xi32>
    %select_n3A_1663 = arith.select %eq3A_1660, %and3A_6, %broadcast_in_dim3A_1662 : vector<16xi1>, vector<16xi32>
    %broadcast_in_dim3A_1664 = vector.shape_cast %xor3A_8 : vector<16xi32> to vector<16x1xi32>
    %gather3A_1665 = vector.shape_cast %broadcast_in_dim3A_1664 : vector<16x1xi32> to vector<16xi32>
    %gather3A_1666 = tpu.dynamic_gather %select_n3A_1663[%gather3A_1665] in [0] : vector<16xi32>, vector<16xi32> -> vector<16xi32>
    %min3A_1667 = arith.minsi %select_n3A_1663, %gather3A_1666 : vector<16xi32>
    %broadcast_in_dim3A_1668 = vector.shape_cast %xor3A_11 : vector<16xi32> to vector<16x1xi32>
    %gather3A_1669 = vector.shape_cast %broadcast_in_dim3A_1668 : vector<16x1xi32> to vector<16xi32>
    %gather3A_1670 = tpu.dynamic_gather %min3A_1667[%gather3A_1669] in [0] : vector<16xi32>, vector<16xi32> -> vector<16xi32>
    %min3A_1671 = arith.minsi %min3A_1667, %gather3A_1670 : vector<16xi32>
    %broadcast_in_dim3A_1672 = vector.shape_cast %xor3A_14 : vector<16xi32> to vector<16x1xi32>
    %gather3A_1673 = vector.shape_cast %broadcast_in_dim3A_1672 : vector<16x1xi32> to vector<16xi32>
    %gather3A_1674 = tpu.dynamic_gather %min3A_1671[%gather3A_1673] in [0] : vector<16xi32>, vector<16xi32> -> vector<16xi32>
    %min3A_1675 = arith.minsi %min3A_1671, %gather3A_1674 : vector<16xi32>
    %eq3A_1676 = arith.cmpi eq, %and3A_6, %min3A_1675 : vector<16xi32>
    %select_n3A_1677 = arith.select %eq3A_1676, %broadcast_in_dim3A_15, %get3A_1647 : vector<16xi1>, vector<16xf32>
    %broadcast_in_dim3A_1678 = vector.shape_cast %xor3A_8 : vector<16xi32> to vector<16x1xi32>
    %gather3A_1679 = vector.shape_cast %broadcast_in_dim3A_1678 : vector<16x1xi32> to vector<16xi32>
    %gather3A_1680 = tpu.dynamic_gather %select_n3A_1677[%gather3A_1679] in [0] : vector<16xf32>, vector<16xi32> -> vector<16xf32>
    %max3A_1681 = arith.maximumf %select_n3A_1677, %gather3A_1680 : vector<16xf32>
    %broadcast_in_dim3A_1682 = vector.shape_cast %xor3A_11 : vector<16xi32> to vector<16x1xi32>
    %gather3A_1683 = vector.shape_cast %broadcast_in_dim3A_1682 : vector<16x1xi32> to vector<16xi32>
    %gather3A_1684 = tpu.dynamic_gather %max3A_1681[%gather3A_1683] in [0] : vector<16xf32>, vector<16xi32> -> vector<16xf32>
    %max3A_1685 = arith.maximumf %max3A_1681, %gather3A_1684 : vector<16xf32>
    %broadcast_in_dim3A_1686 = vector.shape_cast %xor3A_14 : vector<16xi32> to vector<16x1xi32>
    %gather3A_1687 = vector.shape_cast %broadcast_in_dim3A_1686 : vector<16x1xi32> to vector<16xi32>
    %gather3A_1688 = tpu.dynamic_gather %max3A_1685[%gather3A_1687] in [0] : vector<16xf32>, vector<16xi32> -> vector<16xf32>
    %max3A_1689 = arith.maximumf %max3A_1685, %gather3A_1688 : vector<16xf32>
    %eq3A_1690 = arith.cmpf oeq, %select_n3A_1677, %max3A_1689 : vector<16xf32>
    %jit3A_1691 = arith.constant 8 : i32
    %broadcast_in_dim3A_1692 = vector.broadcast %jit3A_1691 : i32 to vector<16xi32>
    %select_n3A_1693 = arith.select %eq3A_1690, %and3A_6, %broadcast_in_dim3A_1692 : vector<16xi1>, vector<16xi32>
    %broadcast_in_dim3A_1694 = vector.shape_cast %xor3A_8 : vector<16xi32> to vector<16x1xi32>
    %gather3A_1695 = vector.shape_cast %broadcast_in_dim3A_1694 : vector<16x1xi32> to vector<16xi32>
    %gather3A_1696 = tpu.dynamic_gather %select_n3A_1693[%gather3A_1695] in [0] : vector<16xi32>, vector<16xi32> -> vector<16xi32>
    %min3A_1697 = arith.minsi %select_n3A_1693, %gather3A_1696 : vector<16xi32>
    %broadcast_in_dim3A_1698 = vector.shape_cast %xor3A_11 : vector<16xi32> to vector<16x1xi32>
    %gather3A_1699 = vector.shape_cast %broadcast_in_dim3A_1698 : vector<16x1xi32> to vector<16xi32>
    %gather3A_1700 = tpu.dynamic_gather %min3A_1697[%gather3A_1699] in [0] : vector<16xi32>, vector<16xi32> -> vector<16xi32>
    %min3A_1701 = arith.minsi %min3A_1697, %gather3A_1700 : vector<16xi32>
    %broadcast_in_dim3A_1702 = vector.shape_cast %xor3A_14 : vector<16xi32> to vector<16x1xi32>
    %gather3A_1703 = vector.shape_cast %broadcast_in_dim3A_1702 : vector<16x1xi32> to vector<16xi32>
    %gather3A_1704 = tpu.dynamic_gather %min3A_1701[%gather3A_1703] in [0] : vector<16xi32>, vector<16xi32> -> vector<16xi32>
    %min3A_1705 = arith.minsi %min3A_1701, %gather3A_1704 : vector<16xi32>
    %sub3A_1706 = arith.subf %max3A_1689, %max3A_1659 : vector<16xf32>
    %exp3A_1707 = math.exp %sub3A_1706 : vector<16xf32>
    %add3A_1708 = arith.constant 1.000000e+00 : f32
    %add3A_1709 = vector.broadcast %add3A_1708 : f32 to vector<16xf32>
    %add3A_1710 = arith.addf %add3A_1709, %exp3A_1707 : vector<16xf32>
    %eq3A_1711 = arith.cmpi eq, %and3A_6, %min3A_1675 : vector<16xi32>
    %jit3A_1712 = arith.constant 1.000000e+00 : f32
    %jit3A_1713 = arith.constant 0.000000e+00 : f32
    %broadcast_in_dim3A_1714 = vector.broadcast %jit3A_1712 : f32 to vector<16xf32>
    %broadcast_in_dim3A_1715 = vector.broadcast %jit3A_1713 : f32 to vector<16xf32>
    %select_n3A_1716 = arith.select %eq3A_1711, %broadcast_in_dim3A_1714, %broadcast_in_dim3A_1715 : vector<16xi1>, vector<16xf32>
    %eq3A_1717 = arith.cmpi eq, %and3A_6, %min3A_1705 : vector<16xi32>
    %jit3A_1718 = arith.constant 0.000000e+00 : f32
    %broadcast_in_dim3A_1719 = vector.broadcast %jit3A_1718 : f32 to vector<16xf32>
    %select_n3A_1720 = arith.select %eq3A_1717, %exp3A_1707, %broadcast_in_dim3A_1719 : vector<16xi1>, vector<16xf32>
    %add3A_1721 = arith.addf %select_n3A_1716, %select_n3A_1720 : vector<16xf32>
    %div3A_1722 = arith.divf %add3A_1721, %add3A_1710 : vector<16xf32>
    %swap3A_1723 = arith.constant 320 : index
    %swap3A_1724 = tpu.vector_load %arg5[%swap3A_1723] {strides = array<i32>} : memref<512xf32, #tpu.memory_space<vmem>>, vector<16xf32>,
    %swap3A_1725 = vector.shape_cast %swap3A_1724 : vector<16xf32> to vector<16xf32>
    %swap3A_1726 = vector.shape_cast %div3A_1722 : vector<16xf32> to vector<16xf32>
    tpu.vector_store %arg5[%swap3A_1723], %swap3A_1726 {strides = array<i32>} : memref<512xf32, #tpu.memory_space<vmem>>, vector<16xf32>,
    %get3A_1727 = arith.constant 336 : index
    %get3A_1728 = tpu.vector_load %arg4[%get3A_1727] {strides = array<i32>} : memref<512xf32, #tpu.memory_space<vmem>>, vector<16xf32>,
    %get3A_1729 = vector.shape_cast %get3A_1728 : vector<16xf32> to vector<16xf32>
    %broadcast_in_dim3A_1730 = vector.shape_cast %xor3A_8 : vector<16xi32> to vector<16x1xi32>
    %gather3A_1731 = vector.shape_cast %broadcast_in_dim3A_1730 : vector<16x1xi32> to vector<16xi32>
    %gather3A_1732 = tpu.dynamic_gather %get3A_1729[%gather3A_1731] in [0] : vector<16xf32>, vector<16xi32> -> vector<16xf32>
    %max3A_1733 = arith.maximumf %get3A_1729, %gather3A_1732 : vector<16xf32>
    %broadcast_in_dim3A_1734 = vector.shape_cast %xor3A_11 : vector<16xi32> to vector<16x1xi32>
    %gather3A_1735 = vector.shape_cast %broadcast_in_dim3A_1734 : vector<16x1xi32> to vector<16xi32>
    %gather3A_1736 = tpu.dynamic_gather %max3A_1733[%gather3A_1735] in [0] : vector<16xf32>, vector<16xi32> -> vector<16xf32>
    %max3A_1737 = arith.maximumf %max3A_1733, %gather3A_1736 : vector<16xf32>
    %broadcast_in_dim3A_1738 = vector.shape_cast %xor3A_14 : vector<16xi32> to vector<16x1xi32>
    %gather3A_1739 = vector.shape_cast %broadcast_in_dim3A_1738 : vector<16x1xi32> to vector<16xi32>
    %gather3A_1740 = tpu.dynamic_gather %max3A_1737[%gather3A_1739] in [0] : vector<16xf32>, vector<16xi32> -> vector<16xf32>
    %max3A_1741 = arith.maximumf %max3A_1737, %gather3A_1740 : vector<16xf32>
    %eq3A_1742 = arith.cmpf oeq, %get3A_1729, %max3A_1741 : vector<16xf32>
    %jit3A_1743 = arith.constant 8 : i32
    %broadcast_in_dim3A_1744 = vector.broadcast %jit3A_1743 : i32 to vector<16xi32>
    %select_n3A_1745 = arith.select %eq3A_1742, %and3A_6, %broadcast_in_dim3A_1744 : vector<16xi1>, vector<16xi32>
    %broadcast_in_dim3A_1746 = vector.shape_cast %xor3A_8 : vector<16xi32> to vector<16x1xi32>
    %gather3A_1747 = vector.shape_cast %broadcast_in_dim3A_1746 : vector<16x1xi32> to vector<16xi32>
    %gather3A_1748 = tpu.dynamic_gather %select_n3A_1745[%gather3A_1747] in [0] : vector<16xi32>, vector<16xi32> -> vector<16xi32>
    %min3A_1749 = arith.minsi %select_n3A_1745, %gather3A_1748 : vector<16xi32>
    %broadcast_in_dim3A_1750 = vector.shape_cast %xor3A_11 : vector<16xi32> to vector<16x1xi32>
    %gather3A_1751 = vector.shape_cast %broadcast_in_dim3A_1750 : vector<16x1xi32> to vector<16xi32>
    %gather3A_1752 = tpu.dynamic_gather %min3A_1749[%gather3A_1751] in [0] : vector<16xi32>, vector<16xi32> -> vector<16xi32>
    %min3A_1753 = arith.minsi %min3A_1749, %gather3A_1752 : vector<16xi32>
    %broadcast_in_dim3A_1754 = vector.shape_cast %xor3A_14 : vector<16xi32> to vector<16x1xi32>
    %gather3A_1755 = vector.shape_cast %broadcast_in_dim3A_1754 : vector<16x1xi32> to vector<16xi32>
    %gather3A_1756 = tpu.dynamic_gather %min3A_1753[%gather3A_1755] in [0] : vector<16xi32>, vector<16xi32> -> vector<16xi32>
    %min3A_1757 = arith.minsi %min3A_1753, %gather3A_1756 : vector<16xi32>
    %eq3A_1758 = arith.cmpi eq, %and3A_6, %min3A_1757 : vector<16xi32>
    %select_n3A_1759 = arith.select %eq3A_1758, %broadcast_in_dim3A_15, %get3A_1729 : vector<16xi1>, vector<16xf32>
    %broadcast_in_dim3A_1760 = vector.shape_cast %xor3A_8 : vector<16xi32> to vector<16x1xi32>
    %gather3A_1761 = vector.shape_cast %broadcast_in_dim3A_1760 : vector<16x1xi32> to vector<16xi32>
    %gather3A_1762 = tpu.dynamic_gather %select_n3A_1759[%gather3A_1761] in [0] : vector<16xf32>, vector<16xi32> -> vector<16xf32>
    %max3A_1763 = arith.maximumf %select_n3A_1759, %gather3A_1762 : vector<16xf32>
    %broadcast_in_dim3A_1764 = vector.shape_cast %xor3A_11 : vector<16xi32> to vector<16x1xi32>
    %gather3A_1765 = vector.shape_cast %broadcast_in_dim3A_1764 : vector<16x1xi32> to vector<16xi32>
    %gather3A_1766 = tpu.dynamic_gather %max3A_1763[%gather3A_1765] in [0] : vector<16xf32>, vector<16xi32> -> vector<16xf32>
    %max3A_1767 = arith.maximumf %max3A_1763, %gather3A_1766 : vector<16xf32>
    %broadcast_in_dim3A_1768 = vector.shape_cast %xor3A_14 : vector<16xi32> to vector<16x1xi32>
    %gather3A_1769 = vector.shape_cast %broadcast_in_dim3A_1768 : vector<16x1xi32> to vector<16xi32>
    %gather3A_1770 = tpu.dynamic_gather %max3A_1767[%gather3A_1769] in [0] : vector<16xf32>, vector<16xi32> -> vector<16xf32>
    %max3A_1771 = arith.maximumf %max3A_1767, %gather3A_1770 : vector<16xf32>
    %eq3A_1772 = arith.cmpf oeq, %select_n3A_1759, %max3A_1771 : vector<16xf32>
    %jit3A_1773 = arith.constant 8 : i32
    %broadcast_in_dim3A_1774 = vector.broadcast %jit3A_1773 : i32 to vector<16xi32>
    %select_n3A_1775 = arith.select %eq3A_1772, %and3A_6, %broadcast_in_dim3A_1774 : vector<16xi1>, vector<16xi32>
    %broadcast_in_dim3A_1776 = vector.shape_cast %xor3A_8 : vector<16xi32> to vector<16x1xi32>
    %gather3A_1777 = vector.shape_cast %broadcast_in_dim3A_1776 : vector<16x1xi32> to vector<16xi32>
    %gather3A_1778 = tpu.dynamic_gather %select_n3A_1775[%gather3A_1777] in [0] : vector<16xi32>, vector<16xi32> -> vector<16xi32>
    %min3A_1779 = arith.minsi %select_n3A_1775, %gather3A_1778 : vector<16xi32>
    %broadcast_in_dim3A_1780 = vector.shape_cast %xor3A_11 : vector<16xi32> to vector<16x1xi32>
    %gather3A_1781 = vector.shape_cast %broadcast_in_dim3A_1780 : vector<16x1xi32> to vector<16xi32>
    %gather3A_1782 = tpu.dynamic_gather %min3A_1779[%gather3A_1781] in [0] : vector<16xi32>, vector<16xi32> -> vector<16xi32>
    %min3A_1783 = arith.minsi %min3A_1779, %gather3A_1782 : vector<16xi32>
    %broadcast_in_dim3A_1784 = vector.shape_cast %xor3A_14 : vector<16xi32> to vector<16x1xi32>
    %gather3A_1785 = vector.shape_cast %broadcast_in_dim3A_1784 : vector<16x1xi32> to vector<16xi32>
    %gather3A_1786 = tpu.dynamic_gather %min3A_1783[%gather3A_1785] in [0] : vector<16xi32>, vector<16xi32> -> vector<16xi32>
    %min3A_1787 = arith.minsi %min3A_1783, %gather3A_1786 : vector<16xi32>
    %sub3A_1788 = arith.subf %max3A_1771, %max3A_1741 : vector<16xf32>
    %exp3A_1789 = math.exp %sub3A_1788 : vector<16xf32>
    %add3A_1790 = arith.constant 1.000000e+00 : f32
    %add3A_1791 = vector.broadcast %add3A_1790 : f32 to vector<16xf32>
    %add3A_1792 = arith.addf %add3A_1791, %exp3A_1789 : vector<16xf32>
    %eq3A_1793 = arith.cmpi eq, %and3A_6, %min3A_1757 : vector<16xi32>
    %jit3A_1794 = arith.constant 1.000000e+00 : f32
    %jit3A_1795 = arith.constant 0.000000e+00 : f32
    %broadcast_in_dim3A_1796 = vector.broadcast %jit3A_1794 : f32 to vector<16xf32>
    %broadcast_in_dim3A_1797 = vector.broadcast %jit3A_1795 : f32 to vector<16xf32>
    %select_n3A_1798 = arith.select %eq3A_1793, %broadcast_in_dim3A_1796, %broadcast_in_dim3A_1797 : vector<16xi1>, vector<16xf32>
    %eq3A_1799 = arith.cmpi eq, %and3A_6, %min3A_1787 : vector<16xi32>
    %jit3A_1800 = arith.constant 0.000000e+00 : f32
    %broadcast_in_dim3A_1801 = vector.broadcast %jit3A_1800 : f32 to vector<16xf32>
    %select_n3A_1802 = arith.select %eq3A_1799, %exp3A_1789, %broadcast_in_dim3A_1801 : vector<16xi1>, vector<16xf32>
    %add3A_1803 = arith.addf %select_n3A_1798, %select_n3A_1802 : vector<16xf32>
    %div3A_1804 = arith.divf %add3A_1803, %add3A_1792 : vector<16xf32>
    %swap3A_1805 = arith.constant 336 : index
    %swap3A_1806 = tpu.vector_load %arg5[%swap3A_1805] {strides = array<i32>} : memref<512xf32, #tpu.memory_space<vmem>>, vector<16xf32>,
    %swap3A_1807 = vector.shape_cast %swap3A_1806 : vector<16xf32> to vector<16xf32>
    %swap3A_1808 = vector.shape_cast %div3A_1804 : vector<16xf32> to vector<16xf32>
    tpu.vector_store %arg5[%swap3A_1805], %swap3A_1808 {strides = array<i32>} : memref<512xf32, #tpu.memory_space<vmem>>, vector<16xf32>,
    %get3A_1809 = arith.constant 352 : index
    %get3A_1810 = tpu.vector_load %arg4[%get3A_1809] {strides = array<i32>} : memref<512xf32, #tpu.memory_space<vmem>>, vector<16xf32>,
    %get3A_1811 = vector.shape_cast %get3A_1810 : vector<16xf32> to vector<16xf32>
    %broadcast_in_dim3A_1812 = vector.shape_cast %xor3A_8 : vector<16xi32> to vector<16x1xi32>
    %gather3A_1813 = vector.shape_cast %broadcast_in_dim3A_1812 : vector<16x1xi32> to vector<16xi32>
    %gather3A_1814 = tpu.dynamic_gather %get3A_1811[%gather3A_1813] in [0] : vector<16xf32>, vector<16xi32> -> vector<16xf32>
    %max3A_1815 = arith.maximumf %get3A_1811, %gather3A_1814 : vector<16xf32>
    %broadcast_in_dim3A_1816 = vector.shape_cast %xor3A_11 : vector<16xi32> to vector<16x1xi32>
    %gather3A_1817 = vector.shape_cast %broadcast_in_dim3A_1816 : vector<16x1xi32> to vector<16xi32>
    %gather3A_1818 = tpu.dynamic_gather %max3A_1815[%gather3A_1817] in [0] : vector<16xf32>, vector<16xi32> -> vector<16xf32>
    %max3A_1819 = arith.maximumf %max3A_1815, %gather3A_1818 : vector<16xf32>
    %broadcast_in_dim3A_1820 = vector.shape_cast %xor3A_14 : vector<16xi32> to vector<16x1xi32>
    %gather3A_1821 = vector.shape_cast %broadcast_in_dim3A_1820 : vector<16x1xi32> to vector<16xi32>
    %gather3A_1822 = tpu.dynamic_gather %max3A_1819[%gather3A_1821] in [0] : vector<16xf32>, vector<16xi32> -> vector<16xf32>
    %max3A_1823 = arith.maximumf %max3A_1819, %gather3A_1822 : vector<16xf32>
    %eq3A_1824 = arith.cmpf oeq, %get3A_1811, %max3A_1823 : vector<16xf32>
    %jit3A_1825 = arith.constant 8 : i32
    %broadcast_in_dim3A_1826 = vector.broadcast %jit3A_1825 : i32 to vector<16xi32>
    %select_n3A_1827 = arith.select %eq3A_1824, %and3A_6, %broadcast_in_dim3A_1826 : vector<16xi1>, vector<16xi32>
    %broadcast_in_dim3A_1828 = vector.shape_cast %xor3A_8 : vector<16xi32> to vector<16x1xi32>
    %gather3A_1829 = vector.shape_cast %broadcast_in_dim3A_1828 : vector<16x1xi32> to vector<16xi32>
    %gather3A_1830 = tpu.dynamic_gather %select_n3A_1827[%gather3A_1829] in [0] : vector<16xi32>, vector<16xi32> -> vector<16xi32>
    %min3A_1831 = arith.minsi %select_n3A_1827, %gather3A_1830 : vector<16xi32>
    %broadcast_in_dim3A_1832 = vector.shape_cast %xor3A_11 : vector<16xi32> to vector<16x1xi32>
    %gather3A_1833 = vector.shape_cast %broadcast_in_dim3A_1832 : vector<16x1xi32> to vector<16xi32>
    %gather3A_1834 = tpu.dynamic_gather %min3A_1831[%gather3A_1833] in [0] : vector<16xi32>, vector<16xi32> -> vector<16xi32>
    %min3A_1835 = arith.minsi %min3A_1831, %gather3A_1834 : vector<16xi32>
    %broadcast_in_dim3A_1836 = vector.shape_cast %xor3A_14 : vector<16xi32> to vector<16x1xi32>
    %gather3A_1837 = vector.shape_cast %broadcast_in_dim3A_1836 : vector<16x1xi32> to vector<16xi32>
    %gather3A_1838 = tpu.dynamic_gather %min3A_1835[%gather3A_1837] in [0] : vector<16xi32>, vector<16xi32> -> vector<16xi32>
    %min3A_1839 = arith.minsi %min3A_1835, %gather3A_1838 : vector<16xi32>
    %eq3A_1840 = arith.cmpi eq, %and3A_6, %min3A_1839 : vector<16xi32>
    %select_n3A_1841 = arith.select %eq3A_1840, %broadcast_in_dim3A_15, %get3A_1811 : vector<16xi1>, vector<16xf32>
    %broadcast_in_dim3A_1842 = vector.shape_cast %xor3A_8 : vector<16xi32> to vector<16x1xi32>
    %gather3A_1843 = vector.shape_cast %broadcast_in_dim3A_1842 : vector<16x1xi32> to vector<16xi32>
    %gather3A_1844 = tpu.dynamic_gather %select_n3A_1841[%gather3A_1843] in [0] : vector<16xf32>, vector<16xi32> -> vector<16xf32>
    %max3A_1845 = arith.maximumf %select_n3A_1841, %gather3A_1844 : vector<16xf32>
    %broadcast_in_dim3A_1846 = vector.shape_cast %xor3A_11 : vector<16xi32> to vector<16x1xi32>
    %gather3A_1847 = vector.shape_cast %broadcast_in_dim3A_1846 : vector<16x1xi32> to vector<16xi32>
    %gather3A_1848 = tpu.dynamic_gather %max3A_1845[%gather3A_1847] in [0] : vector<16xf32>, vector<16xi32> -> vector<16xf32>
    %max3A_1849 = arith.maximumf %max3A_1845, %gather3A_1848 : vector<16xf32>
    %broadcast_in_dim3A_1850 = vector.shape_cast %xor3A_14 : vector<16xi32> to vector<16x1xi32>
    %gather3A_1851 = vector.shape_cast %broadcast_in_dim3A_1850 : vector<16x1xi32> to vector<16xi32>
    %gather3A_1852 = tpu.dynamic_gather %max3A_1849[%gather3A_1851] in [0] : vector<16xf32>, vector<16xi32> -> vector<16xf32>
    %max3A_1853 = arith.maximumf %max3A_1849, %gather3A_1852 : vector<16xf32>
    %eq3A_1854 = arith.cmpf oeq, %select_n3A_1841, %max3A_1853 : vector<16xf32>
    %jit3A_1855 = arith.constant 8 : i32
    %broadcast_in_dim3A_1856 = vector.broadcast %jit3A_1855 : i32 to vector<16xi32>
    %select_n3A_1857 = arith.select %eq3A_1854, %and3A_6, %broadcast_in_dim3A_1856 : vector<16xi1>, vector<16xi32>
    %broadcast_in_dim3A_1858 = vector.shape_cast %xor3A_8 : vector<16xi32> to vector<16x1xi32>
    %gather3A_1859 = vector.shape_cast %broadcast_in_dim3A_1858 : vector<16x1xi32> to vector<16xi32>
    %gather3A_1860 = tpu.dynamic_gather %select_n3A_1857[%gather3A_1859] in [0] : vector<16xi32>, vector<16xi32> -> vector<16xi32>
    %min3A_1861 = arith.minsi %select_n3A_1857, %gather3A_1860 : vector<16xi32>
    %broadcast_in_dim3A_1862 = vector.shape_cast %xor3A_11 : vector<16xi32> to vector<16x1xi32>
    %gather3A_1863 = vector.shape_cast %broadcast_in_dim3A_1862 : vector<16x1xi32> to vector<16xi32>
    %gather3A_1864 = tpu.dynamic_gather %min3A_1861[%gather3A_1863] in [0] : vector<16xi32>, vector<16xi32> -> vector<16xi32>
    %min3A_1865 = arith.minsi %min3A_1861, %gather3A_1864 : vector<16xi32>
    %broadcast_in_dim3A_1866 = vector.shape_cast %xor3A_14 : vector<16xi32> to vector<16x1xi32>
    %gather3A_1867 = vector.shape_cast %broadcast_in_dim3A_1866 : vector<16x1xi32> to vector<16xi32>
    %gather3A_1868 = tpu.dynamic_gather %min3A_1865[%gather3A_1867] in [0] : vector<16xi32>, vector<16xi32> -> vector<16xi32>
    %min3A_1869 = arith.minsi %min3A_1865, %gather3A_1868 : vector<16xi32>
    %sub3A_1870 = arith.subf %max3A_1853, %max3A_1823 : vector<16xf32>
    %exp3A_1871 = math.exp %sub3A_1870 : vector<16xf32>
    %add3A_1872 = arith.constant 1.000000e+00 : f32
    %add3A_1873 = vector.broadcast %add3A_1872 : f32 to vector<16xf32>
    %add3A_1874 = arith.addf %add3A_1873, %exp3A_1871 : vector<16xf32>
    %eq3A_1875 = arith.cmpi eq, %and3A_6, %min3A_1839 : vector<16xi32>
    %jit3A_1876 = arith.constant 1.000000e+00 : f32
    %jit3A_1877 = arith.constant 0.000000e+00 : f32
    %broadcast_in_dim3A_1878 = vector.broadcast %jit3A_1876 : f32 to vector<16xf32>
    %broadcast_in_dim3A_1879 = vector.broadcast %jit3A_1877 : f32 to vector<16xf32>
    %select_n3A_1880 = arith.select %eq3A_1875, %broadcast_in_dim3A_1878, %broadcast_in_dim3A_1879 : vector<16xi1>, vector<16xf32>
    %eq3A_1881 = arith.cmpi eq, %and3A_6, %min3A_1869 : vector<16xi32>
    %jit3A_1882 = arith.constant 0.000000e+00 : f32
    %broadcast_in_dim3A_1883 = vector.broadcast %jit3A_1882 : f32 to vector<16xf32>
    %select_n3A_1884 = arith.select %eq3A_1881, %exp3A_1871, %broadcast_in_dim3A_1883 : vector<16xi1>, vector<16xf32>
    %add3A_1885 = arith.addf %select_n3A_1880, %select_n3A_1884 : vector<16xf32>
    %div3A_1886 = arith.divf %add3A_1885, %add3A_1874 : vector<16xf32>
    %swap3A_1887 = arith.constant 352 : index
    %swap3A_1888 = tpu.vector_load %arg5[%swap3A_1887] {strides = array<i32>} : memref<512xf32, #tpu.memory_space<vmem>>, vector<16xf32>,
    %swap3A_1889 = vector.shape_cast %swap3A_1888 : vector<16xf32> to vector<16xf32>
    %swap3A_1890 = vector.shape_cast %div3A_1886 : vector<16xf32> to vector<16xf32>
    tpu.vector_store %arg5[%swap3A_1887], %swap3A_1890 {strides = array<i32>} : memref<512xf32, #tpu.memory_space<vmem>>, vector<16xf32>,
    %get3A_1891 = arith.constant 368 : index
    %get3A_1892 = tpu.vector_load %arg4[%get3A_1891] {strides = array<i32>} : memref<512xf32, #tpu.memory_space<vmem>>, vector<16xf32>,
    %get3A_1893 = vector.shape_cast %get3A_1892 : vector<16xf32> to vector<16xf32>
    %broadcast_in_dim3A_1894 = vector.shape_cast %xor3A_8 : vector<16xi32> to vector<16x1xi32>
    %gather3A_1895 = vector.shape_cast %broadcast_in_dim3A_1894 : vector<16x1xi32> to vector<16xi32>
    %gather3A_1896 = tpu.dynamic_gather %get3A_1893[%gather3A_1895] in [0] : vector<16xf32>, vector<16xi32> -> vector<16xf32>
    %max3A_1897 = arith.maximumf %get3A_1893, %gather3A_1896 : vector<16xf32>
    %broadcast_in_dim3A_1898 = vector.shape_cast %xor3A_11 : vector<16xi32> to vector<16x1xi32>
    %gather3A_1899 = vector.shape_cast %broadcast_in_dim3A_1898 : vector<16x1xi32> to vector<16xi32>
    %gather3A_1900 = tpu.dynamic_gather %max3A_1897[%gather3A_1899] in [0] : vector<16xf32>, vector<16xi32> -> vector<16xf32>
    %max3A_1901 = arith.maximumf %max3A_1897, %gather3A_1900 : vector<16xf32>
    %broadcast_in_dim3A_1902 = vector.shape_cast %xor3A_14 : vector<16xi32> to vector<16x1xi32>
    %gather3A_1903 = vector.shape_cast %broadcast_in_dim3A_1902 : vector<16x1xi32> to vector<16xi32>
    %gather3A_1904 = tpu.dynamic_gather %max3A_1901[%gather3A_1903] in [0] : vector<16xf32>, vector<16xi32> -> vector<16xf32>
    %max3A_1905 = arith.maximumf %max3A_1901, %gather3A_1904 : vector<16xf32>
    %eq3A_1906 = arith.cmpf oeq, %get3A_1893, %max3A_1905 : vector<16xf32>
    %jit3A_1907 = arith.constant 8 : i32
    %broadcast_in_dim3A_1908 = vector.broadcast %jit3A_1907 : i32 to vector<16xi32>
    %select_n3A_1909 = arith.select %eq3A_1906, %and3A_6, %broadcast_in_dim3A_1908 : vector<16xi1>, vector<16xi32>
    %broadcast_in_dim3A_1910 = vector.shape_cast %xor3A_8 : vector<16xi32> to vector<16x1xi32>
    %gather3A_1911 = vector.shape_cast %broadcast_in_dim3A_1910 : vector<16x1xi32> to vector<16xi32>
    %gather3A_1912 = tpu.dynamic_gather %select_n3A_1909[%gather3A_1911] in [0] : vector<16xi32>, vector<16xi32> -> vector<16xi32>
    %min3A_1913 = arith.minsi %select_n3A_1909, %gather3A_1912 : vector<16xi32>
    %broadcast_in_dim3A_1914 = vector.shape_cast %xor3A_11 : vector<16xi32> to vector<16x1xi32>
    %gather3A_1915 = vector.shape_cast %broadcast_in_dim3A_1914 : vector<16x1xi32> to vector<16xi32>
    %gather3A_1916 = tpu.dynamic_gather %min3A_1913[%gather3A_1915] in [0] : vector<16xi32>, vector<16xi32> -> vector<16xi32>
    %min3A_1917 = arith.minsi %min3A_1913, %gather3A_1916 : vector<16xi32>
    %broadcast_in_dim3A_1918 = vector.shape_cast %xor3A_14 : vector<16xi32> to vector<16x1xi32>
    %gather3A_1919 = vector.shape_cast %broadcast_in_dim3A_1918 : vector<16x1xi32> to vector<16xi32>
    %gather3A_1920 = tpu.dynamic_gather %min3A_1917[%gather3A_1919] in [0] : vector<16xi32>, vector<16xi32> -> vector<16xi32>
    %min3A_1921 = arith.minsi %min3A_1917, %gather3A_1920 : vector<16xi32>
    %eq3A_1922 = arith.cmpi eq, %and3A_6, %min3A_1921 : vector<16xi32>
    %select_n3A_1923 = arith.select %eq3A_1922, %broadcast_in_dim3A_15, %get3A_1893 : vector<16xi1>, vector<16xf32>
    %broadcast_in_dim3A_1924 = vector.shape_cast %xor3A_8 : vector<16xi32> to vector<16x1xi32>
    %gather3A_1925 = vector.shape_cast %broadcast_in_dim3A_1924 : vector<16x1xi32> to vector<16xi32>
    %gather3A_1926 = tpu.dynamic_gather %select_n3A_1923[%gather3A_1925] in [0] : vector<16xf32>, vector<16xi32> -> vector<16xf32>
    %max3A_1927 = arith.maximumf %select_n3A_1923, %gather3A_1926 : vector<16xf32>
    %broadcast_in_dim3A_1928 = vector.shape_cast %xor3A_11 : vector<16xi32> to vector<16x1xi32>
    %gather3A_1929 = vector.shape_cast %broadcast_in_dim3A_1928 : vector<16x1xi32> to vector<16xi32>
    %gather3A_1930 = tpu.dynamic_gather %max3A_1927[%gather3A_1929] in [0] : vector<16xf32>, vector<16xi32> -> vector<16xf32>
    %max3A_1931 = arith.maximumf %max3A_1927, %gather3A_1930 : vector<16xf32>
    %broadcast_in_dim3A_1932 = vector.shape_cast %xor3A_14 : vector<16xi32> to vector<16x1xi32>
    %gather3A_1933 = vector.shape_cast %broadcast_in_dim3A_1932 : vector<16x1xi32> to vector<16xi32>
    %gather3A_1934 = tpu.dynamic_gather %max3A_1931[%gather3A_1933] in [0] : vector<16xf32>, vector<16xi32> -> vector<16xf32>
    %max3A_1935 = arith.maximumf %max3A_1931, %gather3A_1934 : vector<16xf32>
    %eq3A_1936 = arith.cmpf oeq, %select_n3A_1923, %max3A_1935 : vector<16xf32>
    %jit3A_1937 = arith.constant 8 : i32
    %broadcast_in_dim3A_1938 = vector.broadcast %jit3A_1937 : i32 to vector<16xi32>
    %select_n3A_1939 = arith.select %eq3A_1936, %and3A_6, %broadcast_in_dim3A_1938 : vector<16xi1>, vector<16xi32>
    %broadcast_in_dim3A_1940 = vector.shape_cast %xor3A_8 : vector<16xi32> to vector<16x1xi32>
    %gather3A_1941 = vector.shape_cast %broadcast_in_dim3A_1940 : vector<16x1xi32> to vector<16xi32>
    %gather3A_1942 = tpu.dynamic_gather %select_n3A_1939[%gather3A_1941] in [0] : vector<16xi32>, vector<16xi32> -> vector<16xi32>
    %min3A_1943 = arith.minsi %select_n3A_1939, %gather3A_1942 : vector<16xi32>
    %broadcast_in_dim3A_1944 = vector.shape_cast %xor3A_11 : vector<16xi32> to vector<16x1xi32>
    %gather3A_1945 = vector.shape_cast %broadcast_in_dim3A_1944 : vector<16x1xi32> to vector<16xi32>
    %gather3A_1946 = tpu.dynamic_gather %min3A_1943[%gather3A_1945] in [0] : vector<16xi32>, vector<16xi32> -> vector<16xi32>
    %min3A_1947 = arith.minsi %min3A_1943, %gather3A_1946 : vector<16xi32>
    %broadcast_in_dim3A_1948 = vector.shape_cast %xor3A_14 : vector<16xi32> to vector<16x1xi32>
    %gather3A_1949 = vector.shape_cast %broadcast_in_dim3A_1948 : vector<16x1xi32> to vector<16xi32>
    %gather3A_1950 = tpu.dynamic_gather %min3A_1947[%gather3A_1949] in [0] : vector<16xi32>, vector<16xi32> -> vector<16xi32>
    %min3A_1951 = arith.minsi %min3A_1947, %gather3A_1950 : vector<16xi32>
    %sub3A_1952 = arith.subf %max3A_1935, %max3A_1905 : vector<16xf32>
    %exp3A_1953 = math.exp %sub3A_1952 : vector<16xf32>
    %add3A_1954 = arith.constant 1.000000e+00 : f32
    %add3A_1955 = vector.broadcast %add3A_1954 : f32 to vector<16xf32>
    %add3A_1956 = arith.addf %add3A_1955, %exp3A_1953 : vector<16xf32>
    %eq3A_1957 = arith.cmpi eq, %and3A_6, %min3A_1921 : vector<16xi32>
    %jit3A_1958 = arith.constant 1.000000e+00 : f32
    %jit3A_1959 = arith.constant 0.000000e+00 : f32
    %broadcast_in_dim3A_1960 = vector.broadcast %jit3A_1958 : f32 to vector<16xf32>
    %broadcast_in_dim3A_1961 = vector.broadcast %jit3A_1959 : f32 to vector<16xf32>
    %select_n3A_1962 = arith.select %eq3A_1957, %broadcast_in_dim3A_1960, %broadcast_in_dim3A_1961 : vector<16xi1>, vector<16xf32>
    %eq3A_1963 = arith.cmpi eq, %and3A_6, %min3A_1951 : vector<16xi32>
    %jit3A_1964 = arith.constant 0.000000e+00 : f32
    %broadcast_in_dim3A_1965 = vector.broadcast %jit3A_1964 : f32 to vector<16xf32>
    %select_n3A_1966 = arith.select %eq3A_1963, %exp3A_1953, %broadcast_in_dim3A_1965 : vector<16xi1>, vector<16xf32>
    %add3A_1967 = arith.addf %select_n3A_1962, %select_n3A_1966 : vector<16xf32>
    %div3A_1968 = arith.divf %add3A_1967, %add3A_1956 : vector<16xf32>
    %swap3A_1969 = arith.constant 368 : index
    %swap3A_1970 = tpu.vector_load %arg5[%swap3A_1969] {strides = array<i32>} : memref<512xf32, #tpu.memory_space<vmem>>, vector<16xf32>,
    %swap3A_1971 = vector.shape_cast %swap3A_1970 : vector<16xf32> to vector<16xf32>
    %swap3A_1972 = vector.shape_cast %div3A_1968 : vector<16xf32> to vector<16xf32>
    tpu.vector_store %arg5[%swap3A_1969], %swap3A_1972 {strides = array<i32>} : memref<512xf32, #tpu.memory_space<vmem>>, vector<16xf32>,
    %get3A_1973 = arith.constant 384 : index
    %get3A_1974 = tpu.vector_load %arg4[%get3A_1973] {strides = array<i32>} : memref<512xf32, #tpu.memory_space<vmem>>, vector<16xf32>,
    %get3A_1975 = vector.shape_cast %get3A_1974 : vector<16xf32> to vector<16xf32>
    %broadcast_in_dim3A_1976 = vector.shape_cast %xor3A_8 : vector<16xi32> to vector<16x1xi32>
    %gather3A_1977 = vector.shape_cast %broadcast_in_dim3A_1976 : vector<16x1xi32> to vector<16xi32>
    %gather3A_1978 = tpu.dynamic_gather %get3A_1975[%gather3A_1977] in [0] : vector<16xf32>, vector<16xi32> -> vector<16xf32>
    %max3A_1979 = arith.maximumf %get3A_1975, %gather3A_1978 : vector<16xf32>
    %broadcast_in_dim3A_1980 = vector.shape_cast %xor3A_11 : vector<16xi32> to vector<16x1xi32>
    %gather3A_1981 = vector.shape_cast %broadcast_in_dim3A_1980 : vector<16x1xi32> to vector<16xi32>
    %gather3A_1982 = tpu.dynamic_gather %max3A_1979[%gather3A_1981] in [0] : vector<16xf32>, vector<16xi32> -> vector<16xf32>
    %max3A_1983 = arith.maximumf %max3A_1979, %gather3A_1982 : vector<16xf32>
    %broadcast_in_dim3A_1984 = vector.shape_cast %xor3A_14 : vector<16xi32> to vector<16x1xi32>
    %gather3A_1985 = vector.shape_cast %broadcast_in_dim3A_1984 : vector<16x1xi32> to vector<16xi32>
    %gather3A_1986 = tpu.dynamic_gather %max3A_1983[%gather3A_1985] in [0] : vector<16xf32>, vector<16xi32> -> vector<16xf32>
    %max3A_1987 = arith.maximumf %max3A_1983, %gather3A_1986 : vector<16xf32>
    %eq3A_1988 = arith.cmpf oeq, %get3A_1975, %max3A_1987 : vector<16xf32>
    %jit3A_1989 = arith.constant 8 : i32
    %broadcast_in_dim3A_1990 = vector.broadcast %jit3A_1989 : i32 to vector<16xi32>
    %select_n3A_1991 = arith.select %eq3A_1988, %and3A_6, %broadcast_in_dim3A_1990 : vector<16xi1>, vector<16xi32>
    %broadcast_in_dim3A_1992 = vector.shape_cast %xor3A_8 : vector<16xi32> to vector<16x1xi32>
    %gather3A_1993 = vector.shape_cast %broadcast_in_dim3A_1992 : vector<16x1xi32> to vector<16xi32>
    %gather3A_1994 = tpu.dynamic_gather %select_n3A_1991[%gather3A_1993] in [0] : vector<16xi32>, vector<16xi32> -> vector<16xi32>
    %min3A_1995 = arith.minsi %select_n3A_1991, %gather3A_1994 : vector<16xi32>
    %broadcast_in_dim3A_1996 = vector.shape_cast %xor3A_11 : vector<16xi32> to vector<16x1xi32>
    %gather3A_1997 = vector.shape_cast %broadcast_in_dim3A_1996 : vector<16x1xi32> to vector<16xi32>
    %gather3A_1998 = tpu.dynamic_gather %min3A_1995[%gather3A_1997] in [0] : vector<16xi32>, vector<16xi32> -> vector<16xi32>
    %min3A_1999 = arith.minsi %min3A_1995, %gather3A_1998 : vector<16xi32>
    %broadcast_in_dim3A_2000 = vector.shape_cast %xor3A_14 : vector<16xi32> to vector<16x1xi32>
    %gather3A_2001 = vector.shape_cast %broadcast_in_dim3A_2000 : vector<16x1xi32> to vector<16xi32>
    %gather3A_2002 = tpu.dynamic_gather %min3A_1999[%gather3A_2001] in [0] : vector<16xi32>, vector<16xi32> -> vector<16xi32>
    %min3A_2003 = arith.minsi %min3A_1999, %gather3A_2002 : vector<16xi32>
    %eq3A_2004 = arith.cmpi eq, %and3A_6, %min3A_2003 : vector<16xi32>
    %select_n3A_2005 = arith.select %eq3A_2004, %broadcast_in_dim3A_15, %get3A_1975 : vector<16xi1>, vector<16xf32>
    %broadcast_in_dim3A_2006 = vector.shape_cast %xor3A_8 : vector<16xi32> to vector<16x1xi32>
    %gather3A_2007 = vector.shape_cast %broadcast_in_dim3A_2006 : vector<16x1xi32> to vector<16xi32>
    %gather3A_2008 = tpu.dynamic_gather %select_n3A_2005[%gather3A_2007] in [0] : vector<16xf32>, vector<16xi32> -> vector<16xf32>
    %max3A_2009 = arith.maximumf %select_n3A_2005, %gather3A_2008 : vector<16xf32>
    %broadcast_in_dim3A_2010 = vector.shape_cast %xor3A_11 : vector<16xi32> to vector<16x1xi32>
    %gather3A_2011 = vector.shape_cast %broadcast_in_dim3A_2010 : vector<16x1xi32> to vector<16xi32>
    %gather3A_2012 = tpu.dynamic_gather %max3A_2009[%gather3A_2011] in [0] : vector<16xf32>, vector<16xi32> -> vector<16xf32>
    %max3A_2013 = arith.maximumf %max3A_2009, %gather3A_2012 : vector<16xf32>
    %broadcast_in_dim3A_2014 = vector.shape_cast %xor3A_14 : vector<16xi32> to vector<16x1xi32>
    %gather3A_2015 = vector.shape_cast %broadcast_in_dim3A_2014 : vector<16x1xi32> to vector<16xi32>
    %gather3A_2016 = tpu.dynamic_gather %max3A_2013[%gather3A_2015] in [0] : vector<16xf32>, vector<16xi32> -> vector<16xf32>
    %max3A_2017 = arith.maximumf %max3A_2013, %gather3A_2016 : vector<16xf32>
    %eq3A_2018 = arith.cmpf oeq, %select_n3A_2005, %max3A_2017 : vector<16xf32>
    %jit3A_2019 = arith.constant 8 : i32
    %broadcast_in_dim3A_2020 = vector.broadcast %jit3A_2019 : i32 to vector<16xi32>
    %select_n3A_2021 = arith.select %eq3A_2018, %and3A_6, %broadcast_in_dim3A_2020 : vector<16xi1>, vector<16xi32>
    %broadcast_in_dim3A_2022 = vector.shape_cast %xor3A_8 : vector<16xi32> to vector<16x1xi32>
    %gather3A_2023 = vector.shape_cast %broadcast_in_dim3A_2022 : vector<16x1xi32> to vector<16xi32>
    %gather3A_2024 = tpu.dynamic_gather %select_n3A_2021[%gather3A_2023] in [0] : vector<16xi32>, vector<16xi32> -> vector<16xi32>
    %min3A_2025 = arith.minsi %select_n3A_2021, %gather3A_2024 : vector<16xi32>
    %broadcast_in_dim3A_2026 = vector.shape_cast %xor3A_11 : vector<16xi32> to vector<16x1xi32>
    %gather3A_2027 = vector.shape_cast %broadcast_in_dim3A_2026 : vector<16x1xi32> to vector<16xi32>
    %gather3A_2028 = tpu.dynamic_gather %min3A_2025[%gather3A_2027] in [0] : vector<16xi32>, vector<16xi32> -> vector<16xi32>
    %min3A_2029 = arith.minsi %min3A_2025, %gather3A_2028 : vector<16xi32>
    %broadcast_in_dim3A_2030 = vector.shape_cast %xor3A_14 : vector<16xi32> to vector<16x1xi32>
    %gather3A_2031 = vector.shape_cast %broadcast_in_dim3A_2030 : vector<16x1xi32> to vector<16xi32>
    %gather3A_2032 = tpu.dynamic_gather %min3A_2029[%gather3A_2031] in [0] : vector<16xi32>, vector<16xi32> -> vector<16xi32>
    %min3A_2033 = arith.minsi %min3A_2029, %gather3A_2032 : vector<16xi32>
    %sub3A_2034 = arith.subf %max3A_2017, %max3A_1987 : vector<16xf32>
    %exp3A_2035 = math.exp %sub3A_2034 : vector<16xf32>
    %add3A_2036 = arith.constant 1.000000e+00 : f32
    %add3A_2037 = vector.broadcast %add3A_2036 : f32 to vector<16xf32>
    %add3A_2038 = arith.addf %add3A_2037, %exp3A_2035 : vector<16xf32>
    %eq3A_2039 = arith.cmpi eq, %and3A_6, %min3A_2003 : vector<16xi32>
    %jit3A_2040 = arith.constant 1.000000e+00 : f32
    %jit3A_2041 = arith.constant 0.000000e+00 : f32
    %broadcast_in_dim3A_2042 = vector.broadcast %jit3A_2040 : f32 to vector<16xf32>
    %broadcast_in_dim3A_2043 = vector.broadcast %jit3A_2041 : f32 to vector<16xf32>
    %select_n3A_2044 = arith.select %eq3A_2039, %broadcast_in_dim3A_2042, %broadcast_in_dim3A_2043 : vector<16xi1>, vector<16xf32>
    %eq3A_2045 = arith.cmpi eq, %and3A_6, %min3A_2033 : vector<16xi32>
    %jit3A_2046 = arith.constant 0.000000e+00 : f32
    %broadcast_in_dim3A_2047 = vector.broadcast %jit3A_2046 : f32 to vector<16xf32>
    %select_n3A_2048 = arith.select %eq3A_2045, %exp3A_2035, %broadcast_in_dim3A_2047 : vector<16xi1>, vector<16xf32>
    %add3A_2049 = arith.addf %select_n3A_2044, %select_n3A_2048 : vector<16xf32>
    %div3A_2050 = arith.divf %add3A_2049, %add3A_2038 : vector<16xf32>
    %swap3A_2051 = arith.constant 384 : index
    %swap3A_2052 = tpu.vector_load %arg5[%swap3A_2051] {strides = array<i32>} : memref<512xf32, #tpu.memory_space<vmem>>, vector<16xf32>,
    %swap3A_2053 = vector.shape_cast %swap3A_2052 : vector<16xf32> to vector<16xf32>
    %swap3A_2054 = vector.shape_cast %div3A_2050 : vector<16xf32> to vector<16xf32>
    tpu.vector_store %arg5[%swap3A_2051], %swap3A_2054 {strides = array<i32>} : memref<512xf32, #tpu.memory_space<vmem>>, vector<16xf32>,
    %get3A_2055 = arith.constant 400 : index
    %get3A_2056 = tpu.vector_load %arg4[%get3A_2055] {strides = array<i32>} : memref<512xf32, #tpu.memory_space<vmem>>, vector<16xf32>,
    %get3A_2057 = vector.shape_cast %get3A_2056 : vector<16xf32> to vector<16xf32>
    %broadcast_in_dim3A_2058 = vector.shape_cast %xor3A_8 : vector<16xi32> to vector<16x1xi32>
    %gather3A_2059 = vector.shape_cast %broadcast_in_dim3A_2058 : vector<16x1xi32> to vector<16xi32>
    %gather3A_2060 = tpu.dynamic_gather %get3A_2057[%gather3A_2059] in [0] : vector<16xf32>, vector<16xi32> -> vector<16xf32>
    %max3A_2061 = arith.maximumf %get3A_2057, %gather3A_2060 : vector<16xf32>
    %broadcast_in_dim3A_2062 = vector.shape_cast %xor3A_11 : vector<16xi32> to vector<16x1xi32>
    %gather3A_2063 = vector.shape_cast %broadcast_in_dim3A_2062 : vector<16x1xi32> to vector<16xi32>
    %gather3A_2064 = tpu.dynamic_gather %max3A_2061[%gather3A_2063] in [0] : vector<16xf32>, vector<16xi32> -> vector<16xf32>
    %max3A_2065 = arith.maximumf %max3A_2061, %gather3A_2064 : vector<16xf32>
    %broadcast_in_dim3A_2066 = vector.shape_cast %xor3A_14 : vector<16xi32> to vector<16x1xi32>
    %gather3A_2067 = vector.shape_cast %broadcast_in_dim3A_2066 : vector<16x1xi32> to vector<16xi32>
    %gather3A_2068 = tpu.dynamic_gather %max3A_2065[%gather3A_2067] in [0] : vector<16xf32>, vector<16xi32> -> vector<16xf32>
    %max3A_2069 = arith.maximumf %max3A_2065, %gather3A_2068 : vector<16xf32>
    %eq3A_2070 = arith.cmpf oeq, %get3A_2057, %max3A_2069 : vector<16xf32>
    %jit3A_2071 = arith.constant 8 : i32
    %broadcast_in_dim3A_2072 = vector.broadcast %jit3A_2071 : i32 to vector<16xi32>
    %select_n3A_2073 = arith.select %eq3A_2070, %and3A_6, %broadcast_in_dim3A_2072 : vector<16xi1>, vector<16xi32>
    %broadcast_in_dim3A_2074 = vector.shape_cast %xor3A_8 : vector<16xi32> to vector<16x1xi32>
    %gather3A_2075 = vector.shape_cast %broadcast_in_dim3A_2074 : vector<16x1xi32> to vector<16xi32>
    %gather3A_2076 = tpu.dynamic_gather %select_n3A_2073[%gather3A_2075] in [0] : vector<16xi32>, vector<16xi32> -> vector<16xi32>
    %min3A_2077 = arith.minsi %select_n3A_2073, %gather3A_2076 : vector<16xi32>
    %broadcast_in_dim3A_2078 = vector.shape_cast %xor3A_11 : vector<16xi32> to vector<16x1xi32>
    %gather3A_2079 = vector.shape_cast %broadcast_in_dim3A_2078 : vector<16x1xi32> to vector<16xi32>
    %gather3A_2080 = tpu.dynamic_gather %min3A_2077[%gather3A_2079] in [0] : vector<16xi32>, vector<16xi32> -> vector<16xi32>
    %min3A_2081 = arith.minsi %min3A_2077, %gather3A_2080 : vector<16xi32>
    %broadcast_in_dim3A_2082 = vector.shape_cast %xor3A_14 : vector<16xi32> to vector<16x1xi32>
    %gather3A_2083 = vector.shape_cast %broadcast_in_dim3A_2082 : vector<16x1xi32> to vector<16xi32>
    %gather3A_2084 = tpu.dynamic_gather %min3A_2081[%gather3A_2083] in [0] : vector<16xi32>, vector<16xi32> -> vector<16xi32>
    %min3A_2085 = arith.minsi %min3A_2081, %gather3A_2084 : vector<16xi32>
    %eq3A_2086 = arith.cmpi eq, %and3A_6, %min3A_2085 : vector<16xi32>
    %select_n3A_2087 = arith.select %eq3A_2086, %broadcast_in_dim3A_15, %get3A_2057 : vector<16xi1>, vector<16xf32>
    %broadcast_in_dim3A_2088 = vector.shape_cast %xor3A_8 : vector<16xi32> to vector<16x1xi32>
    %gather3A_2089 = vector.shape_cast %broadcast_in_dim3A_2088 : vector<16x1xi32> to vector<16xi32>
    %gather3A_2090 = tpu.dynamic_gather %select_n3A_2087[%gather3A_2089] in [0] : vector<16xf32>, vector<16xi32> -> vector<16xf32>
    %max3A_2091 = arith.maximumf %select_n3A_2087, %gather3A_2090 : vector<16xf32>
    %broadcast_in_dim3A_2092 = vector.shape_cast %xor3A_11 : vector<16xi32> to vector<16x1xi32>
    %gather3A_2093 = vector.shape_cast %broadcast_in_dim3A_2092 : vector<16x1xi32> to vector<16xi32>
    %gather3A_2094 = tpu.dynamic_gather %max3A_2091[%gather3A_2093] in [0] : vector<16xf32>, vector<16xi32> -> vector<16xf32>
    %max3A_2095 = arith.maximumf %max3A_2091, %gather3A_2094 : vector<16xf32>
    %broadcast_in_dim3A_2096 = vector.shape_cast %xor3A_14 : vector<16xi32> to vector<16x1xi32>
    %gather3A_2097 = vector.shape_cast %broadcast_in_dim3A_2096 : vector<16x1xi32> to vector<16xi32>
    %gather3A_2098 = tpu.dynamic_gather %max3A_2095[%gather3A_2097] in [0] : vector<16xf32>, vector<16xi32> -> vector<16xf32>
    %max3A_2099 = arith.maximumf %max3A_2095, %gather3A_2098 : vector<16xf32>
    %eq3A_2100 = arith.cmpf oeq, %select_n3A_2087, %max3A_2099 : vector<16xf32>
    %jit3A_2101 = arith.constant 8 : i32
    %broadcast_in_dim3A_2102 = vector.broadcast %jit3A_2101 : i32 to vector<16xi32>
    %select_n3A_2103 = arith.select %eq3A_2100, %and3A_6, %broadcast_in_dim3A_2102 : vector<16xi1>, vector<16xi32>
    %broadcast_in_dim3A_2104 = vector.shape_cast %xor3A_8 : vector<16xi32> to vector<16x1xi32>
    %gather3A_2105 = vector.shape_cast %broadcast_in_dim3A_2104 : vector<16x1xi32> to vector<16xi32>
    %gather3A_2106 = tpu.dynamic_gather %select_n3A_2103[%gather3A_2105] in [0] : vector<16xi32>, vector<16xi32> -> vector<16xi32>
    %min3A_2107 = arith.minsi %select_n3A_2103, %gather3A_2106 : vector<16xi32>
    %broadcast_in_dim3A_2108 = vector.shape_cast %xor3A_11 : vector<16xi32> to vector<16x1xi32>
    %gather3A_2109 = vector.shape_cast %broadcast_in_dim3A_2108 : vector<16x1xi32> to vector<16xi32>
    %gather3A_2110 = tpu.dynamic_gather %min3A_2107[%gather3A_2109] in [0] : vector<16xi32>, vector<16xi32> -> vector<16xi32>
    %min3A_2111 = arith.minsi %min3A_2107, %gather3A_2110 : vector<16xi32>
    %broadcast_in_dim3A_2112 = vector.shape_cast %xor3A_14 : vector<16xi32> to vector<16x1xi32>
    %gather3A_2113 = vector.shape_cast %broadcast_in_dim3A_2112 : vector<16x1xi32> to vector<16xi32>
    %gather3A_2114 = tpu.dynamic_gather %min3A_2111[%gather3A_2113] in [0] : vector<16xi32>, vector<16xi32> -> vector<16xi32>
    %min3A_2115 = arith.minsi %min3A_2111, %gather3A_2114 : vector<16xi32>
    %sub3A_2116 = arith.subf %max3A_2099, %max3A_2069 : vector<16xf32>
    %exp3A_2117 = math.exp %sub3A_2116 : vector<16xf32>
    %add3A_2118 = arith.constant 1.000000e+00 : f32
    %add3A_2119 = vector.broadcast %add3A_2118 : f32 to vector<16xf32>
    %add3A_2120 = arith.addf %add3A_2119, %exp3A_2117 : vector<16xf32>
    %eq3A_2121 = arith.cmpi eq, %and3A_6, %min3A_2085 : vector<16xi32>
    %jit3A_2122 = arith.constant 1.000000e+00 : f32
    %jit3A_2123 = arith.constant 0.000000e+00 : f32
    %broadcast_in_dim3A_2124 = vector.broadcast %jit3A_2122 : f32 to vector<16xf32>
    %broadcast_in_dim3A_2125 = vector.broadcast %jit3A_2123 : f32 to vector<16xf32>
    %select_n3A_2126 = arith.select %eq3A_2121, %broadcast_in_dim3A_2124, %broadcast_in_dim3A_2125 : vector<16xi1>, vector<16xf32>
    %eq3A_2127 = arith.cmpi eq, %and3A_6, %min3A_2115 : vector<16xi32>
    %jit3A_2128 = arith.constant 0.000000e+00 : f32
    %broadcast_in_dim3A_2129 = vector.broadcast %jit3A_2128 : f32 to vector<16xf32>
    %select_n3A_2130 = arith.select %eq3A_2127, %exp3A_2117, %broadcast_in_dim3A_2129 : vector<16xi1>, vector<16xf32>
    %add3A_2131 = arith.addf %select_n3A_2126, %select_n3A_2130 : vector<16xf32>
    %div3A_2132 = arith.divf %add3A_2131, %add3A_2120 : vector<16xf32>
    %swap3A_2133 = arith.constant 400 : index
    %swap3A_2134 = tpu.vector_load %arg5[%swap3A_2133] {strides = array<i32>} : memref<512xf32, #tpu.memory_space<vmem>>, vector<16xf32>,
    %swap3A_2135 = vector.shape_cast %swap3A_2134 : vector<16xf32> to vector<16xf32>
    %swap3A_2136 = vector.shape_cast %div3A_2132 : vector<16xf32> to vector<16xf32>
    tpu.vector_store %arg5[%swap3A_2133], %swap3A_2136 {strides = array<i32>} : memref<512xf32, #tpu.memory_space<vmem>>, vector<16xf32>,
    %get3A_2137 = arith.constant 416 : index
    %get3A_2138 = tpu.vector_load %arg4[%get3A_2137] {strides = array<i32>} : memref<512xf32, #tpu.memory_space<vmem>>, vector<16xf32>,
    %get3A_2139 = vector.shape_cast %get3A_2138 : vector<16xf32> to vector<16xf32>
    %broadcast_in_dim3A_2140 = vector.shape_cast %xor3A_8 : vector<16xi32> to vector<16x1xi32>
    %gather3A_2141 = vector.shape_cast %broadcast_in_dim3A_2140 : vector<16x1xi32> to vector<16xi32>
    %gather3A_2142 = tpu.dynamic_gather %get3A_2139[%gather3A_2141] in [0] : vector<16xf32>, vector<16xi32> -> vector<16xf32>
    %max3A_2143 = arith.maximumf %get3A_2139, %gather3A_2142 : vector<16xf32>
    %broadcast_in_dim3A_2144 = vector.shape_cast %xor3A_11 : vector<16xi32> to vector<16x1xi32>
    %gather3A_2145 = vector.shape_cast %broadcast_in_dim3A_2144 : vector<16x1xi32> to vector<16xi32>
    %gather3A_2146 = tpu.dynamic_gather %max3A_2143[%gather3A_2145] in [0] : vector<16xf32>, vector<16xi32> -> vector<16xf32>
    %max3A_2147 = arith.maximumf %max3A_2143, %gather3A_2146 : vector<16xf32>
    %broadcast_in_dim3A_2148 = vector.shape_cast %xor3A_14 : vector<16xi32> to vector<16x1xi32>
    %gather3A_2149 = vector.shape_cast %broadcast_in_dim3A_2148 : vector<16x1xi32> to vector<16xi32>
    %gather3A_2150 = tpu.dynamic_gather %max3A_2147[%gather3A_2149] in [0] : vector<16xf32>, vector<16xi32> -> vector<16xf32>
    %max3A_2151 = arith.maximumf %max3A_2147, %gather3A_2150 : vector<16xf32>
    %eq3A_2152 = arith.cmpf oeq, %get3A_2139, %max3A_2151 : vector<16xf32>
    %jit3A_2153 = arith.constant 8 : i32
    %broadcast_in_dim3A_2154 = vector.broadcast %jit3A_2153 : i32 to vector<16xi32>
    %select_n3A_2155 = arith.select %eq3A_2152, %and3A_6, %broadcast_in_dim3A_2154 : vector<16xi1>, vector<16xi32>
    %broadcast_in_dim3A_2156 = vector.shape_cast %xor3A_8 : vector<16xi32> to vector<16x1xi32>
    %gather3A_2157 = vector.shape_cast %broadcast_in_dim3A_2156 : vector<16x1xi32> to vector<16xi32>
    %gather3A_2158 = tpu.dynamic_gather %select_n3A_2155[%gather3A_2157] in [0] : vector<16xi32>, vector<16xi32> -> vector<16xi32>
    %min3A_2159 = arith.minsi %select_n3A_2155, %gather3A_2158 : vector<16xi32>
    %broadcast_in_dim3A_2160 = vector.shape_cast %xor3A_11 : vector<16xi32> to vector<16x1xi32>
    %gather3A_2161 = vector.shape_cast %broadcast_in_dim3A_2160 : vector<16x1xi32> to vector<16xi32>
    %gather3A_2162 = tpu.dynamic_gather %min3A_2159[%gather3A_2161] in [0] : vector<16xi32>, vector<16xi32> -> vector<16xi32>
    %min3A_2163 = arith.minsi %min3A_2159, %gather3A_2162 : vector<16xi32>
    %broadcast_in_dim3A_2164 = vector.shape_cast %xor3A_14 : vector<16xi32> to vector<16x1xi32>
    %gather3A_2165 = vector.shape_cast %broadcast_in_dim3A_2164 : vector<16x1xi32> to vector<16xi32>
    %gather3A_2166 = tpu.dynamic_gather %min3A_2163[%gather3A_2165] in [0] : vector<16xi32>, vector<16xi32> -> vector<16xi32>
    %min3A_2167 = arith.minsi %min3A_2163, %gather3A_2166 : vector<16xi32>
    %eq3A_2168 = arith.cmpi eq, %and3A_6, %min3A_2167 : vector<16xi32>
    %select_n3A_2169 = arith.select %eq3A_2168, %broadcast_in_dim3A_15, %get3A_2139 : vector<16xi1>, vector<16xf32>
    %broadcast_in_dim3A_2170 = vector.shape_cast %xor3A_8 : vector<16xi32> to vector<16x1xi32>
    %gather3A_2171 = vector.shape_cast %broadcast_in_dim3A_2170 : vector<16x1xi32> to vector<16xi32>
    %gather3A_2172 = tpu.dynamic_gather %select_n3A_2169[%gather3A_2171] in [0] : vector<16xf32>, vector<16xi32> -> vector<16xf32>
    %max3A_2173 = arith.maximumf %select_n3A_2169, %gather3A_2172 : vector<16xf32>
    %broadcast_in_dim3A_2174 = vector.shape_cast %xor3A_11 : vector<16xi32> to vector<16x1xi32>
    %gather3A_2175 = vector.shape_cast %broadcast_in_dim3A_2174 : vector<16x1xi32> to vector<16xi32>
    %gather3A_2176 = tpu.dynamic_gather %max3A_2173[%gather3A_2175] in [0] : vector<16xf32>, vector<16xi32> -> vector<16xf32>
    %max3A_2177 = arith.maximumf %max3A_2173, %gather3A_2176 : vector<16xf32>
    %broadcast_in_dim3A_2178 = vector.shape_cast %xor3A_14 : vector<16xi32> to vector<16x1xi32>
    %gather3A_2179 = vector.shape_cast %broadcast_in_dim3A_2178 : vector<16x1xi32> to vector<16xi32>
    %gather3A_2180 = tpu.dynamic_gather %max3A_2177[%gather3A_2179] in [0] : vector<16xf32>, vector<16xi32> -> vector<16xf32>
    %max3A_2181 = arith.maximumf %max3A_2177, %gather3A_2180 : vector<16xf32>
    %eq3A_2182 = arith.cmpf oeq, %select_n3A_2169, %max3A_2181 : vector<16xf32>
    %jit3A_2183 = arith.constant 8 : i32
    %broadcast_in_dim3A_2184 = vector.broadcast %jit3A_2183 : i32 to vector<16xi32>
    %select_n3A_2185 = arith.select %eq3A_2182, %and3A_6, %broadcast_in_dim3A_2184 : vector<16xi1>, vector<16xi32>
    %broadcast_in_dim3A_2186 = vector.shape_cast %xor3A_8 : vector<16xi32> to vector<16x1xi32>
    %gather3A_2187 = vector.shape_cast %broadcast_in_dim3A_2186 : vector<16x1xi32> to vector<16xi32>
    %gather3A_2188 = tpu.dynamic_gather %select_n3A_2185[%gather3A_2187] in [0] : vector<16xi32>, vector<16xi32> -> vector<16xi32>
    %min3A_2189 = arith.minsi %select_n3A_2185, %gather3A_2188 : vector<16xi32>
    %broadcast_in_dim3A_2190 = vector.shape_cast %xor3A_11 : vector<16xi32> to vector<16x1xi32>
    %gather3A_2191 = vector.shape_cast %broadcast_in_dim3A_2190 : vector<16x1xi32> to vector<16xi32>
    %gather3A_2192 = tpu.dynamic_gather %min3A_2189[%gather3A_2191] in [0] : vector<16xi32>, vector<16xi32> -> vector<16xi32>
    %min3A_2193 = arith.minsi %min3A_2189, %gather3A_2192 : vector<16xi32>
    %broadcast_in_dim3A_2194 = vector.shape_cast %xor3A_14 : vector<16xi32> to vector<16x1xi32>
    %gather3A_2195 = vector.shape_cast %broadcast_in_dim3A_2194 : vector<16x1xi32> to vector<16xi32>
    %gather3A_2196 = tpu.dynamic_gather %min3A_2193[%gather3A_2195] in [0] : vector<16xi32>, vector<16xi32> -> vector<16xi32>
    %min3A_2197 = arith.minsi %min3A_2193, %gather3A_2196 : vector<16xi32>
    %sub3A_2198 = arith.subf %max3A_2181, %max3A_2151 : vector<16xf32>
    %exp3A_2199 = math.exp %sub3A_2198 : vector<16xf32>
    %add3A_2200 = arith.constant 1.000000e+00 : f32
    %add3A_2201 = vector.broadcast %add3A_2200 : f32 to vector<16xf32>
    %add3A_2202 = arith.addf %add3A_2201, %exp3A_2199 : vector<16xf32>
    %eq3A_2203 = arith.cmpi eq, %and3A_6, %min3A_2167 : vector<16xi32>
    %jit3A_2204 = arith.constant 1.000000e+00 : f32
    %jit3A_2205 = arith.constant 0.000000e+00 : f32
    %broadcast_in_dim3A_2206 = vector.broadcast %jit3A_2204 : f32 to vector<16xf32>
    %broadcast_in_dim3A_2207 = vector.broadcast %jit3A_2205 : f32 to vector<16xf32>
    %select_n3A_2208 = arith.select %eq3A_2203, %broadcast_in_dim3A_2206, %broadcast_in_dim3A_2207 : vector<16xi1>, vector<16xf32>
    %eq3A_2209 = arith.cmpi eq, %and3A_6, %min3A_2197 : vector<16xi32>
    %jit3A_2210 = arith.constant 0.000000e+00 : f32
    %broadcast_in_dim3A_2211 = vector.broadcast %jit3A_2210 : f32 to vector<16xf32>
    %select_n3A_2212 = arith.select %eq3A_2209, %exp3A_2199, %broadcast_in_dim3A_2211 : vector<16xi1>, vector<16xf32>
    %add3A_2213 = arith.addf %select_n3A_2208, %select_n3A_2212 : vector<16xf32>
    %div3A_2214 = arith.divf %add3A_2213, %add3A_2202 : vector<16xf32>
    %swap3A_2215 = arith.constant 416 : index
    %swap3A_2216 = tpu.vector_load %arg5[%swap3A_2215] {strides = array<i32>} : memref<512xf32, #tpu.memory_space<vmem>>, vector<16xf32>,
    %swap3A_2217 = vector.shape_cast %swap3A_2216 : vector<16xf32> to vector<16xf32>
    %swap3A_2218 = vector.shape_cast %div3A_2214 : vector<16xf32> to vector<16xf32>
    tpu.vector_store %arg5[%swap3A_2215], %swap3A_2218 {strides = array<i32>} : memref<512xf32, #tpu.memory_space<vmem>>, vector<16xf32>,
    %get3A_2219 = arith.constant 432 : index
    %get3A_2220 = tpu.vector_load %arg4[%get3A_2219] {strides = array<i32>} : memref<512xf32, #tpu.memory_space<vmem>>, vector<16xf32>,
    %get3A_2221 = vector.shape_cast %get3A_2220 : vector<16xf32> to vector<16xf32>
    %broadcast_in_dim3A_2222 = vector.shape_cast %xor3A_8 : vector<16xi32> to vector<16x1xi32>
    %gather3A_2223 = vector.shape_cast %broadcast_in_dim3A_2222 : vector<16x1xi32> to vector<16xi32>
    %gather3A_2224 = tpu.dynamic_gather %get3A_2221[%gather3A_2223] in [0] : vector<16xf32>, vector<16xi32> -> vector<16xf32>
    %max3A_2225 = arith.maximumf %get3A_2221, %gather3A_2224 : vector<16xf32>
    %broadcast_in_dim3A_2226 = vector.shape_cast %xor3A_11 : vector<16xi32> to vector<16x1xi32>
    %gather3A_2227 = vector.shape_cast %broadcast_in_dim3A_2226 : vector<16x1xi32> to vector<16xi32>
    %gather3A_2228 = tpu.dynamic_gather %max3A_2225[%gather3A_2227] in [0] : vector<16xf32>, vector<16xi32> -> vector<16xf32>
    %max3A_2229 = arith.maximumf %max3A_2225, %gather3A_2228 : vector<16xf32>
    %broadcast_in_dim3A_2230 = vector.shape_cast %xor3A_14 : vector<16xi32> to vector<16x1xi32>
    %gather3A_2231 = vector.shape_cast %broadcast_in_dim3A_2230 : vector<16x1xi32> to vector<16xi32>
    %gather3A_2232 = tpu.dynamic_gather %max3A_2229[%gather3A_2231] in [0] : vector<16xf32>, vector<16xi32> -> vector<16xf32>
    %max3A_2233 = arith.maximumf %max3A_2229, %gather3A_2232 : vector<16xf32>
    %eq3A_2234 = arith.cmpf oeq, %get3A_2221, %max3A_2233 : vector<16xf32>
    %jit3A_2235 = arith.constant 8 : i32
    %broadcast_in_dim3A_2236 = vector.broadcast %jit3A_2235 : i32 to vector<16xi32>
    %select_n3A_2237 = arith.select %eq3A_2234, %and3A_6, %broadcast_in_dim3A_2236 : vector<16xi1>, vector<16xi32>
    %broadcast_in_dim3A_2238 = vector.shape_cast %xor3A_8 : vector<16xi32> to vector<16x1xi32>
    %gather3A_2239 = vector.shape_cast %broadcast_in_dim3A_2238 : vector<16x1xi32> to vector<16xi32>
    %gather3A_2240 = tpu.dynamic_gather %select_n3A_2237[%gather3A_2239] in [0] : vector<16xi32>, vector<16xi32> -> vector<16xi32>
    %min3A_2241 = arith.minsi %select_n3A_2237, %gather3A_2240 : vector<16xi32>
    %broadcast_in_dim3A_2242 = vector.shape_cast %xor3A_11 : vector<16xi32> to vector<16x1xi32>
    %gather3A_2243 = vector.shape_cast %broadcast_in_dim3A_2242 : vector<16x1xi32> to vector<16xi32>
    %gather3A_2244 = tpu.dynamic_gather %min3A_2241[%gather3A_2243] in [0] : vector<16xi32>, vector<16xi32> -> vector<16xi32>
    %min3A_2245 = arith.minsi %min3A_2241, %gather3A_2244 : vector<16xi32>
    %broadcast_in_dim3A_2246 = vector.shape_cast %xor3A_14 : vector<16xi32> to vector<16x1xi32>
    %gather3A_2247 = vector.shape_cast %broadcast_in_dim3A_2246 : vector<16x1xi32> to vector<16xi32>
    %gather3A_2248 = tpu.dynamic_gather %min3A_2245[%gather3A_2247] in [0] : vector<16xi32>, vector<16xi32> -> vector<16xi32>
    %min3A_2249 = arith.minsi %min3A_2245, %gather3A_2248 : vector<16xi32>
    %eq3A_2250 = arith.cmpi eq, %and3A_6, %min3A_2249 : vector<16xi32>
    %select_n3A_2251 = arith.select %eq3A_2250, %broadcast_in_dim3A_15, %get3A_2221 : vector<16xi1>, vector<16xf32>
    %broadcast_in_dim3A_2252 = vector.shape_cast %xor3A_8 : vector<16xi32> to vector<16x1xi32>
    %gather3A_2253 = vector.shape_cast %broadcast_in_dim3A_2252 : vector<16x1xi32> to vector<16xi32>
    %gather3A_2254 = tpu.dynamic_gather %select_n3A_2251[%gather3A_2253] in [0] : vector<16xf32>, vector<16xi32> -> vector<16xf32>
    %max3A_2255 = arith.maximumf %select_n3A_2251, %gather3A_2254 : vector<16xf32>
    %broadcast_in_dim3A_2256 = vector.shape_cast %xor3A_11 : vector<16xi32> to vector<16x1xi32>
    %gather3A_2257 = vector.shape_cast %broadcast_in_dim3A_2256 : vector<16x1xi32> to vector<16xi32>
    %gather3A_2258 = tpu.dynamic_gather %max3A_2255[%gather3A_2257] in [0] : vector<16xf32>, vector<16xi32> -> vector<16xf32>
    %max3A_2259 = arith.maximumf %max3A_2255, %gather3A_2258 : vector<16xf32>
    %broadcast_in_dim3A_2260 = vector.shape_cast %xor3A_14 : vector<16xi32> to vector<16x1xi32>
    %gather3A_2261 = vector.shape_cast %broadcast_in_dim3A_2260 : vector<16x1xi32> to vector<16xi32>
    %gather3A_2262 = tpu.dynamic_gather %max3A_2259[%gather3A_2261] in [0] : vector<16xf32>, vector<16xi32> -> vector<16xf32>
    %max3A_2263 = arith.maximumf %max3A_2259, %gather3A_2262 : vector<16xf32>
    %eq3A_2264 = arith.cmpf oeq, %select_n3A_2251, %max3A_2263 : vector<16xf32>
    %jit3A_2265 = arith.constant 8 : i32
    %broadcast_in_dim3A_2266 = vector.broadcast %jit3A_2265 : i32 to vector<16xi32>
    %select_n3A_2267 = arith.select %eq3A_2264, %and3A_6, %broadcast_in_dim3A_2266 : vector<16xi1>, vector<16xi32>
    %broadcast_in_dim3A_2268 = vector.shape_cast %xor3A_8 : vector<16xi32> to vector<16x1xi32>
    %gather3A_2269 = vector.shape_cast %broadcast_in_dim3A_2268 : vector<16x1xi32> to vector<16xi32>
    %gather3A_2270 = tpu.dynamic_gather %select_n3A_2267[%gather3A_2269] in [0] : vector<16xi32>, vector<16xi32> -> vector<16xi32>
    %min3A_2271 = arith.minsi %select_n3A_2267, %gather3A_2270 : vector<16xi32>
    %broadcast_in_dim3A_2272 = vector.shape_cast %xor3A_11 : vector<16xi32> to vector<16x1xi32>
    %gather3A_2273 = vector.shape_cast %broadcast_in_dim3A_2272 : vector<16x1xi32> to vector<16xi32>
    %gather3A_2274 = tpu.dynamic_gather %min3A_2271[%gather3A_2273] in [0] : vector<16xi32>, vector<16xi32> -> vector<16xi32>
    %min3A_2275 = arith.minsi %min3A_2271, %gather3A_2274 : vector<16xi32>
    %broadcast_in_dim3A_2276 = vector.shape_cast %xor3A_14 : vector<16xi32> to vector<16x1xi32>
    %gather3A_2277 = vector.shape_cast %broadcast_in_dim3A_2276 : vector<16x1xi32> to vector<16xi32>
    %gather3A_2278 = tpu.dynamic_gather %min3A_2275[%gather3A_2277] in [0] : vector<16xi32>, vector<16xi32> -> vector<16xi32>
    %min3A_2279 = arith.minsi %min3A_2275, %gather3A_2278 : vector<16xi32>
    %sub3A_2280 = arith.subf %max3A_2263, %max3A_2233 : vector<16xf32>
    %exp3A_2281 = math.exp %sub3A_2280 : vector<16xf32>
    %add3A_2282 = arith.constant 1.000000e+00 : f32
    %add3A_2283 = vector.broadcast %add3A_2282 : f32 to vector<16xf32>
    %add3A_2284 = arith.addf %add3A_2283, %exp3A_2281 : vector<16xf32>
    %eq3A_2285 = arith.cmpi eq, %and3A_6, %min3A_2249 : vector<16xi32>
    %jit3A_2286 = arith.constant 1.000000e+00 : f32
    %jit3A_2287 = arith.constant 0.000000e+00 : f32
    %broadcast_in_dim3A_2288 = vector.broadcast %jit3A_2286 : f32 to vector<16xf32>
    %broadcast_in_dim3A_2289 = vector.broadcast %jit3A_2287 : f32 to vector<16xf32>
    %select_n3A_2290 = arith.select %eq3A_2285, %broadcast_in_dim3A_2288, %broadcast_in_dim3A_2289 : vector<16xi1>, vector<16xf32>
    %eq3A_2291 = arith.cmpi eq, %and3A_6, %min3A_2279 : vector<16xi32>
    %jit3A_2292 = arith.constant 0.000000e+00 : f32
    %broadcast_in_dim3A_2293 = vector.broadcast %jit3A_2292 : f32 to vector<16xf32>
    %select_n3A_2294 = arith.select %eq3A_2291, %exp3A_2281, %broadcast_in_dim3A_2293 : vector<16xi1>, vector<16xf32>
    %add3A_2295 = arith.addf %select_n3A_2290, %select_n3A_2294 : vector<16xf32>
    %div3A_2296 = arith.divf %add3A_2295, %add3A_2284 : vector<16xf32>
    %swap3A_2297 = arith.constant 432 : index
    %swap3A_2298 = tpu.vector_load %arg5[%swap3A_2297] {strides = array<i32>} : memref<512xf32, #tpu.memory_space<vmem>>, vector<16xf32>,
    %swap3A_2299 = vector.shape_cast %swap3A_2298 : vector<16xf32> to vector<16xf32>
    %swap3A_2300 = vector.shape_cast %div3A_2296 : vector<16xf32> to vector<16xf32>
    tpu.vector_store %arg5[%swap3A_2297], %swap3A_2300 {strides = array<i32>} : memref<512xf32, #tpu.memory_space<vmem>>, vector<16xf32>,
    %get3A_2301 = arith.constant 448 : index
    %get3A_2302 = tpu.vector_load %arg4[%get3A_2301] {strides = array<i32>} : memref<512xf32, #tpu.memory_space<vmem>>, vector<16xf32>,
    %get3A_2303 = vector.shape_cast %get3A_2302 : vector<16xf32> to vector<16xf32>
    %broadcast_in_dim3A_2304 = vector.shape_cast %xor3A_8 : vector<16xi32> to vector<16x1xi32>
    %gather3A_2305 = vector.shape_cast %broadcast_in_dim3A_2304 : vector<16x1xi32> to vector<16xi32>
    %gather3A_2306 = tpu.dynamic_gather %get3A_2303[%gather3A_2305] in [0] : vector<16xf32>, vector<16xi32> -> vector<16xf32>
    %max3A_2307 = arith.maximumf %get3A_2303, %gather3A_2306 : vector<16xf32>
    %broadcast_in_dim3A_2308 = vector.shape_cast %xor3A_11 : vector<16xi32> to vector<16x1xi32>
    %gather3A_2309 = vector.shape_cast %broadcast_in_dim3A_2308 : vector<16x1xi32> to vector<16xi32>
    %gather3A_2310 = tpu.dynamic_gather %max3A_2307[%gather3A_2309] in [0] : vector<16xf32>, vector<16xi32> -> vector<16xf32>
    %max3A_2311 = arith.maximumf %max3A_2307, %gather3A_2310 : vector<16xf32>
    %broadcast_in_dim3A_2312 = vector.shape_cast %xor3A_14 : vector<16xi32> to vector<16x1xi32>
    %gather3A_2313 = vector.shape_cast %broadcast_in_dim3A_2312 : vector<16x1xi32> to vector<16xi32>
    %gather3A_2314 = tpu.dynamic_gather %max3A_2311[%gather3A_2313] in [0] : vector<16xf32>, vector<16xi32> -> vector<16xf32>
    %max3A_2315 = arith.maximumf %max3A_2311, %gather3A_2314 : vector<16xf32>
    %eq3A_2316 = arith.cmpf oeq, %get3A_2303, %max3A_2315 : vector<16xf32>
    %jit3A_2317 = arith.constant 8 : i32
    %broadcast_in_dim3A_2318 = vector.broadcast %jit3A_2317 : i32 to vector<16xi32>
    %select_n3A_2319 = arith.select %eq3A_2316, %and3A_6, %broadcast_in_dim3A_2318 : vector<16xi1>, vector<16xi32>
    %broadcast_in_dim3A_2320 = vector.shape_cast %xor3A_8 : vector<16xi32> to vector<16x1xi32>
    %gather3A_2321 = vector.shape_cast %broadcast_in_dim3A_2320 : vector<16x1xi32> to vector<16xi32>
    %gather3A_2322 = tpu.dynamic_gather %select_n3A_2319[%gather3A_2321] in [0] : vector<16xi32>, vector<16xi32> -> vector<16xi32>
    %min3A_2323 = arith.minsi %select_n3A_2319, %gather3A_2322 : vector<16xi32>
    %broadcast_in_dim3A_2324 = vector.shape_cast %xor3A_11 : vector<16xi32> to vector<16x1xi32>
    %gather3A_2325 = vector.shape_cast %broadcast_in_dim3A_2324 : vector<16x1xi32> to vector<16xi32>
    %gather3A_2326 = tpu.dynamic_gather %min3A_2323[%gather3A_2325] in [0] : vector<16xi32>, vector<16xi32> -> vector<16xi32>
    %min3A_2327 = arith.minsi %min3A_2323, %gather3A_2326 : vector<16xi32>
    %broadcast_in_dim3A_2328 = vector.shape_cast %xor3A_14 : vector<16xi32> to vector<16x1xi32>
    %gather3A_2329 = vector.shape_cast %broadcast_in_dim3A_2328 : vector<16x1xi32> to vector<16xi32>
    %gather3A_2330 = tpu.dynamic_gather %min3A_2327[%gather3A_2329] in [0] : vector<16xi32>, vector<16xi32> -> vector<16xi32>
    %min3A_2331 = arith.minsi %min3A_2327, %gather3A_2330 : vector<16xi32>
    %eq3A_2332 = arith.cmpi eq, %and3A_6, %min3A_2331 : vector<16xi32>
    %select_n3A_2333 = arith.select %eq3A_2332, %broadcast_in_dim3A_15, %get3A_2303 : vector<16xi1>, vector<16xf32>
    %broadcast_in_dim3A_2334 = vector.shape_cast %xor3A_8 : vector<16xi32> to vector<16x1xi32>
    %gather3A_2335 = vector.shape_cast %broadcast_in_dim3A_2334 : vector<16x1xi32> to vector<16xi32>
    %gather3A_2336 = tpu.dynamic_gather %select_n3A_2333[%gather3A_2335] in [0] : vector<16xf32>, vector<16xi32> -> vector<16xf32>
    %max3A_2337 = arith.maximumf %select_n3A_2333, %gather3A_2336 : vector<16xf32>
    %broadcast_in_dim3A_2338 = vector.shape_cast %xor3A_11 : vector<16xi32> to vector<16x1xi32>
    %gather3A_2339 = vector.shape_cast %broadcast_in_dim3A_2338 : vector<16x1xi32> to vector<16xi32>
    %gather3A_2340 = tpu.dynamic_gather %max3A_2337[%gather3A_2339] in [0] : vector<16xf32>, vector<16xi32> -> vector<16xf32>
    %max3A_2341 = arith.maximumf %max3A_2337, %gather3A_2340 : vector<16xf32>
    %broadcast_in_dim3A_2342 = vector.shape_cast %xor3A_14 : vector<16xi32> to vector<16x1xi32>
    %gather3A_2343 = vector.shape_cast %broadcast_in_dim3A_2342 : vector<16x1xi32> to vector<16xi32>
    %gather3A_2344 = tpu.dynamic_gather %max3A_2341[%gather3A_2343] in [0] : vector<16xf32>, vector<16xi32> -> vector<16xf32>
    %max3A_2345 = arith.maximumf %max3A_2341, %gather3A_2344 : vector<16xf32>
    %eq3A_2346 = arith.cmpf oeq, %select_n3A_2333, %max3A_2345 : vector<16xf32>
    %jit3A_2347 = arith.constant 8 : i32
    %broadcast_in_dim3A_2348 = vector.broadcast %jit3A_2347 : i32 to vector<16xi32>
    %select_n3A_2349 = arith.select %eq3A_2346, %and3A_6, %broadcast_in_dim3A_2348 : vector<16xi1>, vector<16xi32>
    %broadcast_in_dim3A_2350 = vector.shape_cast %xor3A_8 : vector<16xi32> to vector<16x1xi32>
    %gather3A_2351 = vector.shape_cast %broadcast_in_dim3A_2350 : vector<16x1xi32> to vector<16xi32>
    %gather3A_2352 = tpu.dynamic_gather %select_n3A_2349[%gather3A_2351] in [0] : vector<16xi32>, vector<16xi32> -> vector<16xi32>
    %min3A_2353 = arith.minsi %select_n3A_2349, %gather3A_2352 : vector<16xi32>
    %broadcast_in_dim3A_2354 = vector.shape_cast %xor3A_11 : vector<16xi32> to vector<16x1xi32>
    %gather3A_2355 = vector.shape_cast %broadcast_in_dim3A_2354 : vector<16x1xi32> to vector<16xi32>
    %gather3A_2356 = tpu.dynamic_gather %min3A_2353[%gather3A_2355] in [0] : vector<16xi32>, vector<16xi32> -> vector<16xi32>
    %min3A_2357 = arith.minsi %min3A_2353, %gather3A_2356 : vector<16xi32>
    %broadcast_in_dim3A_2358 = vector.shape_cast %xor3A_14 : vector<16xi32> to vector<16x1xi32>
    %gather3A_2359 = vector.shape_cast %broadcast_in_dim3A_2358 : vector<16x1xi32> to vector<16xi32>
    %gather3A_2360 = tpu.dynamic_gather %min3A_2357[%gather3A_2359] in [0] : vector<16xi32>, vector<16xi32> -> vector<16xi32>
    %min3A_2361 = arith.minsi %min3A_2357, %gather3A_2360 : vector<16xi32>
    %sub3A_2362 = arith.subf %max3A_2345, %max3A_2315 : vector<16xf32>
    %exp3A_2363 = math.exp %sub3A_2362 : vector<16xf32>
    %add3A_2364 = arith.constant 1.000000e+00 : f32
    %add3A_2365 = vector.broadcast %add3A_2364 : f32 to vector<16xf32>
    %add3A_2366 = arith.addf %add3A_2365, %exp3A_2363 : vector<16xf32>
    %eq3A_2367 = arith.cmpi eq, %and3A_6, %min3A_2331 : vector<16xi32>
    %jit3A_2368 = arith.constant 1.000000e+00 : f32
    %jit3A_2369 = arith.constant 0.000000e+00 : f32
    %broadcast_in_dim3A_2370 = vector.broadcast %jit3A_2368 : f32 to vector<16xf32>
    %broadcast_in_dim3A_2371 = vector.broadcast %jit3A_2369 : f32 to vector<16xf32>
    %select_n3A_2372 = arith.select %eq3A_2367, %broadcast_in_dim3A_2370, %broadcast_in_dim3A_2371 : vector<16xi1>, vector<16xf32>
    %eq3A_2373 = arith.cmpi eq, %and3A_6, %min3A_2361 : vector<16xi32>
    %jit3A_2374 = arith.constant 0.000000e+00 : f32
    %broadcast_in_dim3A_2375 = vector.broadcast %jit3A_2374 : f32 to vector<16xf32>
    %select_n3A_2376 = arith.select %eq3A_2373, %exp3A_2363, %broadcast_in_dim3A_2375 : vector<16xi1>, vector<16xf32>
    %add3A_2377 = arith.addf %select_n3A_2372, %select_n3A_2376 : vector<16xf32>
    %div3A_2378 = arith.divf %add3A_2377, %add3A_2366 : vector<16xf32>
    %swap3A_2379 = arith.constant 448 : index
    %swap3A_2380 = tpu.vector_load %arg5[%swap3A_2379] {strides = array<i32>} : memref<512xf32, #tpu.memory_space<vmem>>, vector<16xf32>,
    %swap3A_2381 = vector.shape_cast %swap3A_2380 : vector<16xf32> to vector<16xf32>
    %swap3A_2382 = vector.shape_cast %div3A_2378 : vector<16xf32> to vector<16xf32>
    tpu.vector_store %arg5[%swap3A_2379], %swap3A_2382 {strides = array<i32>} : memref<512xf32, #tpu.memory_space<vmem>>, vector<16xf32>,
    %get3A_2383 = arith.constant 464 : index
    %get3A_2384 = tpu.vector_load %arg4[%get3A_2383] {strides = array<i32>} : memref<512xf32, #tpu.memory_space<vmem>>, vector<16xf32>,
    %get3A_2385 = vector.shape_cast %get3A_2384 : vector<16xf32> to vector<16xf32>
    %broadcast_in_dim3A_2386 = vector.shape_cast %xor3A_8 : vector<16xi32> to vector<16x1xi32>
    %gather3A_2387 = vector.shape_cast %broadcast_in_dim3A_2386 : vector<16x1xi32> to vector<16xi32>
    %gather3A_2388 = tpu.dynamic_gather %get3A_2385[%gather3A_2387] in [0] : vector<16xf32>, vector<16xi32> -> vector<16xf32>
    %max3A_2389 = arith.maximumf %get3A_2385, %gather3A_2388 : vector<16xf32>
    %broadcast_in_dim3A_2390 = vector.shape_cast %xor3A_11 : vector<16xi32> to vector<16x1xi32>
    %gather3A_2391 = vector.shape_cast %broadcast_in_dim3A_2390 : vector<16x1xi32> to vector<16xi32>
    %gather3A_2392 = tpu.dynamic_gather %max3A_2389[%gather3A_2391] in [0] : vector<16xf32>, vector<16xi32> -> vector<16xf32>
    %max3A_2393 = arith.maximumf %max3A_2389, %gather3A_2392 : vector<16xf32>
    %broadcast_in_dim3A_2394 = vector.shape_cast %xor3A_14 : vector<16xi32> to vector<16x1xi32>
    %gather3A_2395 = vector.shape_cast %broadcast_in_dim3A_2394 : vector<16x1xi32> to vector<16xi32>
    %gather3A_2396 = tpu.dynamic_gather %max3A_2393[%gather3A_2395] in [0] : vector<16xf32>, vector<16xi32> -> vector<16xf32>
    %max3A_2397 = arith.maximumf %max3A_2393, %gather3A_2396 : vector<16xf32>
    %eq3A_2398 = arith.cmpf oeq, %get3A_2385, %max3A_2397 : vector<16xf32>
    %jit3A_2399 = arith.constant 8 : i32
    %broadcast_in_dim3A_2400 = vector.broadcast %jit3A_2399 : i32 to vector<16xi32>
    %select_n3A_2401 = arith.select %eq3A_2398, %and3A_6, %broadcast_in_dim3A_2400 : vector<16xi1>, vector<16xi32>
    %broadcast_in_dim3A_2402 = vector.shape_cast %xor3A_8 : vector<16xi32> to vector<16x1xi32>
    %gather3A_2403 = vector.shape_cast %broadcast_in_dim3A_2402 : vector<16x1xi32> to vector<16xi32>
    %gather3A_2404 = tpu.dynamic_gather %select_n3A_2401[%gather3A_2403] in [0] : vector<16xi32>, vector<16xi32> -> vector<16xi32>
    %min3A_2405 = arith.minsi %select_n3A_2401, %gather3A_2404 : vector<16xi32>
    %broadcast_in_dim3A_2406 = vector.shape_cast %xor3A_11 : vector<16xi32> to vector<16x1xi32>
    %gather3A_2407 = vector.shape_cast %broadcast_in_dim3A_2406 : vector<16x1xi32> to vector<16xi32>
    %gather3A_2408 = tpu.dynamic_gather %min3A_2405[%gather3A_2407] in [0] : vector<16xi32>, vector<16xi32> -> vector<16xi32>
    %min3A_2409 = arith.minsi %min3A_2405, %gather3A_2408 : vector<16xi32>
    %broadcast_in_dim3A_2410 = vector.shape_cast %xor3A_14 : vector<16xi32> to vector<16x1xi32>
    %gather3A_2411 = vector.shape_cast %broadcast_in_dim3A_2410 : vector<16x1xi32> to vector<16xi32>
    %gather3A_2412 = tpu.dynamic_gather %min3A_2409[%gather3A_2411] in [0] : vector<16xi32>, vector<16xi32> -> vector<16xi32>
    %min3A_2413 = arith.minsi %min3A_2409, %gather3A_2412 : vector<16xi32>
    %eq3A_2414 = arith.cmpi eq, %and3A_6, %min3A_2413 : vector<16xi32>
    %select_n3A_2415 = arith.select %eq3A_2414, %broadcast_in_dim3A_15, %get3A_2385 : vector<16xi1>, vector<16xf32>
    %broadcast_in_dim3A_2416 = vector.shape_cast %xor3A_8 : vector<16xi32> to vector<16x1xi32>
    %gather3A_2417 = vector.shape_cast %broadcast_in_dim3A_2416 : vector<16x1xi32> to vector<16xi32>
    %gather3A_2418 = tpu.dynamic_gather %select_n3A_2415[%gather3A_2417] in [0] : vector<16xf32>, vector<16xi32> -> vector<16xf32>
    %max3A_2419 = arith.maximumf %select_n3A_2415, %gather3A_2418 : vector<16xf32>
    %broadcast_in_dim3A_2420 = vector.shape_cast %xor3A_11 : vector<16xi32> to vector<16x1xi32>
    %gather3A_2421 = vector.shape_cast %broadcast_in_dim3A_2420 : vector<16x1xi32> to vector<16xi32>
    %gather3A_2422 = tpu.dynamic_gather %max3A_2419[%gather3A_2421] in [0] : vector<16xf32>, vector<16xi32> -> vector<16xf32>
    %max3A_2423 = arith.maximumf %max3A_2419, %gather3A_2422 : vector<16xf32>
    %broadcast_in_dim3A_2424 = vector.shape_cast %xor3A_14 : vector<16xi32> to vector<16x1xi32>
    %gather3A_2425 = vector.shape_cast %broadcast_in_dim3A_2424 : vector<16x1xi32> to vector<16xi32>
    %gather3A_2426 = tpu.dynamic_gather %max3A_2423[%gather3A_2425] in [0] : vector<16xf32>, vector<16xi32> -> vector<16xf32>
    %max3A_2427 = arith.maximumf %max3A_2423, %gather3A_2426 : vector<16xf32>
    %eq3A_2428 = arith.cmpf oeq, %select_n3A_2415, %max3A_2427 : vector<16xf32>
    %jit3A_2429 = arith.constant 8 : i32
    %broadcast_in_dim3A_2430 = vector.broadcast %jit3A_2429 : i32 to vector<16xi32>
    %select_n3A_2431 = arith.select %eq3A_2428, %and3A_6, %broadcast_in_dim3A_2430 : vector<16xi1>, vector<16xi32>
    %broadcast_in_dim3A_2432 = vector.shape_cast %xor3A_8 : vector<16xi32> to vector<16x1xi32>
    %gather3A_2433 = vector.shape_cast %broadcast_in_dim3A_2432 : vector<16x1xi32> to vector<16xi32>
    %gather3A_2434 = tpu.dynamic_gather %select_n3A_2431[%gather3A_2433] in [0] : vector<16xi32>, vector<16xi32> -> vector<16xi32>
    %min3A_2435 = arith.minsi %select_n3A_2431, %gather3A_2434 : vector<16xi32>
    %broadcast_in_dim3A_2436 = vector.shape_cast %xor3A_11 : vector<16xi32> to vector<16x1xi32>
    %gather3A_2437 = vector.shape_cast %broadcast_in_dim3A_2436 : vector<16x1xi32> to vector<16xi32>
    %gather3A_2438 = tpu.dynamic_gather %min3A_2435[%gather3A_2437] in [0] : vector<16xi32>, vector<16xi32> -> vector<16xi32>
    %min3A_2439 = arith.minsi %min3A_2435, %gather3A_2438 : vector<16xi32>
    %broadcast_in_dim3A_2440 = vector.shape_cast %xor3A_14 : vector<16xi32> to vector<16x1xi32>
    %gather3A_2441 = vector.shape_cast %broadcast_in_dim3A_2440 : vector<16x1xi32> to vector<16xi32>
    %gather3A_2442 = tpu.dynamic_gather %min3A_2439[%gather3A_2441] in [0] : vector<16xi32>, vector<16xi32> -> vector<16xi32>
    %min3A_2443 = arith.minsi %min3A_2439, %gather3A_2442 : vector<16xi32>
    %sub3A_2444 = arith.subf %max3A_2427, %max3A_2397 : vector<16xf32>
    %exp3A_2445 = math.exp %sub3A_2444 : vector<16xf32>
    %add3A_2446 = arith.constant 1.000000e+00 : f32
    %add3A_2447 = vector.broadcast %add3A_2446 : f32 to vector<16xf32>
    %add3A_2448 = arith.addf %add3A_2447, %exp3A_2445 : vector<16xf32>
    %eq3A_2449 = arith.cmpi eq, %and3A_6, %min3A_2413 : vector<16xi32>
    %jit3A_2450 = arith.constant 1.000000e+00 : f32
    %jit3A_2451 = arith.constant 0.000000e+00 : f32
    %broadcast_in_dim3A_2452 = vector.broadcast %jit3A_2450 : f32 to vector<16xf32>
    %broadcast_in_dim3A_2453 = vector.broadcast %jit3A_2451 : f32 to vector<16xf32>
    %select_n3A_2454 = arith.select %eq3A_2449, %broadcast_in_dim3A_2452, %broadcast_in_dim3A_2453 : vector<16xi1>, vector<16xf32>
    %eq3A_2455 = arith.cmpi eq, %and3A_6, %min3A_2443 : vector<16xi32>
    %jit3A_2456 = arith.constant 0.000000e+00 : f32
    %broadcast_in_dim3A_2457 = vector.broadcast %jit3A_2456 : f32 to vector<16xf32>
    %select_n3A_2458 = arith.select %eq3A_2455, %exp3A_2445, %broadcast_in_dim3A_2457 : vector<16xi1>, vector<16xf32>
    %add3A_2459 = arith.addf %select_n3A_2454, %select_n3A_2458 : vector<16xf32>
    %div3A_2460 = arith.divf %add3A_2459, %add3A_2448 : vector<16xf32>
    %swap3A_2461 = arith.constant 464 : index
    %swap3A_2462 = tpu.vector_load %arg5[%swap3A_2461] {strides = array<i32>} : memref<512xf32, #tpu.memory_space<vmem>>, vector<16xf32>,
    %swap3A_2463 = vector.shape_cast %swap3A_2462 : vector<16xf32> to vector<16xf32>
    %swap3A_2464 = vector.shape_cast %div3A_2460 : vector<16xf32> to vector<16xf32>
    tpu.vector_store %arg5[%swap3A_2461], %swap3A_2464 {strides = array<i32>} : memref<512xf32, #tpu.memory_space<vmem>>, vector<16xf32>,
    %get3A_2465 = arith.constant 480 : index
    %get3A_2466 = tpu.vector_load %arg4[%get3A_2465] {strides = array<i32>} : memref<512xf32, #tpu.memory_space<vmem>>, vector<16xf32>,
    %get3A_2467 = vector.shape_cast %get3A_2466 : vector<16xf32> to vector<16xf32>
    %broadcast_in_dim3A_2468 = vector.shape_cast %xor3A_8 : vector<16xi32> to vector<16x1xi32>
    %gather3A_2469 = vector.shape_cast %broadcast_in_dim3A_2468 : vector<16x1xi32> to vector<16xi32>
    %gather3A_2470 = tpu.dynamic_gather %get3A_2467[%gather3A_2469] in [0] : vector<16xf32>, vector<16xi32> -> vector<16xf32>
    %max3A_2471 = arith.maximumf %get3A_2467, %gather3A_2470 : vector<16xf32>
    %broadcast_in_dim3A_2472 = vector.shape_cast %xor3A_11 : vector<16xi32> to vector<16x1xi32>
    %gather3A_2473 = vector.shape_cast %broadcast_in_dim3A_2472 : vector<16x1xi32> to vector<16xi32>
    %gather3A_2474 = tpu.dynamic_gather %max3A_2471[%gather3A_2473] in [0] : vector<16xf32>, vector<16xi32> -> vector<16xf32>
    %max3A_2475 = arith.maximumf %max3A_2471, %gather3A_2474 : vector<16xf32>
    %broadcast_in_dim3A_2476 = vector.shape_cast %xor3A_14 : vector<16xi32> to vector<16x1xi32>
    %gather3A_2477 = vector.shape_cast %broadcast_in_dim3A_2476 : vector<16x1xi32> to vector<16xi32>
    %gather3A_2478 = tpu.dynamic_gather %max3A_2475[%gather3A_2477] in [0] : vector<16xf32>, vector<16xi32> -> vector<16xf32>
    %max3A_2479 = arith.maximumf %max3A_2475, %gather3A_2478 : vector<16xf32>
    %eq3A_2480 = arith.cmpf oeq, %get3A_2467, %max3A_2479 : vector<16xf32>
    %jit3A_2481 = arith.constant 8 : i32
    %broadcast_in_dim3A_2482 = vector.broadcast %jit3A_2481 : i32 to vector<16xi32>
    %select_n3A_2483 = arith.select %eq3A_2480, %and3A_6, %broadcast_in_dim3A_2482 : vector<16xi1>, vector<16xi32>
    %broadcast_in_dim3A_2484 = vector.shape_cast %xor3A_8 : vector<16xi32> to vector<16x1xi32>
    %gather3A_2485 = vector.shape_cast %broadcast_in_dim3A_2484 : vector<16x1xi32> to vector<16xi32>
    %gather3A_2486 = tpu.dynamic_gather %select_n3A_2483[%gather3A_2485] in [0] : vector<16xi32>, vector<16xi32> -> vector<16xi32>
    %min3A_2487 = arith.minsi %select_n3A_2483, %gather3A_2486 : vector<16xi32>
    %broadcast_in_dim3A_2488 = vector.shape_cast %xor3A_11 : vector<16xi32> to vector<16x1xi32>
    %gather3A_2489 = vector.shape_cast %broadcast_in_dim3A_2488 : vector<16x1xi32> to vector<16xi32>
    %gather3A_2490 = tpu.dynamic_gather %min3A_2487[%gather3A_2489] in [0] : vector<16xi32>, vector<16xi32> -> vector<16xi32>
    %min3A_2491 = arith.minsi %min3A_2487, %gather3A_2490 : vector<16xi32>
    %broadcast_in_dim3A_2492 = vector.shape_cast %xor3A_14 : vector<16xi32> to vector<16x1xi32>
    %gather3A_2493 = vector.shape_cast %broadcast_in_dim3A_2492 : vector<16x1xi32> to vector<16xi32>
    %gather3A_2494 = tpu.dynamic_gather %min3A_2491[%gather3A_2493] in [0] : vector<16xi32>, vector<16xi32> -> vector<16xi32>
    %min3A_2495 = arith.minsi %min3A_2491, %gather3A_2494 : vector<16xi32>
    %eq3A_2496 = arith.cmpi eq, %and3A_6, %min3A_2495 : vector<16xi32>
    %select_n3A_2497 = arith.select %eq3A_2496, %broadcast_in_dim3A_15, %get3A_2467 : vector<16xi1>, vector<16xf32>
    %broadcast_in_dim3A_2498 = vector.shape_cast %xor3A_8 : vector<16xi32> to vector<16x1xi32>
    %gather3A_2499 = vector.shape_cast %broadcast_in_dim3A_2498 : vector<16x1xi32> to vector<16xi32>
    %gather3A_2500 = tpu.dynamic_gather %select_n3A_2497[%gather3A_2499] in [0] : vector<16xf32>, vector<16xi32> -> vector<16xf32>
    %max3A_2501 = arith.maximumf %select_n3A_2497, %gather3A_2500 : vector<16xf32>
    %broadcast_in_dim3A_2502 = vector.shape_cast %xor3A_11 : vector<16xi32> to vector<16x1xi32>
    %gather3A_2503 = vector.shape_cast %broadcast_in_dim3A_2502 : vector<16x1xi32> to vector<16xi32>
    %gather3A_2504 = tpu.dynamic_gather %max3A_2501[%gather3A_2503] in [0] : vector<16xf32>, vector<16xi32> -> vector<16xf32>
    %max3A_2505 = arith.maximumf %max3A_2501, %gather3A_2504 : vector<16xf32>
    %broadcast_in_dim3A_2506 = vector.shape_cast %xor3A_14 : vector<16xi32> to vector<16x1xi32>
    %gather3A_2507 = vector.shape_cast %broadcast_in_dim3A_2506 : vector<16x1xi32> to vector<16xi32>
    %gather3A_2508 = tpu.dynamic_gather %max3A_2505[%gather3A_2507] in [0] : vector<16xf32>, vector<16xi32> -> vector<16xf32>
    %max3A_2509 = arith.maximumf %max3A_2505, %gather3A_2508 : vector<16xf32>
    %eq3A_2510 = arith.cmpf oeq, %select_n3A_2497, %max3A_2509 : vector<16xf32>
    %jit3A_2511 = arith.constant 8 : i32
    %broadcast_in_dim3A_2512 = vector.broadcast %jit3A_2511 : i32 to vector<16xi32>
    %select_n3A_2513 = arith.select %eq3A_2510, %and3A_6, %broadcast_in_dim3A_2512 : vector<16xi1>, vector<16xi32>
    %broadcast_in_dim3A_2514 = vector.shape_cast %xor3A_8 : vector<16xi32> to vector<16x1xi32>
    %gather3A_2515 = vector.shape_cast %broadcast_in_dim3A_2514 : vector<16x1xi32> to vector<16xi32>
    %gather3A_2516 = tpu.dynamic_gather %select_n3A_2513[%gather3A_2515] in [0] : vector<16xi32>, vector<16xi32> -> vector<16xi32>
    %min3A_2517 = arith.minsi %select_n3A_2513, %gather3A_2516 : vector<16xi32>
    %broadcast_in_dim3A_2518 = vector.shape_cast %xor3A_11 : vector<16xi32> to vector<16x1xi32>
    %gather3A_2519 = vector.shape_cast %broadcast_in_dim3A_2518 : vector<16x1xi32> to vector<16xi32>
    %gather3A_2520 = tpu.dynamic_gather %min3A_2517[%gather3A_2519] in [0] : vector<16xi32>, vector<16xi32> -> vector<16xi32>
    %min3A_2521 = arith.minsi %min3A_2517, %gather3A_2520 : vector<16xi32>
    %broadcast_in_dim3A_2522 = vector.shape_cast %xor3A_14 : vector<16xi32> to vector<16x1xi32>
    %gather3A_2523 = vector.shape_cast %broadcast_in_dim3A_2522 : vector<16x1xi32> to vector<16xi32>
    %gather3A_2524 = tpu.dynamic_gather %min3A_2521[%gather3A_2523] in [0] : vector<16xi32>, vector<16xi32> -> vector<16xi32>
    %min3A_2525 = arith.minsi %min3A_2521, %gather3A_2524 : vector<16xi32>
    %sub3A_2526 = arith.subf %max3A_2509, %max3A_2479 : vector<16xf32>
    %exp3A_2527 = math.exp %sub3A_2526 : vector<16xf32>
    %add3A_2528 = arith.constant 1.000000e+00 : f32
    %add3A_2529 = vector.broadcast %add3A_2528 : f32 to vector<16xf32>
    %add3A_2530 = arith.addf %add3A_2529, %exp3A_2527 : vector<16xf32>
    %eq3A_2531 = arith.cmpi eq, %and3A_6, %min3A_2495 : vector<16xi32>
    %jit3A_2532 = arith.constant 1.000000e+00 : f32
    %jit3A_2533 = arith.constant 0.000000e+00 : f32
    %broadcast_in_dim3A_2534 = vector.broadcast %jit3A_2532 : f32 to vector<16xf32>
    %broadcast_in_dim3A_2535 = vector.broadcast %jit3A_2533 : f32 to vector<16xf32>
    %select_n3A_2536 = arith.select %eq3A_2531, %broadcast_in_dim3A_2534, %broadcast_in_dim3A_2535 : vector<16xi1>, vector<16xf32>
    %eq3A_2537 = arith.cmpi eq, %and3A_6, %min3A_2525 : vector<16xi32>
    %jit3A_2538 = arith.constant 0.000000e+00 : f32
    %broadcast_in_dim3A_2539 = vector.broadcast %jit3A_2538 : f32 to vector<16xf32>
    %select_n3A_2540 = arith.select %eq3A_2537, %exp3A_2527, %broadcast_in_dim3A_2539 : vector<16xi1>, vector<16xf32>
    %add3A_2541 = arith.addf %select_n3A_2536, %select_n3A_2540 : vector<16xf32>
    %div3A_2542 = arith.divf %add3A_2541, %add3A_2530 : vector<16xf32>
    %swap3A_2543 = arith.constant 480 : index
    %swap3A_2544 = tpu.vector_load %arg5[%swap3A_2543] {strides = array<i32>} : memref<512xf32, #tpu.memory_space<vmem>>, vector<16xf32>,
    %swap3A_2545 = vector.shape_cast %swap3A_2544 : vector<16xf32> to vector<16xf32>
    %swap3A_2546 = vector.shape_cast %div3A_2542 : vector<16xf32> to vector<16xf32>
    tpu.vector_store %arg5[%swap3A_2543], %swap3A_2546 {strides = array<i32>} : memref<512xf32, #tpu.memory_space<vmem>>, vector<16xf32>,
    %get3A_2547 = arith.constant 496 : index
    %get3A_2548 = tpu.vector_load %arg4[%get3A_2547] {strides = array<i32>} : memref<512xf32, #tpu.memory_space<vmem>>, vector<16xf32>,
    %get3A_2549 = vector.shape_cast %get3A_2548 : vector<16xf32> to vector<16xf32>
    %broadcast_in_dim3A_2550 = vector.shape_cast %xor3A_8 : vector<16xi32> to vector<16x1xi32>
    %gather3A_2551 = vector.shape_cast %broadcast_in_dim3A_2550 : vector<16x1xi32> to vector<16xi32>
    %gather3A_2552 = tpu.dynamic_gather %get3A_2549[%gather3A_2551] in [0] : vector<16xf32>, vector<16xi32> -> vector<16xf32>
    %max3A_2553 = arith.maximumf %get3A_2549, %gather3A_2552 : vector<16xf32>
    %broadcast_in_dim3A_2554 = vector.shape_cast %xor3A_11 : vector<16xi32> to vector<16x1xi32>
    %gather3A_2555 = vector.shape_cast %broadcast_in_dim3A_2554 : vector<16x1xi32> to vector<16xi32>
    %gather3A_2556 = tpu.dynamic_gather %max3A_2553[%gather3A_2555] in [0] : vector<16xf32>, vector<16xi32> -> vector<16xf32>
    %max3A_2557 = arith.maximumf %max3A_2553, %gather3A_2556 : vector<16xf32>
    %broadcast_in_dim3A_2558 = vector.shape_cast %xor3A_14 : vector<16xi32> to vector<16x1xi32>
    %gather3A_2559 = vector.shape_cast %broadcast_in_dim3A_2558 : vector<16x1xi32> to vector<16xi32>
    %gather3A_2560 = tpu.dynamic_gather %max3A_2557[%gather3A_2559] in [0] : vector<16xf32>, vector<16xi32> -> vector<16xf32>
    %max3A_2561 = arith.maximumf %max3A_2557, %gather3A_2560 : vector<16xf32>
    %eq3A_2562 = arith.cmpf oeq, %get3A_2549, %max3A_2561 : vector<16xf32>
    %jit3A_2563 = arith.constant 8 : i32
    %broadcast_in_dim3A_2564 = vector.broadcast %jit3A_2563 : i32 to vector<16xi32>
    %select_n3A_2565 = arith.select %eq3A_2562, %and3A_6, %broadcast_in_dim3A_2564 : vector<16xi1>, vector<16xi32>
    %broadcast_in_dim3A_2566 = vector.shape_cast %xor3A_8 : vector<16xi32> to vector<16x1xi32>
    %gather3A_2567 = vector.shape_cast %broadcast_in_dim3A_2566 : vector<16x1xi32> to vector<16xi32>
    %gather3A_2568 = tpu.dynamic_gather %select_n3A_2565[%gather3A_2567] in [0] : vector<16xi32>, vector<16xi32> -> vector<16xi32>
    %min3A_2569 = arith.minsi %select_n3A_2565, %gather3A_2568 : vector<16xi32>
    %broadcast_in_dim3A_2570 = vector.shape_cast %xor3A_11 : vector<16xi32> to vector<16x1xi32>
    %gather3A_2571 = vector.shape_cast %broadcast_in_dim3A_2570 : vector<16x1xi32> to vector<16xi32>
    %gather3A_2572 = tpu.dynamic_gather %min3A_2569[%gather3A_2571] in [0] : vector<16xi32>, vector<16xi32> -> vector<16xi32>
    %min3A_2573 = arith.minsi %min3A_2569, %gather3A_2572 : vector<16xi32>
    %broadcast_in_dim3A_2574 = vector.shape_cast %xor3A_14 : vector<16xi32> to vector<16x1xi32>
    %gather3A_2575 = vector.shape_cast %broadcast_in_dim3A_2574 : vector<16x1xi32> to vector<16xi32>
    %gather3A_2576 = tpu.dynamic_gather %min3A_2573[%gather3A_2575] in [0] : vector<16xi32>, vector<16xi32> -> vector<16xi32>
    %min3A_2577 = arith.minsi %min3A_2573, %gather3A_2576 : vector<16xi32>
    %eq3A_2578 = arith.cmpi eq, %and3A_6, %min3A_2577 : vector<16xi32>
    %select_n3A_2579 = arith.select %eq3A_2578, %broadcast_in_dim3A_15, %get3A_2549 : vector<16xi1>, vector<16xf32>
    %broadcast_in_dim3A_2580 = vector.shape_cast %xor3A_8 : vector<16xi32> to vector<16x1xi32>
    %gather3A_2581 = vector.shape_cast %broadcast_in_dim3A_2580 : vector<16x1xi32> to vector<16xi32>
    %gather3A_2582 = tpu.dynamic_gather %select_n3A_2579[%gather3A_2581] in [0] : vector<16xf32>, vector<16xi32> -> vector<16xf32>
    %max3A_2583 = arith.maximumf %select_n3A_2579, %gather3A_2582 : vector<16xf32>
    %broadcast_in_dim3A_2584 = vector.shape_cast %xor3A_11 : vector<16xi32> to vector<16x1xi32>
    %gather3A_2585 = vector.shape_cast %broadcast_in_dim3A_2584 : vector<16x1xi32> to vector<16xi32>
    %gather3A_2586 = tpu.dynamic_gather %max3A_2583[%gather3A_2585] in [0] : vector<16xf32>, vector<16xi32> -> vector<16xf32>
    %max3A_2587 = arith.maximumf %max3A_2583, %gather3A_2586 : vector<16xf32>
    %broadcast_in_dim3A_2588 = vector.shape_cast %xor3A_14 : vector<16xi32> to vector<16x1xi32>
    %gather3A_2589 = vector.shape_cast %broadcast_in_dim3A_2588 : vector<16x1xi32> to vector<16xi32>
    %gather3A_2590 = tpu.dynamic_gather %max3A_2587[%gather3A_2589] in [0] : vector<16xf32>, vector<16xi32> -> vector<16xf32>
    %max3A_2591 = arith.maximumf %max3A_2587, %gather3A_2590 : vector<16xf32>
    %eq3A_2592 = arith.cmpf oeq, %select_n3A_2579, %max3A_2591 : vector<16xf32>
    %jit3A_2593 = arith.constant 8 : i32
    %broadcast_in_dim3A_2594 = vector.broadcast %jit3A_2593 : i32 to vector<16xi32>
    %select_n3A_2595 = arith.select %eq3A_2592, %and3A_6, %broadcast_in_dim3A_2594 : vector<16xi1>, vector<16xi32>
    %broadcast_in_dim3A_2596 = vector.shape_cast %xor3A_8 : vector<16xi32> to vector<16x1xi32>
    %gather3A_2597 = vector.shape_cast %broadcast_in_dim3A_2596 : vector<16x1xi32> to vector<16xi32>
    %gather3A_2598 = tpu.dynamic_gather %select_n3A_2595[%gather3A_2597] in [0] : vector<16xi32>, vector<16xi32> -> vector<16xi32>
    %min3A_2599 = arith.minsi %select_n3A_2595, %gather3A_2598 : vector<16xi32>
    %broadcast_in_dim3A_2600 = vector.shape_cast %xor3A_11 : vector<16xi32> to vector<16x1xi32>
    %gather3A_2601 = vector.shape_cast %broadcast_in_dim3A_2600 : vector<16x1xi32> to vector<16xi32>
    %gather3A_2602 = tpu.dynamic_gather %min3A_2599[%gather3A_2601] in [0] : vector<16xi32>, vector<16xi32> -> vector<16xi32>
    %min3A_2603 = arith.minsi %min3A_2599, %gather3A_2602 : vector<16xi32>
    %broadcast_in_dim3A_2604 = vector.shape_cast %xor3A_14 : vector<16xi32> to vector<16x1xi32>
    %gather3A_2605 = vector.shape_cast %broadcast_in_dim3A_2604 : vector<16x1xi32> to vector<16xi32>
    %gather3A_2606 = tpu.dynamic_gather %min3A_2603[%gather3A_2605] in [0] : vector<16xi32>, vector<16xi32> -> vector<16xi32>
    %min3A_2607 = arith.minsi %min3A_2603, %gather3A_2606 : vector<16xi32>
    %sub3A_2608 = arith.subf %max3A_2591, %max3A_2561 : vector<16xf32>
    %exp3A_2609 = math.exp %sub3A_2608 : vector<16xf32>
    %add3A_2610 = arith.constant 1.000000e+00 : f32
    %add3A_2611 = vector.broadcast %add3A_2610 : f32 to vector<16xf32>
    %add3A_2612 = arith.addf %add3A_2611, %exp3A_2609 : vector<16xf32>
    %eq3A_2613 = arith.cmpi eq, %and3A_6, %min3A_2577 : vector<16xi32>
    %jit3A_2614 = arith.constant 1.000000e+00 : f32
    %jit3A_2615 = arith.constant 0.000000e+00 : f32
    %broadcast_in_dim3A_2616 = vector.broadcast %jit3A_2614 : f32 to vector<16xf32>
    %broadcast_in_dim3A_2617 = vector.broadcast %jit3A_2615 : f32 to vector<16xf32>
    %select_n3A_2618 = arith.select %eq3A_2613, %broadcast_in_dim3A_2616, %broadcast_in_dim3A_2617 : vector<16xi1>, vector<16xf32>
    %eq3A_2619 = arith.cmpi eq, %and3A_6, %min3A_2607 : vector<16xi32>
    %jit3A_2620 = arith.constant 0.000000e+00 : f32
    %broadcast_in_dim3A_2621 = vector.broadcast %jit3A_2620 : f32 to vector<16xf32>
    %select_n3A_2622 = arith.select %eq3A_2619, %exp3A_2609, %broadcast_in_dim3A_2621 : vector<16xi1>, vector<16xf32>
    %add3A_2623 = arith.addf %select_n3A_2618, %select_n3A_2622 : vector<16xf32>
    %div3A_2624 = arith.divf %add3A_2623, %add3A_2612 : vector<16xf32>
    %swap3A_2625 = arith.constant 496 : index
    %swap3A_2626 = tpu.vector_load %arg5[%swap3A_2625] {strides = array<i32>} : memref<512xf32, #tpu.memory_space<vmem>>, vector<16xf32>,
    %swap3A_2627 = vector.shape_cast %swap3A_2626 : vector<16xf32> to vector<16xf32>
    %swap3A_2628 = vector.shape_cast %div3A_2624 : vector<16xf32> to vector<16xf32>
    tpu.vector_store %arg5[%swap3A_2625], %swap3A_2628 {strides = array<i32>} : memref<512xf32, #tpu.memory_space<vmem>>, vector<16xf32>,
    "tpu.region"() ({
      %run_scoped3A = tpu.sem_alloc : memref<!tpu.dma_semaphore, #tpu.memory_space<semaphore_mem>>
      %dma_start3A = tpu.memref_slice %arg3[%mul3A_4] : memref<16384xf32, #tpu.memory_space<hbm>> -> memref<512xf32, #tpu.memory_space<hbm>>
      %dma_start3A_2629 = tpu.memref_slice %arg3[%mul3A_4] : memref<16384xf32, #tpu.memory_space<hbm>> -> memref<512xf32, #tpu.memory_space<hbm>>
      tpu.enqueue_dma source(%arg5 : memref<512xf32, #tpu.memory_space<vmem>>) target(%dma_start3A_2629 : memref<512xf32, #tpu.memory_space<hbm>>) target_semaphore(%run_scoped3A : memref<!tpu.dma_semaphore, #tpu.memory_space<semaphore_mem>>)
      %dma_wait3A = tpu.memref_slice %arg3[%mul3A_4] : memref<16384xf32, #tpu.memory_space<hbm>> -> memref<512xf32, #tpu.memory_space<hbm>>
      %dma_wait3A_2630 = tpu.memref_slice %arg3[%mul3A_4] : memref<16384xf32, #tpu.memory_space<hbm>> -> memref<512xf32, #tpu.memory_space<hbm>>
      tpu.wait_dma2 semaphore(%run_scoped3A : memref<!tpu.dma_semaphore, #tpu.memory_space<semaphore_mem>>) src(%arg5 : memref<512xf32, #tpu.memory_space<vmem>>) dst(%dma_wait3A_2630 : memref<512xf32, #tpu.memory_space<hbm>>)
      tpu.yield
    }) : () -> ()
    return
  }
}

module attributes {stable_mosaic.version = 14 : i64} {
  func.func @_logits_kernel(%arg0: i32, %arg1: memref<256x2048xf32, #tpu.memory_space<vmem>>, %arg2: memref<2048x8xf32, #tpu.memory_space<vmem>>, %arg3: memref<256x8xf32, #tpu.memory_space<vmem>>) attributes {dimension_semantics = [#tpu.dimension_semantics<arbitrary>], iteration_bounds = array<i64: 8>, scalar_prefetch = 0 : i64, scratch_operands = 0 : i64, tpu.core_type = #tpu.core_type<tc>, window_params = [{transform_indices = @transform_0, window_bounds = array<i64: 256, 2048>}, {pipeline_mode = #tpu.pipeline_mode<synchronous>, transform_indices = @transform_1, window_bounds = array<i64: 2048, 8>}, {transform_indices = @transform_2, window_bounds = array<i64: 256, 8>}]} {
    %get3A = arith.constant 0 : index
    %get3A_0 = arith.constant 0 : index
    %get3A_1 = vector.load %arg1[%get3A, %get3A_0] : memref<256x2048xf32, #tpu.memory_space<vmem>>, vector<256x2048xf32>
    %get3A_2 = arith.constant 0 : index
    %get3A_3 = arith.constant 0 : index
    %get3A_4 = vector.load %arg2[%get3A_2, %get3A_3] : memref<2048x8xf32, #tpu.memory_space<vmem>>, vector<2048x8xf32>
    %dot_general3A = arith.constant dense<0.000000e+00> : vector<256x8xf32>
    %dot_general3A_5 = tpu.matmul %get3A_1, %get3A_4, %dot_general3A {dimension_numbers = #tpu.dot_dimension_numbers<[1], [0], [0], [1], [0, 0, 1, 1], [], []>, transpose_lhs_hint = false} : vector<256x2048xf32>, vector<2048x8xf32>, vector<256x8xf32> -> vector<256x8xf32>
    %swap3A = arith.constant 0 : index
    %swap3A_6 = arith.constant 0 : index
    %swap3A_7 = vector.load %arg3[%swap3A, %swap3A_6] : memref<256x8xf32, #tpu.memory_space<vmem>>, vector<256x8xf32>
    tpu.vector_store %arg3[%swap3A, %swap3A_6], %dot_general3A_5 {strides = array<i32>} : memref<256x8xf32, #tpu.memory_space<vmem>>, vector<256x8xf32>,
    return
  }
  func.func @transform_0(%arg0: i32) -> (i32, i32) {
    %c0_i32 = arith.constant 0 : i32
    %c0_i32_0 = arith.constant 0 : i32
    return %arg0, %c0_i32 : i32, i32
  }
  func.func @transform_1(%arg0: i32) -> (i32, i32) {
    %c0_i32 = arith.constant 0 : i32
    %c0_i32_0 = arith.constant 0 : i32
    %c0_i32_1 = arith.constant 0 : i32
    return %c0_i32, %c0_i32_0 : i32, i32
  }
  func.func @transform_2(%arg0: i32) -> (i32, i32) {
    %c0_i32 = arith.constant 0 : i32
    %c0_i32_0 = arith.constant 0 : i32
    return %arg0, %c0_i32 : i32, i32
  }
}

module attributes {stable_mosaic.version = 14 : i64} {
  func.func @_fused_kernel(%arg0: i32, %arg1: memref<256x2048xf32, #tpu.memory_space<vmem>>, %arg2: memref<2048x2048xf32, #tpu.memory_space<vmem>>, %arg3: memref<256x8xf32, #tpu.memory_space<vmem>>, %arg4: memref<2048x256xf32, #tpu.memory_space<vmem>>, %arg5: memref<256x2048xf32, #tpu.memory_space<vmem>>, %arg6: memref<256x2048xf32, #tpu.memory_space<vmem>>) attributes {dimension_semantics = [#tpu.dimension_semantics<arbitrary>], iteration_bounds = array<i64: 8>, scalar_prefetch = 0 : i64, scratch_operands = 0 : i64, tpu.core_type = #tpu.core_type<tc>, window_params = [{transform_indices = @transform_0, window_bounds = array<i64: 256, 2048>}, {pipeline_mode = #tpu.pipeline_mode<synchronous>, transform_indices = @transform_1, window_bounds = array<i64: 2048, 2048>}, {transform_indices = @transform_2, window_bounds = array<i64: 256, 8>}, {pipeline_mode = #tpu.pipeline_mode<synchronous>, transform_indices = @transform_3, window_bounds = array<i64: 2048, 256>}, {pipeline_mode = #tpu.pipeline_mode<synchronous>, transform_indices = @transform_4, window_bounds = array<i64: 256, 2048>}, {transform_indices = @transform_5, window_bounds = array<i64: 256, 2048>}]} {
    %get3A = arith.constant 0 : index
    %get3A_0 = arith.constant 0 : index
    %get3A_1 = vector.load %arg1[%get3A, %get3A_0] : memref<256x2048xf32, #tpu.memory_space<vmem>>, vector<256x2048xf32>
    %get3A_2 = arith.constant 0 : index
    %get3A_3 = arith.constant 0 : index
    %get3A_4 = vector.load %arg3[%get3A_2, %get3A_3] : memref<256x8xf32, #tpu.memory_space<vmem>>, vector<256x8xf32>
    %iota3A = tpu.iota {dimensions = array<i32: 0>} : vector<8x256xi32>
    %iota3A_5 = tpu.iota {dimensions = array<i32: 1>} : vector<8x256xi32>
    %jit3A = arith.constant 32 : i32
    %div3A = vector.broadcast %jit3A : i32 to vector<8x256xi32>
    %div3A_6 = arith.divsi %iota3A_5, %div3A : vector<8x256xi32>
    %sign3A = arith.constant 0 : i32
    %sign3A_7 = vector.broadcast %sign3A : i32 to vector<8x256xi32>
    %sign3A_8 = arith.cmpi sgt, %iota3A_5, %sign3A_7 : vector<8x256xi32>
    %sign3A_9 = arith.extui %sign3A_8 : vector<8x256xi1> to vector<8x256xi32>
    %sign3A_10 = arith.constant 0 : i32
    %sign3A_11 = vector.broadcast %sign3A_10 : i32 to vector<8x256xi32>
    %sign3A_12 = arith.cmpi slt, %iota3A_5, %sign3A_11 : vector<8x256xi32>
    %sign3A_13 = arith.extui %sign3A_12 : vector<8x256xi1> to vector<8x256xi32>
    %sign3A_14 = arith.subi %sign3A_9, %sign3A_13 : vector<8x256xi32>
    %sign3A_15 = arith.constant 0 : i32
    %sign3A_16 = arith.cmpi sgt, %jit3A, %sign3A_15 : i32
    %sign3A_17 = arith.extui %sign3A_16 : i1 to i32
    %sign3A_18 = arith.constant 0 : i32
    %sign3A_19 = arith.cmpi slt, %jit3A, %sign3A_18 : i32
    %sign3A_20 = arith.extui %sign3A_19 : i1 to i32
    %sign3A_21 = arith.subi %sign3A_17, %sign3A_20 : i32
    %ne3A = vector.broadcast %sign3A_21 : i32 to vector<8x256xi32>
    %ne3A_22 = arith.cmpi ne, %sign3A_14, %ne3A : vector<8x256xi32>
    %rem3A = vector.broadcast %jit3A : i32 to vector<8x256xi32>
    %rem3A_23 = arith.remsi %iota3A_5, %rem3A : vector<8x256xi32>
    %ne3A_24 = arith.constant 0 : i32
    %ne3A_25 = vector.broadcast %ne3A_24 : i32 to vector<8x256xi32>
    %ne3A_26 = arith.cmpi ne, %rem3A_23, %ne3A_25 : vector<8x256xi32>
    %and3A = arith.andi %ne3A_22, %ne3A_26 : vector<8x256xi1>
    %sub3A = arith.constant 1 : i32
    %sub3A_27 = vector.broadcast %sub3A : i32 to vector<8x256xi32>
    %sub3A_28 = arith.subi %div3A_6, %sub3A_27 : vector<8x256xi32>
    %select_n3A = arith.select %and3A, %sub3A_28, %div3A_6 : vector<8x256xi1>, vector<8x256xi32>
    %eq3A = arith.cmpi eq, %iota3A, %select_n3A : vector<8x256xi32>
    %convert_element_type3A = arith.extui %eq3A : vector<8x256xi1> to vector<8x256xi32>
    %convert_element_type3A_29 = arith.sitofp %convert_element_type3A : vector<8x256xi32> to vector<8x256xf32>
    %dot_general3A = arith.constant dense<0.000000e+00> : vector<256x256xf32>
    %dot_general3A_30 = tpu.matmul %get3A_4, %convert_element_type3A_29, %dot_general3A {dimension_numbers = #tpu.dot_dimension_numbers<[1], [0], [0], [1], [0, 0, 1, 1], [], []>, transpose_lhs_hint = false} : vector<256x8xf32>, vector<8x256xf32>, vector<256x256xf32> -> vector<256x256xf32>
    %get3A_31 = arith.constant 0 : index
    %get3A_32 = arith.constant 0 : index
    %get3A_33 = vector.load %arg4[%get3A_31, %get3A_32] : memref<2048x256xf32, #tpu.memory_space<vmem>>, vector<2048x256xf32>
    %dot_general3A_34 = arith.constant dense<0.000000e+00> : vector<256x256xf32>
    %dot_general3A_35 = tpu.matmul %get3A_1, %get3A_33, %dot_general3A_34 {dimension_numbers = #tpu.dot_dimension_numbers<[1], [0], [0], [1], [0, 0, 1, 1], [], []>, transpose_lhs_hint = false} : vector<256x2048xf32>, vector<2048x256xf32>, vector<256x256xf32> -> vector<256x256xf32>
    %mul3A = arith.mulf %dot_general3A_35, %dot_general3A_30 : vector<256x256xf32>
    %get3A_36 = arith.constant 0 : index
    %get3A_37 = arith.constant 0 : index
    %get3A_38 = vector.load %arg5[%get3A_36, %get3A_37] : memref<256x2048xf32, #tpu.memory_space<vmem>>, vector<256x2048xf32>
    %dot_general3A_39 = arith.constant dense<0.000000e+00> : vector<256x2048xf32>
    %dot_general3A_40 = tpu.matmul %mul3A, %get3A_38, %dot_general3A_39 {dimension_numbers = #tpu.dot_dimension_numbers<[1], [0], [0], [1], [0, 0, 1, 1], [], []>, transpose_lhs_hint = false} : vector<256x256xf32>, vector<256x2048xf32>, vector<256x2048xf32> -> vector<256x2048xf32>
    %get3A_41 = arith.constant 0 : index
    %get3A_42 = arith.constant 0 : index
    %get3A_43 = vector.load %arg2[%get3A_41, %get3A_42] : memref<2048x2048xf32, #tpu.memory_space<vmem>>, vector<2048x2048xf32>
    %dot_general3A_44 = arith.constant dense<0.000000e+00> : vector<256x2048xf32>
    %dot_general3A_45 = tpu.matmul %get3A_1, %get3A_43, %dot_general3A_44 {dimension_numbers = #tpu.dot_dimension_numbers<[1], [0], [0], [1], [0, 0, 1, 1], [], []>, transpose_lhs_hint = false} : vector<256x2048xf32>, vector<2048x2048xf32>, vector<256x2048xf32> -> vector<256x2048xf32>
    %mul3A_46 = arith.constant 2.000000e+00 : f32
    %mul3A_47 = vector.broadcast %mul3A_46 : f32 to vector<256x2048xf32>
    %mul3A_48 = arith.mulf %dot_general3A_40, %mul3A_47 : vector<256x2048xf32>
    %add3A = arith.addf %dot_general3A_45, %mul3A_48 : vector<256x2048xf32>
    %swap3A = arith.constant 0 : index
    %swap3A_49 = arith.constant 0 : index
    %swap3A_50 = vector.load %arg6[%swap3A, %swap3A_49] : memref<256x2048xf32, #tpu.memory_space<vmem>>, vector<256x2048xf32>
    tpu.vector_store %arg6[%swap3A, %swap3A_49], %add3A {strides = array<i32>} : memref<256x2048xf32, #tpu.memory_space<vmem>>, vector<256x2048xf32>,
    return
  }
  func.func @transform_0(%arg0: i32) -> (i32, i32) {
    %c0_i32 = arith.constant 0 : i32
    %c0_i32_0 = arith.constant 0 : i32
    return %arg0, %c0_i32 : i32, i32
  }
  func.func @transform_1(%arg0: i32) -> (i32, i32) {
    %c0_i32 = arith.constant 0 : i32
    %c0_i32_0 = arith.constant 0 : i32
    %c0_i32_1 = arith.constant 0 : i32
    return %c0_i32, %c0_i32_0 : i32, i32
  }
  func.func @transform_2(%arg0: i32) -> (i32, i32) {
    %c0_i32 = arith.constant 0 : i32
    %c0_i32_0 = arith.constant 0 : i32
    return %arg0, %c0_i32 : i32, i32
  }
  func.func @transform_3(%arg0: i32) -> (i32, i32) {
    %c0_i32 = arith.constant 0 : i32
    %c0_i32_0 = arith.constant 0 : i32
    %c0_i32_1 = arith.constant 0 : i32
    return %c0_i32, %c0_i32_0 : i32, i32
  }
  func.func @transform_4(%arg0: i32) -> (i32, i32) {
    %c0_i32 = arith.constant 0 : i32
    %c0_i32_0 = arith.constant 0 : i32
    %c0_i32_1 = arith.constant 0 : i32
    return %c0_i32, %c0_i32_0 : i32, i32
  }
  func.func @transform_5(%arg0: i32) -> (i32, i32) {
    %c0_i32 = arith.constant 0 : i32
    %c0_i32_0 = arith.constant 0 : i32
    return %arg0, %c0_i32 : i32, i32
  }
}

</mosaic_0001>

<sc_bundles>
// kernel: kernel.5.cloned.1.call-start
scs
__scs_entry_jumppad:
0x0: {  	(pc) =	sbr.rel $0x88, $3  }
0x1: {  	(tag) =	ssettag $0x0;
	lr =	simm.s32 $0x1  }
0x2: {  	[smem:$0x3F9C] =	sst lr;
	_ =	strace $0xD0000000  }
0x3: {  	_ = 	snop  }
0x4: {  	_ = 	snop  }
0x5: {  	_ = 	snop  }
0x6: {  	_ = 	snop  }
0x7: {  	_ = 	snop  }
__scs_overlays_trampoline_lowered:
0x8: {  	[smem:$0x3FAB] =	sst s0  }
0x9: {  	[smem:$0x3FAC] =	sst s1  }
0xa: {  	[smem:$0x3FAD] =	sst s2  }
0xb: {  	[smem:$0x3FAE] =	sst s3  }
0xc: {  	[smem:$0x3FAF] =	sst s4  }
0xd: {  	[smem:$0x3FB0] =	sst s5  }
0xe: {  	[smem:$0x3FB1] =	sst s6  }
0xf: {  	[smem:$0x3FB2] =	sst s7  }
0x10: {  	[smem:$0x3FB3] =	sst s8  }
0x11: {  	[smem:$0x3FB4] =	sst s9;
	s0 =	simm.s32 @!p0 $0x0  }
0x12: {  	s1 =	sld [smem:$0x3F9A];
	s0 =	simm.s32 @p0 $0x1  }
0x13: {  	[smem:$0x3FB5] =	sst s0;
	s0 =	simm.s32 @!p1 $0x0  }
0x14: {  	s2 =	sld [smem:$0x3F99];
	s0 =	simm.s32 @p1 $0x1  }
0x15: {  	[smem:$0x3FB6] =	sst s0;
	s0 =	simm.s32 @!p2 $0x0  }
0x16: {  	s3 =	sld [smem:$0x3FDB];
	s0 =	simm.s32 @p2 $0x1  }
0x17: {  	s4 =	simm.s32 $0x1BF5;
	[smem:$0x3FB8] =	sst s0  }
0x18: {  	s0 =	sld [smem:$0x3F9B];
	_ =	swait.ge [sflag:s4], $0x0  }
0x19: {  	s7 =	sld [smem:$0x3F9C]  }
0x1a: {  	s8 =	sadd.s32 $0xFFFFE003, lr  }
0x1b: {  	s9 =	sadd.s32 $0xFFFFFEF7, lr;
	s5 =	simm.s32 $0xFFFFFFFF;
	p2 =	slt.u32 s8, $0xFFFFF086  }
0x1c: {  	p1 =	slt.u32 s9, $0xF7A;
	s5 =	simm.s32 @!p2 $0x0  }
0x1d: {  	s5 =	simm.s32 @p1 $0x1;
	p0 =	seq.s32 s7, s2  }
0x1e: {  	s7 =	smul.u32 @!p0 $0xF7A, s2;
	p2 =	seq.s32 @!p0 s5, $0x0  }
0x1f: {  	s9 =	smul.u32 $0xF7A, s1;
	s8 =	simm.s32 @!p0 $0x1BF5;
	p2 =	por !p2, p0  }
0x20: {  	[sflag:s8] =	ssyncset.s32 @!p0 $0xFFFFF086;
	s6 =	sadd.s32 @!p0 s3, s7;
	s7 =	simm.s32 @!p0 $0x108  }
0x21: {  	s3 =	sadd.s32 s3, s9;
	s6 =	sadd.s32 @!p0 $0x88, s6;
	s7 =	simm.s32 @p2 $0x1082  }
0x22: {  	[simem:s7], [sflag:s8] =	dma.local @!p0 [hbm:s6], $0xF7A  }
0x23: {  	s9 =	sor.u32 $0xD0000000, s2;
	s6 =	simm.s32 $0x108;
	_ =	swait.ge @!p0 [sflag:s8], $0x0  }
0x24: {  	s3 =	sadd.s32 $0x88, s3;
	s6 =	simm.s32 @!p1 $0x1082;
	[sflag:s4] =	ssyncset.s32 $0xFFFFF086  }
0x25: {  	[simem:s6], [sflag:s4] =	dma.local [hbm:s3], $0xF7A  }
0x26: {  	[smem:$0x3F9C] =	sst s1;
	(tag) =	ssettag s2;
	_ =	strace s9  }
0x27: {  	s1 =	sld [smem:$0x3FAC]  }
0x28: {  	s2 =	sld [smem:$0x3FAD]  }
0x29: {  	s4 =	sld [smem:$0x3FAF]  }
0x2a: {  	p0 =	seq.s32 s5, $0x0;
	s5 =	sld [smem:$0x3FB0]  }
0x2b: {  	s6 =	sld [smem:$0x3FB1]  }
0x2c: {  	s7 =	sld [smem:$0x3FB2]  }
0x2d: {  	s3 =	simm.s32 $0x108;
	s8 =	sld [smem:$0x3FB3]  }
0x2e: {  	s3 =	simm.s32 @!p0 $0x1082;
	s9 =	sld [smem:$0x3FB4]  }
0x2f: {  	lr =	sadd.s32 s0, s3;
	s0 =	sld [smem:$0x3FAB]  }
0x30: {  	s3 =	sld [smem:$0x3FAE]  }
0x31: {  	[smem:$0x3FB7] =	sst s10  }
0x32: {  	s10 =	sld [smem:$0x3FB5];
	_ =	sdelay $0x3  }
0x33: {  	p0 =	seq.s32 s10, $0x1;
	s10 =	sld [smem:$0x3FB7];
	_ =	sdelay $0x3  }
0x34: {  	[smem:$0x3FB7] =	sst s10  }
0x35: {  	s10 =	sld [smem:$0x3FB6];
	_ =	sdelay $0x3  }
0x36: {  	p1 =	seq.s32 s10, $0x1;
	s10 =	sld [smem:$0x3FB7];
	_ =	sdelay $0x3  }
0x37: {  	[smem:$0x3FB7] =	sst s10  }
0x38: {  	s10 =	sld [smem:$0x3FB8]  }
0x39: {  	_ = 	snop;
	(pc) =	sbr.ind lr, $3  }
0x3a: {  	_ = 	snop  }
0x3b: {  	_ = 	snop  }
0x3c: {  	p2 =	seq.s32 s10, $0x1;
	s10 =	sld [smem:$0x3FB7]  }
0x3d: {  	_ =	shalt  }
0x3e: {  	_ =	shalt  }
0x3f: {  	_ =	shalt  }
0x40: {  	_ =	shalt  }
0x41: {  	_ =	shalt  }
0x42: {  	_ =	shalt  }
0x43: {  	_ =	shalt  }
0x44: {  	_ =	shalt  }
0x45: {  	_ =	shalt  }
0x46: {  	_ =	shalt  }
0x47: {  	_ =	shalt  }
0x48: {  	_ =	shalt  }
0x49: {  	_ =	shalt  }
0x4a: {  	_ =	shalt  }
0x4b: {  	_ =	shalt  }
0x4c: {  	_ =	shalt  }
0x4d: {  	_ =	shalt  }
0x4e: {  	_ =	shalt  }
0x4f: {  	_ =	shalt  }
0x50: {  	_ =	shalt  }
0x51: {  	_ =	shalt  }
0x52: {  	_ =	shalt  }
0x53: {  	_ =	shalt  }
0x54: {  	_ =	shalt  }
0x55: {  	_ =	shalt  }
0x56: {  	_ =	shalt  }
0x57: {  	_ =	shalt  }
0x58: {  	_ =	shalt  }
0x59: {  	_ =	shalt  }
0x5a: {  	_ =	shalt  }
0x5b: {  	_ =	shalt  }
0x5c: {  	_ =	shalt  }
0x5d: {  	_ =	shalt  }
0x5e: {  	_ =	shalt  }
0x5f: {  	_ =	shalt  }
0x60: {  	_ =	shalt  }
0x61: {  	_ =	shalt  }
0x62: {  	_ =	shalt  }
0x63: {  	_ =	shalt  }
0x64: {  	_ =	shalt  }
0x65: {  	_ =	shalt  }
0x66: {  	_ =	shalt  }
0x67: {  	_ =	shalt  }
0x68: {  	_ =	shalt  }
0x69: {  	_ =	shalt  }
0x6a: {  	_ =	shalt  }
0x6b: {  	_ =	shalt  }
0x6c: {  	_ =	shalt  }
0x6d: {  	_ =	shalt  }
0x6e: {  	_ =	shalt  }
0x6f: {  	_ =	shalt  }
0x70: {  	_ =	shalt  }
0x71: {  	_ =	shalt  }
0x72: {  	_ =	shalt  }
0x73: {  	_ =	shalt  }
0x74: {  	_ =	shalt  }
0x75: {  	_ =	shalt  }
0x76: {  	_ =	shalt  }
0x77: {  	_ =	shalt  }
0x78: {  	_ =	shalt  }
0x79: {  	_ =	shalt  }
0x7a: {  	_ =	shalt  }
0x7b: {  	_ =	shalt  }
0x7c: {  	_ =	shalt  }
0x7d: {  	_ =	shalt  }
0x7e: {  	_ =	shalt  }
0x7f: {  	_ =	shalt  }
0x80: {  	_ =	shalt  }
0x81: {  	_ =	shalt  }
0x82: {  	_ =	shalt  }
0x83: {  	_ =	shalt  }
0x84: {  	_ =	shalt  }
0x85: {  	_ =	shalt  }
0x86: {  	_ =	shalt  }
0x87: {  	_ =	shalt  }
.Lfunc_end0:
.L_simem_size_0:
called_computation_lowered:
.L_overlay_start_0:
0x88: {  	s2 =	sld [smem:$0x3FD9]  }
0x89: {  	s3 =	sld [smem:$0x3FFE];
	_ =	sdelay $0x1  }
0x8a: {  	s1 =	srdreg.scid  }
0x8b: {  	s0 =	sand.u32 $0x1, s1  }
0x8c: {  	s17 =	sshll.u32 s0, $0xA;
	s2 =	sadd.s32 s3, s2  }
0x8d: {  	s2 =	sadd.s32 s2, s17  }
0x8e: {  	[smem:$0x3FC3] =	sst s2  }
0x8f: {  	_ = 	snop  }
0x90: {  	s2 =	sld [smem:$0x3FD0];
	(tm) =	ssettm $0x1  }
0x91: {  	s18 =	sld [smem:$0x3FFB];
	_ =	sdelay $0x3  }
0x92: {  	_ =	strace s18  }
0x93: {  	s3 =	sld [smem:$0x3FFC];
	_ =	sdelay $0x3  }
0x94: {  	_ =	strace s3  }
0x95: {  	s3 =	sld [smem:$0x3FFD];
	_ =	sdelay $0x3  }
0x96: {  	_ =	strace s3  }
0x97: {  	_ =	strace $0x8FFFFFFF  }
0x98: {  	s19 =	sld [smem:$0x3FDB];
	_ =	sdelay $0x1  }
0x99: {  	s4 =	simm.s32 $_scs_section_size  }
0x9a: {  	s5 =	simm.s32 $_size__tile_overlayer_lowered;
	s6 =	simm.s32 $_tile_overlayer_lowered  }
0x9b: {  	s22 =	simm.s32 $0x1BFF;
	s21 =	sshll.u32 s6, $0x1;
	s3 =	sadd.s32 s4, s19  }
0x9c: {  	s7 =	simm.s32 $0x0;
	s20 =	sshll.u32 s5, $0x1;
	s5 =	sadd.s32 s21, s3  }
0x9d: {  	[timem:s7], [sflag:s22] =	dma.local [hbm:s5], s20  }
0x9e: {  	_ =	swait.ge [sflag:s22], s20  }
0x9f: {  	s4 =	ssub.s32 $0x0, s20;
	[sflag:s22] =	ssyncset.done $0x0  }
0xa0: {  	[sflag:s22] =	ssyncadd.s32 s4;
	_ =	sdelay $0x1  }
0xa1: {  	s23 =	simm.s32 $0x1B8B  }
0xa2: {  	_ =	swait.ge [sflag:s23], $0x1  }
0xa3: {  	[sflag:s23] =	ssyncset.done $0x0  }
0xa4: {  	s25 =	simm.s32 $0x1B8E;
	s24 =	sld [smem:$0x3FFE];
	[sflag:s23] =	ssyncadd.s32 $0xFFFFFFFF  }
0xa5: {  	s26 =	simm.s32 $execute0_lowered;
	[smem:$0x3FD2] =	sst s25  }
0xa6: {  	s5 =	sshll.u32 s26, $0x1;
	_ =	strace $0x80000046;
	[dreg:$0x1] =	wrdreg $0xFFFFFFFF  }
0xa7: {  	s28 =	simm.s32 $_size_execute0_lowered;
	s3 =	sadd.s32 s3, s5;
	[dreg:$0x0] =	wrdreg $0x0  }
0xa8: {  	s5 =	sshll.u32 s28, $0x1;
	[dreg:$0x2] =	wrdreg s3  }
0xa9: {  	[dreg:$0x3] =	wrdreg s5  }
0xaa: {  	[dreg:$0x4] =	wrdreg $0xC0  }
0xab: {  	_ =	task [dreg:s7], $0x5FFFF  }
0xac: {  	[dreg:$0x1] =	wrdreg $0xFFFFFFFF  }
0xad: {  	[dreg:$0x0] =	wrdreg $0x60  }
0xae: {  	[dreg:$0x2] =	wrdreg s2  }
0xaf: {  	[dreg:$0x3] =	wrdreg s24  }
0xb0: {  	[dreg:$0x4] =	wrdreg $0x9  }
0xb1: {  	_ =	task.clear_ibuf [dreg:s7], $0x5FFFF;
	_ =	strace $0x90000046  }
0xb2: {  	s29 =	simm.s32 $0x9;
	_ =	strace $0x80000048  }
0xb3: {  	_ =	swait.ge [sflag:s29], $0x1  }
0xb4: {  	[sflag:s29] =	ssyncadd.s32 $0xFFFFFFFF  }
0xb5: {  	_ =	strace $0x90000048  }
0xb6: {  	_ =	sfence  }
0xb7: {  	s30 =	sld [smem:$0x0];
	_ =	sdelay $0x2  }
0xb8: {  	s31 =	sshll.u32 s1, $0xD;
	s1 =	sshrl.u32 s1, $0x2  }
0xb9: {  	s3 =	sand.u32 $0x4000, s31;
	s1 =	sadd.s32 s1, s30  }
0xba: {  	s0 =	sor.u32 s3, s0;
	s1 =	sshll.u32 s1, $0x11  }
0xbb: {  	s0 =	sor.u32 s1, s0  }
0xbc: {  	s0 =	sadd.s32 $0x8F2B, s0  }
0xbd: {  	[sflag:s0] =	ssyncadd.remote.s32 $0x1  }
0xbe: {  	_ =	sfence.sel $0xFFFF  }
0xbf: {  	[dreg:$0x0] =	wrdreg $0xFFFFFFFF;
	(pc) =	sbr.abs _section_cstart, $3  }
0xc0: {  	[dreg:$0x1] =	wrdreg $0xFFFFFFFF  }
0xc1: {  	_ =	task.clear_ibuf [dreg:s7], $0x2FFFF;
	_ =	strace $0x9FFFFFFF  }
0xc2: {  	(tm) =	ssettm $0x7FFFFFFF  }
0xc3: {  	_ =	shalt  }
tec
execute0_lowered:
.L_overlay_start_1:
0x0: {  	(tag) =	ssettag $0x1  }
0x1: {  	v0 =	vimm.s32 $0xEFCDAB89;
	v1 =	vimm.s32 $0x67452301;
	v2 =	vimm.s32 $0xDCFE98BA  }
0x2: {  	v3 =	vimm.s32 $0x54761032;
	v4 =	vimm.s32 $0xBA98FEDC;
	v5 =	vimm.s32 $0x32107654  }
0x3: {  	s3 =	rddreg [dreg:$0x0];
	v0 =	vunpack.c.l.s4.s8 v0;
	v1 =	vunpack.c.l.s4.s8 v1;
	v2 =	vunpack.c.l.s4.s8 v2  }
0x4: {  	s4 =	rddreg [dreg:$0x1];
	s2 =	srdreg.scid;
	v3 =	vunpack.c.l.s4.s8 v3;
	v4 =	vunpack.c.l.s4.s8 v4;
	v5 =	vunpack.c.l.s4.s8 v5  }
0x5: {  	s0 =	rddreg [dreg:$0x2];
	s1 =	stileid.u32;
	s5 =	sand.u32 $0x1, s2;
	v0 =	vunpack.c.0.s8.s32 v0;
	v1 =	vunpack.c.0.s8.s32 v1;
	v2 =	vunpack.c.0.s8.s32 v2  }
0x6: {  	s2 =	simm.s32 $0x0;
	s6 =	sshll.u32 s1, $0x7;
	s7 =	sshll.u32 s5, $0x6;
	v3 =	vunpack.c.0.s8.s32 v3;
	v4 =	vunpack.c.0.s8.s32 v4;
	v5 =	vunpack.c.0.s8.s32 v5  }
0x7: {  	[smem:$0x7FF] =	sst s2;
	s5 =	ssub.s32 $0x2, s5;
	s6 =	sor.u32 s7, s6;
	v0 =	vcombine.low v1, v0  }
0x8: {  	_ =	strace $0x80000047;
	s31 =	sshrl.u32 s5, $0x1;
	s7 =	simm.s32 $0x200;
	v1 =	vcombine.low v3, v2;
	v2 =	vcombine.low v5, v4;
	v3 =	vlaneseq.u32  }
0x9: {  	v55 =	vimm.f32 $0.0e+00;
	s4 =	sadd.s32 s6, s4;
	s5 =	ssub.s32 s5, s31;
	s3 =	sadd.s32 s3, s6;
	v3 =	vand.u32 $0x7, v3  }
0xa: {  	s6 =	simm.s32 $0x1;
	s4 =	sadd.s32 $0xA00, s4;
	s5 =	smax.u32 s5, $0x1;
	v0 =	vand.u32 $0xF, v0;
	v1 =	vand.u32 $0xF, v1;
	v2 =	vand.u32 $0xF, v2  }
.LBB2_1:
0xb: {  	[tilespmem:s2], [sflag:$0x1] =	stream.linear.gather [hbm4b:s3+s2], $0x200, $0x38;
	[tilespmem:$0x400] =	vst v63  }
0xc: {  	_ =	swait.ge [sflag:s6], $0x200  }
0xd: {  	[sflag:s6] =	ssyncset.done $0x0  }
0xe: {  	[sflag:s6] =	ssyncadd.s32 $0xFFFFFE00  }
0xf: {  	v4 =	vld [tilespmem:$0x0];
	_ =	sdelay $0x4  }
0x10: {  	v5 =	vperm.xlane v4, v0;
	_ =	sdelay $0x1  }
0x11: {  	v5 =	vmax.f32 v4, v5  }
0x12: {  	v6 =	vperm.xlane v5, v1;
	_ =	sdelay $0x1  }
0x13: {  	v5 =	vmax.f32 v5, v6  }
0x14: {  	v6 =	vperm.xlane v5, v2;
	_ =	sdelay $0x1  }
0x15: {  	v5 =	vmax.f32 v5, v6  }
0x16: {  	vm0 =	veq.f32 v4, v5  }
0x17: {  	v7 =	vld [tilespmem:$0x10];
	v36 =	vnsel vm0, $0x8, v3  }
0x18: {  	v8 =	vperm.xlane v36, v0;
	_ =	sdelay $0x1  }
0x19: {  	vm0 =	vlt.s32 v36, v8  }
0x1a: {  	v6 =	vsel vm0, v36, v8  }
0x1b: {  	v9 =	vperm.xlane v7, v0;
	v8 =	vperm.xlane v6, v1;
	_ =	sdelay $0x1  }
0x1c: {  	v47 =	vld [tilespmem:$0x30];
	v9 =	vmax.f32 v7, v9;
	vm0 =	vlt.s32 v6, v8  }
0x1d: {  	v37 =	vperm.xlane v9, v1;
	v6 =	vsel vm0, v6, v8  }
0x1e: {  	v10 =	vperm.xlane v6, v2  }
0x1f: {  	v8 =	vmax.f32 v9, v37  }
0x20: {  	v60 =	vld [tilespmem:$0x40];
	v9 =	vperm.xlane v8, v2;
	vm0 =	vlt.s32 v6, v10  }
0x21: {  	v15 =	vperm.xlane v47, v0;
	v6 =	vsel vm0, v6, v10  }
0x22: {  	v38 =	vmax.f32 v8, v9;
	vm1 =	veq.s32 v6, v3  }
0x23: {  	v52 =	vmax.f32 v47, v15;
	vm5 =	veq.f32 v7, v38;
	v4 =	vsel vm1, $0xFF800000, v4  }
0x24: {  	v41 =	vld [tilespmem:$0x20];
	v15 =	vperm.xlane v52, v1;
	v40 =	vnsel vm5, $0x8, v3;
	v39 =	vperm.xlane v4, v0  }
0x25: {  	v22 =	vperm.xlane v60, v0;
	v11 =	vperm.xlane v40, v0  }
0x26: {  	v54 =	vmax.f32 v52, v15;
	v8 =	vmax.f32 v4, v39  }
0x27: {  	v15 =	vmax.f32 v60, v22;
	vm0 =	vlt.s32 v40, v11;
	v12 =	vperm.xlane v8, v1  }
0x28: {  	v24 =	vperm.xlane v15, v1;
	v9 =	vsel vm0, v40, v11  }
0x29: {  	v42 =	vperm.xlane v41, v0;
	v11 =	vperm.xlane v9, v1;
	v8 =	vmax.f32 v8, v12  }
0x2a: {  	v15 =	vmax.f32 v15, v24;
	v13 =	vperm.xlane v8, v2  }
0x2b: {  	v26 =	vperm.xlane v15, v2;
	vm0 =	vlt.s32 v9, v11;
	v12 =	vmax.f32 v41, v42  }
0x2c: {  	v9 =	vsel vm0, v9, v11;
	v43 =	vperm.xlane v12, v1;
	v8 =	vmax.f32 v8, v13  }
0x2d: {  	vm6 =	veq.f32 v4, v8;
	v4 =	vperm.xlane v9, v2  }
0x2e: {  	v15 =	vmax.f32 v15, v26;
	v11 =	vmax.f32 v12, v43;
	v5 =	vsub.f32 v8, v5  }
0x2f: {  	v45 =	vperm.xlane v11, v2;
	v44 =	vnsel vm6, $0x8, v3;
	vm7 =	vlt.s32 v9, v4  }
0x30: {  	v29 =	vld [tilespmem:$0x50];
	v46 =	vperm.xlane v44, v0;
	v5 =	vmul.f32 $1.442695020e+00, v5;
	v4 =	vsel vm7, v9, v4  }
0x31: {  	vm7 =	veq.f32 v60, v15;
	vm3 =	veq.s32 v4, v3  }
0x32: {  	v4 =	vmax.f32 v11, v45;
	vm8 =	vlt.s32 v44, v46;
	(erf) = vpow2.f32 v5  }
0x33: {  	v7 =	vsel vm3, $0xFF800000, v7;
	vm2 =	veq.f32 v41, v4;
	v50 =	vsel vm8, v44, v46  }
0x34: {  	v5 =	vperm.xlane v7, v0;
	v49 =	vnsel vm2, $0x8, v3;
	v13 =	vperm.xlane v50, v1  }
0x35: {  	v32 =	vperm.xlane v29, v0;
	v30 =	vnsel vm7, $0x8, v3;
	v51 =	vperm.xlane v49, v0  }
0x36: {  	v31 =	vperm.xlane v30, v0;
	v5 =	vmax.f32 v7, v5;
	vm10 =	vlt.s32 v50, v13  }
0x37: {  	v14 =	vperm.xlane v5, v1;
	vm9 =	vlt.s32 v49, v51;
	v11 =	vsel vm10, v50, v13  }
0x38: {  	v9 =	vsel vm9, v49, v51;
	v16 =	vperm.xlane v11, v2;
	v49 =	vsel vm1, $0x3F800000, v55  }
0x39: {  	v44 =	vld [tilespmem:$0x60];
	v5 =	vmax.f32 v5, v14;
	v12 =	vperm.xlane v9, v1;
	v14 =	vperm.xlane v54, v2  }
0x3a: {  	vm9 =	vlt.s32 v30, v31;
	v53 =	vperm.xlane v5, v2;
	vm2 =	vlt.s32 v11, v16  }
0x3b: {  	vm0 =	vlt.s32 v9, v12;
	v56 =	vpop (erf);
	v59 =	vmax.f32 v54, v14;
	v11 =	vsel vm2, v11, v16  }
0x3c: {  	v5 =	vmax.f32 v5, v53;
	v9 =	vsel vm0, v9, v12;
	v58 =	vadd.f32 $1.000000000e+00, v56  }
0x3d: {  	vm4 =	veq.f32 v47, v59;
	vm8 =	veq.s32 v11, v3;
	v11 =	vmax.f32 v29, v32  }
0x3e: {  	v53 =	vperm.xlane v44, v0;
	vm11 =	veq.f32 v7, v5;
	v57 =	vperm.xlane v9, v2  }
0x3f: {  	v5 =	vsub.f32 v5, v38;
	v62 =	vnsel vm4, $0x8, v3;
	v34 =	vperm.xlane v11, v1  }
0x40: {  	v17 =	vnsel vm11, $0x8, v3;
	v21 =	vperm.xlane v62, v0;
	vm12 =	vlt.s32 v9, v57  }
0x41: {  	v61 =	vperm.xlane v17, v0;
	v5 =	vmul.f32 $1.442695020e+00, v5;
	v7 =	vsel vm12, v9, v57  }
0x42: {  	(erf) = vrcp.f32 v58;
	vm14 =	vlt.s32 v62, v21;
	vm0 =	veq.s32 v7, v3  }
0x43: {  	vm13 =	vlt.s32 v17, v61;
	(erf) = vpow2.f32 v5;
	v63 =	vsel vm0, $0xFF800000, v41  }
0x44: {  	v7 =	vsel vm14, v62, v21;
	v14 =	vsel vm13, v17, v61;
	v5 =	vperm.xlane v63, v0  }
0x45: {  	v35 =	vmax.f32 v11, v34;
	v18 =	vperm.xlane v7, v1;
	v17 =	vperm.xlane v14, v1  }
0x46: {  	v50 =	vnsel vm8, $0x0, v56;
	v38 =	vperm.xlane v35, v2;
	v5 =	vmax.f32 v63, v5  }
0x47: {  	vm4 =	vlt.s32 v7, v18;
	vm15 =	vlt.s32 v14, v17;
	v23 =	vperm.xlane v5, v1  }
0x48: {  	v9 =	vmax.f32 v35, v38;
	v7 =	vsel vm4, v7, v18;
	v14 =	vsel vm15, v14, v17  }
0x49: {  	v25 =	vperm.xlane v7, v2;
	vm15 =	veq.f32 v29, v9;
	v5 =	vmax.f32 v5, v23  }
0x4a: {  	v56 =	vmax.f32 v44, v53;
	v42 =	vnsel vm15, $0x8, v3;
	v10 =	vperm.xlane v5, v2  }
0x4b: {  	v27 =	vperm.xlane v14, v2;
	vm6 =	vlt.s32 v7, v25;
	v43 =	vperm.xlane v42, v0  }
0x4c: {  	v48 =	vpop (erf);
	v23 =	vsel vm0, $0x3F800000, v55;
	v7 =	vsel vm6, v7, v25;
	v5 =	vmax.f32 v5, v10  }
0x4d: {  	v28 =	vpop (erf);
	vm2 =	veq.s32 v7, v3;
	v7 =	vsel vm9, v30, v31;
	v4 =	vsub.f32 v5, v4  }
0x4e: {  	v26 =	vld [tilespmem:$0x70];
	vm10 =	vlt.s32 v14, v27;
	v19 =	vadd.f32 $1.000000000e+00, v28;
	v16 =	vperm.xlane v7, v1  }
0x4f: {  	v14 =	vsel vm10, v14, v27;
	v8 =	vsel vm2, $0xFF800000, v47;
	v4 =	vmul.f32 $1.442695020e+00, v4  }
0x50: {  	vm11 =	veq.f32 v63, v5;
	(erf) = vrcp.f32 v19;
	vm12 =	vlt.s32 v7, v16  }
0x51: {  	v36 =	vnsel vm11, $0x8, v3;
	(erf) = vpow2.f32 v4;
	v4 =	vperm.xlane v8, v0  }
0x52: {  	vm9 =	vlt.s32 v42, v43;
	v7 =	vsel vm12, v7, v16;
	v40 =	vperm.xlane v36, v0  }
0x53: {  	v31 =	vperm.xlane v26, v0;
	v37 =	vperm.xlane v7, v2;
	v4 =	vmax.f32 v8, v4  }
0x54: {  	vm13 =	veq.s32 v14, v3;
	vm8 =	vlt.s32 v36, v40;
	v33 =	vperm.xlane v4, v1  }
0x55: {  	v14 =	vperm.xlane v56, v1;
	vm14 =	vlt.s32 v7, v37;
	v46 =	vsel vm8, v36, v40  }
0x56: {  	v7 =	vsel vm14, v7, v37;
	v11 =	vperm.xlane v46, v1;
	v4 =	vmax.f32 v4, v33  }
0x57: {  	vm1 =	veq.s32 v7, v3;
	v7 =	vsel vm9, v42, v43;
	v5 =	vperm.xlane v4, v2  }
0x58: {  	v10 =	vnsel vm13, $0x0, v28;
	v47 =	vperm.xlane v7, v1;
	vm4 =	vlt.s32 v46, v11  }
0x59: {  	v38 =	vsel vm2, $0x3F800000, v55;
	[tilespmem:$0x1FD80] =	vst v10;
	v12 =	vsel vm1, $0xFF800000, v60;
	v10 =	vsel vm4, v46, v11  }
0x5a: {  	v39 =	vpop (erf);
	vm11 =	vlt.s32 v7, v47;
	v58 =	vperm.xlane v10, v2;
	v4 =	vmax.f32 v4, v5  }
0x5b: {  	v45 =	vperm.xlane v12, v0;
	v7 =	vsel vm11, v7, v47;
	v6 =	vsub.f32 v4, v59;
	v5 =	vpop (erf)  }
0x5c: {  	v57 =	vperm.xlane v7, v2;
	vm15 =	vlt.s32 v10, v58;
	v41 =	vadd.f32 $1.000000000e+00, v5  }
0x5d: {  	vm10 =	veq.f32 v8, v4;
	v8 =	vmax.f32 v56, v14;
	v6 =	vmul.f32 $1.442695020e+00, v6  }
0x5e: {  	v10 =	vsel vm15, v10, v58;
	v51 =	vnsel vm10, $0x8, v3;
	(erf) = vrcp.f32 v41  }
0x5f: {  	v42 =	vld [tilespmem:$0x80];
	vm13 =	vlt.s32 v7, v57;
	v61 =	vperm.xlane v8, v2;
	(erf) = vpow2.f32 v6  }
0x60: {  	vm8 =	veq.s32 v10, v3;
	v54 =	vperm.xlane v51, v0;
	v7 =	vsel vm13, v7, v57  }
0x61: {  	v5 =	vnsel vm8, $0x0, v5;
	vm9 =	veq.s32 v7, v3;
	v6 =	vmax.f32 v12, v45  }
0x62: {  	v8 =	vmax.f32 v8, v61;
	vm12 =	vlt.s32 v51, v54;
	v4 =	vperm.xlane v6, v1  }
0x63: {  	v7 =	vsel vm9, $0xFF800000, v29;
	vm14 =	veq.f32 v44, v8;
	v13 =	vsel vm12, v51, v54  }
0x64: {  	v62 =	vperm.xlane v7, v0;
	v54 =	vperm.xlane v42, v0;
	v4 =	vmax.f32 v6, v4  }
0x65: {  	v21 =	vnsel vm14, $0x8, v3;
	v63 =	vperm.xlane v13, v1;
	v6 =	vperm.xlane v4, v2  }
0x66: {  	v22 =	vperm.xlane v21, v0;
	v11 =	vmax.f32 v7, v62;
	v57 =	vmax.f32 v42, v54  }
0x67: {  	vm7 =	vlt.s32 v13, v63;
	v24 =	vperm.xlane v11, v1;
	v4 =	vmax.f32 v4, v6;
	v20 =	vpop (erf)  }
0x68: {  	vm10 =	vlt.s32 v21, v22;
	v25 =	vsel vm7, v13, v63;
	v15 =	vsub.f32 v4, v15;
	v59 =	vpop (erf)  }
0x69: {  	v14 =	vperm.xlane v25, v2;
	v11 =	vmax.f32 v11, v24;
	v60 =	vadd.f32 $1.000000000e+00, v59  }
0x6a: {  	vm11 =	veq.f32 v12, v4;
	v4 =	vperm.xlane v11, v2;
	v15 =	vmul.f32 $1.442695020e+00, v15  }
0x6b: {  	[tilespmem:$0x1FDC0] =	vst v5;
	vm12 =	vlt.s32 v25, v14;
	v5 =	vnsel vm11, $0x8, v3;
	(erf) = vrcp.f32 v60  }
0x6c: {  	v29 =	vperm.xlane v5, v0;
	(erf) = vpow2.f32 v15;
	v15 =	vsel vm10, v21, v22  }
0x6d: {  	v58 =	vperm.xlane v57, v1;
	v10 =	vsel vm12, v25, v14;
	v27 =	vperm.xlane v15, v1  }
0x6e: {  	v4 =	vmax.f32 v11, v4;
	vm4 =	veq.s32 v10, v3;
	vm14 =	vlt.s32 v5, v29  }
0x6f: {  	v9 =	vsub.f32 v4, v9;
	v5 =	vsel vm14, v5, v29;
	vm13 =	vlt.s32 v15, v27  }
0x70: {  	v36 =	vperm.xlane v5, v1;
	v21 =	vld [tilespmem:$0x90];
	v12 =	vsel vm13, v15, v27;
	v15 =	vmax.f32 v26, v31  }
0x71: {  	v6 =	vnsel vm4, $0x0, v59;
	v33 =	vperm.xlane v12, v2;
	v34 =	vperm.xlane v15, v1  }
0x72: {  	vm7 =	veq.f32 v7, v4;
	v9 =	vmul.f32 $1.442695020e+00, v9;
	v60 =	vsel vm1, $0x3F800000, v55  }
0x73: {  	vm5 =	vlt.s32 v5, v36;
	vm15 =	vlt.s32 v12, v33;
	v37 =	vmax.f32 v15, v34  }
0x74: {  	v5 =	vsel vm5, v5, v36;
	v28 =	vpop (erf);
	v35 =	vsel vm15, v12, v33;
	v15 =	vperm.xlane v37, v2  }
0x75: {  	v12 =	vperm.xlane v5, v2;
	[tilespmem:$0x1FE30] =	vst v28;
	v30 =	vpop (erf);
	vm11 =	veq.s32 v35, v3;
	v28 =	vperm.xlane v21, v0  }
0x76: {  	[tilespmem:$0x1FDA0] =	vst v39;
	v32 =	vadd.f32 $1.000000000e+00, v30;
	v39 =	vsel vm11, $0xFF800000, v44;
	v41 =	vmax.f32 v37, v15  }
0x77: {  	vm8 =	vlt.s32 v5, v12;
	v44 =	vnsel vm7, $0x8, v3;
	v15 =	vmax.f32 v57, v58  }
0x78: {  	v40 =	vperm.xlane v39, v0;
	vm6 =	veq.f32 v26, v41;
	v47 =	vperm.xlane v44, v0  }
0x79: {  	v5 =	vsel vm8, v5, v12;
	v17 =	vperm.xlane v15, v2;
	(erf) = vrcp.f32 v32  }
0x7a: {  	v43 =	vnsel vm6, $0x8, v3;
	vm12 =	veq.s32 v5, v3;
	(erf) = vpow2.f32 v9  }
0x7b: {  	v10 =	vmax.f32 v39, v40;
	v45 =	vperm.xlane v43, v0;
	vm2 =	vlt.s32 v44, v47  }
0x7c: {  	v11 =	vnsel vm12, $0x0, v30;
	v30 =	vmax.f32 v21, v28;
	v4 =	vperm.xlane v10, v1  }
0x7d: {  	v12 =	vsel vm2, v44, v47;
	v32 =	vperm.xlane v30, v1;
	vm10 =	vlt.s32 v43, v45  }
0x7e: {  	v59 =	vperm.xlane v12, v1;
	v4 =	vmax.f32 v10, v4;
	v7 =	vsel vm10, v43, v45  }
0x7f: {  	v62 =	vmax.f32 v15, v17;
	v53 =	vperm.xlane v4, v2;
	v16 =	vperm.xlane v7, v1  }
0x80: {  	vm15 =	veq.f32 v42, v62;
	v34 =	vmax.f32 v30, v32;
	vm13 =	vlt.s32 v12, v59  }
0x81: {  	v5 =	vsel vm13, v12, v59;
	v4 =	vmax.f32 v4, v53;
	vm0 =	vlt.s32 v7, v16  }
0x82: {  	v12 =	vperm.xlane v5, v2;
	v8 =	vsub.f32 v4, v8;
	v7 =	vsel vm0, v7, v16  }
0x83: {  	vm4 =	veq.f32 v39, v4;
	v4 =	vnsel vm15, $0x8, v3;
	v61 =	vperm.xlane v7, v2  }
0x84: {  	[tilespmem:$0x1FE20] =	vst v20;
	v46 =	vpop (erf);
	v63 =	vnsel vm4, $0x8, v3;
	v20 =	vperm.xlane v4, v0;
	vm5 =	vlt.s32 v5, v12  }
0x85: {  	v51 =	vpop (erf);
	v8 =	vmul.f32 $1.442695020e+00, v8;
	v22 =	vperm.xlane v63, v0;
	v5 =	vsel vm5, v5, v12  }
0x86: {  	v56 =	vadd.f32 $1.000000000e+00, v51;
	vm14 =	vlt.s32 v7, v61;
	vm6 =	vlt.s32 v4, v20  }
0x87: {  	v7 =	vsel vm14, v7, v61;
	vm7 =	vlt.s32 v63, v22;
	v4 =	vsel vm6, v4, v20  }
0x88: {  	(erf) = vrcp.f32 v56;
	vm10 =	veq.s32 v7, v3;
	v7 =	vsel vm7, v63, v22  }
0x89: {  	v61 =	vld [tilespmem:$0xB0];
	v14 =	vperm.xlane v4, v1;
	(erf) = vpow2.f32 v8;
	v13 =	vsel vm10, $0xFF800000, v26  }
0x8a: {  	[tilespmem:$0x1FDB0] =	vst v23;
	vm0 =	veq.s32 v5, v3;
	v5 =	vperm.xlane v7, v1;
	v23 =	vperm.xlane v13, v0  }
0x8b: {  	v35 =	vperm.xlane v34, v2;
	v10 =	vnsel vm0, $0x0, v51;
	vm8 =	vlt.s32 v4, v14  }
0x8c: {  	v4 =	vsel vm8, v4, v14;
	vm12 =	vlt.s32 v7, v5;
	v24 =	vmax.f32 v13, v23  }
0x8d: {  	v31 =	vperm.xlane v4, v2;
	v5 =	vsel vm12, v7, v5;
	v7 =	vmax.f32 v34, v35  }
0x8e: {  	v22 =	vperm.xlane v61, v0;
	v26 =	vperm.xlane v24, v1;
	vm15 =	veq.f32 v21, v7  }
0x8f: {  	[tilespmem:$0x1FDD0] =	vst v38;
	v35 =	vld [tilespmem:$0xC0];
	v38 =	vperm.xlane v5, v2;
	vm13 =	vlt.s32 v4, v31;
	v39 =	vnsel vm15, $0x8, v3  }
0x90: {  	[tilespmem:$0x1FE00] =	vst v11;
	v11 =	vmax.f32 v24, v26;
	v4 =	vsel vm13, v4, v31;
	v40 =	vperm.xlane v39, v0  }
0x91: {  	vm5 =	vlt.s32 v5, v38;
	v12 =	vperm.xlane v11, v2;
	vm7 =	veq.s32 v4, v3  }
0x92: {  	v5 =	vsel vm5, v5, v38;
	v25 =	vpop (erf);
	v9 =	vsel vm7, $0xFF800000, v42;
	vm6 =	vlt.s32 v39, v40  }
0x93: {  	vm0 =	veq.s32 v5, v3;
	v27 =	vpop (erf);
	v33 =	vmax.f32 v11, v12;
	v37 =	vperm.xlane v9, v0  }
0x94: {  	[tilespmem:$0x1FDE0] =	vst v6;
	v11 =	vld [tilespmem:$0xA0];
	v43 =	vsel vm6, v39, v40;
	v40 =	vperm.xlane v35, v0;
	v29 =	vadd.f32 $1.000000000e+00, v27  }
0x95: {  	[tilespmem:$0x1FE50] =	vst v46;
	v6 =	vsub.f32 v33, v41;
	vm14 =	veq.f32 v13, v33;
	v46 =	vperm.xlane v43, v1  }
0x96: {  	v16 =	vnsel vm0, $0x0, v27;
	v13 =	vmax.f32 v61, v22;
	v36 =	vnsel vm14, $0x8, v3  }
0x97: {  	v26 =	vperm.xlane v13, v1;
	v6 =	vmul.f32 $1.442695020e+00, v6;
	vm12 =	vlt.s32 v43, v46  }
0x98: {  	(erf) = vrcp.f32 v29;
	v4 =	vperm.xlane v36, v0;
	v12 =	vsel vm12, v43, v46  }
0x99: {  	(erf) = vpow2.f32 v6;
	v6 =	vmax.f32 v9, v37;
	v44 =	vperm.xlane v11, v0  }
0x9a: {  	v30 =	vmax.f32 v13, v26;
	vm4 =	vlt.s32 v36, v4;
	v41 =	vperm.xlane v6, v1  }
0x9b: {  	v57 =	vperm.xlane v12, v2;
	v4 =	vsel vm4, v36, v4;
	v5 =	vmax.f32 v11, v44  }
0x9c: {  	v42 =	vperm.xlane v4, v1;
	v6 =	vmax.f32 v6, v41;
	v51 =	vperm.xlane v5, v1  }
0x9d: {  	[tilespmem:$0x1FE70] =	vst v16;
	v16 =	vperm.xlane v30, v2;
	vm14 =	vlt.s32 v12, v57;
	v45 =	vperm.xlane v6, v2  }
0x9e: {  	[tilespmem:$0x1FDF0] =	vst v60;
	v60 =	vsel vm14, v12, v57;
	vm8 =	vlt.s32 v4, v42;
	v5 =	vmax.f32 v5, v51  }
0x9f: {  	v4 =	vsel vm8, v4, v42;
	v6 =	vmax.f32 v6, v45;
	v59 =	vperm.xlane v5, v2  }
0xa0: {  	vm8 =	veq.s32 v60, v3;
	v53 =	vperm.xlane v4, v2;
	v8 =	vsub.f32 v6, v62  }
0xa1: {  	vm13 =	veq.f32 v9, v6;
	v6 =	vsel vm8, $0xFF800000, v21;
	v5 =	vmax.f32 v5, v59  }
0xa2: {  	v47 =	vpop (erf);
	v9 =	vnsel vm13, $0x8, v3;
	vm4 =	vlt.s32 v4, v53;
	vm15 =	veq.f32 v11, v5  }
0xa3: {  	v15 =	vperm.xlane v6, v0;
	v54 =	vpop (erf);
	v62 =	vperm.xlane v9, v0;
	v63 =	vnsel vm15, $0x8, v3  }
0xa4: {  	v4 =	vsel vm4, v4, v53;
	v56 =	vadd.f32 $1.000000000e+00, v54;
	v20 =	vperm.xlane v63, v0  }
0xa5: {  	v58 =	vmul.f32 $1.442695020e+00, v8;
	v21 =	vmax.f32 v6, v15;
	vm0 =	veq.s32 v4, v3  }
0xa6: {  	vm5 =	vlt.s32 v9, v62;
	(erf) = vrcp.f32 v56;
	vm6 =	vlt.s32 v63, v20  }
0xa7: {  	v24 =	vperm.xlane v21, v1;
	(erf) = vpow2.f32 v58;
	v12 =	vsel vm6, v63, v20  }
0xa8: {  	v14 =	vnsel vm0, $0x0, v54;
	v9 =	vsel vm5, v9, v62;
	v4 =	vperm.xlane v12, v1  }
0xa9: {  	v34 =	vmax.f32 v30, v16;
	v54 =	vld [tilespmem:$0xD0];
	[tilespmem:$0x1FE80] =	vst v14;
	v14 =	vmax.f32 v35, v40;
	v23 =	vperm.xlane v9, v1  }
0xaa: {  	[tilespmem:$0x1FE10] =	vst v10;
	v10 =	vmax.f32 v21, v24;
	v43 =	vperm.xlane v14, v1;
	vm12 =	vlt.s32 v12, v4  }
0xab: {  	vm15 =	veq.f32 v61, v34;
	v28 =	vperm.xlane v10, v2;
	v4 =	vsel vm12, v12, v4  }
0xac: {  	vm1 =	vlt.s32 v9, v23;
	v13 =	vmax.f32 v14, v43;
	v31 =	vperm.xlane v4, v2  }
0xad: {  	v9 =	vsel vm1, v9, v23;
	v10 =	vmax.f32 v10, v28;
	v46 =	vperm.xlane v13, v2  }
0xae: {  	v58 =	vperm.xlane v54, v0;
	v33 =	vsub.f32 v10, v7;
	vm14 =	vlt.s32 v4, v31  }
0xaf: {  	[tilespmem:$0x1FE60] =	vst v25;
	v32 =	vperm.xlane v9, v2;
	vm13 =	veq.f32 v6, v10;
	v25 =	vpop (erf);
	v4 =	vsel vm14, v4, v31  }
0xb0: {  	v36 =	vnsel vm13, $0x8, v3;
	v6 =	vmul.f32 $1.442695020e+00, v33;
	v27 =	vpop (erf);
	vm4 =	veq.s32 v4, v3  }
0xb1: {  	v29 =	vadd.f32 $1.000000000e+00, v27;
	v4 =	vnsel vm15, $0x8, v3;
	v11 =	vsel vm4, $0xFF800000, v11  }
0xb2: {  	v13 =	vmax.f32 v13, v46;
	v38 =	vperm.xlane v4, v0;
	v39 =	vperm.xlane v11, v0  }
0xb3: {  	v37 =	vperm.xlane v36, v0;
	vm6 =	vlt.s32 v9, v32;
	(erf) = vrcp.f32 v29  }
0xb4: {  	(erf) = vpow2.f32 v6;
	vm1 =	vlt.s32 v4, v38;
	v6 =	vmax.f32 v11, v39  }
0xb5: {  	vm12 =	vlt.s32 v36, v37;
	v4 =	vsel vm1, v4, v38;
	v41 =	vperm.xlane v6, v1  }
0xb6: {  	v9 =	vsel vm6, v9, v32;
	[tilespmem:$0x1FEB0] =	vst v25;
	v12 =	vsel vm12, v36, v37;
	v25 =	vld [tilespmem:$0xE0];
	v42 =	vperm.xlane v4, v1  }
0xb7: {  	vm6 =	veq.f32 v35, v13;
	v44 =	vperm.xlane v12, v1;
	v6 =	vmax.f32 v6, v41  }
0xb8: {  	vm15 =	veq.s32 v9, v3;
	vm13 =	vlt.s32 v4, v42;
	v16 =	vperm.xlane v6, v2  }
0xb9: {  	v15 =	vnsel vm15, $0x0, v27;
	vm14 =	vlt.s32 v12, v44;
	v41 =	vld [tilespmem:$0xF0];
	v4 =	vsel vm13, v4, v42  }
0xba: {  	v51 =	vsel vm14, v12, v44;
	v45 =	vperm.xlane v4, v2;
	v6 =	vmax.f32 v6, v16  }
0xbb: {  	v62 =	vperm.xlane v51, v2;
	v29 =	vperm.xlane v25, v0;
	v5 =	vsub.f32 v6, v5  }
0xbc: {  	vm5 =	vlt.s32 v4, v45;
	vm13 =	veq.f32 v11, v6;
	v11 =	vmax.f32 v54, v58  }
0xbd: {  	[tilespmem:$0x1FEA0] =	vst v47;
	v47 =	vpop (erf);
	v4 =	vsel vm5, v4, v45;
	v6 =	vnsel vm13, $0x8, v3;
	v63 =	vperm.xlane v11, v1  }
0xbe: {  	v53 =	vpop (erf);
	v46 =	vperm.xlane v41, v0;
	vm12 =	veq.s32 v4, v3;
	v4 =	vimm.s32 $0x0  }
0xbf: {  	v56 =	vadd.f32 $1.000000000e+00, v53;
	v5 =	vmul.f32 $1.442695020e+00, v5;
	v4 =	vsel vm12, $0xFFFFFFFF, v4  }
0xc0: {  	v59 =	vperm.xlane v6, v0;
	v8 =	vsel vm12, $0xFF800000, v61;
	[tilespmem:$0x1FD50] =	vst v4;
	v4 =	vnsel vm6, $0x8, v3  }
0xc1: {  	v11 =	vmax.f32 v11, v63;
	(erf) = vrcp.f32 v56;
	v57 =	vperm.xlane v4, v0  }
0xc2: {  	vm15 =	vlt.s32 v6, v59;
	(erf) = vpow2.f32 v5;
	v5 =	vperm.xlane v8, v0  }
0xc3: {  	v22 =	vperm.xlane v11, v2;
	vm6 =	vlt.s32 v51, v62;
	vm14 =	vlt.s32 v4, v57  }
0xc4: {  	v6 =	vsel vm15, v6, v59;
	v5 =	vmax.f32 v8, v5;
	v4 =	vsel vm14, v4, v57  }
0xc5: {  	v9 =	vsel vm6, v51, v62;
	v60 =	vperm.xlane v5, v1;
	v61 =	vperm.xlane v4, v1  }
0xc6: {  	v51 =	vmax.f32 v41, v46;
	v24 =	vperm.xlane v6, v1;
	v11 =	vmax.f32 v11, v22  }
0xc7: {  	vm0 =	veq.s32 v9, v3;
	v5 =	vmax.f32 v5, v60;
	vm5 =	vlt.s32 v4, v61  }
0xc8: {  	v9 =	vmax.f32 v25, v29;
	v14 =	vperm.xlane v5, v2;
	v4 =	vsel vm5, v4, v61  }
0xc9: {  	v19 =	vperm.xlane v51, v1;
	vm12 =	veq.f32 v54, v11;
	v21 =	vperm.xlane v4, v2  }
0xca: {  	v32 =	vperm.xlane v9, v1;
	vm14 =	vlt.s32 v6, v24;
	v23 =	vpop (erf);
	v5 =	vmax.f32 v5, v14  }
0xcb: {  	v31 =	vsel vm14, v6, v24;
	v42 =	vpop (erf);
	v7 =	vsub.f32 v5, v34;
	vm1 =	vlt.s32 v4, v21  }
0xcc: {  	v6 =	vmax.f32 v9, v32;
	v26 =	vadd.f32 $1.000000000e+00, v42;
	v4 =	vsel vm1, v4, v21  }
0xcd: {  	v7 =	vmul.f32 $1.442695020e+00, v7;
	vm13 =	veq.s32 v4, v3;
	v4 =	vimm.s32 $0x0  }
0xce: {  	(erf) = vrcp.f32 v26;
	v4 =	vsel vm13, $0xFFFFFFFF, v4;
	v10 =	vsel vm13, $0xFF800000, v35  }
0xcf: {  	v59 =	vld [tilespmem:$0x100];
	(erf) = vpow2.f32 v7;
	[tilespmem:$0x1FD60] =	vst v4;
	v4 =	vnsel vm12, $0x8, v3;
	v28 =	vperm.xlane v10, v0  }
0xd0: {  	vm15 =	veq.f32 v8, v5;
	v34 =	vperm.xlane v6, v2;
	v27 =	vperm.xlane v4, v0  }
0xd1: {  	v12 =	vnsel vm0, $0x0, v53;
	v8 =	vnsel vm15, $0x8, v3;
	v7 =	vmax.f32 v10, v28  }
0xd2: {  	[tilespmem:$0x1FE90] =	vst v15;
	v15 =	vmax.f32 v6, v34;
	vm1 =	vlt.s32 v4, v27;
	v30 =	vperm.xlane v7, v1  }
0xd3: {  	v36 =	vperm.xlane v8, v0;
	vm6 =	veq.f32 v25, v15;
	v4 =	vsel vm1, v4, v27  }
0xd4: {  	v26 =	vperm.xlane v59, v0;
	v17 =	vperm.xlane v4, v1;
	v5 =	vmax.f32 v7, v30  }
0xd5: {  	v35 =	vperm.xlane v31, v2;
	vm13 =	vlt.s32 v8, v36;
	v7 =	vperm.xlane v5, v2  }
0xd6: {  	[tilespmem:$0x1FED0] =	vst v12;
	v8 =	vsel vm13, v8, v36;
	v12 =	vmax.f32 v59, v26;
	vm1 =	vlt.s32 v4, v17  }
0xd7: {  	vm0 =	vlt.s32 v31, v35;
	v18 =	vpop (erf);
	v4 =	vsel vm1, v4, v17;
	v7 =	vmax.f32 v5, v7  }
0xd8: {  	[tilespmem:$0x1FF00] =	vst v18;
	v5 =	vpop (erf);
	v18 =	vperm.xlane v8, v1;
	v33 =	vperm.xlane v4, v2;
	v13 =	vsub.f32 v7, v13  }
0xd9: {  	v37 =	vadd.f32 $1.000000000e+00, v5;
	vm15 =	veq.f32 v10, v7;
	v7 =	vmax.f32 v51, v19  }
0xda: {  	v10 =	vnsel vm15, $0x8, v3;
	v56 =	vperm.xlane v7, v2;
	v38 =	vmul.f32 $1.442695020e+00, v13  }
0xdb: {  	[tilespmem:$0x1FEC0] =	vst v47;
	vm5 =	vlt.s32 v4, v33;
	(erf) = vrcp.f32 v37;
	v47 =	vperm.xlane v10, v0  }
0xdc: {  	v4 =	vsel vm5, v4, v33;
	vm5 =	vlt.s32 v8, v18;
	v57 =	vmax.f32 v7, v56  }
0xdd: {  	v7 =	vsel vm0, v31, v35;
	vm12 =	veq.s32 v4, v3;
	v4 =	vimm.s32 $0x0  }
0xde: {  	v31 =	vperm.xlane v12, v1;
	v4 =	vsel vm12, $0xFFFFFFFF, v4;
	v39 =	vsel vm12, $0xFF800000, v54  }
0xdf: {  	(erf) = vpow2.f32 v38;
	[tilespmem:$0x1FD90] =	vst v4;
	v4 =	vnsel vm6, $0x8, v3;
	v43 =	vperm.xlane v39, v0  }
0xe0: {  	v8 =	vsel vm5, v8, v18;
	vm15 =	veq.f32 v41, v57;
	v40 =	vperm.xlane v4, v0  }
0xe1: {  	v21 =	vperm.xlane v8, v2;
	vm12 =	vlt.s32 v10, v47;
	v9 =	vmax.f32 v39, v43  }
0xe2: {  	v34 =	vld [tilespmem:$0x110];
	v61 =	vnsel vm15, $0x8, v3;
	vm14 =	vlt.s32 v4, v40;
	v44 =	vperm.xlane v9, v1  }
0xe3: {  	v12 =	vmax.f32 v12, v31;
	v10 =	vsel vm12, v10, v47;
	v4 =	vsel vm14, v4, v40  }
0xe4: {  	v62 =	vperm.xlane v61, v0;
	v45 =	vperm.xlane v4, v1;
	v6 =	vmax.f32 v9, v44  }
0xe5: {  	v17 =	vperm.xlane v12, v2;
	vm5 =	vlt.s32 v8, v21;
	v9 =	vperm.xlane v6, v2  }
0xe6: {  	v60 =	vperm.xlane v10, v1;
	v8 =	vsel vm5, v8, v21;
	vm6 =	vlt.s32 v4, v45  }
0xe7: {  	v22 =	vpop (erf);
	v44 =	vperm.xlane v34, v0;
	v4 =	vsel vm6, v4, v45;
	v9 =	vmax.f32 v6, v9  }
0xe8: {  	vm1 =	vlt.s32 v61, v62;
	v6 =	vpop (erf);
	v53 =	vperm.xlane v4, v2;
	v11 =	vsub.f32 v9, v11  }
0xe9: {  	v12 =	vmax.f32 v12, v17;
	v17 =	vmax.f32 v34, v44;
	v54 =	vadd.f32 $1.000000000e+00, v6  }
0xea: {  	vm6 =	vlt.s32 v10, v60;
	vm13 =	vlt.s32 v4, v53;
	v11 =	vmul.f32 $1.442695020e+00, v11  }
0xeb: {  	v47 =	vperm.xlane v17, v1;
	(erf) = vrcp.f32 v54;
	v4 =	vsel vm13, v4, v53  }
0xec: {  	vm14 =	veq.s32 v4, v3;
	v4 =	vimm.s32 $0x0;
	(erf) = vpow2.f32 v11  }
0xed: {  	[tilespmem:$0x1FF60] =	vst v22;
	v10 =	vsel vm6, v10, v60;
	vm12 =	veq.f32 v39, v9;
	v4 =	vsel vm14, $0xFFFFFFFF, v4  }
0xee: {  	v22 =	vld [tilespmem:$0x120];
	v13 =	vnsel vm12, $0x8, v3;
	v28 =	vperm.xlane v10, v2;
	[tilespmem:$0x1FE40] =	vst v4;
	v4 =	vsel vm14, $0xFF800000, v25  }
0xef: {  	vm12 =	veq.f32 v59, v12;
	v17 =	vmax.f32 v17, v47;
	v58 =	vperm.xlane v4, v0  }
0xf0: {  	v29 =	vperm.xlane v13, v0;
	v38 =	vnsel vm12, $0x8, v3;
	v25 =	vsel vm1, v61, v62  }
0xf1: {  	v20 =	vperm.xlane v17, v2;
	v19 =	vperm.xlane v25, v1;
	v11 =	vmax.f32 v4, v58  }
0xf2: {  	v54 =	vimm.s32 $0x0;
	vm14 =	vlt.s32 v13, v29;
	v63 =	vperm.xlane v11, v1  }
0xf3: {  	v56 =	vperm.xlane v22, v0;
	v13 =	vsel vm14, v13, v29;
	vm13 =	vlt.s32 v25, v19  }
0xf4: {  	v21 =	vperm.xlane v13, v1;
	v30 =	vpop (erf);
	v24 =	vmax.f32 v11, v63;
	v11 =	vsel vm13, v25, v19  }
0xf5: {  	vm15 =	vlt.s32 v10, v28;
	v27 =	vperm.xlane v24, v2;
	v37 =	vpop (erf);
	v33 =	vperm.xlane v11, v2  }
0xf6: {  	v39 =	vperm.xlane v38, v0;
	v17 =	vmax.f32 v17, v20;
	v32 =	vadd.f32 $1.000000000e+00, v37  }
0xf7: {  	vm13 =	vlt.s32 v13, v21;
	v9 =	vmax.f32 v24, v27;
	vm0 =	vlt.s32 v11, v33  }
0xf8: {  	v15 =	vsub.f32 v9, v15;
	(erf) = vrcp.f32 v32;
	v11 =	vsel vm0, v11, v33  }
0xf9: {  	vm14 =	veq.f32 v4, v9;
	v9 =	vsel vm15, v10, v28;
	vm15 =	vlt.s32 v38, v39  }
0xfa: {  	vm5 =	veq.s32 v11, v3;
	v40 =	vnsel vm14, $0x8, v3;
	v16 =	vsel vm15, v38, v39  }
0xfb: {  	v15 =	vmul.f32 $1.442695020e+00, v15;
	v35 =	vsel vm5, $0xFF800000, v41;
	v41 =	vperm.xlane v40, v0  }
0xfc: {  	v10 =	vsel vm13, v13, v21;
	v45 =	vperm.xlane v16, v1;
	v4 =	vperm.xlane v35, v0  }
0xfd: {  	v21 =	vperm.xlane v10, v2;
	(erf) = vpow2.f32 v15;
	vm6 =	vlt.s32 v40, v41  }
0xfe: {  	vm12 =	vlt.s32 v16, v45;
	v4 =	vmax.f32 v35, v4;
	v13 =	vsel vm6, v40, v41  }
0xff: {  	v16 =	vsel vm12, v16, v45;
	vm6 =	veq.f32 v34, v17;
	v43 =	vperm.xlane v4, v1  }
0x100: {  	v51 =	vperm.xlane v13, v1;
	v53 =	vperm.xlane v16, v2;
	v58 =	vnsel vm6, $0x8, v3  }
0x101: {  	v32 =	vimm.s32 $0x0;
	vm0 =	vlt.s32 v10, v21;
	v60 =	vperm.xlane v58, v0  }
0x102: {  	v4 =	vmax.f32 v4, v43;
	vm13 =	vlt.s32 v13, v51;
	vm14 =	vlt.s32 v16, v53  }
0x103: {  	[tilespmem:$0x1FEE0] =	vst v23;
	v23 =	vpop (erf);
	v46 =	vperm.xlane v4, v2;
	v13 =	vsel vm13, v13, v51;
	v16 =	vsel vm14, v16, v53  }
0x104: {  	vm13 =	vlt.s32 v58, v60;
	[tilespmem:$0x1FF80] =	vst v23;
	vm15 =	veq.s32 v16, v3;
	v23 =	vperm.xlane v13, v2  }
0x105: {  	v18 =	vsel vm13, v58, v60;
	v4 =	vmax.f32 v4, v46;
	v16 =	vsel vm15, $0xFFFFFFFF, v54  }
0x106: {  	v20 =	vperm.xlane v18, v1;
	v14 =	vsub.f32 v4, v57;
	v57 =	vsel vm15, $0xFF800000, v59  }
0x107: {  	[tilespmem:$0x1FF30] =	vst v16;
	v16 =	vmax.f32 v22, v56;
	vm12 =	veq.f32 v35, v4;
	vm1 =	vlt.s32 v13, v23  }
0x108: {  	v38 =	vpop (erf);
	v59 =	vperm.xlane v57, v0;
	v61 =	vperm.xlane v16, v1;
	v63 =	vnsel vm12, $0x8, v3  }
0x109: {  	vm2 =	vlt.s32 v18, v20;
	v24 =	vadd.f32 $1.000000000e+00, v38;
	v14 =	vmul.f32 $1.442695020e+00, v14  }
0x10a: {  	v25 =	vperm.xlane v63, v0;
	v18 =	vsel vm2, v18, v20;
	v4 =	vmax.f32 v57, v59  }
0x10b: {  	v16 =	vmax.f32 v16, v61;
	v29 =	vperm.xlane v18, v2;
	v62 =	vperm.xlane v4, v1  }
0x10c: {  	(erf) = vrcp.f32 v24;
	v24 =	vperm.xlane v16, v2;
	vm14 =	vlt.s32 v63, v25  }
0x10d: {  	(erf) = vpow2.f32 v14;
	v19 =	vsel vm14, v63, v25;
	v4 =	vmax.f32 v4, v62  }
0x10e: {  	v16 =	vmax.f32 v16, v24;
	v25 =	vperm.xlane v19, v1;
	v15 =	vperm.xlane v4, v2  }
0x10f: {  	v43 =	vsel vm1, v13, v23;
	vm6 =	vlt.s32 v18, v29;
	vm15 =	veq.f32 v22, v16  }
0x110: {  	[tilespmem:$0x1FF70] =	vst v30;
	v30 =	vnsel vm15, $0x8, v3;
	vm14 =	vlt.s32 v19, v25;
	v4 =	vmax.f32 v4, v15  }
0x111: {  	v31 =	vperm.xlane v30, v0;
	v15 =	vsel vm6, v18, v29;
	v12 =	vsub.f32 v4, v12  }
0x112: {  	v18 =	vld [tilespmem:$0x130];
	vm13 =	veq.s32 v15, v3;
	vm6 =	veq.f32 v57, v4;
	v57 =	vimm.s32 $0x0  }
0x113: {  	vm12 =	vlt.s32 v30, v31;
	v15 =	vsel vm13, $0xFFFFFFFF, v32;
	v11 =	vsel vm13, $0xFF800000, v34  }
0x114: {  	v34 =	vsel vm14, v19, v25;
	v46 =	vnsel vm6, $0x8, v3;
	v35 =	vperm.xlane v11, v0  }
0x115: {  	v12 =	vmul.f32 $1.442695020e+00, v12;
	v33 =	vsel vm12, v30, v31;
	v51 =	vperm.xlane v46, v0;
	v28 =	vpop (erf)  }
0x116: {  	v36 =	vperm.xlane v34, v2;
	v20 =	vperm.xlane v33, v1;
	v40 =	vpop (erf);
	v41 =	vmax.f32 v11, v35  }
0x117: {  	v44 =	vperm.xlane v18, v0;
	vm14 =	vlt.s32 v46, v51;
	v26 =	vadd.f32 $1.000000000e+00, v40  }
0x118: {  	[tilespmem:$0x1FF40] =	vst v15;
	vm15 =	vlt.s32 v33, v20;
	v4 =	vperm.xlane v41, v1;
	v15 =	vsel vm14, v46, v51  }
0x119: {  	v45 =	vsel vm15, v33, v20;
	v19 =	vmax.f32 v18, v44;
	v62 =	vperm.xlane v15, v1  }
0x11a: {  	v20 =	vperm.xlane v45, v2;
	v4 =	vmax.f32 v41, v4;
	v53 =	vperm.xlane v19, v1  }
0x11b: {  	vm12 =	vlt.s32 v34, v36;
	(erf) = vrcp.f32 v26;
	v54 =	vperm.xlane v4, v2  }
0x11c: {  	(erf) = vpow2.f32 v12;
	vm13 =	vlt.s32 v45, v20;
	v13 =	vmax.f32 v19, v53  }
0x11d: {  	v14 =	vsel vm13, v45, v20;
	v4 =	vmax.f32 v4, v54;
	v58 =	vperm.xlane v13, v2  }
0x11e: {  	v45 =	vsel vm12, v34, v36;
	vm12 =	vlt.s32 v15, v62;
	vm1 =	veq.s32 v14, v3  }
0x11f: {  	v19 =	vld [tilespmem:$0x160];
	v17 =	vsub.f32 v4, v17;
	vm6 =	veq.f32 v11, v4;
	v14 =	vsel vm1, $0xFFFFFFFF, v57  }
0x120: {  	v59 =	vsel vm1, $0xFF800000, v22;
	v13 =	vmax.f32 v13, v58;
	v25 =	vnsel vm6, $0x8, v3  }
0x121: {  	v22 =	vld [tilespmem:$0x140];
	v61 =	vperm.xlane v59, v0;
	v17 =	vmul.f32 $1.442695020e+00, v17;
	vm15 =	veq.f32 v18, v13  }
0x122: {  	[tilespmem:$0x1FF50] =	vst v14;
	v27 =	vperm.xlane v25, v0;
	v14 =	vsel vm12, v15, v62;
	v24 =	vnsel vm15, $0x8, v3  }
0x123: {  	v47 =	vsel vm0, v10, v21;
	v39 =	vperm.xlane v14, v2;
	v26 =	vperm.xlane v24, v0  }
0x124: {  	v63 =	vmax.f32 v59, v61;
	vm14 =	vlt.s32 v25, v27;
	v61 =	vperm.xlane v19, v0;
	v56 =	vpop (erf)  }
0x125: {  	v4 =	vperm.xlane v63, v1;
	v10 =	vsel vm14, v25, v27;
	v41 =	vpop (erf);
	vm13 =	vlt.s32 v24, v26  }
0x126: {  	v29 =	vperm.xlane v22, v0;
	v33 =	vperm.xlane v10, v1;
	v60 =	vadd.f32 $1.000000000e+00, v41  }
0x127: {  	v4 =	vmax.f32 v63, v4;
	v11 =	vsel vm13, v24, v26;
	v63 =	vmax.f32 v19, v61  }
0x128: {  	[tilespmem:$0x1FF90] =	vst v28;
	v28 =	vperm.xlane v4, v2;
	v30 =	vperm.xlane v11, v1;
	v31 =	vmax.f32 v22, v29  }
0x129: {  	vm12 =	vlt.s32 v10, v33;
	v29 =	vperm.xlane v63, v1;
	(erf) = vrcp.f32 v60  }
0x12a: {  	v32 =	vperm.xlane v31, v1;
	v10 =	vsel vm12, v10, v33;
	(erf) = vpow2.f32 v17  }
0x12b: {  	v4 =	vmax.f32 v4, v28;
	vm6 =	vlt.s32 v11, v30;
	v53 =	vperm.xlane v10, v2  }
0x12c: {  	vm15 =	veq.f32 v59, v4;
	v11 =	vsel vm6, v11, v30;
	v12 =	vmax.f32 v31, v32  }
0x12d: {  	v34 =	vnsel vm15, $0x8, v3;
	v15 =	vperm.xlane v11, v2;
	v17 =	vperm.xlane v12, v2  }
0x12e: {  	vm6 =	vlt.s32 v14, v39;
	v4 =	vsub.f32 v4, v16;
	v36 =	vperm.xlane v34, v0  }
0x12f: {  	v14 =	vsel vm6, v14, v39;
	vm14 =	vlt.s32 v11, v15;
	v12 =	vmax.f32 v12, v17;
	v17 =	vld [tilespmem:$0x150]  }
0x130: {  	vm13 =	vlt.s32 v34, v36;
	v11 =	vsel vm14, v11, v15;
	vm15 =	veq.f32 v22, v12  }
0x131: {  	v20 =	vsel vm13, v34, v36;
	v51 =	vnsel vm15, $0x8, v3;
	vm14 =	veq.s32 v11, v3  }
0x132: {  	[tilespmem:$0x1FFA0] =	vst v56;
	v18 =	vsel vm14, $0xFF800000, v18;
	v56 =	vperm.xlane v51, v0;
	v57 =	vperm.xlane v20, v1  }
0x133: {  	vm12 =	vlt.s32 v10, v53;
	v4 =	vmul.f32 $1.442695020e+00, v4;
	v35 =	vpop (erf);
	v54 =	vperm.xlane v18, v0  }
0x134: {  	v44 =	vpop (erf);
	v58 =	vperm.xlane v17, v0;
	vm0 =	vlt.s32 v51, v56;
	vm15 =	vlt.s32 v20, v57  }
0x135: {  	v46 =	vadd.f32 $1.000000000e+00, v44;
	v16 =	vmax.f32 v18, v54;
	v15 =	vsel vm0, v51, v56  }
0x136: {  	[tilespmem:$0x1FD70] =	vst v14;
	v51 =	vsel vm12, v10, v53;
	v14 =	vsel vm15, v20, v57;
	v53 =	vsel vm9, $0x3F800000, v55  }
0x137: {  	v59 =	vperm.xlane v16, v1;
	v60 =	vmax.f32 v17, v58;
	v62 =	vperm.xlane v15, v1  }
0x138: {  	vm9 =	veq.s32 v8, v3;
	(erf) = vrcp.f32 v46;
	v23 =	vperm.xlane v60, v1  }
0x139: {  	v56 =	vsel vm11, $0x3F800000, v55;
	(erf) = vpow2.f32 v4;
	v4 =	vmax.f32 v16, v59  }
0x13a: {  	vm13 =	vlt.s32 v15, v62;
	v24 =	vperm.xlane v4, v2;
	v21 =	vmax.f32 v60, v23  }
0x13b: {  	v58 =	vperm.xlane v14, v2;
	v30 =	vsel vm13, v15, v62;
	v28 =	vperm.xlane v21, v2  }
0x13c: {  	v16 =	vperm.xlane v30, v2;
	v31 =	vmax.f32 v4, v24;
	v4 =	vmax.f32 v63, v29  }
0x13d: {  	v5 =	vnsel vm9, $0x0, v5;
	v15 =	vmax.f32 v21, v28;
	v32 =	vperm.xlane v4, v2  }
0x13e: {  	vm12 =	veq.f32 v18, v31;
	vm13 =	vlt.s32 v30, v16;
	v11 =	vsub.f32 v31, v13  }
0x13f: {  	[tilespmem:$0x1FFB0] =	vst v35;
	vm6 =	veq.f32 v17, v15;
	v35 =	vnsel vm12, $0x8, v3;
	v10 =	vsel vm13, v30, v16  }
0x140: {  	vm13 =	vlt.s32 v14, v58;
	v33 =	vnsel vm6, $0x8, v3;
	v4 =	vmax.f32 v4, v32  }
0x141: {  	v11 =	vmul.f32 $1.442695020e+00, v11;
	v34 =	vperm.xlane v33, v0;
	vm15 =	veq.f32 v19, v4  }
0x142: {  	v61 =	vperm.xlane v35, v0;
	v36 =	vpop (erf);
	v39 =	vnsel vm15, $0x8, v3;
	vm15 =	veq.s32 v10, v3  }
0x143: {  	vm6 =	vlt.s32 v33, v34;
	v54 =	vpop (erf);
	v57 =	vperm.xlane v39, v0;
	v22 =	vsel vm15, $0xFF800000, v22  }
0x144: {  	v46 =	vsel vm6, v33, v34;
	v59 =	vadd.f32 $1.000000000e+00, v54;
	v60 =	vperm.xlane v22, v0  }
0x145: {  	vm6 =	vlt.s32 v35, v61;
	vm12 =	vlt.s32 v39, v57;
	v63 =	vperm.xlane v46, v1  }
0x146: {  	v13 =	vsel vm6, v35, v61;
	vm6 =	veq.s32 v7, v3;
	v10 =	vsel vm12, v39, v57  }
0x147: {  	(erf) = vrcp.f32 v59;
	v62 =	vmax.f32 v22, v60;
	v57 =	vsel vm13, v14, v58  }
0x148: {  	v28 =	vnsel vm6, $0x0, v42;
	vm6 =	veq.s32 v9, v3;
	(erf) = vpow2.f32 v11  }
0x149: {  	v14 =	vld [tilespmem:$0x170];
	v24 =	vperm.xlane v10, v1;
	v25 =	vperm.xlane v62, v1;
	vm12 =	vlt.s32 v46, v63  }
0x14a: {  	[tilespmem:$0x1FFC0] =	vst v36;
	v36 =	vperm.xlane v13, v1;
	v6 =	vnsel vm6, $0x0, v6;
	v16 =	vsel vm12, v46, v63  }
0x14b: {  	vm13 =	vlt.s32 v10, v24;
	v11 =	vmax.f32 v62, v25;
	v27 =	vperm.xlane v16, v2  }
0x14c: {  	vm9 =	vlt.s32 v13, v36;
	v10 =	vsel vm13, v10, v24;
	v26 =	vperm.xlane v11, v2  }
0x14d: {  	v42 =	vsel vm9, v13, v36;
	v29 =	vperm.xlane v10, v2;
	vm12 =	vlt.s32 v16, v27  }
0x14e: {  	v31 =	vperm.xlane v14, v0;
	v7 =	vmax.f32 v11, v26;
	v30 =	vsel vm12, v16, v27  }
0x14f: {  	vm13 =	vlt.s32 v10, v29;
	vm11 =	veq.f32 v22, v7;
	v22 =	vperm.xlane v42, v2  }
0x150: {  	[tilespmem:$0x1FF10] =	vst v5;
	v8 =	vsel vm13, v10, v29;
	vm13 =	veq.s32 v30, v3;
	v10 =	vmax.f32 v14, v31;
	v5 =	vpop (erf)  }
0x151: {  	v33 =	vsel vm13, $0xFF800000, v17;
	v35 =	vperm.xlane v10, v1;
	[tilespmem:$0x1FFD0] =	vst v5;
	v5 =	vsub.f32 v7, v12;
	v58 =	vpop (erf)  }
0x152: {  	v16 =	vld [tilespmem:$0x180];
	vm12 =	veq.s32 v8, v3;
	vm9 =	vlt.s32 v42, v22;
	v32 =	vadd.f32 $1.000000000e+00, v58  }
0x153: {  	v34 =	vperm.xlane v33, v0;
	v46 =	vsel vm12, $0xFF800000, v19;
	v5 =	vmul.f32 $1.442695020e+00, v5  }
0x154: {  	v7 =	vnsel vm11, $0x8, v3;
	v19 =	vperm.xlane v46, v0;
	(erf) = vrcp.f32 v32  }
0x155: {  	v9 =	vmax.f32 v10, v35;
	(erf) = vpow2.f32 v5;
	v5 =	vmax.f32 v33, v34  }
0x156: {  	v10 =	vperm.xlane v9, v2;
	v13 =	vmax.f32 v46, v19;
	v39 =	vperm.xlane v5, v1  }
0x157: {  	v63 =	vsel vm9, v42, v22;
	v42 =	vperm.xlane v16, v0;
	v24 =	vperm.xlane v13, v1  }
0x158: {  	[tilespmem:$0x1FF20] =	vst v6;
	v23 =	vperm.xlane v7, v0;
	v6 =	vmax.f32 v5, v39;
	v5 =	vmax.f32 v9, v10  }
0x159: {  	v17 =	vmax.f32 v16, v42;
	v27 =	vmax.f32 v13, v24;
	vm6 =	veq.f32 v14, v5  }
0x15a: {  	v29 =	vperm.xlane v27, v2;
	v20 =	vperm.xlane v6, v2;
	v21 =	vnsel vm6, $0x8, v3  }
0x15b: {  	v19 =	vperm.xlane v17, v1;
	v25 =	vperm.xlane v21, v0  }
0x15c: {  	vm6 =	vlt.s32 v7, v23;
	v12 =	vmax.f32 v27, v29;
	v6 =	vmax.f32 v6, v20  }
0x15d: {  	v7 =	vsel vm6, v7, v23;
	vm6 =	veq.f32 v46, v12;
	vm9 =	vlt.s32 v21, v25  }
0x15e: {  	[tilespmem:$0x1FEF0] =	vst v28;
	v20 =	vsel vm10, $0x3F800000, v55;
	v4 =	vsub.f32 v12, v4;
	v28 =	vpop (erf);
	v30 =	vsel vm9, v21, v25  }
0x15f: {  	vm11 =	veq.f32 v33, v6;
	v6 =	vsub.f32 v6, v15;
	v59 =	vpop (erf);
	v33 =	vperm.xlane v30, v1  }
0x160: {  	v34 =	vnsel vm6, $0x8, v3;
	v26 =	vnsel vm11, $0x8, v3;
	v32 =	vadd.f32 $1.000000000e+00, v59  }
0x161: {  	v31 =	vperm.xlane v26, v0;
	v6 =	vmul.f32 $1.442695020e+00, v6;
	vm9 =	vlt.s32 v30, v33  }
0x162: {  	v35 =	vperm.xlane v7, v1;
	(erf) = vrcp.f32 v32;
	v9 =	vsel vm9, v30, v33  }
0x163: {  	vm11 =	vlt.s32 v26, v31;
	(erf) = vpow2.f32 v6;
	v15 =	vperm.xlane v9, v2  }
0x164: {  	v39 =	vperm.xlane v34, v0;
	v8 =	vsel vm11, v26, v31;
	vm11 =	vlt.s32 v7, v35  }
0x165: {  	v4 =	vmul.f32 $1.442695020e+00, v4;
	v7 =	vsel vm11, v7, v35;
	vm11 =	vlt.s32 v9, v15  }
0x166: {  	v36 =	vperm.xlane v8, v1;
	vm9 =	vlt.s32 v34, v39;
	v9 =	vsel vm11, v9, v15  }
0x167: {  	v46 =	vsel vm9, v34, v39;
	v21 =	vperm.xlane v7, v2;
	vm11 =	veq.s32 v9, v3  }
0x168: {  	vm6 =	vlt.s32 v8, v36;
	v9 =	vmax.f32 v17, v19;
	v17 =	vld [tilespmem:$0x190];
	v11 =	vsel vm11, $0xFF800000, v14  }
0x169: {  	v6 =	vsel vm6, v8, v36;
	v25 =	vperm.xlane v9, v2;
	v24 =	vperm.xlane v11, v0  }
0x16a: {  	v23 =	vperm.xlane v46, v1;
	vm6 =	vlt.s32 v7, v21;
	v22 =	vperm.xlane v6, v2  }
0x16b: {  	[tilespmem:$0x1FFE0] =	vst v28;
	v19 =	vsel vm6, v7, v21;
	v26 =	vpop (erf);
	v7 =	vmax.f32 v9, v25;
	v9 =	vld [tilespmem:$0x1A0];
	v28 =	vmax.f32 v11, v24  }
0x16c: {  	vm10 =	vlt.s32 v46, v23;
	v61 =	vpop (erf);
	vm6 =	veq.f32 v16, v7;
	v30 =	vperm.xlane v28, v1  }
0x16d: {  	v29 =	vadd.f32 $1.000000000e+00, v61;
	v31 =	vnsel vm6, $0x8, v3;
	v32 =	vperm.xlane v17, v0  }
0x16e: {  	v27 =	vsel vm10, v46, v23;
	v33 =	vperm.xlane v31, v0;
	v8 =	vmax.f32 v28, v30  }
0x16f: {  	(erf) = vrcp.f32 v29;
	v12 =	vmax.f32 v17, v32;
	v13 =	vperm.xlane v8, v2  }
0x170: {  	vm9 =	vlt.s32 v6, v22;
	v34 =	vperm.xlane v12, v1;
	v35 =	vperm.xlane v9, v0  }
0x171: {  	vm0 =	vlt.s32 v31, v33;
	(erf) = vpow2.f32 v4;
	v4 =	vperm.xlane v27, v2  }
0x172: {  	v62 =	vsel vm9, v6, v22;
	v10 =	vsel vm0, v31, v33;
	v36 =	vmax.f32 v8, v13  }
0x173: {  	v22 =	vld [tilespmem:$0x1B0];
	v39 =	vmax.f32 v12, v34;
	v42 =	vmax.f32 v9, v35;
	vm9 =	vlt.s32 v27, v4  }
0x174: {  	v13 =	vsel vm7, $0x3F800000, v55;
	v46 =	vperm.xlane v39, v2;
	v18 =	vperm.xlane v42, v1  }
0x175: {  	v15 =	vsel vm9, v27, v4;
	v4 =	vperm.xlane v10, v1;
	vm10 =	veq.f32 v11, v36  }
0x176: {  	v5 =	vsub.f32 v36, v5;
	v60 =	vnsel vm10, $0x8, v3;
	v11 =	vmax.f32 v39, v46  }
0x177: {  	v24 =	vmax.f32 v42, v18;
	v25 =	vperm.xlane v60, v0;
	vm6 =	vlt.s32 v10, v4  }
0x178: {  	v5 =	vmul.f32 $1.442695020e+00, v5;
	v42 =	vperm.xlane v22, v0;
	vm9 =	veq.f32 v17, v11  }
0x179: {  	[tilespmem:$0x1FFF0] =	vst v26;
	v4 =	vsel vm6, v10, v4;
	v27 =	vperm.xlane v24, v2;
	v26 =	vnsel vm9, $0x8, v3  }
0x17a: {  	v28 =	vperm.xlane v4, v2;
	vm10 =	vlt.s32 v60, v25;
	v29 =	vperm.xlane v26, v0  }
0x17b: {  	v46 =	vmax.f32 v22, v42;
	v6 =	vsel vm10, v60, v25;
	v18 =	vmax.f32 v24, v27;
	v60 =	vpop (erf)  }
0x17c: {  	vm6 =	vlt.s32 v4, v28;
	vm7 =	veq.f32 v9, v18;
	v8 =	vpop (erf);
	vm1 =	vlt.s32 v26, v29  }
0x17d: {  	v4 =	vsel vm6, v4, v28;
	v30 =	vnsel vm7, $0x8, v3;
	v32 =	vadd.f32 $1.000000000e+00, v8  }
0x17e: {  	v10 =	vsel vm1, v26, v29;
	vm6 =	veq.s32 v4, v3;
	v4 =	vperm.xlane v6, v1  }
0x17f: {  	v35 =	vperm.xlane v30, v0;
	v31 =	vperm.xlane v10, v1;
	v14 =	vsel vm6, $0xFF800000, v16  }
0x180: {  	(erf) = vrcp.f32 v32;
	v33 =	vperm.xlane v14, v0;
	vm9 =	vlt.s32 v6, v4  }
0x181: {  	vm10 =	vlt.s32 v30, v35;
	(erf) = vpow2.f32 v5;
	vm1 =	vlt.s32 v10, v31  }
0x182: {  	v4 =	vsel vm9, v6, v4;
	v34 =	vsel vm1, v10, v31;
	v36 =	vmax.f32 v14, v33  }
0x183: {  	v10 =	vsel vm10, v30, v35;
	v5 =	vperm.xlane v4, v2;
	v30 =	vperm.xlane v46, v1  }
0x184: {  	v39 =	vperm.xlane v36, v1;
	v28 =	vperm.xlane v34, v2  }
0x185: {  	v29 =	vperm.xlane v10, v1;
	vm7 =	vlt.s32 v4, v5;
	v31 =	vmax.f32 v46, v30  }
0x186: {  	v16 =	vmax.f32 v36, v39;
	v12 =	vsel vm7, v4, v5;
	vm9 =	vlt.s32 v34, v28  }
0x187: {  	vm10 =	vlt.s32 v10, v29;
	v33 =	vperm.xlane v31, v2;
	v4 =	vperm.xlane v16, v2  }
0x188: {  	v5 =	vsel vm9, v34, v28;
	v32 =	vsel vm10, v10, v29;
	v10 =	vsel vm8, $0x3F800000, v55  }
0x189: {  	v34 =	vperm.xlane v32, v2;
	vm10 =	veq.s32 v5, v3;
	v21 =	vmax.f32 v31, v33  }
0x18a: {  	v4 =	vmax.f32 v16, v4;
	v6 =	vsel vm10, $0xFF800000, v17;
	vm9 =	veq.f32 v22, v21  }
0x18b: {  	v17 =	vpop (erf);
	vm7 =	veq.f32 v14, v4;
	vm8 =	vlt.s32 v32, v34;
	v36 =	vnsel vm9, $0x8, v3  }
0x18c: {  	v39 =	vperm.xlane v6, v0;
	v4 =	vsub.f32 v4, v7;
	v5 =	vpop (erf);
	v35 =	vnsel vm7, $0x8, v3  }
0x18d: {  	v14 =	vsel vm8, v32, v34;
	v28 =	vadd.f32 $1.000000000e+00, v5;
	v31 =	vperm.xlane v36, v0  }
0x18e: {  	v42 =	vperm.xlane v35, v0;
	vm9 =	veq.s32 v14, v3;
	v46 =	vmax.f32 v6, v39  }
0x18f: {  	v25 =	vld [tilespmem:$0x1C0];
	v4 =	vmul.f32 $1.442695020e+00, v4;
	v9 =	vsel vm9, $0xFF800000, v9;
	v29 =	vperm.xlane v46, v1  }
0x190: {  	(erf) = vrcp.f32 v28;
	v30 =	vperm.xlane v9, v0;
	vm7 =	vlt.s32 v35, v42  }
0x191: {  	vm8 =	vlt.s32 v36, v31;
	(erf) = vpow2.f32 v4;
	v7 =	vsel vm7, v35, v42  }
0x192: {  	v14 =	vmax.f32 v46, v29;
	v32 =	vmax.f32 v9, v30;
	v33 =	vperm.xlane v7, v1  }
0x193: {  	v16 =	vsel vm8, v36, v31;
	v4 =	vperm.xlane v14, v2;
	v27 =	vperm.xlane v32, v1  }
0x194: {  	v52 =	vsel vm3, $0x3F800000, v55;
	v36 =	vperm.xlane v25, v0;
	v35 =	vperm.xlane v16, v1  }
0x195: {  	vm7 =	vlt.s32 v7, v33;
	v26 =	vmax.f32 v14, v4;
	v34 =	vmax.f32 v32, v27  }
0x196: {  	v7 =	vsel vm7, v7, v33;
	vm8 =	veq.f32 v6, v26;
	vm7 =	vlt.s32 v16, v35  }
0x197: {  	v11 =	vsub.f32 v26, v11;
	v4 =	vperm.xlane v34, v2;
	v6 =	vnsel vm8, $0x8, v3  }
0x198: {  	v16 =	vsel vm7, v16, v35;
	v39 =	vperm.xlane v7, v2;
	v42 =	vperm.xlane v6, v0  }
0x199: {  	v28 =	vperm.xlane v16, v2;
	v11 =	vmul.f32 $1.442695020e+00, v11;
	v27 =	vmax.f32 v34, v4  }
0x19a: {  	v4 =	vmax.f32 v25, v36;
	vm8 =	vlt.s32 v7, v39;
	vm7 =	veq.f32 v9, v27  }
0x19b: {  	v9 =	vsel vm8, v7, v39;
	v32 =	vperm.xlane v4, v1;
	v46 =	vnsel vm7, $0x8, v3  }
0x19c: {  	vm8 =	vlt.s32 v6, v42;
	v18 =	vsub.f32 v27, v18;
	v29 =	vperm.xlane v46, v0  }
0x19d: {  	v14 =	vpop (erf);
	vm7 =	vlt.s32 v16, v28;
	v6 =	vsel vm8, v6, v42;
	v33 =	vmax.f32 v4, v32  }
0x19e: {  	v4 =	vpop (erf);
	v39 =	vperm.xlane v6, v1;
	v35 =	vperm.xlane v33, v2;
	vm8 =	vlt.s32 v46, v29  }
0x19f: {  	v16 =	vsel vm7, v16, v28;
	v34 =	vadd.f32 $1.000000000e+00, v4;
	v7 =	vsel vm8, v46, v29;
	v29 =	vld [tilespmem:$0x1D0]  }
0x1a0: {  	vm0 =	vlt.s32 v6, v39;
	vm8 =	veq.s32 v16, v3;
	v23 =	vmax.f32 v33, v35  }
0x1a1: {  	(erf) = vrcp.f32 v34;
	v22 =	vsel vm8, $0xFF800000, v22;
	vm7 =	veq.f32 v25, v23  }
0x1a2: {  	v42 =	vperm.xlane v7, v1;
	v36 =	vperm.xlane v22, v0;
	v24 =	vnsel vm7, $0x8, v3  }
0x1a3: {  	v6 =	vsel vm0, v6, v39;
	(erf) = vpow2.f32 v11;
	v33 =	vperm.xlane v24, v0  }
0x1a4: {  	vm7 =	vlt.s32 v7, v42;
	v46 =	vmax.f32 v22, v36;
	v30 =	vperm.xlane v29, v0  }
0x1a5: {  	v7 =	vsel vm7, v7, v42;
	v36 =	vperm.xlane v6, v2;
	vm7 =	vlt.s32 v24, v33  }
0x1a6: {  	v34 =	vperm.xlane v46, v1;
	v16 =	vsel vm7, v24, v33;
	v35 =	vmax.f32 v29, v30  }
0x1a7: {  	vm7 =	vlt.s32 v6, v36;
	v31 =	vperm.xlane v16, v1;
	v30 =	vld [tilespmem:$0x1E0];
	v39 =	vperm.xlane v35, v1  }
0x1a8: {  	v42 =	vperm.xlane v7, v2;
	v11 =	vmax.f32 v46, v34;
	v6 =	vsel vm7, v6, v36  }
0x1a9: {  	v46 =	vperm.xlane v11, v2;
	vm7 =	vlt.s32 v16, v31;
	v24 =	vmax.f32 v35, v39  }
0x1aa: {  	vm0 =	vlt.s32 v7, v42;
	v31 =	vsel vm7, v16, v31;
	v32 =	vperm.xlane v24, v2  }
0x1ab: {  	v7 =	vsel vm0, v7, v42;
	v28 =	vmax.f32 v11, v46;
	v11 =	vpop (erf);
	v36 =	vperm.xlane v31, v2  }
0x1ac: {  	v16 =	vpop (erf);
	vm7 =	veq.f32 v22, v28;
	v34 =	vperm.xlane v30, v0;
	v26 =	vmax.f32 v24, v32  }
0x1ad: {  	v22 =	vnsel vm7, $0x8, v3;
	v39 =	vadd.f32 $1.000000000e+00, v16;
	vm7 =	veq.f32 v29, v26  }
0x1ae: {  	v46 =	vmax.f32 v30, v34;
	v33 =	vnsel vm7, $0x8, v3;
	vm7 =	vlt.s32 v31, v36  }
0x1af: {  	v24 =	vsel vm7, v31, v36;
	v42 =	vperm.xlane v33, v0;
	v36 =	vperm.xlane v46, v1  }
0x1b0: {  	v18 =	vmul.f32 $1.442695020e+00, v18;
	(erf) = vrcp.f32 v39;
	vm7 =	veq.s32 v24, v3  }
0x1b1: {  	v25 =	vsel vm7, $0xFF800000, v25;
	vm0 =	vlt.s32 v33, v42;
	v24 =	vmax.f32 v46, v36  }
0x1b2: {  	v31 =	vsel vm0, v33, v42;
	v39 =	vperm.xlane v25, v0;
	v42 =	vperm.xlane v22, v0  }
0x1b3: {  	v21 =	vsub.f32 v28, v21;
	(erf) = vpow2.f32 v18;
	v36 =	vperm.xlane v24, v2  }
0x1b4: {  	v33 =	vperm.xlane v31, v1;
	v46 =	vmax.f32 v25, v39;
	vm0 =	vlt.s32 v22, v42  }
0x1b5: {  	v39 =	vperm.xlane v46, v1;
	v27 =	vsel vm0, v22, v42;
	v22 =	vmax.f32 v24, v36  }
0x1b6: {  	vm1 =	vlt.s32 v31, v33;
	v24 =	vsel vm4, $0x3F800000, v55;
	vm0 =	veq.f32 v30, v22  }
0x1b7: {  	v31 =	vsel vm1, v31, v33;
	v32 =	vperm.xlane v27, v1;
	v42 =	vnsel vm0, $0x8, v3  }
0x1b8: {  	v18 =	vmax.f32 v46, v39;
	v35 =	vperm.xlane v31, v2;
	v36 =	vperm.xlane v42, v0  }
0x1b9: {  	vm0 =	veq.s32 v47, v3;
	v34 =	vperm.xlane v18, v2;
	vm1 =	vlt.s32 v27, v32  }
0x1ba: {  	v47 =	vnsel vm0, $0x0, v37;
	v27 =	vsel vm1, v27, v32;
	vm4 =	vlt.s32 v42, v36  }
0x1bb: {  	v37 =	vpop (erf);
	vm0 =	vlt.s32 v31, v35;
	v32 =	vmax.f32 v18, v34;
	v33 =	vsel vm4, v42, v36  }
0x1bc: {  	v31 =	vsel vm0, v31, v35;
	v18 =	vpop (erf);
	vm4 =	veq.f32 v25, v32;
	v46 =	vperm.xlane v33, v1  }
0x1bd: {  	v36 =	vadd.f32 $1.000000000e+00, v18;
	v25 =	vnsel vm4, $0x8, v3;
	vm4 =	veq.s32 v31, v3  }
0x1be: {  	v28 =	vsel vm4, $0xFF800000, v29;
	v39 =	vperm.xlane v25, v0;
	vm0 =	vlt.s32 v33, v46  }
0x1bf: {  	v21 =	vmul.f32 $1.442695020e+00, v21;
	v42 =	vperm.xlane v28, v0;
	v33 =	vsel vm0, v33, v46  }
0x1c0: {  	(erf) = vrcp.f32 v36;
	vm0 =	vlt.s32 v25, v39;
	v34 =	vperm.xlane v33, v2  }
0x1c1: {  	(erf) = vpow2.f32 v21;
	v29 =	vmax.f32 v28, v42;
	v25 =	vsel vm0, v25, v39  }
0x1c2: {  	v35 =	vld [tilespmem:$0x1F0];
	v42 =	vperm.xlane v27, v2;
	v46 =	vperm.xlane v29, v1;
	vm1 =	vlt.s32 v33, v34  }
0x1c3: {  	vm0 =	veq.s32 v43, v3;
	v31 =	vperm.xlane v25, v1;
	v33 =	vsel vm1, v33, v34  }
0x1c4: {  	v29 =	vmax.f32 v29, v46;
	vm1 =	vlt.s32 v27, v42;
	vm3 =	veq.s32 v33, v3  }
0x1c5: {  	v43 =	vsel vm1, v27, v42;
	v42 =	vld [tilespmem:$0x1FD50];
	v27 =	vsel vm3, $0xFF800000, v30;
	v30 =	vperm.xlane v29, v2  }
0x1c6: {  	v23 =	vsub.f32 v32, v23;
	v33 =	vperm.xlane v27, v0  }
0x1c7: {  	v46 =	vperm.xlane v35, v0;
	vm1 =	vlt.s32 v25, v31;
	v29 =	vmax.f32 v29, v30  }
0x1c8: {  	v31 =	vsel vm1, v25, v31;
	v30 =	vmax.f32 v27, v33;
	vm1 =	veq.f32 v28, v29  }
0x1c9: {  	v33 =	vmax.f32 v35, v46;
	v28 =	vnsel vm1, $0x8, v3;
	v46 =	vperm.xlane v30, v1  }
0x1ca: {  	v21 =	vnsel vm0, $0x0, v38;
	v32 =	vpop (erf);
	vm0 =	vnez.u8 v42;
	v39 =	vperm.xlane v28, v0  }
0x1cb: {  	v42 =	vperm.xlane v33, v1;
	vm1 =	veq.s32 v45, v3;
	v45 =	vpop (erf);
	v30 =	vmax.f32 v30, v46;
	v46 =	vld [tilespmem:$0x1FD60]  }
0x1cc: {  	v25 =	vnsel vm1, $0x0, v40;
	v34 =	vadd.f32 $1.000000000e+00, v45;
	vm1 =	vlt.s32 v28, v39  }
0x1cd: {  	v23 =	vmul.f32 $1.442695020e+00, v23;
	v38 =	vperm.xlane v30, v2;
	v28 =	vsel vm1, v28, v39  }
0x1ce: {  	v33 =	vmax.f32 v33, v42;
	(erf) = vrcp.f32 v34;
	v40 =	vperm.xlane v28, v1  }
0x1cf: {  	v36 =	vsel vm0, $0x3F800000, v55;
	v39 =	vperm.xlane v33, v2;
	(erf) = vpow2.f32 v23  }
0x1d0: {  	v30 =	vmax.f32 v30, v38;
	vm0 =	vnez.u8 v46;
	vm1 =	vlt.s32 v28, v40  }
0x1d1: {  	v46 =	vsel vm0, $0x3F800000, v55;
	vm0 =	veq.f32 v27, v30;
	v27 =	vsel vm1, v28, v40;
	v40 =	vld [tilespmem:$0x1FD70]  }
0x1d2: {  	vm2 =	veq.s32 v57, v3;
	v42 =	vperm.xlane v31, v2;
	v33 =	vmax.f32 v33, v39  }
0x1d3: {  	v54 =	vnsel vm2, $0x0, v54;
	v28 =	vnsel vm0, $0x8, v3;
	vm0 =	veq.f32 v35, v33  }
0x1d4: {  	v29 =	vsub.f32 v29, v26;
	v34 =	vnsel vm0, $0x8, v3;
	vm0 =	vlt.s32 v31, v42  }
0x1d5: {  	vm1 =	veq.s32 v51, v3;
	v38 =	vperm.xlane v27, v2;
	v23 =	vsel vm0, v31, v42  }
0x1d6: {  	v31 =	vperm.xlane v28, v0;
	v39 =	vperm.xlane v34, v0;
	vm0 =	veq.s32 v40, v3  }
0x1d7: {  	v44 =	vnsel vm1, $0x0, v44;
	v51 =	vnsel vm0, $0x0, v41;
	vm0 =	vlt.s32 v27, v38  }
0x1d8: {  	vm1 =	vlt.s32 v28, v31;
	vm2 =	vlt.s32 v34, v39;
	v40 =	vpop (erf);
	v41 =	vsel vm0, v27, v38  }
0x1d9: {  	v26 =	vpop (erf);
	v27 =	vsel vm1, v28, v31;
	vm0 =	veq.s32 v63, v3;
	v63 =	vadd.f32 v50, v49;
	v49 =	vld [tilespmem:$0x1FD80]  }
0x1da: {  	v57 =	vld [tilespmem:$0x1FDB0];
	v28 =	vsel vm2, v34, v39;
	v42 =	vadd.f32 $1.000000000e+00, v26;
	v31 =	vperm.xlane v27, v1  }
0x1db: {  	v34 =	vperm.xlane v28, v1;
	v38 =	vnsel vm0, $0x0, v58;
	v58 =	vld [tilespmem:$0x1FDC0]  }
0x1dc: {  	(erf) = vrcp.f32 v42;
	v42 =	vld [tilespmem:$0x1FDE0];
	vm0 =	vlt.s32 v27, v31  }
0x1dd: {  	vm1 =	vlt.s32 v28, v34;
	v27 =	vsel vm0, v27, v31;
	v31 =	vmul.f32 v63, v48;
	v63 =	vld [tilespmem:$0x1FDD0]  }
0x1de: {  	v28 =	vsel vm1, v28, v34;
	v34 =	vadd.f32 v49, v52;
	v52 =	vld [tilespmem:$0x1FDA0];
	_ =	sdelay $0x3  }
0x1df: {  	v57 =	vadd.f32 v58, v57;
	v58 =	vadd.f32 v42, v63;
	v63 =	vld [tilespmem:$0x1FE00]  }
0x1e0: {  	v34 =	vmul.f32 v34, v52;
	v52 =	vld [tilespmem:$0x1FDF0];
	_ =	sdelay $0x2  }
0x1e1: {  	v50 =	vld [tilespmem:$0x1FD90];
	_ =	sdelay $0x1  }
0x1e2: {  	v29 =	vmul.f32 $1.442695020e+00, v29;
	v63 =	vadd.f32 v63, v52;
	v52 =	vld [tilespmem:$0x1FE20]  }
0x1e3: {  	v42 =	vld [tilespmem:$0x1FE10]  }
0x1e4: {  	(erf) = vpow2.f32 v29;
	v29 =	vperm.xlane v28, v2  }
0x1e5: {  	vm0 =	vnez.u8 v50  }
0x1e6: {  	v39 =	vsel vm0, $0x3F800000, v55;
	vm0 =	vlt.s32 v28, v29  }
0x1e7: {  	v28 =	vsel vm0, v28, v29;
	v29 =	vmul.f32 v57, v52;
	v57 =	vld [tilespmem:$0x1FE30]  }
0x1e8: {  	v53 =	vadd.f32 v42, v53;
	v42 =	vld [tilespmem:$0x1FE50];
	_ =	sdelay $0x2  }
0x1e9: {  	v52 =	vld [tilespmem:$0x1FE60]  }
0x1ea: {  	v57 =	vmul.f32 v58, v57;
	v58 =	vld [tilespmem:$0x1FE40]  }
0x1eb: {  	v63 =	vmul.f32 v63, v42;
	v42 =	vld [tilespmem:$0x1FE70];
	_ =	sdelay $0x1  }
0x1ec: {  	v49 =	vld [tilespmem:$0x1FE80]  }
0x1ed: {  	v50 =	vld [tilespmem:$0x1FE90]  }
0x1ee: {  	v53 =	vmul.f32 v53, v52;
	v52 =	vld [tilespmem:$0x1FEA0];
	vm0 =	vnez.u8 v58  }
0x1ef: {  	v56 =	vadd.f32 v42, v56;
	v42 =	vld [tilespmem:$0x1FEC0];
	v58 =	vsel vm0, $0x3F800000, v55;
	vm0 =	veq.s32 v19, v3  }
0x1f0: {  	v19 =	vnsel vm0, $0x0, v59;
	v59 =	vld [tilespmem:$0x1FEB0];
	_ =	sdelay $0x1  }
0x1f1: {  	v48 =	vsel vm5, $0x3F800000, v55;
	vm5 =	veq.s32 v28, v3;
	v20 =	vadd.f32 v49, v20  }
0x1f2: {  	v13 =	vadd.f32 v50, v13;
	v28 =	vsel vm5, $0xFF800000, v35;
	v35 =	vmul.f32 v56, v52;
	v52 =	vld [tilespmem:$0x1FED0]  }
0x1f3: {  	v56 =	vperm.xlane v28, v0  }
0x1f4: {  	v20 =	vmul.f32 v20, v59;
	v59 =	vmul.f32 v13, v42;
	v42 =	vld [tilespmem:$0x1FEE0]  }
0x1f5: {  	v22 =	vsub.f32 v30, v22;
	v50 =	vperm.xlane v27, v2  }
0x1f6: {  	v25 =	vadd.f32 v25, v48;
	v48 =	vld [tilespmem:$0x1FF90];
	v39 =	vadd.f32 v47, v39  }
0x1f7: {  	v47 =	vld [tilespmem:$0x1FF80];
	v30 =	vmax.f32 v28, v56;
	vm0 =	vlt.s32 v27, v50;
	v10 =	vadd.f32 v52, v10;
	v13 =	vpop (erf)  }
0x1f8: {  	v27 =	vsel vm0, v27, v50;
	v50 =	vld [tilespmem:$0x1FF10];
	v52 =	vperm.xlane v30, v1;
	v56 =	vpop (erf)  }
0x1f9: {  	v49 =	vadd.f32 $1.000000000e+00, v56;
	v10 =	vmul.f32 v10, v42;
	v42 =	vld [tilespmem:$0x1FEF0]  }
0x1fa: {  	v30 =	vmax.f32 v30, v52;
	v52 =	vld [tilespmem:$0x1FF20]  }
0x1fb: {  	(erf) = vrcp.f32 v49;
	v49 =	vld [tilespmem:$0x1FF00]  }
0x1fc: {  	[tilespmem:$0x240] =	vst v63;
	v63 =	vld [tilespmem:$0x1FF60]  }
0x1fd: {  	v22 =	vmul.f32 $1.442695020e+00, v22;
	v21 =	vadd.f32 v21, v58;
	v58 =	vld [tilespmem:$0x1FFA0]  }
0x1fe: {  	v36 =	vadd.f32 v50, v36;
	v50 =	vld [tilespmem:$0x1FF40];
	v24 =	vadd.f32 v42, v24  }
0x1ff: {  	(erf) = vpow2.f32 v22;
	v46 =	vadd.f32 v52, v46;
	v52 =	vld [tilespmem:$0x1FF50]  }
0x200: {  	[tilespmem:$0x210] =	vst v34;
	v34 =	vsel vm10, $0x3F800000, v55;
	v24 =	vmul.f32 v24, v49;
	v49 =	vld [tilespmem:$0x1FF30]  }
0x201: {  	vm10 =	veq.s32 v23, v3;
	v21 =	vmul.f32 v21, v48;
	[tilespmem:$0x270] =	vst v20;
	v20 =	vmul.f32 v39, v47  }
0x202: {  	[tilespmem:$0x220] =	vst v29;
	v29 =	vsel vm6, $0x3F800000, v55;
	v36 =	vmul.f32 v36, v63;
	v22 =	vperm.xlane v30, v2  }
0x203: {  	vm1 =	vnez.u8 v50;
	v50 =	vsel vm12, $0x3F800000, v55;
	vm12 =	veq.s32 v41, v3;
	v42 =	vld [tilespmem:$0x1FF70]  }
0x204: {  	v22 =	vmax.f32 v30, v22;
	[tilespmem:$0x290] =	vst v10;
	v10 =	vmul.f32 v25, v58;
	vm2 =	vnez.u8 v52  }
0x205: {  	v52 =	vsel vm9, $0x3F800000, v55;
	vm0 =	vnez.u8 v49;
	v49 =	vsel vm1, $0x3F800000, v55  }
0x206: {  	vm1 =	veq.s32 v15, v3;
	v15 =	vsel vm2, $0x3F800000, v55;
	vm2 =	veq.s32 v12, v3  }
0x207: {  	vm9 =	veq.s32 v43, v3;
	v5 =	vnsel vm2, $0x0, v5;
	vm2 =	veq.f32 v28, v22;
	v28 =	vpop (erf)  }
0x208: {  	[tilespmem:$0x260] =	vst v35;
	v35 =	vmul.f32 v46, v42;
	v42 =	vnsel vm9, $0x0, v45;
	v22 =	vsub.f32 v22, v33;
	v33 =	vpop (erf)  }
0x209: {  	v30 =	vsel vm0, $0x3F800000, v55;
	vm0 =	veq.s32 v62, v3;
	v62 =	vadd.f32 $1.000000000e+00, v33  }
0x20a: {  	v12 =	vsel vm14, $0x3F800000, v55;
	vm14 =	veq.s32 v9, v3;
	v22 =	vmul.f32 $1.442695020e+00, v22  }
0x20b: {  	[tilespmem:$0x200] =	vst v31;
	v9 =	vsel vm15, $0x3F800000, v55;
	vm15 =	veq.s32 v6, v3;
	(erf) = vrcp.f32 v62  }
0x20c: {  	[tilespmem:$0x230] =	vst v57;
	v6 =	vsel vm13, $0x3F800000, v55;
	vm13 =	veq.s32 v7, v3;
	(erf) = vpow2.f32 v22  }
0x20d: {  	[tilespmem:$0x250] =	vst v53;
	v7 =	vsel vm11, $0x3F800000, v55;
	v8 =	vnsel vm1, $0x0, v8;
	v4 =	vnsel vm14, $0x0, v4  }
0x20e: {  	[tilespmem:$0x2E0] =	vst v21;
	v63 =	vld [tilespmem:$0x1FFD0];
	v16 =	vnsel vm15, $0x0, v16;
	v57 =	vadd.f32 v44, v49;
	v15 =	vadd.f32 v54, v15  }
0x20f: {  	[tilespmem:$0x2B0] =	vst v36;
	v36 =	vld [tilespmem:$0x1FFF0];
	v18 =	vnsel vm13, $0x0, v18;
	v12 =	vadd.f32 v38, v12;
	v9 =	vadd.f32 v19, v9  }
0x210: {  	[tilespmem:$0x280] =	vst v59;
	v38 =	vsel vm8, $0x3F800000, v55;
	v44 =	vnsel vm10, $0x0, v26;
	v49 =	vsel vm7, $0x3F800000, v55  }
0x211: {  	[tilespmem:$0x2D0] =	vst v20;
	vm14 =	veq.s32 v27, v3;
	v31 =	vnsel vm0, $0x0, v61;
	v62 =	vnsel vm2, $0x8, v3  }
0x212: {  	[tilespmem:$0x2F0] =	vst v10;
	v53 =	vadd.f32 v51, v30;
	v8 =	vadd.f32 v8, v50;
	v39 =	vperm.xlane v62, v0  }
0x213: {  	[tilespmem:$0x2A0] =	vst v24;
	v5 =	vadd.f32 v5, v7;
	v4 =	vadd.f32 v4, v29;
	v15 =	vmul.f32 v15, v63  }
0x214: {  	[tilespmem:$0x2C0] =	vst v35;
	v48 =	vadd.f32 v16, v34;
	v9 =	vmul.f32 v9, v36;
	vm11 =	vlt.s32 v62, v39;
	v43 =	vpop (erf)  }
0x215: {  	v59 =	vld [tilespmem:$0x1FFB0];
	v52 =	vadd.f32 v18, v52;
	v8 =	vmul.f32 v8, v17;
	[tilespmem:$0x320] =	vst v15;
	v19 =	vsel vm11, v62, v39;
	v45 =	vpop (erf)  }
0x216: {  	v5 =	vmul.f32 v5, v14;
	[tilespmem:$0x340] =	vst v9;
	v46 =	vperm.xlane v19, v1;
	v47 =	vadd.f32 $1.000000000e+00, v45  }
0x217: {  	v54 =	vadd.f32 v44, v49;
	v6 =	vadd.f32 v31, v6;
	v4 =	vmul.f32 v4, v11;
	[tilespmem:$0x360] =	vst v8  }
0x218: {  	v61 =	vld [tilespmem:$0x1FFC0];
	v51 =	vmul.f32 v48, v37;
	[tilespmem:$0x370] =	vst v5;
	vm13 =	vlt.s32 v19, v46;
	(erf) = vrcp.f32 v47  }
0x219: {  	v30 =	vld [tilespmem:$0x1FFE0];
	v58 =	vmul.f32 v54, v13;
	v6 =	vmul.f32 v6, v60;
	[tilespmem:$0x380] =	vst v4;
	v17 =	vsel vm13, v19, v46  }
0x21a: {  	v7 =	vadd.f32 v42, v38;
	v22 =	vmul.f32 v53, v59;
	[tilespmem:$0x390] =	vst v51;
	v53 =	vperm.xlane v17, v2  }
0x21b: {  	v50 =	vnsel vm12, $0x0, v56;
	v56 =	vsel vm4, $0x3F800000, v55;
	v60 =	vsel vm3, $0x3F800000, v55;
	[tilespmem:$0x3C0] =	vst v58  }
0x21c: {  	v5 =	vmul.f32 v52, v32;
	v4 =	vmul.f32 v7, v40;
	[tilespmem:$0x350] =	vst v6;
	vm15 =	vlt.s32 v17, v53  }
0x21d: {  	v59 =	vadd.f32 v50, v56;
	v24 =	vmul.f32 v57, v61;
	[tilespmem:$0x300] =	vst v22;
	v11 =	vsel vm15, v17, v53  }
0x21e: {  	v12 =	vmul.f32 v12, v30;
	v57 =	vnsel vm14, $0x0, v33;
	[tilespmem:$0x3A0] =	vst v5;
	vm0 =	veq.s32 v11, v3  }
0x21f: {  	v5 =	vadd.f32 v57, v60;
	[tilespmem:$0x3B0] =	vst v4;
	v62 =	vsel vm5, $0x3F800000, v55;
	v61 =	vnsel vm0, $0x0, v45  }
0x220: {  	v4 =	vmul.f32 v59, v28;
	[tilespmem:$0x310] =	vst v24;
	v6 =	vadd.f32 v61, v62  }
0x221: {  	[tilespmem:$0x330] =	vst v12;
	v5 =	vmul.f32 v5, v43;
	v63 =	vpop (erf)  }
0x222: {  	[tilespmem:$0x3D0] =	vst v4;
	v4 =	vmul.f32 v6, v63  }
0x223: {  	p0 =	sne.s32 s5, $0x1;
	[tilespmem:$0x3E0] =	vst v5  }
.Ltmp0:
0x224: {  	[tilespmem:$0x3F0] =	vst v4;
	(pc) =	sbr.rel @p0 .LBB2_1-.Ltmp0, $4  }
0x225: {  	[hbm4b:s4+s2] =	stream.linear.scatter [tilespmem:s7], [sflag:$0x1], $0x200, $0x38;
	[tilespmem:$0x400] =	vst v63  }
0x226: {  	_ =	swait.ge [sflag:s6], $0x200  }
0x227: {  	[sflag:s6] =	ssyncset.done $0x0  }
0x228: {  	s5 =	sadd.s32 $0xFFFFFFFF, s5;
	[sflag:s6] =	ssyncadd.s32 $0xFFFFFE00  }
0x229: {  	_ =	sfence.sel $0x180000  }
0x22a: {  	[bflag:$0x0] =	sbarrier.arrive $0xFFFF  }
0x22b: {  	p0 =	sne.s32 s1, $0x0;
	_ =	strace $0x90000047  }
0x22c: {  	s0 =	sadd.s32 @!p0 $0x100000, s0;
	[bflag:$0x2] =	sbarrier.arrive $0xFFFF  }
0x22d: {  	[sflag:s0] =	ssyncadd.tile.s32 @!p0 $0x1;
	_ =	shalt  }
.Lfunc_end2:
_tile_overlayer_lowered:
.L_overlay_start_2:
0x22e: {  	(tag) =	ssettag $0x2  }
0x22f: {  	s0 =	rddreg [dreg:$0x0];
	s2 =	stileid.u32  }
0x230: {  	s1 =	rddreg [dreg:$0x1];
	p0 =	sne.s32 s2, $0x0  }
0x231: {  	s3 =	rddreg [dreg:$0x2];
	[bflag:$0x3] =	sbarrier.arrive $0xFFFF;
	s2 =	simm.s32 @!p0 $0x1C01  }
0x232: {  	[timem:s3], [sflag:s2] =	dma.local @!p0 [hbm:s0], s1  }
0x233: {  	s0 =	simm.s32 @!p0 $0x1  }
0x234: {  	_ =	swait.ge @!p0 [sflag:s0], s1  }
0x235: {  	s1 =	ssub.s32 @!p0 $0x0, s1;
	[sflag:s0] =	ssyncset.done @!p0 $0x0  }
0x236: {  	[sflag:s0] =	ssyncadd.s32 @!p0 s1  }
0x237: {  	[bflag:$0x3] =	sbarrier.arrive $0xFFFF  }
0x238: {  	_ =	shalt  }

</sc_bundles>
